<compile_context>
chip_gen: v7x
topology: tpu7x:2x2x1
jax: 0.10.2.dev20260603
libtpu: 0.0.44.dev20260713+nightly
codegen_flags: <defaults>
</compile_context>

<pallas_src>
import jax
import jax.numpy as jnp
from jax import lax
from jax.experimental import pallas as pl
from jax.experimental.pallas import tpu as pltpu
from jax.experimental.pallas import tpu_sc as plsc

_B, _L, _D, _V = 4096, 200, 64, 1000000
_N = _B * _L
_NC, _NS = 2, 16
_NW = _NC * _NS
_C = 256
_KR = _C // 128
_LB = 4


def _make_sc_body(nt):
    tok_per_w = nt // _NW
    chunks = tok_per_w // _C
    pairs = chunks // 2

    def _sc_body(pos_ids_hbm, neg_ids_hbm, table_hbm, out_hbm,
                 pr0, nr0, pr1, nr1, pi0, ni0, pi1, ni1,
                 gs0, gs1, ws0, ws1):
        wid = lax.axis_index("s") * _NC + lax.axis_index("c")
        base0 = wid * tok_per_w
        row0 = wid * (tok_per_w // 128)

        def idx_load(ci, pi, ni):
            row = row0 + ci * _KR
            pltpu.sync_copy(pos_ids_hbm.at[pl.ds(row, _KR), :], pi)
            pltpu.sync_copy(neg_ids_hbm.at[pl.ds(row, _KR), :], ni)

        def fire_gath(pi, ni, pr, nr, gs):
            for j in range(_KR):
                pltpu.async_copy(table_hbm.at[pi.at[j]],
                                 pr.at[pl.ds(j * 128, 128), :], gs)
                pltpu.async_copy(table_hbm.at[ni.at[j]],
                                 nr.at[pl.ds(j * 128, 128), :], gs)

        def wait_gath(pr, nr, gs):
            pltpu.make_async_copy(table_hbm.at[pl.ds(0, _C), :], pr, gs).wait()
            pltpu.make_async_copy(table_hbm.at[pl.ds(0, _C), :], nr, gs).wait()

        def fire_write(ci, pr, nr, ws):
            base = base0 + ci * _C
            pltpu.async_copy(pr, out_hbm.at[pl.ds(base, _C), pl.ds(0, _D)], ws)
            pltpu.async_copy(nr, out_hbm.at[pl.ds(base, _C), pl.ds(_D, _D)], ws)

        def wait_write(pr, nr, ws):
            pltpu.make_async_copy(
                pr, out_hbm.at[pl.ds(0, _C), pl.ds(0, _D)], ws).wait()
            pltpu.make_async_copy(
                nr, out_hbm.at[pl.ds(0, _C), pl.ds(_D, _D)], ws).wait()

        idx_load(0, pi0, ni0)
        fire_gath(pi0, ni0, pr0, nr0, gs0)

        def pair_body(cp, carry):
            e = cp * 2
            o = e + 1
            idx_load(o, pi1, ni1)
            fire_gath(pi1, ni1, pr1, nr1, gs1)
            wait_gath(pr0, nr0, gs0)
            fire_write(e, pr0, nr0, ws0)
            wait_write(pr0, nr0, ws0)

            @pl.when(cp < pairs - 1)
            def _prefetch():
                idx_load(e + 2, pi0, ni0)
                fire_gath(pi0, ni0, pr0, nr0, gs0)

            wait_gath(pr1, nr1, gs1)
            fire_write(o, pr1, nr1, ws1)
            wait_write(pr1, nr1, ws1)
            return carry

        lax.fori_loop(0, pairs, pair_body, 0)

    return _sc_body


def _sc_gather(pos2d, neg2d, table, nt):
    mesh = plsc.VectorSubcoreMesh(core_axis_name="c", subcore_axis_name="s")
    k = pl.kernel(
        _make_sc_body(nt),
        mesh=mesh,
        compiler_params=pltpu.CompilerParams(
            needs_layout_passes=False,
            use_tc_tiling_on_sc=False,
        ),
        out_type=jax.ShapeDtypeStruct((nt, 2 * _D), jnp.float32),
        scratch_types=[
            pltpu.VMEM((_C, _D), jnp.float32),
            pltpu.VMEM((_C, _D), jnp.float32),
            pltpu.VMEM((_C, _D), jnp.float32),
            pltpu.VMEM((_C, _D), jnp.float32),
            pltpu.VMEM((_KR, 128), jnp.int32),
            pltpu.VMEM((_KR, 128), jnp.int32),
            pltpu.VMEM((_KR, 128), jnp.int32),
            pltpu.VMEM((_KR, 128), jnp.int32),
            pltpu.SemaphoreType.DMA,
            pltpu.SemaphoreType.DMA,
            pltpu.SemaphoreType.DMA,
            pltpu.SemaphoreType.DMA,
        ],
    )
    return k(pos2d, neg2d, table)


def _make_tc_body(final):
    def body(seq_ref, comb_ref, ids_ref, part_ref, out_ref, acc_ref, nv_ref):
        i = pl.program_id(0)

        @pl.when(i == 0)
        def _init():
            acc_ref[0] = part_ref[0]
            nv_ref[0] = part_ref[1]

        s = seq_ref[...]
        ct = jnp.swapaxes(comb_ref[...], 1, 2)
        p = ct[:, 0:_D, :]
        n = ct[:, _D:2 * _D, :]
        dp = jnp.sum(s * p, axis=1)
        dn = jnp.sum(s * n, axis=1)
        m = (ids_ref[...].reshape(_LB, _B) != 0).astype(jnp.float32)
        sp = jnp.log1p(jnp.exp(-jnp.abs(dp))) + jnp.maximum(-dp, 0.0)
        sn = jnp.log1p(jnp.exp(-jnp.abs(dn))) + jnp.maximum(dn, 0.0)
        acc_ref[0] += ((sp + sn) * m).sum()
        nv_ref[0] += m.sum()

        ng = pl.num_programs(0)

        @pl.when(i == ng - 1)
        def _fin():
            if final:
                out_ref[0] = acc_ref[0] / (2.0 * nv_ref[0])
                out_ref[1] = 0.0
            else:
                out_ref[0] = acc_ref[0]
                out_ref[1] = nv_ref[0]

    return body


def _tc_phase(seq_t, comb3, ids3, part, l0, nl, final):
    g = nl // _LB
    g0 = l0 // _LB
    f = pl.pallas_call(
        _make_tc_body(final),
        grid=(g,),
        in_specs=[
            pl.BlockSpec((_LB, _D, _B), lambda i: (i + g0, 0, 0)),
            pl.BlockSpec((_LB, _B, 2 * _D), lambda i: (i, 0, 0)),
            pl.BlockSpec((1, _LB, _B), lambda i: (i + g0, 0, 0)),
            pl.BlockSpec(memory_space=pltpu.SMEM),
        ],
        out_specs=pl.BlockSpec(memory_space=pltpu.SMEM),
        out_shape=jax.ShapeDtypeStruct((2,), jnp.float32),
        scratch_shapes=[
            pltpu.SMEM((1,), jnp.float32),
            pltpu.SMEM((1,), jnp.float32),
        ],
    )
    return f(seq_t, comb3, ids3, part)


_PHASES = (32, 56, 56, 56)


@jax.jit
def _run(sequence_output, positive_target_ids, negative_target_ids, table):
    seq_t = jnp.transpose(sequence_output, (1, 2, 0))
    pos_lm = jnp.transpose(positive_target_ids, (1, 0))
    neg_lm = jnp.transpose(negative_target_ids, (1, 0))
    ids3 = pos_lm.reshape(_L // _LB, _LB, _B)

    combs = []
    l0 = 0
    for nl in _PHASES:
        nt = nl * _B
        posq = pos_lm[l0:l0 + nl].reshape(nt // 128, 128)
        negq = neg_lm[l0:l0 + nl].reshape(nt // 128, 128)
        combs.append(_sc_gather(posq, negq, table, nt).reshape(nl, _B, 2 * _D))
        l0 += nl

    part = jnp.zeros((2,), jnp.float32)
    l0 = 0
    for k, nl in enumerate(_PHASES):
        part = _tc_phase(seq_t, combs[k], ids3, part, l0, nl,
                         final=(k == len(_PHASES) - 1))
        l0 += nl
    return part[0]


def kernel(sequence_output, positive_target_ids, negative_target_ids, item_embedding_table):
    return _run(sequence_output, positive_target_ids,
                negative_target_ids, item_embedding_table)

# --- scband reference (transcript-rebuilt; emitter-appended) ---
"""Pipeline reference for scband-self-attentive-sequential-recommender-loss-14078902796888 (READ-ONLY COPY).

The authoritative reference and input builder live on the scoring server;
editing this copy changes nothing except your own understanding.
"""

import jax, jax.numpy as jnp
import numpy as np

B, L, D, V = 4096, 200, 64, 1000000


def setup_inputs(seed: int = 0) -> dict:
    key = jax.random.key(seed)
    k1, k2, k3, k4 = jax.random.split(key, 4)
    return {
        "sequence_output": jax.random.normal(k1, (B, L, D), dtype=jnp.float32),
        "positive_target_ids": jax.random.randint(k2, (B, L), 0, V, dtype=jnp.int32),
        "negative_target_ids": jax.random.randint(k3, (B, L), 0, V, dtype=jnp.int32),
        "item_embedding_table": jax.random.normal(k4, (V, D), dtype=jnp.float32) * 0.02,
    }


def reference(sequence_output, positive_target_ids, negative_target_ids, item_embedding_table):
    # embedding lookups (gather)
    positive_emb = jnp.take(item_embedding_table, positive_target_ids, axis=0)
    negative_emb = jnp.take(item_embedding_table, negative_target_ids, axis=0)
    # dot-product logits
    positive_logits = (sequence_output * positive_emb).sum(axis=-1)
    negative_logits = (sequence_output * negative_emb).sum(axis=-1)
    # valid mask: padding id == 0
    mask = (positive_target_ids != 0).astype(jnp.float32)
    # BCE-with-logits: label 1 -> softplus(-x); label 0 -> softplus(x)
    pos_loss = jax.nn.softplus(-positive_logits)
    neg_loss = jax.nn.softplus(negative_logits)
    n_valid = mask.sum()
    # mean over concatenated [pos_valid, neg_valid] logits == masked mean over 2*n_valid terms
    loss = ((pos_loss + neg_loss) * mask).sum() / (2.0 * n_valid)
    return loss

if __name__ == "__main__":
    import jax
    _d = setup_inputs()
    print(jax.jit(kernel)(*tuple(_d.values())))

</pallas_src>

<mosaic_0001>
#map = affine_map<(d0, d1) -> (0, 0)>
module attributes {stable_mosaic.version = 14 : i64} {
  func.func @_sc_body(%arg0: i32, %arg1: i32, %arg2: memref<1024x128xi32, #tpu.memory_space<hbm>>, %arg3: memref<1024x128xi32, #tpu.memory_space<hbm>>, %arg4: memref<1000000x64xf32, #tpu.memory_space<hbm>>, %arg5: memref<131072x128xf32, #tpu.memory_space<hbm>>, %arg6: memref<256x64xf32, #tpu.memory_space<vmem>>, %arg7: memref<256x64xf32, #tpu.memory_space<vmem>>, %arg8: memref<256x64xf32, #tpu.memory_space<vmem>>, %arg9: memref<256x64xf32, #tpu.memory_space<vmem>>, %arg10: memref<2x128xi32, #tpu.memory_space<vmem>>, %arg11: memref<2x128xi32, #tpu.memory_space<vmem>>, %arg12: memref<2x128xi32, #tpu.memory_space<vmem>>, %arg13: memref<2x128xi32, #tpu.memory_space<vmem>>, %arg14: memref<!tpu.dma_semaphore, #tpu.memory_space<semaphore_mem>>, %arg15: memref<!tpu.dma_semaphore, #tpu.memory_space<semaphore_mem>>, %arg16: memref<!tpu.dma_semaphore, #tpu.memory_space<semaphore_mem>>, %arg17: memref<!tpu.dma_semaphore, #tpu.memory_space<semaphore_mem>>) attributes {dimension_semantics = [#tpu.dimension_semantics<core_parallel>, #tpu.dimension_semantics<subcore_parallel>], iteration_bounds = array<i64: 2, 16>, scalar_prefetch = 0 : i64, scratch_operands = 12 : i64, tpu.core_type = #tpu.core_type<sc_vector_subcore>, window_params = [{transform_indices = #map}, {transform_indices = #map}, {transform_indices = #map}, {transform_indices = #map}]} {
    %mul3A = arith.constant 2 : i32
    %mul3A_0 = arith.muli %arg1, %mul3A : i32
    %add3A = arith.addi %mul3A_0, %arg0 : i32
    %mul3A_1 = arith.constant 4096 : i32
    %mul3A_2 = arith.muli %add3A, %mul3A_1 : i32
    %mul3A_3 = arith.constant 32 : i32
    %mul3A_4 = arith.muli %add3A, %mul3A_3 : i32
    %add3A_5 = arith.constant 0 : i32
    %add3A_6 = arith.addi %mul3A_4, %add3A_5 : i32
    "tpu.region"() ({
      %run_scoped3A = tpu.sem_alloc : memref<!tpu.dma_semaphore, #tpu.memory_space<semaphore_mem>>
      %dma_start3A_51 = arith.constant 0 : i32
      %dma_start3A_52 = tpu.memref_slice %arg2[%add3A_6, %dma_start3A_51] : memref<1024x128xi32, #tpu.memory_space<hbm>> -> memref<2x128xi32, #tpu.memory_space<hbm>>
      %dma_start3A_53 = arith.constant 0 : i32
      %dma_start3A_54 = tpu.memref_slice %arg2[%add3A_6, %dma_start3A_53] : memref<1024x128xi32, #tpu.memory_space<hbm>> -> memref<2x128xi32, #tpu.memory_space<hbm>>
      tpu.enqueue_dma source(%dma_start3A_54 : memref<2x128xi32, #tpu.memory_space<hbm>>) target(%arg10 : memref<2x128xi32, #tpu.memory_space<vmem>>) target_semaphore(%run_scoped3A : memref<!tpu.dma_semaphore, #tpu.memory_space<semaphore_mem>>)
      %dma_wait3A = arith.constant 0 : i32
      %dma_wait3A_55 = tpu.memref_slice %arg2[%add3A_6, %dma_wait3A] : memref<1024x128xi32, #tpu.memory_space<hbm>> -> memref<2x128xi32, #tpu.memory_space<hbm>>
      %dma_wait3A_56 = arith.constant 0 : i32
      %dma_wait3A_57 = tpu.memref_slice %arg2[%add3A_6, %dma_wait3A_56] : memref<1024x128xi32, #tpu.memory_space<hbm>> -> memref<2x128xi32, #tpu.memory_space<hbm>>
      tpu.wait_dma2 semaphore(%run_scoped3A : memref<!tpu.dma_semaphore, #tpu.memory_space<semaphore_mem>>) src(%dma_wait3A_57 : memref<2x128xi32, #tpu.memory_space<hbm>>) dst(%arg10 : memref<2x128xi32, #tpu.memory_space<vmem>>)
      tpu.yield
    }) : () -> ()
    "tpu.region"() ({
      %run_scoped3A = tpu.sem_alloc : memref<!tpu.dma_semaphore, #tpu.memory_space<semaphore_mem>>
      %dma_start3A_51 = arith.constant 0 : i32
      %dma_start3A_52 = tpu.memref_slice %arg3[%add3A_6, %dma_start3A_51] : memref<1024x128xi32, #tpu.memory_space<hbm>> -> memref<2x128xi32, #tpu.memory_space<hbm>>
      %dma_start3A_53 = arith.constant 0 : i32
      %dma_start3A_54 = tpu.memref_slice %arg3[%add3A_6, %dma_start3A_53] : memref<1024x128xi32, #tpu.memory_space<hbm>> -> memref<2x128xi32, #tpu.memory_space<hbm>>
      tpu.enqueue_dma source(%dma_start3A_54 : memref<2x128xi32, #tpu.memory_space<hbm>>) target(%arg11 : memref<2x128xi32, #tpu.memory_space<vmem>>) target_semaphore(%run_scoped3A : memref<!tpu.dma_semaphore, #tpu.memory_space<semaphore_mem>>)
      %dma_wait3A = arith.constant 0 : i32
      %dma_wait3A_55 = tpu.memref_slice %arg3[%add3A_6, %dma_wait3A] : memref<1024x128xi32, #tpu.memory_space<hbm>> -> memref<2x128xi32, #tpu.memory_space<hbm>>
      %dma_wait3A_56 = arith.constant 0 : i32
      %dma_wait3A_57 = tpu.memref_slice %arg3[%add3A_6, %dma_wait3A_56] : memref<1024x128xi32, #tpu.memory_space<hbm>> -> memref<2x128xi32, #tpu.memory_space<hbm>>
      tpu.wait_dma2 semaphore(%run_scoped3A : memref<!tpu.dma_semaphore, #tpu.memory_space<semaphore_mem>>) src(%dma_wait3A_57 : memref<2x128xi32, #tpu.memory_space<hbm>>) dst(%arg11 : memref<2x128xi32, #tpu.memory_space<vmem>>)
      tpu.yield
    }) : () -> ()
    %dma_start3A = arith.constant 0 : i32
    %dma_start3A_7 = arith.constant 0 : i32
    %dma_start3A_8 = arith.constant 0 : i32
    %dma_start3A_9 = tpu.memref_slice %arg6[%dma_start3A_7, %dma_start3A_8] : memref<256x64xf32, #tpu.memory_space<vmem>> -> memref<128x64xf32, #tpu.memory_space<vmem>>
    %dma_start3A_10 = arith.constant 0 : i32
    %dma_start3A_11 = tpu.memref_slice %arg10[%dma_start3A, %dma_start3A_10] : memref<2x128xi32, #tpu.memory_space<vmem>> -> memref<1x128xi32, #tpu.memory_space<vmem>>
    %dma_start3A_12 = tpu.memref_squeeze %dma_start3A_11 : memref<1x128xi32, #tpu.memory_space<vmem>> -> memref<128xi32, #tpu.memory_space<vmem>>
    %dma_start3A_13 = arith.constant 0 : i32
    %dma_start3A_14 = arith.constant 0 : i32
    %dma_start3A_15 = tpu.memref_slice %arg4[%dma_start3A_13, %dma_start3A_14] : memref<1000000x64xf32, #tpu.memory_space<hbm>> -> memref<1000000x64xf32, #tpu.memory_space<hbm>>
    tpu.enqueue_indirect_dma source(%dma_start3A_15 : memref<1000000x64xf32, #tpu.memory_space<hbm>>) target(%dma_start3A_9 : memref<128x64xf32, #tpu.memory_space<vmem>>) offsets(%dma_start3A_12 : memref<128xi32, #tpu.memory_space<vmem>>) semaphore(%arg14 : memref<!tpu.dma_semaphore, #tpu.memory_space<semaphore_mem>>)
    %dma_start3A_16 = arith.constant 0 : i32
    %dma_start3A_17 = arith.constant 0 : i32
    %dma_start3A_18 = arith.constant 0 : i32
    %dma_start3A_19 = tpu.memref_slice %arg7[%dma_start3A_17, %dma_start3A_18] : memref<256x64xf32, #tpu.memory_space<vmem>> -> memref<128x64xf32, #tpu.memory_space<vmem>>
    %dma_start3A_20 = arith.constant 0 : i32
    %dma_start3A_21 = tpu.memref_slice %arg11[%dma_start3A_16, %dma_start3A_20] : memref<2x128xi32, #tpu.memory_space<vmem>> -> memref<1x128xi32, #tpu.memory_space<vmem>>
    %dma_start3A_22 = tpu.memref_squeeze %dma_start3A_21 : memref<1x128xi32, #tpu.memory_space<vmem>> -> memref<128xi32, #tpu.memory_space<vmem>>
    %dma_start3A_23 = arith.constant 0 : i32
    %dma_start3A_24 = arith.constant 0 : i32
    %dma_start3A_25 = tpu.memref_slice %arg4[%dma_start3A_23, %dma_start3A_24] : memref<1000000x64xf32, #tpu.memory_space<hbm>> -> memref<1000000x64xf32, #tpu.memory_space<hbm>>
    tpu.enqueue_indirect_dma source(%dma_start3A_25 : memref<1000000x64xf32, #tpu.memory_space<hbm>>) target(%dma_start3A_19 : memref<128x64xf32, #tpu.memory_space<vmem>>) offsets(%dma_start3A_22 : memref<128xi32, #tpu.memory_space<vmem>>) semaphore(%arg14 : memref<!tpu.dma_semaphore, #tpu.memory_space<semaphore_mem>>)
    %dma_start3A_26 = arith.constant 1 : i32
    %dma_start3A_27 = arith.constant 128 : i32
    %dma_start3A_28 = arith.constant 0 : i32
    %dma_start3A_29 = tpu.memref_slice %arg6[%dma_start3A_27, %dma_start3A_28] : memref<256x64xf32, #tpu.memory_space<vmem>> -> memref<128x64xf32, #tpu.memory_space<vmem>>
    %dma_start3A_30 = arith.constant 0 : i32
    %dma_start3A_31 = tpu.memref_slice %arg10[%dma_start3A_26, %dma_start3A_30] : memref<2x128xi32, #tpu.memory_space<vmem>> -> memref<1x128xi32, #tpu.memory_space<vmem>>
    %dma_start3A_32 = tpu.memref_squeeze %dma_start3A_31 : memref<1x128xi32, #tpu.memory_space<vmem>> -> memref<128xi32, #tpu.memory_space<vmem>>
    %dma_start3A_33 = arith.constant 0 : i32
    %dma_start3A_34 = arith.constant 0 : i32
    %dma_start3A_35 = tpu.memref_slice %arg4[%dma_start3A_33, %dma_start3A_34] : memref<1000000x64xf32, #tpu.memory_space<hbm>> -> memref<1000000x64xf32, #tpu.memory_space<hbm>>
    tpu.enqueue_indirect_dma source(%dma_start3A_35 : memref<1000000x64xf32, #tpu.memory_space<hbm>>) target(%dma_start3A_29 : memref<128x64xf32, #tpu.memory_space<vmem>>) offsets(%dma_start3A_32 : memref<128xi32, #tpu.memory_space<vmem>>) semaphore(%arg14 : memref<!tpu.dma_semaphore, #tpu.memory_space<semaphore_mem>>)
    %dma_start3A_36 = arith.constant 1 : i32
    %dma_start3A_37 = arith.constant 128 : i32
    %dma_start3A_38 = arith.constant 0 : i32
    %dma_start3A_39 = tpu.memref_slice %arg7[%dma_start3A_37, %dma_start3A_38] : memref<256x64xf32, #tpu.memory_space<vmem>> -> memref<128x64xf32, #tpu.memory_space<vmem>>
    %dma_start3A_40 = arith.constant 0 : i32
    %dma_start3A_41 = tpu.memref_slice %arg11[%dma_start3A_36, %dma_start3A_40] : memref<2x128xi32, #tpu.memory_space<vmem>> -> memref<1x128xi32, #tpu.memory_space<vmem>>
    %dma_start3A_42 = tpu.memref_squeeze %dma_start3A_41 : memref<1x128xi32, #tpu.memory_space<vmem>> -> memref<128xi32, #tpu.memory_space<vmem>>
    %dma_start3A_43 = arith.constant 0 : i32
    %dma_start3A_44 = arith.constant 0 : i32
    %dma_start3A_45 = tpu.memref_slice %arg4[%dma_start3A_43, %dma_start3A_44] : memref<1000000x64xf32, #tpu.memory_space<hbm>> -> memref<1000000x64xf32, #tpu.memory_space<hbm>>
    tpu.enqueue_indirect_dma source(%dma_start3A_45 : memref<1000000x64xf32, #tpu.memory_space<hbm>>) target(%dma_start3A_39 : memref<128x64xf32, #tpu.memory_space<vmem>>) offsets(%dma_start3A_42 : memref<128xi32, #tpu.memory_space<vmem>>) semaphore(%arg14 : memref<!tpu.dma_semaphore, #tpu.memory_space<semaphore_mem>>)
    %scan3A = arith.constant 0 : i32
    %scan3A_46 = arith.constant 0 : i32
    %scan3A_47 = arith.constant 8 : i32
    %scan3A_48 = arith.addi %scan3A_46, %scan3A_47 : i32
    %scan3A_49 = arith.constant 1 : i32
    scf.for %scan3A_51 = %scan3A_46 to %scan3A_48 step %scan3A_49  : i32 {
      %mul3A_52 = arith.constant 2 : i32
      %mul3A_53 = arith.muli %scan3A_51, %mul3A_52 : i32
      %add3A_54 = arith.constant 1 : i32
      %add3A_55 = arith.addi %mul3A_53, %add3A_54 : i32
      %mul3A_56 = arith.constant 2 : i32
      %mul3A_57 = arith.muli %add3A_55, %mul3A_56 : i32
      %add3A_58 = arith.addi %mul3A_4, %mul3A_57 : i32
      "tpu.region"() ({
        %run_scoped3A = tpu.sem_alloc : memref<!tpu.dma_semaphore, #tpu.memory_space<semaphore_mem>>
        %dma_start3A_170 = arith.constant 0 : i32
        %dma_start3A_171 = tpu.memref_slice %arg2[%add3A_58, %dma_start3A_170] : memref<1024x128xi32, #tpu.memory_space<hbm>> -> memref<2x128xi32, #tpu.memory_space<hbm>>
        %dma_start3A_172 = arith.constant 0 : i32
        %dma_start3A_173 = tpu.memref_slice %arg2[%add3A_58, %dma_start3A_172] : memref<1024x128xi32, #tpu.memory_space<hbm>> -> memref<2x128xi32, #tpu.memory_space<hbm>>
        tpu.enqueue_dma source(%dma_start3A_173 : memref<2x128xi32, #tpu.memory_space<hbm>>) target(%arg12 : memref<2x128xi32, #tpu.memory_space<vmem>>) target_semaphore(%run_scoped3A : memref<!tpu.dma_semaphore, #tpu.memory_space<semaphore_mem>>)
        %dma_wait3A_174 = arith.constant 0 : i32
        %dma_wait3A_175 = tpu.memref_slice %arg2[%add3A_58, %dma_wait3A_174] : memref<1024x128xi32, #tpu.memory_space<hbm>> -> memref<2x128xi32, #tpu.memory_space<hbm>>
        %dma_wait3A_176 = arith.constant 0 : i32
        %dma_wait3A_177 = tpu.memref_slice %arg2[%add3A_58, %dma_wait3A_176] : memref<1024x128xi32, #tpu.memory_space<hbm>> -> memref<2x128xi32, #tpu.memory_space<hbm>>
        tpu.wait_dma2 semaphore(%run_scoped3A : memref<!tpu.dma_semaphore, #tpu.memory_space<semaphore_mem>>) src(%dma_wait3A_177 : memref<2x128xi32, #tpu.memory_space<hbm>>) dst(%arg12 : memref<2x128xi32, #tpu.memory_space<vmem>>)
        tpu.yield
      }) : () -> ()
      "tpu.region"() ({
        %run_scoped3A = tpu.sem_alloc : memref<!tpu.dma_semaphore, #tpu.memory_space<semaphore_mem>>
        %dma_start3A_170 = arith.constant 0 : i32
        %dma_start3A_171 = tpu.memref_slice %arg3[%add3A_58, %dma_start3A_170] : memref<1024x128xi32, #tpu.memory_space<hbm>> -> memref<2x128xi32, #tpu.memory_space<hbm>>
        %dma_start3A_172 = arith.constant 0 : i32
        %dma_start3A_173 = tpu.memref_slice %arg3[%add3A_58, %dma_start3A_172] : memref<1024x128xi32, #tpu.memory_space<hbm>> -> memref<2x128xi32, #tpu.memory_space<hbm>>
        tpu.enqueue_dma source(%dma_start3A_173 : memref<2x128xi32, #tpu.memory_space<hbm>>) target(%arg13 : memref<2x128xi32, #tpu.memory_space<vmem>>) target_semaphore(%run_scoped3A : memref<!tpu.dma_semaphore, #tpu.memory_space<semaphore_mem>>)
        %dma_wait3A_174 = arith.constant 0 : i32
        %dma_wait3A_175 = tpu.memref_slice %arg3[%add3A_58, %dma_wait3A_174] : memref<1024x128xi32, #tpu.memory_space<hbm>> -> memref<2x128xi32, #tpu.memory_space<hbm>>
        %dma_wait3A_176 = arith.constant 0 : i32
        %dma_wait3A_177 = tpu.memref_slice %arg3[%add3A_58, %dma_wait3A_176] : memref<1024x128xi32, #tpu.memory_space<hbm>> -> memref<2x128xi32, #tpu.memory_space<hbm>>
        tpu.wait_dma2 semaphore(%run_scoped3A : memref<!tpu.dma_semaphore, #tpu.memory_space<semaphore_mem>>) src(%dma_wait3A_177 : memref<2x128xi32, #tpu.memory_space<hbm>>) dst(%arg13 : memref<2x128xi32, #tpu.memory_space<vmem>>)
        tpu.yield
      }) : () -> ()
      %dma_start3A_59 = arith.constant 0 : i32
      %dma_start3A_60 = arith.constant 0 : i32
      %dma_start3A_61 = arith.constant 0 : i32
      %dma_start3A_62 = tpu.memref_slice %arg8[%dma_start3A_60, %dma_start3A_61] : memref<256x64xf32, #tpu.memory_space<vmem>> -> memref<128x64xf32, #tpu.memory_space<vmem>>
      %dma_start3A_63 = arith.constant 0 : i32
      %dma_start3A_64 = tpu.memref_slice %arg12[%dma_start3A_59, %dma_start3A_63] : memref<2x128xi32, #tpu.memory_space<vmem>> -> memref<1x128xi32, #tpu.memory_space<vmem>>
      %dma_start3A_65 = tpu.memref_squeeze %dma_start3A_64 : memref<1x128xi32, #tpu.memory_space<vmem>> -> memref<128xi32, #tpu.memory_space<vmem>>
      %dma_start3A_66 = arith.constant 0 : i32
      %dma_start3A_67 = arith.constant 0 : i32
      %dma_start3A_68 = tpu.memref_slice %arg4[%dma_start3A_66, %dma_start3A_67] : memref<1000000x64xf32, #tpu.memory_space<hbm>> -> memref<1000000x64xf32, #tpu.memory_space<hbm>>
      tpu.enqueue_indirect_dma source(%dma_start3A_68 : memref<1000000x64xf32, #tpu.memory_space<hbm>>) target(%dma_start3A_62 : memref<128x64xf32, #tpu.memory_space<vmem>>) offsets(%dma_start3A_65 : memref<128xi32, #tpu.memory_space<vmem>>) semaphore(%arg15 : memref<!tpu.dma_semaphore, #tpu.memory_space<semaphore_mem>>)
      %dma_start3A_69 = arith.constant 0 : i32
      %dma_start3A_70 = arith.constant 0 : i32
      %dma_start3A_71 = arith.constant 0 : i32
      %dma_start3A_72 = tpu.memref_slice %arg9[%dma_start3A_70, %dma_start3A_71] : memref<256x64xf32, #tpu.memory_space<vmem>> -> memref<128x64xf32, #tpu.memory_space<vmem>>
      %dma_start3A_73 = arith.constant 0 : i32
      %dma_start3A_74 = tpu.memref_slice %arg13[%dma_start3A_69, %dma_start3A_73] : memref<2x128xi32, #tpu.memory_space<vmem>> -> memref<1x128xi32, #tpu.memory_space<vmem>>
      %dma_start3A_75 = tpu.memref_squeeze %dma_start3A_74 : memref<1x128xi32, #tpu.memory_space<vmem>> -> memref<128xi32, #tpu.memory_space<vmem>>
      %dma_start3A_76 = arith.constant 0 : i32
      %dma_start3A_77 = arith.constant 0 : i32
      %dma_start3A_78 = tpu.memref_slice %arg4[%dma_start3A_76, %dma_start3A_77] : memref<1000000x64xf32, #tpu.memory_space<hbm>> -> memref<1000000x64xf32, #tpu.memory_space<hbm>>
      tpu.enqueue_indirect_dma source(%dma_start3A_78 : memref<1000000x64xf32, #tpu.memory_space<hbm>>) target(%dma_start3A_72 : memref<128x64xf32, #tpu.memory_space<vmem>>) offsets(%dma_start3A_75 : memref<128xi32, #tpu.memory_space<vmem>>) semaphore(%arg15 : memref<!tpu.dma_semaphore, #tpu.memory_space<semaphore_mem>>)
      %dma_start3A_79 = arith.constant 1 : i32
      %dma_start3A_80 = arith.constant 128 : i32
      %dma_start3A_81 = arith.constant 0 : i32
      %dma_start3A_82 = tpu.memref_slice %arg8[%dma_start3A_80, %dma_start3A_81] : memref<256x64xf32, #tpu.memory_space<vmem>> -> memref<128x64xf32, #tpu.memory_space<vmem>>
      %dma_start3A_83 = arith.constant 0 : i32
      %dma_start3A_84 = tpu.memref_slice %arg12[%dma_start3A_79, %dma_start3A_83] : memref<2x128xi32, #tpu.memory_space<vmem>> -> memref<1x128xi32, #tpu.memory_space<vmem>>
      %dma_start3A_85 = tpu.memref_squeeze %dma_start3A_84 : memref<1x128xi32, #tpu.memory_space<vmem>> -> memref<128xi32, #tpu.memory_space<vmem>>
      %dma_start3A_86 = arith.constant 0 : i32
      %dma_start3A_87 = arith.constant 0 : i32
      %dma_start3A_88 = tpu.memref_slice %arg4[%dma_start3A_86, %dma_start3A_87] : memref<1000000x64xf32, #tpu.memory_space<hbm>> -> memref<1000000x64xf32, #tpu.memory_space<hbm>>
      tpu.enqueue_indirect_dma source(%dma_start3A_88 : memref<1000000x64xf32, #tpu.memory_space<hbm>>) target(%dma_start3A_82 : memref<128x64xf32, #tpu.memory_space<vmem>>) offsets(%dma_start3A_85 : memref<128xi32, #tpu.memory_space<vmem>>) semaphore(%arg15 : memref<!tpu.dma_semaphore, #tpu.memory_space<semaphore_mem>>)
      %dma_start3A_89 = arith.constant 1 : i32
      %dma_start3A_90 = arith.constant 128 : i32
      %dma_start3A_91 = arith.constant 0 : i32
      %dma_start3A_92 = tpu.memref_slice %arg9[%dma_start3A_90, %dma_start3A_91] : memref<256x64xf32, #tpu.memory_space<vmem>> -> memref<128x64xf32, #tpu.memory_space<vmem>>
      %dma_start3A_93 = arith.constant 0 : i32
      %dma_start3A_94 = tpu.memref_slice %arg13[%dma_start3A_89, %dma_start3A_93] : memref<2x128xi32, #tpu.memory_space<vmem>> -> memref<1x128xi32, #tpu.memory_space<vmem>>
      %dma_start3A_95 = tpu.memref_squeeze %dma_start3A_94 : memref<1x128xi32, #tpu.memory_space<vmem>> -> memref<128xi32, #tpu.memory_space<vmem>>
      %dma_start3A_96 = arith.constant 0 : i32
      %dma_start3A_97 = arith.constant 0 : i32
      %dma_start3A_98 = tpu.memref_slice %arg4[%dma_start3A_96, %dma_start3A_97] : memref<1000000x64xf32, #tpu.memory_space<hbm>> -> memref<1000000x64xf32, #tpu.memory_space<hbm>>
      tpu.enqueue_indirect_dma source(%dma_start3A_98 : memref<1000000x64xf32, #tpu.memory_space<hbm>>) target(%dma_start3A_92 : memref<128x64xf32, #tpu.memory_space<vmem>>) offsets(%dma_start3A_95 : memref<128xi32, #tpu.memory_space<vmem>>) semaphore(%arg15 : memref<!tpu.dma_semaphore, #tpu.memory_space<semaphore_mem>>)
      %dma_wait3A = arith.constant 0 : i32
      %dma_wait3A_99 = arith.constant 0 : i32
      %dma_wait3A_100 = tpu.memref_slice %arg4[%dma_wait3A, %dma_wait3A_99] : memref<1000000x64xf32, #tpu.memory_space<hbm>> -> memref<256x64xf32, #tpu.memory_space<hbm>>
      %dma_wait3A_101 = arith.constant 0 : i32
      %dma_wait3A_102 = arith.constant 0 : i32
      %dma_wait3A_103 = tpu.memref_slice %arg4[%dma_wait3A_101, %dma_wait3A_102] : memref<1000000x64xf32, #tpu.memory_space<hbm>> -> memref<256x64xf32, #tpu.memory_space<hbm>>
      tpu.wait_dma2 semaphore(%arg14 : memref<!tpu.dma_semaphore, #tpu.memory_space<semaphore_mem>>) src(%dma_wait3A_103 : memref<256x64xf32, #tpu.memory_space<hbm>>) dst(%arg6 : memref<256x64xf32, #tpu.memory_space<vmem>>)
      %dma_wait3A_104 = arith.constant 0 : i32
      %dma_wait3A_105 = arith.constant 0 : i32
      %dma_wait3A_106 = tpu.memref_slice %arg4[%dma_wait3A_104, %dma_wait3A_105] : memref<1000000x64xf32, #tpu.memory_space<hbm>> -> memref<256x64xf32, #tpu.memory_space<hbm>>
      %dma_wait3A_107 = arith.constant 0 : i32
      %dma_wait3A_108 = arith.constant 0 : i32
      %dma_wait3A_109 = tpu.memref_slice %arg4[%dma_wait3A_107, %dma_wait3A_108] : memref<1000000x64xf32, #tpu.memory_space<hbm>> -> memref<256x64xf32, #tpu.memory_space<hbm>>
      tpu.wait_dma2 semaphore(%arg14 : memref<!tpu.dma_semaphore, #tpu.memory_space<semaphore_mem>>) src(%dma_wait3A_109 : memref<256x64xf32, #tpu.memory_space<hbm>>) dst(%arg7 : memref<256x64xf32, #tpu.memory_space<vmem>>)
      %mul3A_110 = arith.constant 256 : i32
      %mul3A_111 = arith.muli %mul3A_53, %mul3A_110 : i32
      %add3A_112 = arith.addi %mul3A_2, %mul3A_111 : i32
      %dma_start3A_113 = arith.constant 0 : i32
      %dma_start3A_114 = tpu.memref_slice %arg5[%add3A_112, %dma_start3A_113] : memref<131072x128xf32, #tpu.memory_space<hbm>> -> memref<256x64xf32, #tpu.memory_space<hbm>>
      %dma_start3A_115 = arith.constant 0 : i32
      %dma_start3A_116 = tpu.memref_slice %arg5[%add3A_112, %dma_start3A_115] : memref<131072x128xf32, #tpu.memory_space<hbm>> -> memref<256x64xf32, #tpu.memory_space<hbm>>
      tpu.enqueue_dma source(%arg6 : memref<256x64xf32, #tpu.memory_space<vmem>>) target(%dma_start3A_116 : memref<256x64xf32, #tpu.memory_space<hbm>>) target_semaphore(%arg16 : memref<!tpu.dma_semaphore, #tpu.memory_space<semaphore_mem>>)
      %dma_start3A_117 = arith.constant 64 : i32
      %dma_start3A_118 = tpu.memref_slice %arg5[%add3A_112, %dma_start3A_117] : memref<131072x128xf32, #tpu.memory_space<hbm>> -> memref<256x64xf32, #tpu.memory_space<hbm>>
      %dma_start3A_119 = arith.constant 64 : i32
      %dma_start3A_120 = tpu.memref_slice %arg5[%add3A_112, %dma_start3A_119] : memref<131072x128xf32, #tpu.memory_space<hbm>> -> memref<256x64xf32, #tpu.memory_space<hbm>>
      tpu.enqueue_dma source(%arg7 : memref<256x64xf32, #tpu.memory_space<vmem>>) target(%dma_start3A_120 : memref<256x64xf32, #tpu.memory_space<hbm>>) target_semaphore(%arg16 : memref<!tpu.dma_semaphore, #tpu.memory_space<semaphore_mem>>)
      %dma_wait3A_121 = arith.constant 0 : i32
      %dma_wait3A_122 = arith.constant 0 : i32
      %dma_wait3A_123 = tpu.memref_slice %arg5[%dma_wait3A_121, %dma_wait3A_122] : memref<131072x128xf32, #tpu.memory_space<hbm>> -> memref<256x64xf32, #tpu.memory_space<hbm>>
      %dma_wait3A_124 = arith.constant 0 : i32
      %dma_wait3A_125 = arith.constant 0 : i32
      %dma_wait3A_126 = tpu.memref_slice %arg5[%dma_wait3A_124, %dma_wait3A_125] : memref<131072x128xf32, #tpu.memory_space<hbm>> -> memref<256x64xf32, #tpu.memory_space<hbm>>
      tpu.wait_dma2 semaphore(%arg16 : memref<!tpu.dma_semaphore, #tpu.memory_space<semaphore_mem>>) src(%arg6 : memref<256x64xf32, #tpu.memory_space<vmem>>) dst(%dma_wait3A_126 : memref<256x64xf32, #tpu.memory_space<hbm>>)
      %dma_wait3A_127 = arith.constant 0 : i32
      %dma_wait3A_128 = arith.constant 64 : i32
      %dma_wait3A_129 = tpu.memref_slice %arg5[%dma_wait3A_127, %dma_wait3A_128] : memref<131072x128xf32, #tpu.memory_space<hbm>> -> memref<256x64xf32, #tpu.memory_space<hbm>>
      %dma_wait3A_130 = arith.constant 0 : i32
      %dma_wait3A_131 = arith.constant 64 : i32
      %dma_wait3A_132 = tpu.memref_slice %arg5[%dma_wait3A_130, %dma_wait3A_131] : memref<131072x128xf32, #tpu.memory_space<hbm>> -> memref<256x64xf32, #tpu.memory_space<hbm>>
      tpu.wait_dma2 semaphore(%arg16 : memref<!tpu.dma_semaphore, #tpu.memory_space<semaphore_mem>>) src(%arg7 : memref<256x64xf32, #tpu.memory_space<vmem>>) dst(%dma_wait3A_132 : memref<256x64xf32, #tpu.memory_space<hbm>>)
      %lt3A = arith.constant 7 : i32
      %lt3A_133 = arith.cmpi slt, %scan3A_51, %lt3A : i32
      %convert_element_type3A = arith.extui %lt3A_133 : i1 to i32
      %cond3A = arith.constant 0 : i32
      %cond3A_134 = arith.cmpi ne, %convert_element_type3A, %cond3A : i32
      scf.if %cond3A_134 {
        %add3A_170 = arith.constant 2 : i32
        %add3A_171 = arith.addi %mul3A_53, %add3A_170 : i32
        %mul3A_172 = arith.constant 2 : i32
        %mul3A_173 = arith.muli %add3A_171, %mul3A_172 : i32
        %add3A_174 = arith.addi %mul3A_4, %mul3A_173 : i32
        "tpu.region"() ({
          %run_scoped3A = tpu.sem_alloc : memref<!tpu.dma_semaphore, #tpu.memory_space<semaphore_mem>>
          %dma_start3A_215 = arith.constant 0 : i32
          %dma_start3A_216 = tpu.memref_slice %arg2[%add3A_174, %dma_start3A_215] : memref<1024x128xi32, #tpu.memory_space<hbm>> -> memref<2x128xi32, #tpu.memory_space<hbm>>
          %dma_start3A_217 = arith.constant 0 : i32
          %dma_start3A_218 = tpu.memref_slice %arg2[%add3A_174, %dma_start3A_217] : memref<1024x128xi32, #tpu.memory_space<hbm>> -> memref<2x128xi32, #tpu.memory_space<hbm>>
          tpu.enqueue_dma source(%dma_start3A_218 : memref<2x128xi32, #tpu.memory_space<hbm>>) target(%arg10 : memref<2x128xi32, #tpu.memory_space<vmem>>) target_semaphore(%run_scoped3A : memref<!tpu.dma_semaphore, #tpu.memory_space<semaphore_mem>>)
          %dma_wait3A_219 = arith.constant 0 : i32
          %dma_wait3A_220 = tpu.memref_slice %arg2[%add3A_174, %dma_wait3A_219] : memref<1024x128xi32, #tpu.memory_space<hbm>> -> memref<2x128xi32, #tpu.memory_space<hbm>>
          %dma_wait3A_221 = arith.constant 0 : i32
          %dma_wait3A_222 = tpu.memref_slice %arg2[%add3A_174, %dma_wait3A_221] : memref<1024x128xi32, #tpu.memory_space<hbm>> -> memref<2x128xi32, #tpu.memory_space<hbm>>
          tpu.wait_dma2 semaphore(%run_scoped3A : memref<!tpu.dma_semaphore, #tpu.memory_space<semaphore_mem>>) src(%dma_wait3A_222 : memref<2x128xi32, #tpu.memory_space<hbm>>) dst(%arg10 : memref<2x128xi32, #tpu.memory_space<vmem>>)
          tpu.yield
        }) : () -> ()
        "tpu.region"() ({
          %run_scoped3A = tpu.sem_alloc : memref<!tpu.dma_semaphore, #tpu.memory_space<semaphore_mem>>
          %dma_start3A_215 = arith.constant 0 : i32
          %dma_start3A_216 = tpu.memref_slice %arg3[%add3A_174, %dma_start3A_215] : memref<1024x128xi32, #tpu.memory_space<hbm>> -> memref<2x128xi32, #tpu.memory_space<hbm>>
          %dma_start3A_217 = arith.constant 0 : i32
          %dma_start3A_218 = tpu.memref_slice %arg3[%add3A_174, %dma_start3A_217] : memref<1024x128xi32, #tpu.memory_space<hbm>> -> memref<2x128xi32, #tpu.memory_space<hbm>>
          tpu.enqueue_dma source(%dma_start3A_218 : memref<2x128xi32, #tpu.memory_space<hbm>>) target(%arg11 : memref<2x128xi32, #tpu.memory_space<vmem>>) target_semaphore(%run_scoped3A : memref<!tpu.dma_semaphore, #tpu.memory_space<semaphore_mem>>)
          %dma_wait3A_219 = arith.constant 0 : i32
          %dma_wait3A_220 = tpu.memref_slice %arg3[%add3A_174, %dma_wait3A_219] : memref<1024x128xi32, #tpu.memory_space<hbm>> -> memref<2x128xi32, #tpu.memory_space<hbm>>
          %dma_wait3A_221 = arith.constant 0 : i32
          %dma_wait3A_222 = tpu.memref_slice %arg3[%add3A_174, %dma_wait3A_221] : memref<1024x128xi32, #tpu.memory_space<hbm>> -> memref<2x128xi32, #tpu.memory_space<hbm>>
          tpu.wait_dma2 semaphore(%run_scoped3A : memref<!tpu.dma_semaphore, #tpu.memory_space<semaphore_mem>>) src(%dma_wait3A_222 : memref<2x128xi32, #tpu.memory_space<hbm>>) dst(%arg11 : memref<2x128xi32, #tpu.memory_space<vmem>>)
          tpu.yield
        }) : () -> ()
        %dma_start3A_175 = arith.constant 0 : i32
        %dma_start3A_176 = arith.constant 0 : i32
        %dma_start3A_177 = arith.constant 0 : i32
        %dma_start3A_178 = tpu.memref_slice %arg6[%dma_start3A_176, %dma_start3A_177] : memref<256x64xf32, #tpu.memory_space<vmem>> -> memref<128x64xf32, #tpu.memory_space<vmem>>
        %dma_start3A_179 = arith.constant 0 : i32
        %dma_start3A_180 = tpu.memref_slice %arg10[%dma_start3A_175, %dma_start3A_179] : memref<2x128xi32, #tpu.memory_space<vmem>> -> memref<1x128xi32, #tpu.memory_space<vmem>>
        %dma_start3A_181 = tpu.memref_squeeze %dma_start3A_180 : memref<1x128xi32, #tpu.memory_space<vmem>> -> memref<128xi32, #tpu.memory_space<vmem>>
        %dma_start3A_182 = arith.constant 0 : i32
        %dma_start3A_183 = arith.constant 0 : i32
        %dma_start3A_184 = tpu.memref_slice %arg4[%dma_start3A_182, %dma_start3A_183] : memref<1000000x64xf32, #tpu.memory_space<hbm>> -> memref<1000000x64xf32, #tpu.memory_space<hbm>>
        tpu.enqueue_indirect_dma source(%dma_start3A_184 : memref<1000000x64xf32, #tpu.memory_space<hbm>>) target(%dma_start3A_178 : memref<128x64xf32, #tpu.memory_space<vmem>>) offsets(%dma_start3A_181 : memref<128xi32, #tpu.memory_space<vmem>>) semaphore(%arg14 : memref<!tpu.dma_semaphore, #tpu.memory_space<semaphore_mem>>)
        %dma_start3A_185 = arith.constant 0 : i32
        %dma_start3A_186 = arith.constant 0 : i32
        %dma_start3A_187 = arith.constant 0 : i32
        %dma_start3A_188 = tpu.memref_slice %arg7[%dma_start3A_186, %dma_start3A_187] : memref<256x64xf32, #tpu.memory_space<vmem>> -> memref<128x64xf32, #tpu.memory_space<vmem>>
        %dma_start3A_189 = arith.constant 0 : i32
        %dma_start3A_190 = tpu.memref_slice %arg11[%dma_start3A_185, %dma_start3A_189] : memref<2x128xi32, #tpu.memory_space<vmem>> -> memref<1x128xi32, #tpu.memory_space<vmem>>
        %dma_start3A_191 = tpu.memref_squeeze %dma_start3A_190 : memref<1x128xi32, #tpu.memory_space<vmem>> -> memref<128xi32, #tpu.memory_space<vmem>>
        %dma_start3A_192 = arith.constant 0 : i32
        %dma_start3A_193 = arith.constant 0 : i32
        %dma_start3A_194 = tpu.memref_slice %arg4[%dma_start3A_192, %dma_start3A_193] : memref<1000000x64xf32, #tpu.memory_space<hbm>> -> memref<1000000x64xf32, #tpu.memory_space<hbm>>
        tpu.enqueue_indirect_dma source(%dma_start3A_194 : memref<1000000x64xf32, #tpu.memory_space<hbm>>) target(%dma_start3A_188 : memref<128x64xf32, #tpu.memory_space<vmem>>) offsets(%dma_start3A_191 : memref<128xi32, #tpu.memory_space<vmem>>) semaphore(%arg14 : memref<!tpu.dma_semaphore, #tpu.memory_space<semaphore_mem>>)
        %dma_start3A_195 = arith.constant 1 : i32
        %dma_start3A_196 = arith.constant 128 : i32
        %dma_start3A_197 = arith.constant 0 : i32
        %dma_start3A_198 = tpu.memref_slice %arg6[%dma_start3A_196, %dma_start3A_197] : memref<256x64xf32, #tpu.memory_space<vmem>> -> memref<128x64xf32, #tpu.memory_space<vmem>>
        %dma_start3A_199 = arith.constant 0 : i32
        %dma_start3A_200 = tpu.memref_slice %arg10[%dma_start3A_195, %dma_start3A_199] : memref<2x128xi32, #tpu.memory_space<vmem>> -> memref<1x128xi32, #tpu.memory_space<vmem>>
        %dma_start3A_201 = tpu.memref_squeeze %dma_start3A_200 : memref<1x128xi32, #tpu.memory_space<vmem>> -> memref<128xi32, #tpu.memory_space<vmem>>
        %dma_start3A_202 = arith.constant 0 : i32
        %dma_start3A_203 = arith.constant 0 : i32
        %dma_start3A_204 = tpu.memref_slice %arg4[%dma_start3A_202, %dma_start3A_203] : memref<1000000x64xf32, #tpu.memory_space<hbm>> -> memref<1000000x64xf32, #tpu.memory_space<hbm>>
        tpu.enqueue_indirect_dma source(%dma_start3A_204 : memref<1000000x64xf32, #tpu.memory_space<hbm>>) target(%dma_start3A_198 : memref<128x64xf32, #tpu.memory_space<vmem>>) offsets(%dma_start3A_201 : memref<128xi32, #tpu.memory_space<vmem>>) semaphore(%arg14 : memref<!tpu.dma_semaphore, #tpu.memory_space<semaphore_mem>>)
        %dma_start3A_205 = arith.constant 1 : i32
        %dma_start3A_206 = arith.constant 128 : i32
        %dma_start3A_207 = arith.constant 0 : i32
        %dma_start3A_208 = tpu.memref_slice %arg7[%dma_start3A_206, %dma_start3A_207] : memref<256x64xf32, #tpu.memory_space<vmem>> -> memref<128x64xf32, #tpu.memory_space<vmem>>
        %dma_start3A_209 = arith.constant 0 : i32
        %dma_start3A_210 = tpu.memref_slice %arg11[%dma_start3A_205, %dma_start3A_209] : memref<2x128xi32, #tpu.memory_space<vmem>> -> memref<1x128xi32, #tpu.memory_space<vmem>>
        %dma_start3A_211 = tpu.memref_squeeze %dma_start3A_210 : memref<1x128xi32, #tpu.memory_space<vmem>> -> memref<128xi32, #tpu.memory_space<vmem>>
        %dma_start3A_212 = arith.constant 0 : i32
        %dma_start3A_213 = arith.constant 0 : i32
        %dma_start3A_214 = tpu.memref_slice %arg4[%dma_start3A_212, %dma_start3A_213] : memref<1000000x64xf32, #tpu.memory_space<hbm>> -> memref<1000000x64xf32, #tpu.memory_space<hbm>>
        tpu.enqueue_indirect_dma source(%dma_start3A_214 : memref<1000000x64xf32, #tpu.memory_space<hbm>>) target(%dma_start3A_208 : memref<128x64xf32, #tpu.memory_space<vmem>>) offsets(%dma_start3A_211 : memref<128xi32, #tpu.memory_space<vmem>>) semaphore(%arg14 : memref<!tpu.dma_semaphore, #tpu.memory_space<semaphore_mem>>)
      } else {
      }
      %dma_wait3A_135 = arith.constant 0 : i32
      %dma_wait3A_136 = arith.constant 0 : i32
      %dma_wait3A_137 = tpu.memref_slice %arg4[%dma_wait3A_135, %dma_wait3A_136] : memref<1000000x64xf32, #tpu.memory_space<hbm>> -> memref<256x64xf32, #tpu.memory_space<hbm>>
      %dma_wait3A_138 = arith.constant 0 : i32
      %dma_wait3A_139 = arith.constant 0 : i32
      %dma_wait3A_140 = tpu.memref_slice %arg4[%dma_wait3A_138, %dma_wait3A_139] : memref<1000000x64xf32, #tpu.memory_space<hbm>> -> memref<256x64xf32, #tpu.memory_space<hbm>>
      tpu.wait_dma2 semaphore(%arg15 : memref<!tpu.dma_semaphore, #tpu.memory_space<semaphore_mem>>) src(%dma_wait3A_140 : memref<256x64xf32, #tpu.memory_space<hbm>>) dst(%arg8 : memref<256x64xf32, #tpu.memory_space<vmem>>)
      %dma_wait3A_141 = arith.constant 0 : i32
      %dma_wait3A_142 = arith.constant 0 : i32
      %dma_wait3A_143 = tpu.memref_slice %arg4[%dma_wait3A_141, %dma_wait3A_142] : memref<1000000x64xf32, #tpu.memory_space<hbm>> -> memref<256x64xf32, #tpu.memory_space<hbm>>
      %dma_wait3A_144 = arith.constant 0 : i32
      %dma_wait3A_145 = arith.constant 0 : i32
      %dma_wait3A_146 = tpu.memref_slice %arg4[%dma_wait3A_144, %dma_wait3A_145] : memref<1000000x64xf32, #tpu.memory_space<hbm>> -> memref<256x64xf32, #tpu.memory_space<hbm>>
      tpu.wait_dma2 semaphore(%arg15 : memref<!tpu.dma_semaphore, #tpu.memory_space<semaphore_mem>>) src(%dma_wait3A_146 : memref<256x64xf32, #tpu.memory_space<hbm>>) dst(%arg9 : memref<256x64xf32, #tpu.memory_space<vmem>>)
      %mul3A_147 = arith.constant 256 : i32
      %mul3A_148 = arith.muli %add3A_55, %mul3A_147 : i32
      %add3A_149 = arith.addi %mul3A_2, %mul3A_148 : i32
      %dma_start3A_150 = arith.constant 0 : i32
      %dma_start3A_151 = tpu.memref_slice %arg5[%add3A_149, %dma_start3A_150] : memref<131072x128xf32, #tpu.memory_space<hbm>> -> memref<256x64xf32, #tpu.memory_space<hbm>>
      %dma_start3A_152 = arith.constant 0 : i32
      %dma_start3A_153 = tpu.memref_slice %arg5[%add3A_149, %dma_start3A_152] : memref<131072x128xf32, #tpu.memory_space<hbm>> -> memref<256x64xf32, #tpu.memory_space<hbm>>
      tpu.enqueue_dma source(%arg8 : memref<256x64xf32, #tpu.memory_space<vmem>>) target(%dma_start3A_153 : memref<256x64xf32, #tpu.memory_space<hbm>>) target_semaphore(%arg17 : memref<!tpu.dma_semaphore, #tpu.memory_space<semaphore_mem>>)
      %dma_start3A_154 = arith.constant 64 : i32
      %dma_start3A_155 = tpu.memref_slice %arg5[%add3A_149, %dma_start3A_154] : memref<131072x128xf32, #tpu.memory_space<hbm>> -> memref<256x64xf32, #tpu.memory_space<hbm>>
      %dma_start3A_156 = arith.constant 64 : i32
      %dma_start3A_157 = tpu.memref_slice %arg5[%add3A_149, %dma_start3A_156] : memref<131072x128xf32, #tpu.memory_space<hbm>> -> memref<256x64xf32, #tpu.memory_space<hbm>>
      tpu.enqueue_dma source(%arg9 : memref<256x64xf32, #tpu.memory_space<vmem>>) target(%dma_start3A_157 : memref<256x64xf32, #tpu.memory_space<hbm>>) target_semaphore(%arg17 : memref<!tpu.dma_semaphore, #tpu.memory_space<semaphore_mem>>)
      %dma_wait3A_158 = arith.constant 0 : i32
      %dma_wait3A_159 = arith.constant 0 : i32
      %dma_wait3A_160 = tpu.memref_slice %arg5[%dma_wait3A_158, %dma_wait3A_159] : memref<131072x128xf32, #tpu.memory_space<hbm>> -> memref<256x64xf32, #tpu.memory_space<hbm>>
      %dma_wait3A_161 = arith.constant 0 : i32
      %dma_wait3A_162 = arith.constant 0 : i32
      %dma_wait3A_163 = tpu.memref_slice %arg5[%dma_wait3A_161, %dma_wait3A_162] : memref<131072x128xf32, #tpu.memory_space<hbm>> -> memref<256x64xf32, #tpu.memory_space<hbm>>
      tpu.wait_dma2 semaphore(%arg17 : memref<!tpu.dma_semaphore, #tpu.memory_space<semaphore_mem>>) src(%arg8 : memref<256x64xf32, #tpu.memory_space<vmem>>) dst(%dma_wait3A_163 : memref<256x64xf32, #tpu.memory_space<hbm>>)
      %dma_wait3A_164 = arith.constant 0 : i32
      %dma_wait3A_165 = arith.constant 64 : i32
      %dma_wait3A_166 = tpu.memref_slice %arg5[%dma_wait3A_164, %dma_wait3A_165] : memref<131072x128xf32, #tpu.memory_space<hbm>> -> memref<256x64xf32, #tpu.memory_space<hbm>>
      %dma_wait3A_167 = arith.constant 0 : i32
      %dma_wait3A_168 = arith.constant 64 : i32
      %dma_wait3A_169 = tpu.memref_slice %arg5[%dma_wait3A_167, %dma_wait3A_168] : memref<131072x128xf32, #tpu.memory_space<hbm>> -> memref<256x64xf32, #tpu.memory_space<hbm>>
      tpu.wait_dma2 semaphore(%arg17 : memref<!tpu.dma_semaphore, #tpu.memory_space<semaphore_mem>>) src(%arg9 : memref<256x64xf32, #tpu.memory_space<vmem>>) dst(%dma_wait3A_169 : memref<256x64xf32, #tpu.memory_space<hbm>>)
    }
    %scan3A_50 = arith.constant 8 : i32
    return
  }
}

#map = affine_map<(d0, d1) -> (0, 0)>
module attributes {stable_mosaic.version = 14 : i64} {
  func.func @_sc_body(%arg0: i32, %arg1: i32, %arg2: memref<1792x128xi32, #tpu.memory_space<hbm>>, %arg3: memref<1792x128xi32, #tpu.memory_space<hbm>>, %arg4: memref<1000000x64xf32, #tpu.memory_space<hbm>>, %arg5: memref<229376x128xf32, #tpu.memory_space<hbm>>, %arg6: memref<256x64xf32, #tpu.memory_space<vmem>>, %arg7: memref<256x64xf32, #tpu.memory_space<vmem>>, %arg8: memref<256x64xf32, #tpu.memory_space<vmem>>, %arg9: memref<256x64xf32, #tpu.memory_space<vmem>>, %arg10: memref<2x128xi32, #tpu.memory_space<vmem>>, %arg11: memref<2x128xi32, #tpu.memory_space<vmem>>, %arg12: memref<2x128xi32, #tpu.memory_space<vmem>>, %arg13: memref<2x128xi32, #tpu.memory_space<vmem>>, %arg14: memref<!tpu.dma_semaphore, #tpu.memory_space<semaphore_mem>>, %arg15: memref<!tpu.dma_semaphore, #tpu.memory_space<semaphore_mem>>, %arg16: memref<!tpu.dma_semaphore, #tpu.memory_space<semaphore_mem>>, %arg17: memref<!tpu.dma_semaphore, #tpu.memory_space<semaphore_mem>>) attributes {dimension_semantics = [#tpu.dimension_semantics<core_parallel>, #tpu.dimension_semantics<subcore_parallel>], iteration_bounds = array<i64: 2, 16>, scalar_prefetch = 0 : i64, scratch_operands = 12 : i64, tpu.core_type = #tpu.core_type<sc_vector_subcore>, window_params = [{transform_indices = #map}, {transform_indices = #map}, {transform_indices = #map}, {transform_indices = #map}]} {
    %mul3A = arith.constant 2 : i32
    %mul3A_0 = arith.muli %arg1, %mul3A : i32
    %add3A = arith.addi %mul3A_0, %arg0 : i32
    %mul3A_1 = arith.constant 7168 : i32
    %mul3A_2 = arith.muli %add3A, %mul3A_1 : i32
    %mul3A_3 = arith.constant 56 : i32
    %mul3A_4 = arith.muli %add3A, %mul3A_3 : i32
    %add3A_5 = arith.constant 0 : i32
    %add3A_6 = arith.addi %mul3A_4, %add3A_5 : i32
    "tpu.region"() ({
      %run_scoped3A = tpu.sem_alloc : memref<!tpu.dma_semaphore, #tpu.memory_space<semaphore_mem>>
      %dma_start3A_51 = arith.constant 0 : i32
      %dma_start3A_52 = tpu.memref_slice %arg2[%add3A_6, %dma_start3A_51] : memref<1792x128xi32, #tpu.memory_space<hbm>> -> memref<2x128xi32, #tpu.memory_space<hbm>>
      %dma_start3A_53 = arith.constant 0 : i32
      %dma_start3A_54 = tpu.memref_slice %arg2[%add3A_6, %dma_start3A_53] : memref<1792x128xi32, #tpu.memory_space<hbm>> -> memref<2x128xi32, #tpu.memory_space<hbm>>
      tpu.enqueue_dma source(%dma_start3A_54 : memref<2x128xi32, #tpu.memory_space<hbm>>) target(%arg10 : memref<2x128xi32, #tpu.memory_space<vmem>>) target_semaphore(%run_scoped3A : memref<!tpu.dma_semaphore, #tpu.memory_space<semaphore_mem>>)
      %dma_wait3A = arith.constant 0 : i32
      %dma_wait3A_55 = tpu.memref_slice %arg2[%add3A_6, %dma_wait3A] : memref<1792x128xi32, #tpu.memory_space<hbm>> -> memref<2x128xi32, #tpu.memory_space<hbm>>
      %dma_wait3A_56 = arith.constant 0 : i32
      %dma_wait3A_57 = tpu.memref_slice %arg2[%add3A_6, %dma_wait3A_56] : memref<1792x128xi32, #tpu.memory_space<hbm>> -> memref<2x128xi32, #tpu.memory_space<hbm>>
      tpu.wait_dma2 semaphore(%run_scoped3A : memref<!tpu.dma_semaphore, #tpu.memory_space<semaphore_mem>>) src(%dma_wait3A_57 : memref<2x128xi32, #tpu.memory_space<hbm>>) dst(%arg10 : memref<2x128xi32, #tpu.memory_space<vmem>>)
      tpu.yield
    }) : () -> ()
    "tpu.region"() ({
      %run_scoped3A = tpu.sem_alloc : memref<!tpu.dma_semaphore, #tpu.memory_space<semaphore_mem>>
      %dma_start3A_51 = arith.constant 0 : i32
      %dma_start3A_52 = tpu.memref_slice %arg3[%add3A_6, %dma_start3A_51] : memref<1792x128xi32, #tpu.memory_space<hbm>> -> memref<2x128xi32, #tpu.memory_space<hbm>>
      %dma_start3A_53 = arith.constant 0 : i32
      %dma_start3A_54 = tpu.memref_slice %arg3[%add3A_6, %dma_start3A_53] : memref<1792x128xi32, #tpu.memory_space<hbm>> -> memref<2x128xi32, #tpu.memory_space<hbm>>
      tpu.enqueue_dma source(%dma_start3A_54 : memref<2x128xi32, #tpu.memory_space<hbm>>) target(%arg11 : memref<2x128xi32, #tpu.memory_space<vmem>>) target_semaphore(%run_scoped3A : memref<!tpu.dma_semaphore, #tpu.memory_space<semaphore_mem>>)
      %dma_wait3A = arith.constant 0 : i32
      %dma_wait3A_55 = tpu.memref_slice %arg3[%add3A_6, %dma_wait3A] : memref<1792x128xi32, #tpu.memory_space<hbm>> -> memref<2x128xi32, #tpu.memory_space<hbm>>
      %dma_wait3A_56 = arith.constant 0 : i32
      %dma_wait3A_57 = tpu.memref_slice %arg3[%add3A_6, %dma_wait3A_56] : memref<1792x128xi32, #tpu.memory_space<hbm>> -> memref<2x128xi32, #tpu.memory_space<hbm>>
      tpu.wait_dma2 semaphore(%run_scoped3A : memref<!tpu.dma_semaphore, #tpu.memory_space<semaphore_mem>>) src(%dma_wait3A_57 : memref<2x128xi32, #tpu.memory_space<hbm>>) dst(%arg11 : memref<2x128xi32, #tpu.memory_space<vmem>>)
      tpu.yield
    }) : () -> ()
    %dma_start3A = arith.constant 0 : i32
    %dma_start3A_7 = arith.constant 0 : i32
    %dma_start3A_8 = arith.constant 0 : i32
    %dma_start3A_9 = tpu.memref_slice %arg6[%dma_start3A_7, %dma_start3A_8] : memref<256x64xf32, #tpu.memory_space<vmem>> -> memref<128x64xf32, #tpu.memory_space<vmem>>
    %dma_start3A_10 = arith.constant 0 : i32
    %dma_start3A_11 = tpu.memref_slice %arg10[%dma_start3A, %dma_start3A_10] : memref<2x128xi32, #tpu.memory_space<vmem>> -> memref<1x128xi32, #tpu.memory_space<vmem>>
    %dma_start3A_12 = tpu.memref_squeeze %dma_start3A_11 : memref<1x128xi32, #tpu.memory_space<vmem>> -> memref<128xi32, #tpu.memory_space<vmem>>
    %dma_start3A_13 = arith.constant 0 : i32
    %dma_start3A_14 = arith.constant 0 : i32
    %dma_start3A_15 = tpu.memref_slice %arg4[%dma_start3A_13, %dma_start3A_14] : memref<1000000x64xf32, #tpu.memory_space<hbm>> -> memref<1000000x64xf32, #tpu.memory_space<hbm>>
    tpu.enqueue_indirect_dma source(%dma_start3A_15 : memref<1000000x64xf32, #tpu.memory_space<hbm>>) target(%dma_start3A_9 : memref<128x64xf32, #tpu.memory_space<vmem>>) offsets(%dma_start3A_12 : memref<128xi32, #tpu.memory_space<vmem>>) semaphore(%arg14 : memref<!tpu.dma_semaphore, #tpu.memory_space<semaphore_mem>>)
    %dma_start3A_16 = arith.constant 0 : i32
    %dma_start3A_17 = arith.constant 0 : i32
    %dma_start3A_18 = arith.constant 0 : i32
    %dma_start3A_19 = tpu.memref_slice %arg7[%dma_start3A_17, %dma_start3A_18] : memref<256x64xf32, #tpu.memory_space<vmem>> -> memref<128x64xf32, #tpu.memory_space<vmem>>
    %dma_start3A_20 = arith.constant 0 : i32
    %dma_start3A_21 = tpu.memref_slice %arg11[%dma_start3A_16, %dma_start3A_20] : memref<2x128xi32, #tpu.memory_space<vmem>> -> memref<1x128xi32, #tpu.memory_space<vmem>>
    %dma_start3A_22 = tpu.memref_squeeze %dma_start3A_21 : memref<1x128xi32, #tpu.memory_space<vmem>> -> memref<128xi32, #tpu.memory_space<vmem>>
    %dma_start3A_23 = arith.constant 0 : i32
    %dma_start3A_24 = arith.constant 0 : i32
    %dma_start3A_25 = tpu.memref_slice %arg4[%dma_start3A_23, %dma_start3A_24] : memref<1000000x64xf32, #tpu.memory_space<hbm>> -> memref<1000000x64xf32, #tpu.memory_space<hbm>>
    tpu.enqueue_indirect_dma source(%dma_start3A_25 : memref<1000000x64xf32, #tpu.memory_space<hbm>>) target(%dma_start3A_19 : memref<128x64xf32, #tpu.memory_space<vmem>>) offsets(%dma_start3A_22 : memref<128xi32, #tpu.memory_space<vmem>>) semaphore(%arg14 : memref<!tpu.dma_semaphore, #tpu.memory_space<semaphore_mem>>)
    %dma_start3A_26 = arith.constant 1 : i32
    %dma_start3A_27 = arith.constant 128 : i32
    %dma_start3A_28 = arith.constant 0 : i32
    %dma_start3A_29 = tpu.memref_slice %arg6[%dma_start3A_27, %dma_start3A_28] : memref<256x64xf32, #tpu.memory_space<vmem>> -> memref<128x64xf32, #tpu.memory_space<vmem>>
    %dma_start3A_30 = arith.constant 0 : i32
    %dma_start3A_31 = tpu.memref_slice %arg10[%dma_start3A_26, %dma_start3A_30] : memref<2x128xi32, #tpu.memory_space<vmem>> -> memref<1x128xi32, #tpu.memory_space<vmem>>
    %dma_start3A_32 = tpu.memref_squeeze %dma_start3A_31 : memref<1x128xi32, #tpu.memory_space<vmem>> -> memref<128xi32, #tpu.memory_space<vmem>>
    %dma_start3A_33 = arith.constant 0 : i32
    %dma_start3A_34 = arith.constant 0 : i32
    %dma_start3A_35 = tpu.memref_slice %arg4[%dma_start3A_33, %dma_start3A_34] : memref<1000000x64xf32, #tpu.memory_space<hbm>> -> memref<1000000x64xf32, #tpu.memory_space<hbm>>
    tpu.enqueue_indirect_dma source(%dma_start3A_35 : memref<1000000x64xf32, #tpu.memory_space<hbm>>) target(%dma_start3A_29 : memref<128x64xf32, #tpu.memory_space<vmem>>) offsets(%dma_start3A_32 : memref<128xi32, #tpu.memory_space<vmem>>) semaphore(%arg14 : memref<!tpu.dma_semaphore, #tpu.memory_space<semaphore_mem>>)
    %dma_start3A_36 = arith.constant 1 : i32
    %dma_start3A_37 = arith.constant 128 : i32
    %dma_start3A_38 = arith.constant 0 : i32
    %dma_start3A_39 = tpu.memref_slice %arg7[%dma_start3A_37, %dma_start3A_38] : memref<256x64xf32, #tpu.memory_space<vmem>> -> memref<128x64xf32, #tpu.memory_space<vmem>>
    %dma_start3A_40 = arith.constant 0 : i32
    %dma_start3A_41 = tpu.memref_slice %arg11[%dma_start3A_36, %dma_start3A_40] : memref<2x128xi32, #tpu.memory_space<vmem>> -> memref<1x128xi32, #tpu.memory_space<vmem>>
    %dma_start3A_42 = tpu.memref_squeeze %dma_start3A_41 : memref<1x128xi32, #tpu.memory_space<vmem>> -> memref<128xi32, #tpu.memory_space<vmem>>
    %dma_start3A_43 = arith.constant 0 : i32
    %dma_start3A_44 = arith.constant 0 : i32
    %dma_start3A_45 = tpu.memref_slice %arg4[%dma_start3A_43, %dma_start3A_44] : memref<1000000x64xf32, #tpu.memory_space<hbm>> -> memref<1000000x64xf32, #tpu.memory_space<hbm>>
    tpu.enqueue_indirect_dma source(%dma_start3A_45 : memref<1000000x64xf32, #tpu.memory_space<hbm>>) target(%dma_start3A_39 : memref<128x64xf32, #tpu.memory_space<vmem>>) offsets(%dma_start3A_42 : memref<128xi32, #tpu.memory_space<vmem>>) semaphore(%arg14 : memref<!tpu.dma_semaphore, #tpu.memory_space<semaphore_mem>>)
    %scan3A = arith.constant 0 : i32
    %scan3A_46 = arith.constant 0 : i32
    %scan3A_47 = arith.constant 14 : i32
    %scan3A_48 = arith.addi %scan3A_46, %scan3A_47 : i32
    %scan3A_49 = arith.constant 1 : i32
    scf.for %scan3A_51 = %scan3A_46 to %scan3A_48 step %scan3A_49  : i32 {
      %mul3A_52 = arith.constant 2 : i32
      %mul3A_53 = arith.muli %scan3A_51, %mul3A_52 : i32
      %add3A_54 = arith.constant 1 : i32
      %add3A_55 = arith.addi %mul3A_53, %add3A_54 : i32
      %mul3A_56 = arith.constant 2 : i32
      %mul3A_57 = arith.muli %add3A_55, %mul3A_56 : i32
      %add3A_58 = arith.addi %mul3A_4, %mul3A_57 : i32
      "tpu.region"() ({
        %run_scoped3A = tpu.sem_alloc : memref<!tpu.dma_semaphore, #tpu.memory_space<semaphore_mem>>
        %dma_start3A_170 = arith.constant 0 : i32
        %dma_start3A_171 = tpu.memref_slice %arg2[%add3A_58, %dma_start3A_170] : memref<1792x128xi32, #tpu.memory_space<hbm>> -> memref<2x128xi32, #tpu.memory_space<hbm>>
        %dma_start3A_172 = arith.constant 0 : i32
        %dma_start3A_173 = tpu.memref_slice %arg2[%add3A_58, %dma_start3A_172] : memref<1792x128xi32, #tpu.memory_space<hbm>> -> memref<2x128xi32, #tpu.memory_space<hbm>>
        tpu.enqueue_dma source(%dma_start3A_173 : memref<2x128xi32, #tpu.memory_space<hbm>>) target(%arg12 : memref<2x128xi32, #tpu.memory_space<vmem>>) target_semaphore(%run_scoped3A : memref<!tpu.dma_semaphore, #tpu.memory_space<semaphore_mem>>)
        %dma_wait3A_174 = arith.constant 0 : i32
        %dma_wait3A_175 = tpu.memref_slice %arg2[%add3A_58, %dma_wait3A_174] : memref<1792x128xi32, #tpu.memory_space<hbm>> -> memref<2x128xi32, #tpu.memory_space<hbm>>
        %dma_wait3A_176 = arith.constant 0 : i32
        %dma_wait3A_177 = tpu.memref_slice %arg2[%add3A_58, %dma_wait3A_176] : memref<1792x128xi32, #tpu.memory_space<hbm>> -> memref<2x128xi32, #tpu.memory_space<hbm>>
        tpu.wait_dma2 semaphore(%run_scoped3A : memref<!tpu.dma_semaphore, #tpu.memory_space<semaphore_mem>>) src(%dma_wait3A_177 : memref<2x128xi32, #tpu.memory_space<hbm>>) dst(%arg12 : memref<2x128xi32, #tpu.memory_space<vmem>>)
        tpu.yield
      }) : () -> ()
      "tpu.region"() ({
        %run_scoped3A = tpu.sem_alloc : memref<!tpu.dma_semaphore, #tpu.memory_space<semaphore_mem>>
        %dma_start3A_170 = arith.constant 0 : i32
        %dma_start3A_171 = tpu.memref_slice %arg3[%add3A_58, %dma_start3A_170] : memref<1792x128xi32, #tpu.memory_space<hbm>> -> memref<2x128xi32, #tpu.memory_space<hbm>>
        %dma_start3A_172 = arith.constant 0 : i32
        %dma_start3A_173 = tpu.memref_slice %arg3[%add3A_58, %dma_start3A_172] : memref<1792x128xi32, #tpu.memory_space<hbm>> -> memref<2x128xi32, #tpu.memory_space<hbm>>
        tpu.enqueue_dma source(%dma_start3A_173 : memref<2x128xi32, #tpu.memory_space<hbm>>) target(%arg13 : memref<2x128xi32, #tpu.memory_space<vmem>>) target_semaphore(%run_scoped3A : memref<!tpu.dma_semaphore, #tpu.memory_space<semaphore_mem>>)
        %dma_wait3A_174 = arith.constant 0 : i32
        %dma_wait3A_175 = tpu.memref_slice %arg3[%add3A_58, %dma_wait3A_174] : memref<1792x128xi32, #tpu.memory_space<hbm>> -> memref<2x128xi32, #tpu.memory_space<hbm>>
        %dma_wait3A_176 = arith.constant 0 : i32
        %dma_wait3A_177 = tpu.memref_slice %arg3[%add3A_58, %dma_wait3A_176] : memref<1792x128xi32, #tpu.memory_space<hbm>> -> memref<2x128xi32, #tpu.memory_space<hbm>>
        tpu.wait_dma2 semaphore(%run_scoped3A : memref<!tpu.dma_semaphore, #tpu.memory_space<semaphore_mem>>) src(%dma_wait3A_177 : memref<2x128xi32, #tpu.memory_space<hbm>>) dst(%arg13 : memref<2x128xi32, #tpu.memory_space<vmem>>)
        tpu.yield
      }) : () -> ()
      %dma_start3A_59 = arith.constant 0 : i32
      %dma_start3A_60 = arith.constant 0 : i32
      %dma_start3A_61 = arith.constant 0 : i32
      %dma_start3A_62 = tpu.memref_slice %arg8[%dma_start3A_60, %dma_start3A_61] : memref<256x64xf32, #tpu.memory_space<vmem>> -> memref<128x64xf32, #tpu.memory_space<vmem>>
      %dma_start3A_63 = arith.constant 0 : i32
      %dma_start3A_64 = tpu.memref_slice %arg12[%dma_start3A_59, %dma_start3A_63] : memref<2x128xi32, #tpu.memory_space<vmem>> -> memref<1x128xi32, #tpu.memory_space<vmem>>
      %dma_start3A_65 = tpu.memref_squeeze %dma_start3A_64 : memref<1x128xi32, #tpu.memory_space<vmem>> -> memref<128xi32, #tpu.memory_space<vmem>>
      %dma_start3A_66 = arith.constant 0 : i32
      %dma_start3A_67 = arith.constant 0 : i32
      %dma_start3A_68 = tpu.memref_slice %arg4[%dma_start3A_66, %dma_start3A_67] : memref<1000000x64xf32, #tpu.memory_space<hbm>> -> memref<1000000x64xf32, #tpu.memory_space<hbm>>
      tpu.enqueue_indirect_dma source(%dma_start3A_68 : memref<1000000x64xf32, #tpu.memory_space<hbm>>) target(%dma_start3A_62 : memref<128x64xf32, #tpu.memory_space<vmem>>) offsets(%dma_start3A_65 : memref<128xi32, #tpu.memory_space<vmem>>) semaphore(%arg15 : memref<!tpu.dma_semaphore, #tpu.memory_space<semaphore_mem>>)
      %dma_start3A_69 = arith.constant 0 : i32
      %dma_start3A_70 = arith.constant 0 : i32
      %dma_start3A_71 = arith.constant 0 : i32
      %dma_start3A_72 = tpu.memref_slice %arg9[%dma_start3A_70, %dma_start3A_71] : memref<256x64xf32, #tpu.memory_space<vmem>> -> memref<128x64xf32, #tpu.memory_space<vmem>>
      %dma_start3A_73 = arith.constant 0 : i32
      %dma_start3A_74 = tpu.memref_slice %arg13[%dma_start3A_69, %dma_start3A_73] : memref<2x128xi32, #tpu.memory_space<vmem>> -> memref<1x128xi32, #tpu.memory_space<vmem>>
      %dma_start3A_75 = tpu.memref_squeeze %dma_start3A_74 : memref<1x128xi32, #tpu.memory_space<vmem>> -> memref<128xi32, #tpu.memory_space<vmem>>
      %dma_start3A_76 = arith.constant 0 : i32
      %dma_start3A_77 = arith.constant 0 : i32
      %dma_start3A_78 = tpu.memref_slice %arg4[%dma_start3A_76, %dma_start3A_77] : memref<1000000x64xf32, #tpu.memory_space<hbm>> -> memref<1000000x64xf32, #tpu.memory_space<hbm>>
      tpu.enqueue_indirect_dma source(%dma_start3A_78 : memref<1000000x64xf32, #tpu.memory_space<hbm>>) target(%dma_start3A_72 : memref<128x64xf32, #tpu.memory_space<vmem>>) offsets(%dma_start3A_75 : memref<128xi32, #tpu.memory_space<vmem>>) semaphore(%arg15 : memref<!tpu.dma_semaphore, #tpu.memory_space<semaphore_mem>>)
      %dma_start3A_79 = arith.constant 1 : i32
      %dma_start3A_80 = arith.constant 128 : i32
      %dma_start3A_81 = arith.constant 0 : i32
      %dma_start3A_82 = tpu.memref_slice %arg8[%dma_start3A_80, %dma_start3A_81] : memref<256x64xf32, #tpu.memory_space<vmem>> -> memref<128x64xf32, #tpu.memory_space<vmem>>
      %dma_start3A_83 = arith.constant 0 : i32
      %dma_start3A_84 = tpu.memref_slice %arg12[%dma_start3A_79, %dma_start3A_83] : memref<2x128xi32, #tpu.memory_space<vmem>> -> memref<1x128xi32, #tpu.memory_space<vmem>>
      %dma_start3A_85 = tpu.memref_squeeze %dma_start3A_84 : memref<1x128xi32, #tpu.memory_space<vmem>> -> memref<128xi32, #tpu.memory_space<vmem>>
      %dma_start3A_86 = arith.constant 0 : i32
      %dma_start3A_87 = arith.constant 0 : i32
      %dma_start3A_88 = tpu.memref_slice %arg4[%dma_start3A_86, %dma_start3A_87] : memref<1000000x64xf32, #tpu.memory_space<hbm>> -> memref<1000000x64xf32, #tpu.memory_space<hbm>>
      tpu.enqueue_indirect_dma source(%dma_start3A_88 : memref<1000000x64xf32, #tpu.memory_space<hbm>>) target(%dma_start3A_82 : memref<128x64xf32, #tpu.memory_space<vmem>>) offsets(%dma_start3A_85 : memref<128xi32, #tpu.memory_space<vmem>>) semaphore(%arg15 : memref<!tpu.dma_semaphore, #tpu.memory_space<semaphore_mem>>)
      %dma_start3A_89 = arith.constant 1 : i32
      %dma_start3A_90 = arith.constant 128 : i32
      %dma_start3A_91 = arith.constant 0 : i32
      %dma_start3A_92 = tpu.memref_slice %arg9[%dma_start3A_90, %dma_start3A_91] : memref<256x64xf32, #tpu.memory_space<vmem>> -> memref<128x64xf32, #tpu.memory_space<vmem>>
      %dma_start3A_93 = arith.constant 0 : i32
      %dma_start3A_94 = tpu.memref_slice %arg13[%dma_start3A_89, %dma_start3A_93] : memref<2x128xi32, #tpu.memory_space<vmem>> -> memref<1x128xi32, #tpu.memory_space<vmem>>
      %dma_start3A_95 = tpu.memref_squeeze %dma_start3A_94 : memref<1x128xi32, #tpu.memory_space<vmem>> -> memref<128xi32, #tpu.memory_space<vmem>>
      %dma_start3A_96 = arith.constant 0 : i32
      %dma_start3A_97 = arith.constant 0 : i32
      %dma_start3A_98 = tpu.memref_slice %arg4[%dma_start3A_96, %dma_start3A_97] : memref<1000000x64xf32, #tpu.memory_space<hbm>> -> memref<1000000x64xf32, #tpu.memory_space<hbm>>
      tpu.enqueue_indirect_dma source(%dma_start3A_98 : memref<1000000x64xf32, #tpu.memory_space<hbm>>) target(%dma_start3A_92 : memref<128x64xf32, #tpu.memory_space<vmem>>) offsets(%dma_start3A_95 : memref<128xi32, #tpu.memory_space<vmem>>) semaphore(%arg15 : memref<!tpu.dma_semaphore, #tpu.memory_space<semaphore_mem>>)
      %dma_wait3A = arith.constant 0 : i32
      %dma_wait3A_99 = arith.constant 0 : i32
      %dma_wait3A_100 = tpu.memref_slice %arg4[%dma_wait3A, %dma_wait3A_99] : memref<1000000x64xf32, #tpu.memory_space<hbm>> -> memref<256x64xf32, #tpu.memory_space<hbm>>
      %dma_wait3A_101 = arith.constant 0 : i32
      %dma_wait3A_102 = arith.constant 0 : i32
      %dma_wait3A_103 = tpu.memref_slice %arg4[%dma_wait3A_101, %dma_wait3A_102] : memref<1000000x64xf32, #tpu.memory_space<hbm>> -> memref<256x64xf32, #tpu.memory_space<hbm>>
      tpu.wait_dma2 semaphore(%arg14 : memref<!tpu.dma_semaphore, #tpu.memory_space<semaphore_mem>>) src(%dma_wait3A_103 : memref<256x64xf32, #tpu.memory_space<hbm>>) dst(%arg6 : memref<256x64xf32, #tpu.memory_space<vmem>>)
      %dma_wait3A_104 = arith.constant 0 : i32
      %dma_wait3A_105 = arith.constant 0 : i32
      %dma_wait3A_106 = tpu.memref_slice %arg4[%dma_wait3A_104, %dma_wait3A_105] : memref<1000000x64xf32, #tpu.memory_space<hbm>> -> memref<256x64xf32, #tpu.memory_space<hbm>>
      %dma_wait3A_107 = arith.constant 0 : i32
      %dma_wait3A_108 = arith.constant 0 : i32
      %dma_wait3A_109 = tpu.memref_slice %arg4[%dma_wait3A_107, %dma_wait3A_108] : memref<1000000x64xf32, #tpu.memory_space<hbm>> -> memref<256x64xf32, #tpu.memory_space<hbm>>
      tpu.wait_dma2 semaphore(%arg14 : memref<!tpu.dma_semaphore, #tpu.memory_space<semaphore_mem>>) src(%dma_wait3A_109 : memref<256x64xf32, #tpu.memory_space<hbm>>) dst(%arg7 : memref<256x64xf32, #tpu.memory_space<vmem>>)
      %mul3A_110 = arith.constant 256 : i32
      %mul3A_111 = arith.muli %mul3A_53, %mul3A_110 : i32
      %add3A_112 = arith.addi %mul3A_2, %mul3A_111 : i32
      %dma_start3A_113 = arith.constant 0 : i32
      %dma_start3A_114 = tpu.memref_slice %arg5[%add3A_112, %dma_start3A_113] : memref<229376x128xf32, #tpu.memory_space<hbm>> -> memref<256x64xf32, #tpu.memory_space<hbm>>
      %dma_start3A_115 = arith.constant 0 : i32
      %dma_start3A_116 = tpu.memref_slice %arg5[%add3A_112, %dma_start3A_115] : memref<229376x128xf32, #tpu.memory_space<hbm>> -> memref<256x64xf32, #tpu.memory_space<hbm>>
      tpu.enqueue_dma source(%arg6 : memref<256x64xf32, #tpu.memory_space<vmem>>) target(%dma_start3A_116 : memref<256x64xf32, #tpu.memory_space<hbm>>) target_semaphore(%arg16 : memref<!tpu.dma_semaphore, #tpu.memory_space<semaphore_mem>>)
      %dma_start3A_117 = arith.constant 64 : i32
      %dma_start3A_118 = tpu.memref_slice %arg5[%add3A_112, %dma_start3A_117] : memref<229376x128xf32, #tpu.memory_space<hbm>> -> memref<256x64xf32, #tpu.memory_space<hbm>>
      %dma_start3A_119 = arith.constant 64 : i32
      %dma_start3A_120 = tpu.memref_slice %arg5[%add3A_112, %dma_start3A_119] : memref<229376x128xf32, #tpu.memory_space<hbm>> -> memref<256x64xf32, #tpu.memory_space<hbm>>
      tpu.enqueue_dma source(%arg7 : memref<256x64xf32, #tpu.memory_space<vmem>>) target(%dma_start3A_120 : memref<256x64xf32, #tpu.memory_space<hbm>>) target_semaphore(%arg16 : memref<!tpu.dma_semaphore, #tpu.memory_space<semaphore_mem>>)
      %dma_wait3A_121 = arith.constant 0 : i32
      %dma_wait3A_122 = arith.constant 0 : i32
      %dma_wait3A_123 = tpu.memref_slice %arg5[%dma_wait3A_121, %dma_wait3A_122] : memref<229376x128xf32, #tpu.memory_space<hbm>> -> memref<256x64xf32, #tpu.memory_space<hbm>>
      %dma_wait3A_124 = arith.constant 0 : i32
      %dma_wait3A_125 = arith.constant 0 : i32
      %dma_wait3A_126 = tpu.memref_slice %arg5[%dma_wait3A_124, %dma_wait3A_125] : memref<229376x128xf32, #tpu.memory_space<hbm>> -> memref<256x64xf32, #tpu.memory_space<hbm>>
      tpu.wait_dma2 semaphore(%arg16 : memref<!tpu.dma_semaphore, #tpu.memory_space<semaphore_mem>>) src(%arg6 : memref<256x64xf32, #tpu.memory_space<vmem>>) dst(%dma_wait3A_126 : memref<256x64xf32, #tpu.memory_space<hbm>>)
      %dma_wait3A_127 = arith.constant 0 : i32
      %dma_wait3A_128 = arith.constant 64 : i32
      %dma_wait3A_129 = tpu.memref_slice %arg5[%dma_wait3A_127, %dma_wait3A_128] : memref<229376x128xf32, #tpu.memory_space<hbm>> -> memref<256x64xf32, #tpu.memory_space<hbm>>
      %dma_wait3A_130 = arith.constant 0 : i32
      %dma_wait3A_131 = arith.constant 64 : i32
      %dma_wait3A_132 = tpu.memref_slice %arg5[%dma_wait3A_130, %dma_wait3A_131] : memref<229376x128xf32, #tpu.memory_space<hbm>> -> memref<256x64xf32, #tpu.memory_space<hbm>>
      tpu.wait_dma2 semaphore(%arg16 : memref<!tpu.dma_semaphore, #tpu.memory_space<semaphore_mem>>) src(%arg7 : memref<256x64xf32, #tpu.memory_space<vmem>>) dst(%dma_wait3A_132 : memref<256x64xf32, #tpu.memory_space<hbm>>)
      %lt3A = arith.constant 13 : i32
      %lt3A_133 = arith.cmpi slt, %scan3A_51, %lt3A : i32
      %convert_element_type3A = arith.extui %lt3A_133 : i1 to i32
      %cond3A = arith.constant 0 : i32
      %cond3A_134 = arith.cmpi ne, %convert_element_type3A, %cond3A : i32
      scf.if %cond3A_134 {
        %add3A_170 = arith.constant 2 : i32
        %add3A_171 = arith.addi %mul3A_53, %add3A_170 : i32
        %mul3A_172 = arith.constant 2 : i32
        %mul3A_173 = arith.muli %add3A_171, %mul3A_172 : i32
        %add3A_174 = arith.addi %mul3A_4, %mul3A_173 : i32
        "tpu.region"() ({
          %run_scoped3A = tpu.sem_alloc : memref<!tpu.dma_semaphore, #tpu.memory_space<semaphore_mem>>
          %dma_start3A_215 = arith.constant 0 : i32
          %dma_start3A_216 = tpu.memref_slice %arg2[%add3A_174, %dma_start3A_215] : memref<1792x128xi32, #tpu.memory_space<hbm>> -> memref<2x128xi32, #tpu.memory_space<hbm>>
          %dma_start3A_217 = arith.constant 0 : i32
          %dma_start3A_218 = tpu.memref_slice %arg2[%add3A_174, %dma_start3A_217] : memref<1792x128xi32, #tpu.memory_space<hbm>> -> memref<2x128xi32, #tpu.memory_space<hbm>>
          tpu.enqueue_dma source(%dma_start3A_218 : memref<2x128xi32, #tpu.memory_space<hbm>>) target(%arg10 : memref<2x128xi32, #tpu.memory_space<vmem>>) target_semaphore(%run_scoped3A : memref<!tpu.dma_semaphore, #tpu.memory_space<semaphore_mem>>)
          %dma_wait3A_219 = arith.constant 0 : i32
          %dma_wait3A_220 = tpu.memref_slice %arg2[%add3A_174, %dma_wait3A_219] : memref<1792x128xi32, #tpu.memory_space<hbm>> -> memref<2x128xi32, #tpu.memory_space<hbm>>
          %dma_wait3A_221 = arith.constant 0 : i32
          %dma_wait3A_222 = tpu.memref_slice %arg2[%add3A_174, %dma_wait3A_221] : memref<1792x128xi32, #tpu.memory_space<hbm>> -> memref<2x128xi32, #tpu.memory_space<hbm>>
          tpu.wait_dma2 semaphore(%run_scoped3A : memref<!tpu.dma_semaphore, #tpu.memory_space<semaphore_mem>>) src(%dma_wait3A_222 : memref<2x128xi32, #tpu.memory_space<hbm>>) dst(%arg10 : memref<2x128xi32, #tpu.memory_space<vmem>>)
          tpu.yield
        }) : () -> ()
        "tpu.region"() ({
          %run_scoped3A = tpu.sem_alloc : memref<!tpu.dma_semaphore, #tpu.memory_space<semaphore_mem>>
          %dma_start3A_215 = arith.constant 0 : i32
          %dma_start3A_216 = tpu.memref_slice %arg3[%add3A_174, %dma_start3A_215] : memref<1792x128xi32, #tpu.memory_space<hbm>> -> memref<2x128xi32, #tpu.memory_space<hbm>>
          %dma_start3A_217 = arith.constant 0 : i32
          %dma_start3A_218 = tpu.memref_slice %arg3[%add3A_174, %dma_start3A_217] : memref<1792x128xi32, #tpu.memory_space<hbm>> -> memref<2x128xi32, #tpu.memory_space<hbm>>
          tpu.enqueue_dma source(%dma_start3A_218 : memref<2x128xi32, #tpu.memory_space<hbm>>) target(%arg11 : memref<2x128xi32, #tpu.memory_space<vmem>>) target_semaphore(%run_scoped3A : memref<!tpu.dma_semaphore, #tpu.memory_space<semaphore_mem>>)
          %dma_wait3A_219 = arith.constant 0 : i32
          %dma_wait3A_220 = tpu.memref_slice %arg3[%add3A_174, %dma_wait3A_219] : memref<1792x128xi32, #tpu.memory_space<hbm>> -> memref<2x128xi32, #tpu.memory_space<hbm>>
          %dma_wait3A_221 = arith.constant 0 : i32
          %dma_wait3A_222 = tpu.memref_slice %arg3[%add3A_174, %dma_wait3A_221] : memref<1792x128xi32, #tpu.memory_space<hbm>> -> memref<2x128xi32, #tpu.memory_space<hbm>>
          tpu.wait_dma2 semaphore(%run_scoped3A : memref<!tpu.dma_semaphore, #tpu.memory_space<semaphore_mem>>) src(%dma_wait3A_222 : memref<2x128xi32, #tpu.memory_space<hbm>>) dst(%arg11 : memref<2x128xi32, #tpu.memory_space<vmem>>)
          tpu.yield
        }) : () -> ()
        %dma_start3A_175 = arith.constant 0 : i32
        %dma_start3A_176 = arith.constant 0 : i32
        %dma_start3A_177 = arith.constant 0 : i32
        %dma_start3A_178 = tpu.memref_slice %arg6[%dma_start3A_176, %dma_start3A_177] : memref<256x64xf32, #tpu.memory_space<vmem>> -> memref<128x64xf32, #tpu.memory_space<vmem>>
        %dma_start3A_179 = arith.constant 0 : i32
        %dma_start3A_180 = tpu.memref_slice %arg10[%dma_start3A_175, %dma_start3A_179] : memref<2x128xi32, #tpu.memory_space<vmem>> -> memref<1x128xi32, #tpu.memory_space<vmem>>
        %dma_start3A_181 = tpu.memref_squeeze %dma_start3A_180 : memref<1x128xi32, #tpu.memory_space<vmem>> -> memref<128xi32, #tpu.memory_space<vmem>>
        %dma_start3A_182 = arith.constant 0 : i32
        %dma_start3A_183 = arith.constant 0 : i32
        %dma_start3A_184 = tpu.memref_slice %arg4[%dma_start3A_182, %dma_start3A_183] : memref<1000000x64xf32, #tpu.memory_space<hbm>> -> memref<1000000x64xf32, #tpu.memory_space<hbm>>
        tpu.enqueue_indirect_dma source(%dma_start3A_184 : memref<1000000x64xf32, #tpu.memory_space<hbm>>) target(%dma_start3A_178 : memref<128x64xf32, #tpu.memory_space<vmem>>) offsets(%dma_start3A_181 : memref<128xi32, #tpu.memory_space<vmem>>) semaphore(%arg14 : memref<!tpu.dma_semaphore, #tpu.memory_space<semaphore_mem>>)
        %dma_start3A_185 = arith.constant 0 : i32
        %dma_start3A_186 = arith.constant 0 : i32
        %dma_start3A_187 = arith.constant 0 : i32
        %dma_start3A_188 = tpu.memref_slice %arg7[%dma_start3A_186, %dma_start3A_187] : memref<256x64xf32, #tpu.memory_space<vmem>> -> memref<128x64xf32, #tpu.memory_space<vmem>>
        %dma_start3A_189 = arith.constant 0 : i32
        %dma_start3A_190 = tpu.memref_slice %arg11[%dma_start3A_185, %dma_start3A_189] : memref<2x128xi32, #tpu.memory_space<vmem>> -> memref<1x128xi32, #tpu.memory_space<vmem>>
        %dma_start3A_191 = tpu.memref_squeeze %dma_start3A_190 : memref<1x128xi32, #tpu.memory_space<vmem>> -> memref<128xi32, #tpu.memory_space<vmem>>
        %dma_start3A_192 = arith.constant 0 : i32
        %dma_start3A_193 = arith.constant 0 : i32
        %dma_start3A_194 = tpu.memref_slice %arg4[%dma_start3A_192, %dma_start3A_193] : memref<1000000x64xf32, #tpu.memory_space<hbm>> -> memref<1000000x64xf32, #tpu.memory_space<hbm>>
        tpu.enqueue_indirect_dma source(%dma_start3A_194 : memref<1000000x64xf32, #tpu.memory_space<hbm>>) target(%dma_start3A_188 : memref<128x64xf32, #tpu.memory_space<vmem>>) offsets(%dma_start3A_191 : memref<128xi32, #tpu.memory_space<vmem>>) semaphore(%arg14 : memref<!tpu.dma_semaphore, #tpu.memory_space<semaphore_mem>>)
        %dma_start3A_195 = arith.constant 1 : i32
        %dma_start3A_196 = arith.constant 128 : i32
        %dma_start3A_197 = arith.constant 0 : i32
        %dma_start3A_198 = tpu.memref_slice %arg6[%dma_start3A_196, %dma_start3A_197] : memref<256x64xf32, #tpu.memory_space<vmem>> -> memref<128x64xf32, #tpu.memory_space<vmem>>
        %dma_start3A_199 = arith.constant 0 : i32
        %dma_start3A_200 = tpu.memref_slice %arg10[%dma_start3A_195, %dma_start3A_199] : memref<2x128xi32, #tpu.memory_space<vmem>> -> memref<1x128xi32, #tpu.memory_space<vmem>>
        %dma_start3A_201 = tpu.memref_squeeze %dma_start3A_200 : memref<1x128xi32, #tpu.memory_space<vmem>> -> memref<128xi32, #tpu.memory_space<vmem>>
        %dma_start3A_202 = arith.constant 0 : i32
        %dma_start3A_203 = arith.constant 0 : i32
        %dma_start3A_204 = tpu.memref_slice %arg4[%dma_start3A_202, %dma_start3A_203] : memref<1000000x64xf32, #tpu.memory_space<hbm>> -> memref<1000000x64xf32, #tpu.memory_space<hbm>>
        tpu.enqueue_indirect_dma source(%dma_start3A_204 : memref<1000000x64xf32, #tpu.memory_space<hbm>>) target(%dma_start3A_198 : memref<128x64xf32, #tpu.memory_space<vmem>>) offsets(%dma_start3A_201 : memref<128xi32, #tpu.memory_space<vmem>>) semaphore(%arg14 : memref<!tpu.dma_semaphore, #tpu.memory_space<semaphore_mem>>)
        %dma_start3A_205 = arith.constant 1 : i32
        %dma_start3A_206 = arith.constant 128 : i32
        %dma_start3A_207 = arith.constant 0 : i32
        %dma_start3A_208 = tpu.memref_slice %arg7[%dma_start3A_206, %dma_start3A_207] : memref<256x64xf32, #tpu.memory_space<vmem>> -> memref<128x64xf32, #tpu.memory_space<vmem>>
        %dma_start3A_209 = arith.constant 0 : i32
        %dma_start3A_210 = tpu.memref_slice %arg11[%dma_start3A_205, %dma_start3A_209] : memref<2x128xi32, #tpu.memory_space<vmem>> -> memref<1x128xi32, #tpu.memory_space<vmem>>
        %dma_start3A_211 = tpu.memref_squeeze %dma_start3A_210 : memref<1x128xi32, #tpu.memory_space<vmem>> -> memref<128xi32, #tpu.memory_space<vmem>>
        %dma_start3A_212 = arith.constant 0 : i32
        %dma_start3A_213 = arith.constant 0 : i32
        %dma_start3A_214 = tpu.memref_slice %arg4[%dma_start3A_212, %dma_start3A_213] : memref<1000000x64xf32, #tpu.memory_space<hbm>> -> memref<1000000x64xf32, #tpu.memory_space<hbm>>
        tpu.enqueue_indirect_dma source(%dma_start3A_214 : memref<1000000x64xf32, #tpu.memory_space<hbm>>) target(%dma_start3A_208 : memref<128x64xf32, #tpu.memory_space<vmem>>) offsets(%dma_start3A_211 : memref<128xi32, #tpu.memory_space<vmem>>) semaphore(%arg14 : memref<!tpu.dma_semaphore, #tpu.memory_space<semaphore_mem>>)
      } else {
      }
      %dma_wait3A_135 = arith.constant 0 : i32
      %dma_wait3A_136 = arith.constant 0 : i32
      %dma_wait3A_137 = tpu.memref_slice %arg4[%dma_wait3A_135, %dma_wait3A_136] : memref<1000000x64xf32, #tpu.memory_space<hbm>> -> memref<256x64xf32, #tpu.memory_space<hbm>>
      %dma_wait3A_138 = arith.constant 0 : i32
      %dma_wait3A_139 = arith.constant 0 : i32
      %dma_wait3A_140 = tpu.memref_slice %arg4[%dma_wait3A_138, %dma_wait3A_139] : memref<1000000x64xf32, #tpu.memory_space<hbm>> -> memref<256x64xf32, #tpu.memory_space<hbm>>
      tpu.wait_dma2 semaphore(%arg15 : memref<!tpu.dma_semaphore, #tpu.memory_space<semaphore_mem>>) src(%dma_wait3A_140 : memref<256x64xf32, #tpu.memory_space<hbm>>) dst(%arg8 : memref<256x64xf32, #tpu.memory_space<vmem>>)
      %dma_wait3A_141 = arith.constant 0 : i32
      %dma_wait3A_142 = arith.constant 0 : i32
      %dma_wait3A_143 = tpu.memref_slice %arg4[%dma_wait3A_141, %dma_wait3A_142] : memref<1000000x64xf32, #tpu.memory_space<hbm>> -> memref<256x64xf32, #tpu.memory_space<hbm>>
      %dma_wait3A_144 = arith.constant 0 : i32
      %dma_wait3A_145 = arith.constant 0 : i32
      %dma_wait3A_146 = tpu.memref_slice %arg4[%dma_wait3A_144, %dma_wait3A_145] : memref<1000000x64xf32, #tpu.memory_space<hbm>> -> memref<256x64xf32, #tpu.memory_space<hbm>>
      tpu.wait_dma2 semaphore(%arg15 : memref<!tpu.dma_semaphore, #tpu.memory_space<semaphore_mem>>) src(%dma_wait3A_146 : memref<256x64xf32, #tpu.memory_space<hbm>>) dst(%arg9 : memref<256x64xf32, #tpu.memory_space<vmem>>)
      %mul3A_147 = arith.constant 256 : i32
      %mul3A_148 = arith.muli %add3A_55, %mul3A_147 : i32
      %add3A_149 = arith.addi %mul3A_2, %mul3A_148 : i32
      %dma_start3A_150 = arith.constant 0 : i32
      %dma_start3A_151 = tpu.memref_slice %arg5[%add3A_149, %dma_start3A_150] : memref<229376x128xf32, #tpu.memory_space<hbm>> -> memref<256x64xf32, #tpu.memory_space<hbm>>
      %dma_start3A_152 = arith.constant 0 : i32
      %dma_start3A_153 = tpu.memref_slice %arg5[%add3A_149, %dma_start3A_152] : memref<229376x128xf32, #tpu.memory_space<hbm>> -> memref<256x64xf32, #tpu.memory_space<hbm>>
      tpu.enqueue_dma source(%arg8 : memref<256x64xf32, #tpu.memory_space<vmem>>) target(%dma_start3A_153 : memref<256x64xf32, #tpu.memory_space<hbm>>) target_semaphore(%arg17 : memref<!tpu.dma_semaphore, #tpu.memory_space<semaphore_mem>>)
      %dma_start3A_154 = arith.constant 64 : i32
      %dma_start3A_155 = tpu.memref_slice %arg5[%add3A_149, %dma_start3A_154] : memref<229376x128xf32, #tpu.memory_space<hbm>> -> memref<256x64xf32, #tpu.memory_space<hbm>>
      %dma_start3A_156 = arith.constant 64 : i32
      %dma_start3A_157 = tpu.memref_slice %arg5[%add3A_149, %dma_start3A_156] : memref<229376x128xf32, #tpu.memory_space<hbm>> -> memref<256x64xf32, #tpu.memory_space<hbm>>
      tpu.enqueue_dma source(%arg9 : memref<256x64xf32, #tpu.memory_space<vmem>>) target(%dma_start3A_157 : memref<256x64xf32, #tpu.memory_space<hbm>>) target_semaphore(%arg17 : memref<!tpu.dma_semaphore, #tpu.memory_space<semaphore_mem>>)
      %dma_wait3A_158 = arith.constant 0 : i32
      %dma_wait3A_159 = arith.constant 0 : i32
      %dma_wait3A_160 = tpu.memref_slice %arg5[%dma_wait3A_158, %dma_wait3A_159] : memref<229376x128xf32, #tpu.memory_space<hbm>> -> memref<256x64xf32, #tpu.memory_space<hbm>>
      %dma_wait3A_161 = arith.constant 0 : i32
      %dma_wait3A_162 = arith.constant 0 : i32
      %dma_wait3A_163 = tpu.memref_slice %arg5[%dma_wait3A_161, %dma_wait3A_162] : memref<229376x128xf32, #tpu.memory_space<hbm>> -> memref<256x64xf32, #tpu.memory_space<hbm>>
      tpu.wait_dma2 semaphore(%arg17 : memref<!tpu.dma_semaphore, #tpu.memory_space<semaphore_mem>>) src(%arg8 : memref<256x64xf32, #tpu.memory_space<vmem>>) dst(%dma_wait3A_163 : memref<256x64xf32, #tpu.memory_space<hbm>>)
      %dma_wait3A_164 = arith.constant 0 : i32
      %dma_wait3A_165 = arith.constant 64 : i32
      %dma_wait3A_166 = tpu.memref_slice %arg5[%dma_wait3A_164, %dma_wait3A_165] : memref<229376x128xf32, #tpu.memory_space<hbm>> -> memref<256x64xf32, #tpu.memory_space<hbm>>
      %dma_wait3A_167 = arith.constant 0 : i32
      %dma_wait3A_168 = arith.constant 64 : i32
      %dma_wait3A_169 = tpu.memref_slice %arg5[%dma_wait3A_167, %dma_wait3A_168] : memref<229376x128xf32, #tpu.memory_space<hbm>> -> memref<256x64xf32, #tpu.memory_space<hbm>>
      tpu.wait_dma2 semaphore(%arg17 : memref<!tpu.dma_semaphore, #tpu.memory_space<semaphore_mem>>) src(%arg9 : memref<256x64xf32, #tpu.memory_space<vmem>>) dst(%dma_wait3A_169 : memref<256x64xf32, #tpu.memory_space<hbm>>)
    }
    %scan3A_50 = arith.constant 14 : i32
    return
  }
}

#map = affine_map<(d0, d1) -> (0, 0)>
module attributes {stable_mosaic.version = 14 : i64} {
  func.func @_sc_body(%arg0: i32, %arg1: i32, %arg2: memref<1792x128xi32, #tpu.memory_space<hbm>>, %arg3: memref<1792x128xi32, #tpu.memory_space<hbm>>, %arg4: memref<1000000x64xf32, #tpu.memory_space<hbm>>, %arg5: memref<229376x128xf32, #tpu.memory_space<hbm>>, %arg6: memref<256x64xf32, #tpu.memory_space<vmem>>, %arg7: memref<256x64xf32, #tpu.memory_space<vmem>>, %arg8: memref<256x64xf32, #tpu.memory_space<vmem>>, %arg9: memref<256x64xf32, #tpu.memory_space<vmem>>, %arg10: memref<2x128xi32, #tpu.memory_space<vmem>>, %arg11: memref<2x128xi32, #tpu.memory_space<vmem>>, %arg12: memref<2x128xi32, #tpu.memory_space<vmem>>, %arg13: memref<2x128xi32, #tpu.memory_space<vmem>>, %arg14: memref<!tpu.dma_semaphore, #tpu.memory_space<semaphore_mem>>, %arg15: memref<!tpu.dma_semaphore, #tpu.memory_space<semaphore_mem>>, %arg16: memref<!tpu.dma_semaphore, #tpu.memory_space<semaphore_mem>>, %arg17: memref<!tpu.dma_semaphore, #tpu.memory_space<semaphore_mem>>) attributes {dimension_semantics = [#tpu.dimension_semantics<core_parallel>, #tpu.dimension_semantics<subcore_parallel>], iteration_bounds = array<i64: 2, 16>, scalar_prefetch = 0 : i64, scratch_operands = 12 : i64, tpu.core_type = #tpu.core_type<sc_vector_subcore>, window_params = [{transform_indices = #map}, {transform_indices = #map}, {transform_indices = #map}, {transform_indices = #map}]} {
    %mul3A = arith.constant 2 : i32
    %mul3A_0 = arith.muli %arg1, %mul3A : i32
    %add3A = arith.addi %mul3A_0, %arg0 : i32
    %mul3A_1 = arith.constant 7168 : i32
    %mul3A_2 = arith.muli %add3A, %mul3A_1 : i32
    %mul3A_3 = arith.constant 56 : i32
    %mul3A_4 = arith.muli %add3A, %mul3A_3 : i32
    %add3A_5 = arith.constant 0 : i32
    %add3A_6 = arith.addi %mul3A_4, %add3A_5 : i32
    "tpu.region"() ({
      %run_scoped3A = tpu.sem_alloc : memref<!tpu.dma_semaphore, #tpu.memory_space<semaphore_mem>>
      %dma_start3A_51 = arith.constant 0 : i32
      %dma_start3A_52 = tpu.memref_slice %arg2[%add3A_6, %dma_start3A_51] : memref<1792x128xi32, #tpu.memory_space<hbm>> -> memref<2x128xi32, #tpu.memory_space<hbm>>
      %dma_start3A_53 = arith.constant 0 : i32
      %dma_start3A_54 = tpu.memref_slice %arg2[%add3A_6, %dma_start3A_53] : memref<1792x128xi32, #tpu.memory_space<hbm>> -> memref<2x128xi32, #tpu.memory_space<hbm>>
      tpu.enqueue_dma source(%dma_start3A_54 : memref<2x128xi32, #tpu.memory_space<hbm>>) target(%arg10 : memref<2x128xi32, #tpu.memory_space<vmem>>) target_semaphore(%run_scoped3A : memref<!tpu.dma_semaphore, #tpu.memory_space<semaphore_mem>>)
      %dma_wait3A = arith.constant 0 : i32
      %dma_wait3A_55 = tpu.memref_slice %arg2[%add3A_6, %dma_wait3A] : memref<1792x128xi32, #tpu.memory_space<hbm>> -> memref<2x128xi32, #tpu.memory_space<hbm>>
      %dma_wait3A_56 = arith.constant 0 : i32
      %dma_wait3A_57 = tpu.memref_slice %arg2[%add3A_6, %dma_wait3A_56] : memref<1792x128xi32, #tpu.memory_space<hbm>> -> memref<2x128xi32, #tpu.memory_space<hbm>>
      tpu.wait_dma2 semaphore(%run_scoped3A : memref<!tpu.dma_semaphore, #tpu.memory_space<semaphore_mem>>) src(%dma_wait3A_57 : memref<2x128xi32, #tpu.memory_space<hbm>>) dst(%arg10 : memref<2x128xi32, #tpu.memory_space<vmem>>)
      tpu.yield
    }) : () -> ()
    "tpu.region"() ({
      %run_scoped3A = tpu.sem_alloc : memref<!tpu.dma_semaphore, #tpu.memory_space<semaphore_mem>>
      %dma_start3A_51 = arith.constant 0 : i32
      %dma_start3A_52 = tpu.memref_slice %arg3[%add3A_6, %dma_start3A_51] : memref<1792x128xi32, #tpu.memory_space<hbm>> -> memref<2x128xi32, #tpu.memory_space<hbm>>
      %dma_start3A_53 = arith.constant 0 : i32
      %dma_start3A_54 = tpu.memref_slice %arg3[%add3A_6, %dma_start3A_53] : memref<1792x128xi32, #tpu.memory_space<hbm>> -> memref<2x128xi32, #tpu.memory_space<hbm>>
      tpu.enqueue_dma source(%dma_start3A_54 : memref<2x128xi32, #tpu.memory_space<hbm>>) target(%arg11 : memref<2x128xi32, #tpu.memory_space<vmem>>) target_semaphore(%run_scoped3A : memref<!tpu.dma_semaphore, #tpu.memory_space<semaphore_mem>>)
      %dma_wait3A = arith.constant 0 : i32
      %dma_wait3A_55 = tpu.memref_slice %arg3[%add3A_6, %dma_wait3A] : memref<1792x128xi32, #tpu.memory_space<hbm>> -> memref<2x128xi32, #tpu.memory_space<hbm>>
      %dma_wait3A_56 = arith.constant 0 : i32
      %dma_wait3A_57 = tpu.memref_slice %arg3[%add3A_6, %dma_wait3A_56] : memref<1792x128xi32, #tpu.memory_space<hbm>> -> memref<2x128xi32, #tpu.memory_space<hbm>>
      tpu.wait_dma2 semaphore(%run_scoped3A : memref<!tpu.dma_semaphore, #tpu.memory_space<semaphore_mem>>) src(%dma_wait3A_57 : memref<2x128xi32, #tpu.memory_space<hbm>>) dst(%arg11 : memref<2x128xi32, #tpu.memory_space<vmem>>)
      tpu.yield
    }) : () -> ()
    %dma_start3A = arith.constant 0 : i32
    %dma_start3A_7 = arith.constant 0 : i32
    %dma_start3A_8 = arith.constant 0 : i32
    %dma_start3A_9 = tpu.memref_slice %arg6[%dma_start3A_7, %dma_start3A_8] : memref<256x64xf32, #tpu.memory_space<vmem>> -> memref<128x64xf32, #tpu.memory_space<vmem>>
    %dma_start3A_10 = arith.constant 0 : i32
    %dma_start3A_11 = tpu.memref_slice %arg10[%dma_start3A, %dma_start3A_10] : memref<2x128xi32, #tpu.memory_space<vmem>> -> memref<1x128xi32, #tpu.memory_space<vmem>>
    %dma_start3A_12 = tpu.memref_squeeze %dma_start3A_11 : memref<1x128xi32, #tpu.memory_space<vmem>> -> memref<128xi32, #tpu.memory_space<vmem>>
    %dma_start3A_13 = arith.constant 0 : i32
    %dma_start3A_14 = arith.constant 0 : i32
    %dma_start3A_15 = tpu.memref_slice %arg4[%dma_start3A_13, %dma_start3A_14] : memref<1000000x64xf32, #tpu.memory_space<hbm>> -> memref<1000000x64xf32, #tpu.memory_space<hbm>>
    tpu.enqueue_indirect_dma source(%dma_start3A_15 : memref<1000000x64xf32, #tpu.memory_space<hbm>>) target(%dma_start3A_9 : memref<128x64xf32, #tpu.memory_space<vmem>>) offsets(%dma_start3A_12 : memref<128xi32, #tpu.memory_space<vmem>>) semaphore(%arg14 : memref<!tpu.dma_semaphore, #tpu.memory_space<semaphore_mem>>)
    %dma_start3A_16 = arith.constant 0 : i32
    %dma_start3A_17 = arith.constant 0 : i32
    %dma_start3A_18 = arith.constant 0 : i32
    %dma_start3A_19 = tpu.memref_slice %arg7[%dma_start3A_17, %dma_start3A_18] : memref<256x64xf32, #tpu.memory_space<vmem>> -> memref<128x64xf32, #tpu.memory_space<vmem>>
    %dma_start3A_20 = arith.constant 0 : i32
    %dma_start3A_21 = tpu.memref_slice %arg11[%dma_start3A_16, %dma_start3A_20] : memref<2x128xi32, #tpu.memory_space<vmem>> -> memref<1x128xi32, #tpu.memory_space<vmem>>
    %dma_start3A_22 = tpu.memref_squeeze %dma_start3A_21 : memref<1x128xi32, #tpu.memory_space<vmem>> -> memref<128xi32, #tpu.memory_space<vmem>>
    %dma_start3A_23 = arith.constant 0 : i32
    %dma_start3A_24 = arith.constant 0 : i32
    %dma_start3A_25 = tpu.memref_slice %arg4[%dma_start3A_23, %dma_start3A_24] : memref<1000000x64xf32, #tpu.memory_space<hbm>> -> memref<1000000x64xf32, #tpu.memory_space<hbm>>
    tpu.enqueue_indirect_dma source(%dma_start3A_25 : memref<1000000x64xf32, #tpu.memory_space<hbm>>) target(%dma_start3A_19 : memref<128x64xf32, #tpu.memory_space<vmem>>) offsets(%dma_start3A_22 : memref<128xi32, #tpu.memory_space<vmem>>) semaphore(%arg14 : memref<!tpu.dma_semaphore, #tpu.memory_space<semaphore_mem>>)
    %dma_start3A_26 = arith.constant 1 : i32
    %dma_start3A_27 = arith.constant 128 : i32
    %dma_start3A_28 = arith.constant 0 : i32
    %dma_start3A_29 = tpu.memref_slice %arg6[%dma_start3A_27, %dma_start3A_28] : memref<256x64xf32, #tpu.memory_space<vmem>> -> memref<128x64xf32, #tpu.memory_space<vmem>>
    %dma_start3A_30 = arith.constant 0 : i32
    %dma_start3A_31 = tpu.memref_slice %arg10[%dma_start3A_26, %dma_start3A_30] : memref<2x128xi32, #tpu.memory_space<vmem>> -> memref<1x128xi32, #tpu.memory_space<vmem>>
    %dma_start3A_32 = tpu.memref_squeeze %dma_start3A_31 : memref<1x128xi32, #tpu.memory_space<vmem>> -> memref<128xi32, #tpu.memory_space<vmem>>
    %dma_start3A_33 = arith.constant 0 : i32
    %dma_start3A_34 = arith.constant 0 : i32
    %dma_start3A_35 = tpu.memref_slice %arg4[%dma_start3A_33, %dma_start3A_34] : memref<1000000x64xf32, #tpu.memory_space<hbm>> -> memref<1000000x64xf32, #tpu.memory_space<hbm>>
    tpu.enqueue_indirect_dma source(%dma_start3A_35 : memref<1000000x64xf32, #tpu.memory_space<hbm>>) target(%dma_start3A_29 : memref<128x64xf32, #tpu.memory_space<vmem>>) offsets(%dma_start3A_32 : memref<128xi32, #tpu.memory_space<vmem>>) semaphore(%arg14 : memref<!tpu.dma_semaphore, #tpu.memory_space<semaphore_mem>>)
    %dma_start3A_36 = arith.constant 1 : i32
    %dma_start3A_37 = arith.constant 128 : i32
    %dma_start3A_38 = arith.constant 0 : i32
    %dma_start3A_39 = tpu.memref_slice %arg7[%dma_start3A_37, %dma_start3A_38] : memref<256x64xf32, #tpu.memory_space<vmem>> -> memref<128x64xf32, #tpu.memory_space<vmem>>
    %dma_start3A_40 = arith.constant 0 : i32
    %dma_start3A_41 = tpu.memref_slice %arg11[%dma_start3A_36, %dma_start3A_40] : memref<2x128xi32, #tpu.memory_space<vmem>> -> memref<1x128xi32, #tpu.memory_space<vmem>>
    %dma_start3A_42 = tpu.memref_squeeze %dma_start3A_41 : memref<1x128xi32, #tpu.memory_space<vmem>> -> memref<128xi32, #tpu.memory_space<vmem>>
    %dma_start3A_43 = arith.constant 0 : i32
    %dma_start3A_44 = arith.constant 0 : i32
    %dma_start3A_45 = tpu.memref_slice %arg4[%dma_start3A_43, %dma_start3A_44] : memref<1000000x64xf32, #tpu.memory_space<hbm>> -> memref<1000000x64xf32, #tpu.memory_space<hbm>>
    tpu.enqueue_indirect_dma source(%dma_start3A_45 : memref<1000000x64xf32, #tpu.memory_space<hbm>>) target(%dma_start3A_39 : memref<128x64xf32, #tpu.memory_space<vmem>>) offsets(%dma_start3A_42 : memref<128xi32, #tpu.memory_space<vmem>>) semaphore(%arg14 : memref<!tpu.dma_semaphore, #tpu.memory_space<semaphore_mem>>)
    %scan3A = arith.constant 0 : i32
    %scan3A_46 = arith.constant 0 : i32
    %scan3A_47 = arith.constant 14 : i32
    %scan3A_48 = arith.addi %scan3A_46, %scan3A_47 : i32
    %scan3A_49 = arith.constant 1 : i32
    scf.for %scan3A_51 = %scan3A_46 to %scan3A_48 step %scan3A_49  : i32 {
      %mul3A_52 = arith.constant 2 : i32
      %mul3A_53 = arith.muli %scan3A_51, %mul3A_52 : i32
      %add3A_54 = arith.constant 1 : i32
      %add3A_55 = arith.addi %mul3A_53, %add3A_54 : i32
      %mul3A_56 = arith.constant 2 : i32
      %mul3A_57 = arith.muli %add3A_55, %mul3A_56 : i32
      %add3A_58 = arith.addi %mul3A_4, %mul3A_57 : i32
      "tpu.region"() ({
        %run_scoped3A = tpu.sem_alloc : memref<!tpu.dma_semaphore, #tpu.memory_space<semaphore_mem>>
        %dma_start3A_170 = arith.constant 0 : i32
        %dma_start3A_171 = tpu.memref_slice %arg2[%add3A_58, %dma_start3A_170] : memref<1792x128xi32, #tpu.memory_space<hbm>> -> memref<2x128xi32, #tpu.memory_space<hbm>>
        %dma_start3A_172 = arith.constant 0 : i32
        %dma_start3A_173 = tpu.memref_slice %arg2[%add3A_58, %dma_start3A_172] : memref<1792x128xi32, #tpu.memory_space<hbm>> -> memref<2x128xi32, #tpu.memory_space<hbm>>
        tpu.enqueue_dma source(%dma_start3A_173 : memref<2x128xi32, #tpu.memory_space<hbm>>) target(%arg12 : memref<2x128xi32, #tpu.memory_space<vmem>>) target_semaphore(%run_scoped3A : memref<!tpu.dma_semaphore, #tpu.memory_space<semaphore_mem>>)
        %dma_wait3A_174 = arith.constant 0 : i32
        %dma_wait3A_175 = tpu.memref_slice %arg2[%add3A_58, %dma_wait3A_174] : memref<1792x128xi32, #tpu.memory_space<hbm>> -> memref<2x128xi32, #tpu.memory_space<hbm>>
        %dma_wait3A_176 = arith.constant 0 : i32
        %dma_wait3A_177 = tpu.memref_slice %arg2[%add3A_58, %dma_wait3A_176] : memref<1792x128xi32, #tpu.memory_space<hbm>> -> memref<2x128xi32, #tpu.memory_space<hbm>>
        tpu.wait_dma2 semaphore(%run_scoped3A : memref<!tpu.dma_semaphore, #tpu.memory_space<semaphore_mem>>) src(%dma_wait3A_177 : memref<2x128xi32, #tpu.memory_space<hbm>>) dst(%arg12 : memref<2x128xi32, #tpu.memory_space<vmem>>)
        tpu.yield
      }) : () -> ()
      "tpu.region"() ({
        %run_scoped3A = tpu.sem_alloc : memref<!tpu.dma_semaphore, #tpu.memory_space<semaphore_mem>>
        %dma_start3A_170 = arith.constant 0 : i32
        %dma_start3A_171 = tpu.memref_slice %arg3[%add3A_58, %dma_start3A_170] : memref<1792x128xi32, #tpu.memory_space<hbm>> -> memref<2x128xi32, #tpu.memory_space<hbm>>
        %dma_start3A_172 = arith.constant 0 : i32
        %dma_start3A_173 = tpu.memref_slice %arg3[%add3A_58, %dma_start3A_172] : memref<1792x128xi32, #tpu.memory_space<hbm>> -> memref<2x128xi32, #tpu.memory_space<hbm>>
        tpu.enqueue_dma source(%dma_start3A_173 : memref<2x128xi32, #tpu.memory_space<hbm>>) target(%arg13 : memref<2x128xi32, #tpu.memory_space<vmem>>) target_semaphore(%run_scoped3A : memref<!tpu.dma_semaphore, #tpu.memory_space<semaphore_mem>>)
        %dma_wait3A_174 = arith.constant 0 : i32
        %dma_wait3A_175 = tpu.memref_slice %arg3[%add3A_58, %dma_wait3A_174] : memref<1792x128xi32, #tpu.memory_space<hbm>> -> memref<2x128xi32, #tpu.memory_space<hbm>>
        %dma_wait3A_176 = arith.constant 0 : i32
        %dma_wait3A_177 = tpu.memref_slice %arg3[%add3A_58, %dma_wait3A_176] : memref<1792x128xi32, #tpu.memory_space<hbm>> -> memref<2x128xi32, #tpu.memory_space<hbm>>
        tpu.wait_dma2 semaphore(%run_scoped3A : memref<!tpu.dma_semaphore, #tpu.memory_space<semaphore_mem>>) src(%dma_wait3A_177 : memref<2x128xi32, #tpu.memory_space<hbm>>) dst(%arg13 : memref<2x128xi32, #tpu.memory_space<vmem>>)
        tpu.yield
      }) : () -> ()
      %dma_start3A_59 = arith.constant 0 : i32
      %dma_start3A_60 = arith.constant 0 : i32
      %dma_start3A_61 = arith.constant 0 : i32
      %dma_start3A_62 = tpu.memref_slice %arg8[%dma_start3A_60, %dma_start3A_61] : memref<256x64xf32, #tpu.memory_space<vmem>> -> memref<128x64xf32, #tpu.memory_space<vmem>>
      %dma_start3A_63 = arith.constant 0 : i32
      %dma_start3A_64 = tpu.memref_slice %arg12[%dma_start3A_59, %dma_start3A_63] : memref<2x128xi32, #tpu.memory_space<vmem>> -> memref<1x128xi32, #tpu.memory_space<vmem>>
      %dma_start3A_65 = tpu.memref_squeeze %dma_start3A_64 : memref<1x128xi32, #tpu.memory_space<vmem>> -> memref<128xi32, #tpu.memory_space<vmem>>
      %dma_start3A_66 = arith.constant 0 : i32
      %dma_start3A_67 = arith.constant 0 : i32
      %dma_start3A_68 = tpu.memref_slice %arg4[%dma_start3A_66, %dma_start3A_67] : memref<1000000x64xf32, #tpu.memory_space<hbm>> -> memref<1000000x64xf32, #tpu.memory_space<hbm>>
      tpu.enqueue_indirect_dma source(%dma_start3A_68 : memref<1000000x64xf32, #tpu.memory_space<hbm>>) target(%dma_start3A_62 : memref<128x64xf32, #tpu.memory_space<vmem>>) offsets(%dma_start3A_65 : memref<128xi32, #tpu.memory_space<vmem>>) semaphore(%arg15 : memref<!tpu.dma_semaphore, #tpu.memory_space<semaphore_mem>>)
      %dma_start3A_69 = arith.constant 0 : i32
      %dma_start3A_70 = arith.constant 0 : i32
      %dma_start3A_71 = arith.constant 0 : i32
      %dma_start3A_72 = tpu.memref_slice %arg9[%dma_start3A_70, %dma_start3A_71] : memref<256x64xf32, #tpu.memory_space<vmem>> -> memref<128x64xf32, #tpu.memory_space<vmem>>
      %dma_start3A_73 = arith.constant 0 : i32
      %dma_start3A_74 = tpu.memref_slice %arg13[%dma_start3A_69, %dma_start3A_73] : memref<2x128xi32, #tpu.memory_space<vmem>> -> memref<1x128xi32, #tpu.memory_space<vmem>>
      %dma_start3A_75 = tpu.memref_squeeze %dma_start3A_74 : memref<1x128xi32, #tpu.memory_space<vmem>> -> memref<128xi32, #tpu.memory_space<vmem>>
      %dma_start3A_76 = arith.constant 0 : i32
      %dma_start3A_77 = arith.constant 0 : i32
      %dma_start3A_78 = tpu.memref_slice %arg4[%dma_start3A_76, %dma_start3A_77] : memref<1000000x64xf32, #tpu.memory_space<hbm>> -> memref<1000000x64xf32, #tpu.memory_space<hbm>>
      tpu.enqueue_indirect_dma source(%dma_start3A_78 : memref<1000000x64xf32, #tpu.memory_space<hbm>>) target(%dma_start3A_72 : memref<128x64xf32, #tpu.memory_space<vmem>>) offsets(%dma_start3A_75 : memref<128xi32, #tpu.memory_space<vmem>>) semaphore(%arg15 : memref<!tpu.dma_semaphore, #tpu.memory_space<semaphore_mem>>)
      %dma_start3A_79 = arith.constant 1 : i32
      %dma_start3A_80 = arith.constant 128 : i32
      %dma_start3A_81 = arith.constant 0 : i32
      %dma_start3A_82 = tpu.memref_slice %arg8[%dma_start3A_80, %dma_start3A_81] : memref<256x64xf32, #tpu.memory_space<vmem>> -> memref<128x64xf32, #tpu.memory_space<vmem>>
      %dma_start3A_83 = arith.constant 0 : i32
      %dma_start3A_84 = tpu.memref_slice %arg12[%dma_start3A_79, %dma_start3A_83] : memref<2x128xi32, #tpu.memory_space<vmem>> -> memref<1x128xi32, #tpu.memory_space<vmem>>
      %dma_start3A_85 = tpu.memref_squeeze %dma_start3A_84 : memref<1x128xi32, #tpu.memory_space<vmem>> -> memref<128xi32, #tpu.memory_space<vmem>>
      %dma_start3A_86 = arith.constant 0 : i32
      %dma_start3A_87 = arith.constant 0 : i32
      %dma_start3A_88 = tpu.memref_slice %arg4[%dma_start3A_86, %dma_start3A_87] : memref<1000000x64xf32, #tpu.memory_space<hbm>> -> memref<1000000x64xf32, #tpu.memory_space<hbm>>
      tpu.enqueue_indirect_dma source(%dma_start3A_88 : memref<1000000x64xf32, #tpu.memory_space<hbm>>) target(%dma_start3A_82 : memref<128x64xf32, #tpu.memory_space<vmem>>) offsets(%dma_start3A_85 : memref<128xi32, #tpu.memory_space<vmem>>) semaphore(%arg15 : memref<!tpu.dma_semaphore, #tpu.memory_space<semaphore_mem>>)
      %dma_start3A_89 = arith.constant 1 : i32
      %dma_start3A_90 = arith.constant 128 : i32
      %dma_start3A_91 = arith.constant 0 : i32
      %dma_start3A_92 = tpu.memref_slice %arg9[%dma_start3A_90, %dma_start3A_91] : memref<256x64xf32, #tpu.memory_space<vmem>> -> memref<128x64xf32, #tpu.memory_space<vmem>>
      %dma_start3A_93 = arith.constant 0 : i32
      %dma_start3A_94 = tpu.memref_slice %arg13[%dma_start3A_89, %dma_start3A_93] : memref<2x128xi32, #tpu.memory_space<vmem>> -> memref<1x128xi32, #tpu.memory_space<vmem>>
      %dma_start3A_95 = tpu.memref_squeeze %dma_start3A_94 : memref<1x128xi32, #tpu.memory_space<vmem>> -> memref<128xi32, #tpu.memory_space<vmem>>
      %dma_start3A_96 = arith.constant 0 : i32
      %dma_start3A_97 = arith.constant 0 : i32
      %dma_start3A_98 = tpu.memref_slice %arg4[%dma_start3A_96, %dma_start3A_97] : memref<1000000x64xf32, #tpu.memory_space<hbm>> -> memref<1000000x64xf32, #tpu.memory_space<hbm>>
      tpu.enqueue_indirect_dma source(%dma_start3A_98 : memref<1000000x64xf32, #tpu.memory_space<hbm>>) target(%dma_start3A_92 : memref<128x64xf32, #tpu.memory_space<vmem>>) offsets(%dma_start3A_95 : memref<128xi32, #tpu.memory_space<vmem>>) semaphore(%arg15 : memref<!tpu.dma_semaphore, #tpu.memory_space<semaphore_mem>>)
      %dma_wait3A = arith.constant 0 : i32
      %dma_wait3A_99 = arith.constant 0 : i32
      %dma_wait3A_100 = tpu.memref_slice %arg4[%dma_wait3A, %dma_wait3A_99] : memref<1000000x64xf32, #tpu.memory_space<hbm>> -> memref<256x64xf32, #tpu.memory_space<hbm>>
      %dma_wait3A_101 = arith.constant 0 : i32
      %dma_wait3A_102 = arith.constant 0 : i32
      %dma_wait3A_103 = tpu.memref_slice %arg4[%dma_wait3A_101, %dma_wait3A_102] : memref<1000000x64xf32, #tpu.memory_space<hbm>> -> memref<256x64xf32, #tpu.memory_space<hbm>>
      tpu.wait_dma2 semaphore(%arg14 : memref<!tpu.dma_semaphore, #tpu.memory_space<semaphore_mem>>) src(%dma_wait3A_103 : memref<256x64xf32, #tpu.memory_space<hbm>>) dst(%arg6 : memref<256x64xf32, #tpu.memory_space<vmem>>)
      %dma_wait3A_104 = arith.constant 0 : i32
      %dma_wait3A_105 = arith.constant 0 : i32
      %dma_wait3A_106 = tpu.memref_slice %arg4[%dma_wait3A_104, %dma_wait3A_105] : memref<1000000x64xf32, #tpu.memory_space<hbm>> -> memref<256x64xf32, #tpu.memory_space<hbm>>
      %dma_wait3A_107 = arith.constant 0 : i32
      %dma_wait3A_108 = arith.constant 0 : i32
      %dma_wait3A_109 = tpu.memref_slice %arg4[%dma_wait3A_107, %dma_wait3A_108] : memref<1000000x64xf32, #tpu.memory_space<hbm>> -> memref<256x64xf32, #tpu.memory_space<hbm>>
      tpu.wait_dma2 semaphore(%arg14 : memref<!tpu.dma_semaphore, #tpu.memory_space<semaphore_mem>>) src(%dma_wait3A_109 : memref<256x64xf32, #tpu.memory_space<hbm>>) dst(%arg7 : memref<256x64xf32, #tpu.memory_space<vmem>>)
      %mul3A_110 = arith.constant 256 : i32
      %mul3A_111 = arith.muli %mul3A_53, %mul3A_110 : i32
      %add3A_112 = arith.addi %mul3A_2, %mul3A_111 : i32
      %dma_start3A_113 = arith.constant 0 : i32
      %dma_start3A_114 = tpu.memref_slice %arg5[%add3A_112, %dma_start3A_113] : memref<229376x128xf32, #tpu.memory_space<hbm>> -> memref<256x64xf32, #tpu.memory_space<hbm>>
      %dma_start3A_115 = arith.constant 0 : i32
      %dma_start3A_116 = tpu.memref_slice %arg5[%add3A_112, %dma_start3A_115] : memref<229376x128xf32, #tpu.memory_space<hbm>> -> memref<256x64xf32, #tpu.memory_space<hbm>>
      tpu.enqueue_dma source(%arg6 : memref<256x64xf32, #tpu.memory_space<vmem>>) target(%dma_start3A_116 : memref<256x64xf32, #tpu.memory_space<hbm>>) target_semaphore(%arg16 : memref<!tpu.dma_semaphore, #tpu.memory_space<semaphore_mem>>)
      %dma_start3A_117 = arith.constant 64 : i32
      %dma_start3A_118 = tpu.memref_slice %arg5[%add3A_112, %dma_start3A_117] : memref<229376x128xf32, #tpu.memory_space<hbm>> -> memref<256x64xf32, #tpu.memory_space<hbm>>
      %dma_start3A_119 = arith.constant 64 : i32
      %dma_start3A_120 = tpu.memref_slice %arg5[%add3A_112, %dma_start3A_119] : memref<229376x128xf32, #tpu.memory_space<hbm>> -> memref<256x64xf32, #tpu.memory_space<hbm>>
      tpu.enqueue_dma source(%arg7 : memref<256x64xf32, #tpu.memory_space<vmem>>) target(%dma_start3A_120 : memref<256x64xf32, #tpu.memory_space<hbm>>) target_semaphore(%arg16 : memref<!tpu.dma_semaphore, #tpu.memory_space<semaphore_mem>>)
      %dma_wait3A_121 = arith.constant 0 : i32
      %dma_wait3A_122 = arith.constant 0 : i32
      %dma_wait3A_123 = tpu.memref_slice %arg5[%dma_wait3A_121, %dma_wait3A_122] : memref<229376x128xf32, #tpu.memory_space<hbm>> -> memref<256x64xf32, #tpu.memory_space<hbm>>
      %dma_wait3A_124 = arith.constant 0 : i32
      %dma_wait3A_125 = arith.constant 0 : i32
      %dma_wait3A_126 = tpu.memref_slice %arg5[%dma_wait3A_124, %dma_wait3A_125] : memref<229376x128xf32, #tpu.memory_space<hbm>> -> memref<256x64xf32, #tpu.memory_space<hbm>>
      tpu.wait_dma2 semaphore(%arg16 : memref<!tpu.dma_semaphore, #tpu.memory_space<semaphore_mem>>) src(%arg6 : memref<256x64xf32, #tpu.memory_space<vmem>>) dst(%dma_wait3A_126 : memref<256x64xf32, #tpu.memory_space<hbm>>)
      %dma_wait3A_127 = arith.constant 0 : i32
      %dma_wait3A_128 = arith.constant 64 : i32
      %dma_wait3A_129 = tpu.memref_slice %arg5[%dma_wait3A_127, %dma_wait3A_128] : memref<229376x128xf32, #tpu.memory_space<hbm>> -> memref<256x64xf32, #tpu.memory_space<hbm>>
      %dma_wait3A_130 = arith.constant 0 : i32
      %dma_wait3A_131 = arith.constant 64 : i32
      %dma_wait3A_132 = tpu.memref_slice %arg5[%dma_wait3A_130, %dma_wait3A_131] : memref<229376x128xf32, #tpu.memory_space<hbm>> -> memref<256x64xf32, #tpu.memory_space<hbm>>
      tpu.wait_dma2 semaphore(%arg16 : memref<!tpu.dma_semaphore, #tpu.memory_space<semaphore_mem>>) src(%arg7 : memref<256x64xf32, #tpu.memory_space<vmem>>) dst(%dma_wait3A_132 : memref<256x64xf32, #tpu.memory_space<hbm>>)
      %lt3A = arith.constant 13 : i32
      %lt3A_133 = arith.cmpi slt, %scan3A_51, %lt3A : i32
      %convert_element_type3A = arith.extui %lt3A_133 : i1 to i32
      %cond3A = arith.constant 0 : i32
      %cond3A_134 = arith.cmpi ne, %convert_element_type3A, %cond3A : i32
      scf.if %cond3A_134 {
        %add3A_170 = arith.constant 2 : i32
        %add3A_171 = arith.addi %mul3A_53, %add3A_170 : i32
        %mul3A_172 = arith.constant 2 : i32
        %mul3A_173 = arith.muli %add3A_171, %mul3A_172 : i32
        %add3A_174 = arith.addi %mul3A_4, %mul3A_173 : i32
        "tpu.region"() ({
          %run_scoped3A = tpu.sem_alloc : memref<!tpu.dma_semaphore, #tpu.memory_space<semaphore_mem>>
          %dma_start3A_215 = arith.constant 0 : i32
          %dma_start3A_216 = tpu.memref_slice %arg2[%add3A_174, %dma_start3A_215] : memref<1792x128xi32, #tpu.memory_space<hbm>> -> memref<2x128xi32, #tpu.memory_space<hbm>>
          %dma_start3A_217 = arith.constant 0 : i32
          %dma_start3A_218 = tpu.memref_slice %arg2[%add3A_174, %dma_start3A_217] : memref<1792x128xi32, #tpu.memory_space<hbm>> -> memref<2x128xi32, #tpu.memory_space<hbm>>
          tpu.enqueue_dma source(%dma_start3A_218 : memref<2x128xi32, #tpu.memory_space<hbm>>) target(%arg10 : memref<2x128xi32, #tpu.memory_space<vmem>>) target_semaphore(%run_scoped3A : memref<!tpu.dma_semaphore, #tpu.memory_space<semaphore_mem>>)
          %dma_wait3A_219 = arith.constant 0 : i32
          %dma_wait3A_220 = tpu.memref_slice %arg2[%add3A_174, %dma_wait3A_219] : memref<1792x128xi32, #tpu.memory_space<hbm>> -> memref<2x128xi32, #tpu.memory_space<hbm>>
          %dma_wait3A_221 = arith.constant 0 : i32
          %dma_wait3A_222 = tpu.memref_slice %arg2[%add3A_174, %dma_wait3A_221] : memref<1792x128xi32, #tpu.memory_space<hbm>> -> memref<2x128xi32, #tpu.memory_space<hbm>>
          tpu.wait_dma2 semaphore(%run_scoped3A : memref<!tpu.dma_semaphore, #tpu.memory_space<semaphore_mem>>) src(%dma_wait3A_222 : memref<2x128xi32, #tpu.memory_space<hbm>>) dst(%arg10 : memref<2x128xi32, #tpu.memory_space<vmem>>)
          tpu.yield
        }) : () -> ()
        "tpu.region"() ({
          %run_scoped3A = tpu.sem_alloc : memref<!tpu.dma_semaphore, #tpu.memory_space<semaphore_mem>>
          %dma_start3A_215 = arith.constant 0 : i32
          %dma_start3A_216 = tpu.memref_slice %arg3[%add3A_174, %dma_start3A_215] : memref<1792x128xi32, #tpu.memory_space<hbm>> -> memref<2x128xi32, #tpu.memory_space<hbm>>
          %dma_start3A_217 = arith.constant 0 : i32
          %dma_start3A_218 = tpu.memref_slice %arg3[%add3A_174, %dma_start3A_217] : memref<1792x128xi32, #tpu.memory_space<hbm>> -> memref<2x128xi32, #tpu.memory_space<hbm>>
          tpu.enqueue_dma source(%dma_start3A_218 : memref<2x128xi32, #tpu.memory_space<hbm>>) target(%arg11 : memref<2x128xi32, #tpu.memory_space<vmem>>) target_semaphore(%run_scoped3A : memref<!tpu.dma_semaphore, #tpu.memory_space<semaphore_mem>>)
          %dma_wait3A_219 = arith.constant 0 : i32
          %dma_wait3A_220 = tpu.memref_slice %arg3[%add3A_174, %dma_wait3A_219] : memref<1792x128xi32, #tpu.memory_space<hbm>> -> memref<2x128xi32, #tpu.memory_space<hbm>>
          %dma_wait3A_221 = arith.constant 0 : i32
          %dma_wait3A_222 = tpu.memref_slice %arg3[%add3A_174, %dma_wait3A_221] : memref<1792x128xi32, #tpu.memory_space<hbm>> -> memref<2x128xi32, #tpu.memory_space<hbm>>
          tpu.wait_dma2 semaphore(%run_scoped3A : memref<!tpu.dma_semaphore, #tpu.memory_space<semaphore_mem>>) src(%dma_wait3A_222 : memref<2x128xi32, #tpu.memory_space<hbm>>) dst(%arg11 : memref<2x128xi32, #tpu.memory_space<vmem>>)
          tpu.yield
        }) : () -> ()
        %dma_start3A_175 = arith.constant 0 : i32
        %dma_start3A_176 = arith.constant 0 : i32
        %dma_start3A_177 = arith.constant 0 : i32
        %dma_start3A_178 = tpu.memref_slice %arg6[%dma_start3A_176, %dma_start3A_177] : memref<256x64xf32, #tpu.memory_space<vmem>> -> memref<128x64xf32, #tpu.memory_space<vmem>>
        %dma_start3A_179 = arith.constant 0 : i32
        %dma_start3A_180 = tpu.memref_slice %arg10[%dma_start3A_175, %dma_start3A_179] : memref<2x128xi32, #tpu.memory_space<vmem>> -> memref<1x128xi32, #tpu.memory_space<vmem>>
        %dma_start3A_181 = tpu.memref_squeeze %dma_start3A_180 : memref<1x128xi32, #tpu.memory_space<vmem>> -> memref<128xi32, #tpu.memory_space<vmem>>
        %dma_start3A_182 = arith.constant 0 : i32
        %dma_start3A_183 = arith.constant 0 : i32
        %dma_start3A_184 = tpu.memref_slice %arg4[%dma_start3A_182, %dma_start3A_183] : memref<1000000x64xf32, #tpu.memory_space<hbm>> -> memref<1000000x64xf32, #tpu.memory_space<hbm>>
        tpu.enqueue_indirect_dma source(%dma_start3A_184 : memref<1000000x64xf32, #tpu.memory_space<hbm>>) target(%dma_start3A_178 : memref<128x64xf32, #tpu.memory_space<vmem>>) offsets(%dma_start3A_181 : memref<128xi32, #tpu.memory_space<vmem>>) semaphore(%arg14 : memref<!tpu.dma_semaphore, #tpu.memory_space<semaphore_mem>>)
        %dma_start3A_185 = arith.constant 0 : i32
        %dma_start3A_186 = arith.constant 0 : i32
        %dma_start3A_187 = arith.constant 0 : i32
        %dma_start3A_188 = tpu.memref_slice %arg7[%dma_start3A_186, %dma_start3A_187] : memref<256x64xf32, #tpu.memory_space<vmem>> -> memref<128x64xf32, #tpu.memory_space<vmem>>
        %dma_start3A_189 = arith.constant 0 : i32
        %dma_start3A_190 = tpu.memref_slice %arg11[%dma_start3A_185, %dma_start3A_189] : memref<2x128xi32, #tpu.memory_space<vmem>> -> memref<1x128xi32, #tpu.memory_space<vmem>>
        %dma_start3A_191 = tpu.memref_squeeze %dma_start3A_190 : memref<1x128xi32, #tpu.memory_space<vmem>> -> memref<128xi32, #tpu.memory_space<vmem>>
        %dma_start3A_192 = arith.constant 0 : i32
        %dma_start3A_193 = arith.constant 0 : i32
        %dma_start3A_194 = tpu.memref_slice %arg4[%dma_start3A_192, %dma_start3A_193] : memref<1000000x64xf32, #tpu.memory_space<hbm>> -> memref<1000000x64xf32, #tpu.memory_space<hbm>>
        tpu.enqueue_indirect_dma source(%dma_start3A_194 : memref<1000000x64xf32, #tpu.memory_space<hbm>>) target(%dma_start3A_188 : memref<128x64xf32, #tpu.memory_space<vmem>>) offsets(%dma_start3A_191 : memref<128xi32, #tpu.memory_space<vmem>>) semaphore(%arg14 : memref<!tpu.dma_semaphore, #tpu.memory_space<semaphore_mem>>)
        %dma_start3A_195 = arith.constant 1 : i32
        %dma_start3A_196 = arith.constant 128 : i32
        %dma_start3A_197 = arith.constant 0 : i32
        %dma_start3A_198 = tpu.memref_slice %arg6[%dma_start3A_196, %dma_start3A_197] : memref<256x64xf32, #tpu.memory_space<vmem>> -> memref<128x64xf32, #tpu.memory_space<vmem>>
        %dma_start3A_199 = arith.constant 0 : i32
        %dma_start3A_200 = tpu.memref_slice %arg10[%dma_start3A_195, %dma_start3A_199] : memref<2x128xi32, #tpu.memory_space<vmem>> -> memref<1x128xi32, #tpu.memory_space<vmem>>
        %dma_start3A_201 = tpu.memref_squeeze %dma_start3A_200 : memref<1x128xi32, #tpu.memory_space<vmem>> -> memref<128xi32, #tpu.memory_space<vmem>>
        %dma_start3A_202 = arith.constant 0 : i32
        %dma_start3A_203 = arith.constant 0 : i32
        %dma_start3A_204 = tpu.memref_slice %arg4[%dma_start3A_202, %dma_start3A_203] : memref<1000000x64xf32, #tpu.memory_space<hbm>> -> memref<1000000x64xf32, #tpu.memory_space<hbm>>
        tpu.enqueue_indirect_dma source(%dma_start3A_204 : memref<1000000x64xf32, #tpu.memory_space<hbm>>) target(%dma_start3A_198 : memref<128x64xf32, #tpu.memory_space<vmem>>) offsets(%dma_start3A_201 : memref<128xi32, #tpu.memory_space<vmem>>) semaphore(%arg14 : memref<!tpu.dma_semaphore, #tpu.memory_space<semaphore_mem>>)
        %dma_start3A_205 = arith.constant 1 : i32
        %dma_start3A_206 = arith.constant 128 : i32
        %dma_start3A_207 = arith.constant 0 : i32
        %dma_start3A_208 = tpu.memref_slice %arg7[%dma_start3A_206, %dma_start3A_207] : memref<256x64xf32, #tpu.memory_space<vmem>> -> memref<128x64xf32, #tpu.memory_space<vmem>>
        %dma_start3A_209 = arith.constant 0 : i32
        %dma_start3A_210 = tpu.memref_slice %arg11[%dma_start3A_205, %dma_start3A_209] : memref<2x128xi32, #tpu.memory_space<vmem>> -> memref<1x128xi32, #tpu.memory_space<vmem>>
        %dma_start3A_211 = tpu.memref_squeeze %dma_start3A_210 : memref<1x128xi32, #tpu.memory_space<vmem>> -> memref<128xi32, #tpu.memory_space<vmem>>
        %dma_start3A_212 = arith.constant 0 : i32
        %dma_start3A_213 = arith.constant 0 : i32
        %dma_start3A_214 = tpu.memref_slice %arg4[%dma_start3A_212, %dma_start3A_213] : memref<1000000x64xf32, #tpu.memory_space<hbm>> -> memref<1000000x64xf32, #tpu.memory_space<hbm>>
        tpu.enqueue_indirect_dma source(%dma_start3A_214 : memref<1000000x64xf32, #tpu.memory_space<hbm>>) target(%dma_start3A_208 : memref<128x64xf32, #tpu.memory_space<vmem>>) offsets(%dma_start3A_211 : memref<128xi32, #tpu.memory_space<vmem>>) semaphore(%arg14 : memref<!tpu.dma_semaphore, #tpu.memory_space<semaphore_mem>>)
      } else {
      }
      %dma_wait3A_135 = arith.constant 0 : i32
      %dma_wait3A_136 = arith.constant 0 : i32
      %dma_wait3A_137 = tpu.memref_slice %arg4[%dma_wait3A_135, %dma_wait3A_136] : memref<1000000x64xf32, #tpu.memory_space<hbm>> -> memref<256x64xf32, #tpu.memory_space<hbm>>
      %dma_wait3A_138 = arith.constant 0 : i32
      %dma_wait3A_139 = arith.constant 0 : i32
      %dma_wait3A_140 = tpu.memref_slice %arg4[%dma_wait3A_138, %dma_wait3A_139] : memref<1000000x64xf32, #tpu.memory_space<hbm>> -> memref<256x64xf32, #tpu.memory_space<hbm>>
      tpu.wait_dma2 semaphore(%arg15 : memref<!tpu.dma_semaphore, #tpu.memory_space<semaphore_mem>>) src(%dma_wait3A_140 : memref<256x64xf32, #tpu.memory_space<hbm>>) dst(%arg8 : memref<256x64xf32, #tpu.memory_space<vmem>>)
      %dma_wait3A_141 = arith.constant 0 : i32
      %dma_wait3A_142 = arith.constant 0 : i32
      %dma_wait3A_143 = tpu.memref_slice %arg4[%dma_wait3A_141, %dma_wait3A_142] : memref<1000000x64xf32, #tpu.memory_space<hbm>> -> memref<256x64xf32, #tpu.memory_space<hbm>>
      %dma_wait3A_144 = arith.constant 0 : i32
      %dma_wait3A_145 = arith.constant 0 : i32
      %dma_wait3A_146 = tpu.memref_slice %arg4[%dma_wait3A_144, %dma_wait3A_145] : memref<1000000x64xf32, #tpu.memory_space<hbm>> -> memref<256x64xf32, #tpu.memory_space<hbm>>
      tpu.wait_dma2 semaphore(%arg15 : memref<!tpu.dma_semaphore, #tpu.memory_space<semaphore_mem>>) src(%dma_wait3A_146 : memref<256x64xf32, #tpu.memory_space<hbm>>) dst(%arg9 : memref<256x64xf32, #tpu.memory_space<vmem>>)
      %mul3A_147 = arith.constant 256 : i32
      %mul3A_148 = arith.muli %add3A_55, %mul3A_147 : i32
      %add3A_149 = arith.addi %mul3A_2, %mul3A_148 : i32
      %dma_start3A_150 = arith.constant 0 : i32
      %dma_start3A_151 = tpu.memref_slice %arg5[%add3A_149, %dma_start3A_150] : memref<229376x128xf32, #tpu.memory_space<hbm>> -> memref<256x64xf32, #tpu.memory_space<hbm>>
      %dma_start3A_152 = arith.constant 0 : i32
      %dma_start3A_153 = tpu.memref_slice %arg5[%add3A_149, %dma_start3A_152] : memref<229376x128xf32, #tpu.memory_space<hbm>> -> memref<256x64xf32, #tpu.memory_space<hbm>>
      tpu.enqueue_dma source(%arg8 : memref<256x64xf32, #tpu.memory_space<vmem>>) target(%dma_start3A_153 : memref<256x64xf32, #tpu.memory_space<hbm>>) target_semaphore(%arg17 : memref<!tpu.dma_semaphore, #tpu.memory_space<semaphore_mem>>)
      %dma_start3A_154 = arith.constant 64 : i32
      %dma_start3A_155 = tpu.memref_slice %arg5[%add3A_149, %dma_start3A_154] : memref<229376x128xf32, #tpu.memory_space<hbm>> -> memref<256x64xf32, #tpu.memory_space<hbm>>
      %dma_start3A_156 = arith.constant 64 : i32
      %dma_start3A_157 = tpu.memref_slice %arg5[%add3A_149, %dma_start3A_156] : memref<229376x128xf32, #tpu.memory_space<hbm>> -> memref<256x64xf32, #tpu.memory_space<hbm>>
      tpu.enqueue_dma source(%arg9 : memref<256x64xf32, #tpu.memory_space<vmem>>) target(%dma_start3A_157 : memref<256x64xf32, #tpu.memory_space<hbm>>) target_semaphore(%arg17 : memref<!tpu.dma_semaphore, #tpu.memory_space<semaphore_mem>>)
      %dma_wait3A_158 = arith.constant 0 : i32
      %dma_wait3A_159 = arith.constant 0 : i32
      %dma_wait3A_160 = tpu.memref_slice %arg5[%dma_wait3A_158, %dma_wait3A_159] : memref<229376x128xf32, #tpu.memory_space<hbm>> -> memref<256x64xf32, #tpu.memory_space<hbm>>
      %dma_wait3A_161 = arith.constant 0 : i32
      %dma_wait3A_162 = arith.constant 0 : i32
      %dma_wait3A_163 = tpu.memref_slice %arg5[%dma_wait3A_161, %dma_wait3A_162] : memref<229376x128xf32, #tpu.memory_space<hbm>> -> memref<256x64xf32, #tpu.memory_space<hbm>>
      tpu.wait_dma2 semaphore(%arg17 : memref<!tpu.dma_semaphore, #tpu.memory_space<semaphore_mem>>) src(%arg8 : memref<256x64xf32, #tpu.memory_space<vmem>>) dst(%dma_wait3A_163 : memref<256x64xf32, #tpu.memory_space<hbm>>)
      %dma_wait3A_164 = arith.constant 0 : i32
      %dma_wait3A_165 = arith.constant 64 : i32
      %dma_wait3A_166 = tpu.memref_slice %arg5[%dma_wait3A_164, %dma_wait3A_165] : memref<229376x128xf32, #tpu.memory_space<hbm>> -> memref<256x64xf32, #tpu.memory_space<hbm>>
      %dma_wait3A_167 = arith.constant 0 : i32
      %dma_wait3A_168 = arith.constant 64 : i32
      %dma_wait3A_169 = tpu.memref_slice %arg5[%dma_wait3A_167, %dma_wait3A_168] : memref<229376x128xf32, #tpu.memory_space<hbm>> -> memref<256x64xf32, #tpu.memory_space<hbm>>
      tpu.wait_dma2 semaphore(%arg17 : memref<!tpu.dma_semaphore, #tpu.memory_space<semaphore_mem>>) src(%arg9 : memref<256x64xf32, #tpu.memory_space<vmem>>) dst(%dma_wait3A_169 : memref<256x64xf32, #tpu.memory_space<hbm>>)
    }
    %scan3A_50 = arith.constant 14 : i32
    return
  }
}

#map = affine_map<(d0, d1) -> (0, 0)>
module attributes {stable_mosaic.version = 14 : i64} {
  func.func @_sc_body(%arg0: i32, %arg1: i32, %arg2: memref<1792x128xi32, #tpu.memory_space<hbm>>, %arg3: memref<1792x128xi32, #tpu.memory_space<hbm>>, %arg4: memref<1000000x64xf32, #tpu.memory_space<hbm>>, %arg5: memref<229376x128xf32, #tpu.memory_space<hbm>>, %arg6: memref<256x64xf32, #tpu.memory_space<vmem>>, %arg7: memref<256x64xf32, #tpu.memory_space<vmem>>, %arg8: memref<256x64xf32, #tpu.memory_space<vmem>>, %arg9: memref<256x64xf32, #tpu.memory_space<vmem>>, %arg10: memref<2x128xi32, #tpu.memory_space<vmem>>, %arg11: memref<2x128xi32, #tpu.memory_space<vmem>>, %arg12: memref<2x128xi32, #tpu.memory_space<vmem>>, %arg13: memref<2x128xi32, #tpu.memory_space<vmem>>, %arg14: memref<!tpu.dma_semaphore, #tpu.memory_space<semaphore_mem>>, %arg15: memref<!tpu.dma_semaphore, #tpu.memory_space<semaphore_mem>>, %arg16: memref<!tpu.dma_semaphore, #tpu.memory_space<semaphore_mem>>, %arg17: memref<!tpu.dma_semaphore, #tpu.memory_space<semaphore_mem>>) attributes {dimension_semantics = [#tpu.dimension_semantics<core_parallel>, #tpu.dimension_semantics<subcore_parallel>], iteration_bounds = array<i64: 2, 16>, scalar_prefetch = 0 : i64, scratch_operands = 12 : i64, tpu.core_type = #tpu.core_type<sc_vector_subcore>, window_params = [{transform_indices = #map}, {transform_indices = #map}, {transform_indices = #map}, {transform_indices = #map}]} {
    %mul3A = arith.constant 2 : i32
    %mul3A_0 = arith.muli %arg1, %mul3A : i32
    %add3A = arith.addi %mul3A_0, %arg0 : i32
    %mul3A_1 = arith.constant 7168 : i32
    %mul3A_2 = arith.muli %add3A, %mul3A_1 : i32
    %mul3A_3 = arith.constant 56 : i32
    %mul3A_4 = arith.muli %add3A, %mul3A_3 : i32
    %add3A_5 = arith.constant 0 : i32
    %add3A_6 = arith.addi %mul3A_4, %add3A_5 : i32
    "tpu.region"() ({
      %run_scoped3A = tpu.sem_alloc : memref<!tpu.dma_semaphore, #tpu.memory_space<semaphore_mem>>
      %dma_start3A_51 = arith.constant 0 : i32
      %dma_start3A_52 = tpu.memref_slice %arg2[%add3A_6, %dma_start3A_51] : memref<1792x128xi32, #tpu.memory_space<hbm>> -> memref<2x128xi32, #tpu.memory_space<hbm>>
      %dma_start3A_53 = arith.constant 0 : i32
      %dma_start3A_54 = tpu.memref_slice %arg2[%add3A_6, %dma_start3A_53] : memref<1792x128xi32, #tpu.memory_space<hbm>> -> memref<2x128xi32, #tpu.memory_space<hbm>>
      tpu.enqueue_dma source(%dma_start3A_54 : memref<2x128xi32, #tpu.memory_space<hbm>>) target(%arg10 : memref<2x128xi32, #tpu.memory_space<vmem>>) target_semaphore(%run_scoped3A : memref<!tpu.dma_semaphore, #tpu.memory_space<semaphore_mem>>)
      %dma_wait3A = arith.constant 0 : i32
      %dma_wait3A_55 = tpu.memref_slice %arg2[%add3A_6, %dma_wait3A] : memref<1792x128xi32, #tpu.memory_space<hbm>> -> memref<2x128xi32, #tpu.memory_space<hbm>>
      %dma_wait3A_56 = arith.constant 0 : i32
      %dma_wait3A_57 = tpu.memref_slice %arg2[%add3A_6, %dma_wait3A_56] : memref<1792x128xi32, #tpu.memory_space<hbm>> -> memref<2x128xi32, #tpu.memory_space<hbm>>
      tpu.wait_dma2 semaphore(%run_scoped3A : memref<!tpu.dma_semaphore, #tpu.memory_space<semaphore_mem>>) src(%dma_wait3A_57 : memref<2x128xi32, #tpu.memory_space<hbm>>) dst(%arg10 : memref<2x128xi32, #tpu.memory_space<vmem>>)
      tpu.yield
    }) : () -> ()
    "tpu.region"() ({
      %run_scoped3A = tpu.sem_alloc : memref<!tpu.dma_semaphore, #tpu.memory_space<semaphore_mem>>
      %dma_start3A_51 = arith.constant 0 : i32
      %dma_start3A_52 = tpu.memref_slice %arg3[%add3A_6, %dma_start3A_51] : memref<1792x128xi32, #tpu.memory_space<hbm>> -> memref<2x128xi32, #tpu.memory_space<hbm>>
      %dma_start3A_53 = arith.constant 0 : i32
      %dma_start3A_54 = tpu.memref_slice %arg3[%add3A_6, %dma_start3A_53] : memref<1792x128xi32, #tpu.memory_space<hbm>> -> memref<2x128xi32, #tpu.memory_space<hbm>>
      tpu.enqueue_dma source(%dma_start3A_54 : memref<2x128xi32, #tpu.memory_space<hbm>>) target(%arg11 : memref<2x128xi32, #tpu.memory_space<vmem>>) target_semaphore(%run_scoped3A : memref<!tpu.dma_semaphore, #tpu.memory_space<semaphore_mem>>)
      %dma_wait3A = arith.constant 0 : i32
      %dma_wait3A_55 = tpu.memref_slice %arg3[%add3A_6, %dma_wait3A] : memref<1792x128xi32, #tpu.memory_space<hbm>> -> memref<2x128xi32, #tpu.memory_space<hbm>>
      %dma_wait3A_56 = arith.constant 0 : i32
      %dma_wait3A_57 = tpu.memref_slice %arg3[%add3A_6, %dma_wait3A_56] : memref<1792x128xi32, #tpu.memory_space<hbm>> -> memref<2x128xi32, #tpu.memory_space<hbm>>
      tpu.wait_dma2 semaphore(%run_scoped3A : memref<!tpu.dma_semaphore, #tpu.memory_space<semaphore_mem>>) src(%dma_wait3A_57 : memref<2x128xi32, #tpu.memory_space<hbm>>) dst(%arg11 : memref<2x128xi32, #tpu.memory_space<vmem>>)
      tpu.yield
    }) : () -> ()
    %dma_start3A = arith.constant 0 : i32
    %dma_start3A_7 = arith.constant 0 : i32
    %dma_start3A_8 = arith.constant 0 : i32
    %dma_start3A_9 = tpu.memref_slice %arg6[%dma_start3A_7, %dma_start3A_8] : memref<256x64xf32, #tpu.memory_space<vmem>> -> memref<128x64xf32, #tpu.memory_space<vmem>>
    %dma_start3A_10 = arith.constant 0 : i32
    %dma_start3A_11 = tpu.memref_slice %arg10[%dma_start3A, %dma_start3A_10] : memref<2x128xi32, #tpu.memory_space<vmem>> -> memref<1x128xi32, #tpu.memory_space<vmem>>
    %dma_start3A_12 = tpu.memref_squeeze %dma_start3A_11 : memref<1x128xi32, #tpu.memory_space<vmem>> -> memref<128xi32, #tpu.memory_space<vmem>>
    %dma_start3A_13 = arith.constant 0 : i32
    %dma_start3A_14 = arith.constant 0 : i32
    %dma_start3A_15 = tpu.memref_slice %arg4[%dma_start3A_13, %dma_start3A_14] : memref<1000000x64xf32, #tpu.memory_space<hbm>> -> memref<1000000x64xf32, #tpu.memory_space<hbm>>
    tpu.enqueue_indirect_dma source(%dma_start3A_15 : memref<1000000x64xf32, #tpu.memory_space<hbm>>) target(%dma_start3A_9 : memref<128x64xf32, #tpu.memory_space<vmem>>) offsets(%dma_start3A_12 : memref<128xi32, #tpu.memory_space<vmem>>) semaphore(%arg14 : memref<!tpu.dma_semaphore, #tpu.memory_space<semaphore_mem>>)
    %dma_start3A_16 = arith.constant 0 : i32
    %dma_start3A_17 = arith.constant 0 : i32
    %dma_start3A_18 = arith.constant 0 : i32
    %dma_start3A_19 = tpu.memref_slice %arg7[%dma_start3A_17, %dma_start3A_18] : memref<256x64xf32, #tpu.memory_space<vmem>> -> memref<128x64xf32, #tpu.memory_space<vmem>>
    %dma_start3A_20 = arith.constant 0 : i32
    %dma_start3A_21 = tpu.memref_slice %arg11[%dma_start3A_16, %dma_start3A_20] : memref<2x128xi32, #tpu.memory_space<vmem>> -> memref<1x128xi32, #tpu.memory_space<vmem>>
    %dma_start3A_22 = tpu.memref_squeeze %dma_start3A_21 : memref<1x128xi32, #tpu.memory_space<vmem>> -> memref<128xi32, #tpu.memory_space<vmem>>
    %dma_start3A_23 = arith.constant 0 : i32
    %dma_start3A_24 = arith.constant 0 : i32
    %dma_start3A_25 = tpu.memref_slice %arg4[%dma_start3A_23, %dma_start3A_24] : memref<1000000x64xf32, #tpu.memory_space<hbm>> -> memref<1000000x64xf32, #tpu.memory_space<hbm>>
    tpu.enqueue_indirect_dma source(%dma_start3A_25 : memref<1000000x64xf32, #tpu.memory_space<hbm>>) target(%dma_start3A_19 : memref<128x64xf32, #tpu.memory_space<vmem>>) offsets(%dma_start3A_22 : memref<128xi32, #tpu.memory_space<vmem>>) semaphore(%arg14 : memref<!tpu.dma_semaphore, #tpu.memory_space<semaphore_mem>>)
    %dma_start3A_26 = arith.constant 1 : i32
    %dma_start3A_27 = arith.constant 128 : i32
    %dma_start3A_28 = arith.constant 0 : i32
    %dma_start3A_29 = tpu.memref_slice %arg6[%dma_start3A_27, %dma_start3A_28] : memref<256x64xf32, #tpu.memory_space<vmem>> -> memref<128x64xf32, #tpu.memory_space<vmem>>
    %dma_start3A_30 = arith.constant 0 : i32
    %dma_start3A_31 = tpu.memref_slice %arg10[%dma_start3A_26, %dma_start3A_30] : memref<2x128xi32, #tpu.memory_space<vmem>> -> memref<1x128xi32, #tpu.memory_space<vmem>>
    %dma_start3A_32 = tpu.memref_squeeze %dma_start3A_31 : memref<1x128xi32, #tpu.memory_space<vmem>> -> memref<128xi32, #tpu.memory_space<vmem>>
    %dma_start3A_33 = arith.constant 0 : i32
    %dma_start3A_34 = arith.constant 0 : i32
    %dma_start3A_35 = tpu.memref_slice %arg4[%dma_start3A_33, %dma_start3A_34] : memref<1000000x64xf32, #tpu.memory_space<hbm>> -> memref<1000000x64xf32, #tpu.memory_space<hbm>>
    tpu.enqueue_indirect_dma source(%dma_start3A_35 : memref<1000000x64xf32, #tpu.memory_space<hbm>>) target(%dma_start3A_29 : memref<128x64xf32, #tpu.memory_space<vmem>>) offsets(%dma_start3A_32 : memref<128xi32, #tpu.memory_space<vmem>>) semaphore(%arg14 : memref<!tpu.dma_semaphore, #tpu.memory_space<semaphore_mem>>)
    %dma_start3A_36 = arith.constant 1 : i32
    %dma_start3A_37 = arith.constant 128 : i32
    %dma_start3A_38 = arith.constant 0 : i32
    %dma_start3A_39 = tpu.memref_slice %arg7[%dma_start3A_37, %dma_start3A_38] : memref<256x64xf32, #tpu.memory_space<vmem>> -> memref<128x64xf32, #tpu.memory_space<vmem>>
    %dma_start3A_40 = arith.constant 0 : i32
    %dma_start3A_41 = tpu.memref_slice %arg11[%dma_start3A_36, %dma_start3A_40] : memref<2x128xi32, #tpu.memory_space<vmem>> -> memref<1x128xi32, #tpu.memory_space<vmem>>
    %dma_start3A_42 = tpu.memref_squeeze %dma_start3A_41 : memref<1x128xi32, #tpu.memory_space<vmem>> -> memref<128xi32, #tpu.memory_space<vmem>>
    %dma_start3A_43 = arith.constant 0 : i32
    %dma_start3A_44 = arith.constant 0 : i32
    %dma_start3A_45 = tpu.memref_slice %arg4[%dma_start3A_43, %dma_start3A_44] : memref<1000000x64xf32, #tpu.memory_space<hbm>> -> memref<1000000x64xf32, #tpu.memory_space<hbm>>
    tpu.enqueue_indirect_dma source(%dma_start3A_45 : memref<1000000x64xf32, #tpu.memory_space<hbm>>) target(%dma_start3A_39 : memref<128x64xf32, #tpu.memory_space<vmem>>) offsets(%dma_start3A_42 : memref<128xi32, #tpu.memory_space<vmem>>) semaphore(%arg14 : memref<!tpu.dma_semaphore, #tpu.memory_space<semaphore_mem>>)
    %scan3A = arith.constant 0 : i32
    %scan3A_46 = arith.constant 0 : i32
    %scan3A_47 = arith.constant 14 : i32
    %scan3A_48 = arith.addi %scan3A_46, %scan3A_47 : i32
    %scan3A_49 = arith.constant 1 : i32
    scf.for %scan3A_51 = %scan3A_46 to %scan3A_48 step %scan3A_49  : i32 {
      %mul3A_52 = arith.constant 2 : i32
      %mul3A_53 = arith.muli %scan3A_51, %mul3A_52 : i32
      %add3A_54 = arith.constant 1 : i32
      %add3A_55 = arith.addi %mul3A_53, %add3A_54 : i32
      %mul3A_56 = arith.constant 2 : i32
      %mul3A_57 = arith.muli %add3A_55, %mul3A_56 : i32
      %add3A_58 = arith.addi %mul3A_4, %mul3A_57 : i32
      "tpu.region"() ({
        %run_scoped3A = tpu.sem_alloc : memref<!tpu.dma_semaphore, #tpu.memory_space<semaphore_mem>>
        %dma_start3A_170 = arith.constant 0 : i32
        %dma_start3A_171 = tpu.memref_slice %arg2[%add3A_58, %dma_start3A_170] : memref<1792x128xi32, #tpu.memory_space<hbm>> -> memref<2x128xi32, #tpu.memory_space<hbm>>
        %dma_start3A_172 = arith.constant 0 : i32
        %dma_start3A_173 = tpu.memref_slice %arg2[%add3A_58, %dma_start3A_172] : memref<1792x128xi32, #tpu.memory_space<hbm>> -> memref<2x128xi32, #tpu.memory_space<hbm>>
        tpu.enqueue_dma source(%dma_start3A_173 : memref<2x128xi32, #tpu.memory_space<hbm>>) target(%arg12 : memref<2x128xi32, #tpu.memory_space<vmem>>) target_semaphore(%run_scoped3A : memref<!tpu.dma_semaphore, #tpu.memory_space<semaphore_mem>>)
        %dma_wait3A_174 = arith.constant 0 : i32
        %dma_wait3A_175 = tpu.memref_slice %arg2[%add3A_58, %dma_wait3A_174] : memref<1792x128xi32, #tpu.memory_space<hbm>> -> memref<2x128xi32, #tpu.memory_space<hbm>>
        %dma_wait3A_176 = arith.constant 0 : i32
        %dma_wait3A_177 = tpu.memref_slice %arg2[%add3A_58, %dma_wait3A_176] : memref<1792x128xi32, #tpu.memory_space<hbm>> -> memref<2x128xi32, #tpu.memory_space<hbm>>
        tpu.wait_dma2 semaphore(%run_scoped3A : memref<!tpu.dma_semaphore, #tpu.memory_space<semaphore_mem>>) src(%dma_wait3A_177 : memref<2x128xi32, #tpu.memory_space<hbm>>) dst(%arg12 : memref<2x128xi32, #tpu.memory_space<vmem>>)
        tpu.yield
      }) : () -> ()
      "tpu.region"() ({
        %run_scoped3A = tpu.sem_alloc : memref<!tpu.dma_semaphore, #tpu.memory_space<semaphore_mem>>
        %dma_start3A_170 = arith.constant 0 : i32
        %dma_start3A_171 = tpu.memref_slice %arg3[%add3A_58, %dma_start3A_170] : memref<1792x128xi32, #tpu.memory_space<hbm>> -> memref<2x128xi32, #tpu.memory_space<hbm>>
        %dma_start3A_172 = arith.constant 0 : i32
        %dma_start3A_173 = tpu.memref_slice %arg3[%add3A_58, %dma_start3A_172] : memref<1792x128xi32, #tpu.memory_space<hbm>> -> memref<2x128xi32, #tpu.memory_space<hbm>>
        tpu.enqueue_dma source(%dma_start3A_173 : memref<2x128xi32, #tpu.memory_space<hbm>>) target(%arg13 : memref<2x128xi32, #tpu.memory_space<vmem>>) target_semaphore(%run_scoped3A : memref<!tpu.dma_semaphore, #tpu.memory_space<semaphore_mem>>)
        %dma_wait3A_174 = arith.constant 0 : i32
        %dma_wait3A_175 = tpu.memref_slice %arg3[%add3A_58, %dma_wait3A_174] : memref<1792x128xi32, #tpu.memory_space<hbm>> -> memref<2x128xi32, #tpu.memory_space<hbm>>
        %dma_wait3A_176 = arith.constant 0 : i32
        %dma_wait3A_177 = tpu.memref_slice %arg3[%add3A_58, %dma_wait3A_176] : memref<1792x128xi32, #tpu.memory_space<hbm>> -> memref<2x128xi32, #tpu.memory_space<hbm>>
        tpu.wait_dma2 semaphore(%run_scoped3A : memref<!tpu.dma_semaphore, #tpu.memory_space<semaphore_mem>>) src(%dma_wait3A_177 : memref<2x128xi32, #tpu.memory_space<hbm>>) dst(%arg13 : memref<2x128xi32, #tpu.memory_space<vmem>>)
        tpu.yield
      }) : () -> ()
      %dma_start3A_59 = arith.constant 0 : i32
      %dma_start3A_60 = arith.constant 0 : i32
      %dma_start3A_61 = arith.constant 0 : i32
      %dma_start3A_62 = tpu.memref_slice %arg8[%dma_start3A_60, %dma_start3A_61] : memref<256x64xf32, #tpu.memory_space<vmem>> -> memref<128x64xf32, #tpu.memory_space<vmem>>
      %dma_start3A_63 = arith.constant 0 : i32
      %dma_start3A_64 = tpu.memref_slice %arg12[%dma_start3A_59, %dma_start3A_63] : memref<2x128xi32, #tpu.memory_space<vmem>> -> memref<1x128xi32, #tpu.memory_space<vmem>>
      %dma_start3A_65 = tpu.memref_squeeze %dma_start3A_64 : memref<1x128xi32, #tpu.memory_space<vmem>> -> memref<128xi32, #tpu.memory_space<vmem>>
      %dma_start3A_66 = arith.constant 0 : i32
      %dma_start3A_67 = arith.constant 0 : i32
      %dma_start3A_68 = tpu.memref_slice %arg4[%dma_start3A_66, %dma_start3A_67] : memref<1000000x64xf32, #tpu.memory_space<hbm>> -> memref<1000000x64xf32, #tpu.memory_space<hbm>>
      tpu.enqueue_indirect_dma source(%dma_start3A_68 : memref<1000000x64xf32, #tpu.memory_space<hbm>>) target(%dma_start3A_62 : memref<128x64xf32, #tpu.memory_space<vmem>>) offsets(%dma_start3A_65 : memref<128xi32, #tpu.memory_space<vmem>>) semaphore(%arg15 : memref<!tpu.dma_semaphore, #tpu.memory_space<semaphore_mem>>)
      %dma_start3A_69 = arith.constant 0 : i32
      %dma_start3A_70 = arith.constant 0 : i32
      %dma_start3A_71 = arith.constant 0 : i32
      %dma_start3A_72 = tpu.memref_slice %arg9[%dma_start3A_70, %dma_start3A_71] : memref<256x64xf32, #tpu.memory_space<vmem>> -> memref<128x64xf32, #tpu.memory_space<vmem>>
      %dma_start3A_73 = arith.constant 0 : i32
      %dma_start3A_74 = tpu.memref_slice %arg13[%dma_start3A_69, %dma_start3A_73] : memref<2x128xi32, #tpu.memory_space<vmem>> -> memref<1x128xi32, #tpu.memory_space<vmem>>
      %dma_start3A_75 = tpu.memref_squeeze %dma_start3A_74 : memref<1x128xi32, #tpu.memory_space<vmem>> -> memref<128xi32, #tpu.memory_space<vmem>>
      %dma_start3A_76 = arith.constant 0 : i32
      %dma_start3A_77 = arith.constant 0 : i32
      %dma_start3A_78 = tpu.memref_slice %arg4[%dma_start3A_76, %dma_start3A_77] : memref<1000000x64xf32, #tpu.memory_space<hbm>> -> memref<1000000x64xf32, #tpu.memory_space<hbm>>
      tpu.enqueue_indirect_dma source(%dma_start3A_78 : memref<1000000x64xf32, #tpu.memory_space<hbm>>) target(%dma_start3A_72 : memref<128x64xf32, #tpu.memory_space<vmem>>) offsets(%dma_start3A_75 : memref<128xi32, #tpu.memory_space<vmem>>) semaphore(%arg15 : memref<!tpu.dma_semaphore, #tpu.memory_space<semaphore_mem>>)
      %dma_start3A_79 = arith.constant 1 : i32
      %dma_start3A_80 = arith.constant 128 : i32
      %dma_start3A_81 = arith.constant 0 : i32
      %dma_start3A_82 = tpu.memref_slice %arg8[%dma_start3A_80, %dma_start3A_81] : memref<256x64xf32, #tpu.memory_space<vmem>> -> memref<128x64xf32, #tpu.memory_space<vmem>>
      %dma_start3A_83 = arith.constant 0 : i32
      %dma_start3A_84 = tpu.memref_slice %arg12[%dma_start3A_79, %dma_start3A_83] : memref<2x128xi32, #tpu.memory_space<vmem>> -> memref<1x128xi32, #tpu.memory_space<vmem>>
      %dma_start3A_85 = tpu.memref_squeeze %dma_start3A_84 : memref<1x128xi32, #tpu.memory_space<vmem>> -> memref<128xi32, #tpu.memory_space<vmem>>
      %dma_start3A_86 = arith.constant 0 : i32
      %dma_start3A_87 = arith.constant 0 : i32
      %dma_start3A_88 = tpu.memref_slice %arg4[%dma_start3A_86, %dma_start3A_87] : memref<1000000x64xf32, #tpu.memory_space<hbm>> -> memref<1000000x64xf32, #tpu.memory_space<hbm>>
      tpu.enqueue_indirect_dma source(%dma_start3A_88 : memref<1000000x64xf32, #tpu.memory_space<hbm>>) target(%dma_start3A_82 : memref<128x64xf32, #tpu.memory_space<vmem>>) offsets(%dma_start3A_85 : memref<128xi32, #tpu.memory_space<vmem>>) semaphore(%arg15 : memref<!tpu.dma_semaphore, #tpu.memory_space<semaphore_mem>>)
      %dma_start3A_89 = arith.constant 1 : i32
      %dma_start3A_90 = arith.constant 128 : i32
      %dma_start3A_91 = arith.constant 0 : i32
      %dma_start3A_92 = tpu.memref_slice %arg9[%dma_start3A_90, %dma_start3A_91] : memref<256x64xf32, #tpu.memory_space<vmem>> -> memref<128x64xf32, #tpu.memory_space<vmem>>
      %dma_start3A_93 = arith.constant 0 : i32
      %dma_start3A_94 = tpu.memref_slice %arg13[%dma_start3A_89, %dma_start3A_93] : memref<2x128xi32, #tpu.memory_space<vmem>> -> memref<1x128xi32, #tpu.memory_space<vmem>>
      %dma_start3A_95 = tpu.memref_squeeze %dma_start3A_94 : memref<1x128xi32, #tpu.memory_space<vmem>> -> memref<128xi32, #tpu.memory_space<vmem>>
      %dma_start3A_96 = arith.constant 0 : i32
      %dma_start3A_97 = arith.constant 0 : i32
      %dma_start3A_98 = tpu.memref_slice %arg4[%dma_start3A_96, %dma_start3A_97] : memref<1000000x64xf32, #tpu.memory_space<hbm>> -> memref<1000000x64xf32, #tpu.memory_space<hbm>>
      tpu.enqueue_indirect_dma source(%dma_start3A_98 : memref<1000000x64xf32, #tpu.memory_space<hbm>>) target(%dma_start3A_92 : memref<128x64xf32, #tpu.memory_space<vmem>>) offsets(%dma_start3A_95 : memref<128xi32, #tpu.memory_space<vmem>>) semaphore(%arg15 : memref<!tpu.dma_semaphore, #tpu.memory_space<semaphore_mem>>)
      %dma_wait3A = arith.constant 0 : i32
      %dma_wait3A_99 = arith.constant 0 : i32
      %dma_wait3A_100 = tpu.memref_slice %arg4[%dma_wait3A, %dma_wait3A_99] : memref<1000000x64xf32, #tpu.memory_space<hbm>> -> memref<256x64xf32, #tpu.memory_space<hbm>>
      %dma_wait3A_101 = arith.constant 0 : i32
      %dma_wait3A_102 = arith.constant 0 : i32
      %dma_wait3A_103 = tpu.memref_slice %arg4[%dma_wait3A_101, %dma_wait3A_102] : memref<1000000x64xf32, #tpu.memory_space<hbm>> -> memref<256x64xf32, #tpu.memory_space<hbm>>
      tpu.wait_dma2 semaphore(%arg14 : memref<!tpu.dma_semaphore, #tpu.memory_space<semaphore_mem>>) src(%dma_wait3A_103 : memref<256x64xf32, #tpu.memory_space<hbm>>) dst(%arg6 : memref<256x64xf32, #tpu.memory_space<vmem>>)
      %dma_wait3A_104 = arith.constant 0 : i32
      %dma_wait3A_105 = arith.constant 0 : i32
      %dma_wait3A_106 = tpu.memref_slice %arg4[%dma_wait3A_104, %dma_wait3A_105] : memref<1000000x64xf32, #tpu.memory_space<hbm>> -> memref<256x64xf32, #tpu.memory_space<hbm>>
      %dma_wait3A_107 = arith.constant 0 : i32
      %dma_wait3A_108 = arith.constant 0 : i32
      %dma_wait3A_109 = tpu.memref_slice %arg4[%dma_wait3A_107, %dma_wait3A_108] : memref<1000000x64xf32, #tpu.memory_space<hbm>> -> memref<256x64xf32, #tpu.memory_space<hbm>>
      tpu.wait_dma2 semaphore(%arg14 : memref<!tpu.dma_semaphore, #tpu.memory_space<semaphore_mem>>) src(%dma_wait3A_109 : memref<256x64xf32, #tpu.memory_space<hbm>>) dst(%arg7 : memref<256x64xf32, #tpu.memory_space<vmem>>)
      %mul3A_110 = arith.constant 256 : i32
      %mul3A_111 = arith.muli %mul3A_53, %mul3A_110 : i32
      %add3A_112 = arith.addi %mul3A_2, %mul3A_111 : i32
      %dma_start3A_113 = arith.constant 0 : i32
      %dma_start3A_114 = tpu.memref_slice %arg5[%add3A_112, %dma_start3A_113] : memref<229376x128xf32, #tpu.memory_space<hbm>> -> memref<256x64xf32, #tpu.memory_space<hbm>>
      %dma_start3A_115 = arith.constant 0 : i32
      %dma_start3A_116 = tpu.memref_slice %arg5[%add3A_112, %dma_start3A_115] : memref<229376x128xf32, #tpu.memory_space<hbm>> -> memref<256x64xf32, #tpu.memory_space<hbm>>
      tpu.enqueue_dma source(%arg6 : memref<256x64xf32, #tpu.memory_space<vmem>>) target(%dma_start3A_116 : memref<256x64xf32, #tpu.memory_space<hbm>>) target_semaphore(%arg16 : memref<!tpu.dma_semaphore, #tpu.memory_space<semaphore_mem>>)
      %dma_start3A_117 = arith.constant 64 : i32
      %dma_start3A_118 = tpu.memref_slice %arg5[%add3A_112, %dma_start3A_117] : memref<229376x128xf32, #tpu.memory_space<hbm>> -> memref<256x64xf32, #tpu.memory_space<hbm>>
      %dma_start3A_119 = arith.constant 64 : i32
      %dma_start3A_120 = tpu.memref_slice %arg5[%add3A_112, %dma_start3A_119] : memref<229376x128xf32, #tpu.memory_space<hbm>> -> memref<256x64xf32, #tpu.memory_space<hbm>>
      tpu.enqueue_dma source(%arg7 : memref<256x64xf32, #tpu.memory_space<vmem>>) target(%dma_start3A_120 : memref<256x64xf32, #tpu.memory_space<hbm>>) target_semaphore(%arg16 : memref<!tpu.dma_semaphore, #tpu.memory_space<semaphore_mem>>)
      %dma_wait3A_121 = arith.constant 0 : i32
      %dma_wait3A_122 = arith.constant 0 : i32
      %dma_wait3A_123 = tpu.memref_slice %arg5[%dma_wait3A_121, %dma_wait3A_122] : memref<229376x128xf32, #tpu.memory_space<hbm>> -> memref<256x64xf32, #tpu.memory_space<hbm>>
      %dma_wait3A_124 = arith.constant 0 : i32
      %dma_wait3A_125 = arith.constant 0 : i32
      %dma_wait3A_126 = tpu.memref_slice %arg5[%dma_wait3A_124, %dma_wait3A_125] : memref<229376x128xf32, #tpu.memory_space<hbm>> -> memref<256x64xf32, #tpu.memory_space<hbm>>
      tpu.wait_dma2 semaphore(%arg16 : memref<!tpu.dma_semaphore, #tpu.memory_space<semaphore_mem>>) src(%arg6 : memref<256x64xf32, #tpu.memory_space<vmem>>) dst(%dma_wait3A_126 : memref<256x64xf32, #tpu.memory_space<hbm>>)
      %dma_wait3A_127 = arith.constant 0 : i32
      %dma_wait3A_128 = arith.constant 64 : i32
      %dma_wait3A_129 = tpu.memref_slice %arg5[%dma_wait3A_127, %dma_wait3A_128] : memref<229376x128xf32, #tpu.memory_space<hbm>> -> memref<256x64xf32, #tpu.memory_space<hbm>>
      %dma_wait3A_130 = arith.constant 0 : i32
      %dma_wait3A_131 = arith.constant 64 : i32
      %dma_wait3A_132 = tpu.memref_slice %arg5[%dma_wait3A_130, %dma_wait3A_131] : memref<229376x128xf32, #tpu.memory_space<hbm>> -> memref<256x64xf32, #tpu.memory_space<hbm>>
      tpu.wait_dma2 semaphore(%arg16 : memref<!tpu.dma_semaphore, #tpu.memory_space<semaphore_mem>>) src(%arg7 : memref<256x64xf32, #tpu.memory_space<vmem>>) dst(%dma_wait3A_132 : memref<256x64xf32, #tpu.memory_space<hbm>>)
      %lt3A = arith.constant 13 : i32
      %lt3A_133 = arith.cmpi slt, %scan3A_51, %lt3A : i32
      %convert_element_type3A = arith.extui %lt3A_133 : i1 to i32
      %cond3A = arith.constant 0 : i32
      %cond3A_134 = arith.cmpi ne, %convert_element_type3A, %cond3A : i32
      scf.if %cond3A_134 {
        %add3A_170 = arith.constant 2 : i32
        %add3A_171 = arith.addi %mul3A_53, %add3A_170 : i32
        %mul3A_172 = arith.constant 2 : i32
        %mul3A_173 = arith.muli %add3A_171, %mul3A_172 : i32
        %add3A_174 = arith.addi %mul3A_4, %mul3A_173 : i32
        "tpu.region"() ({
          %run_scoped3A = tpu.sem_alloc : memref<!tpu.dma_semaphore, #tpu.memory_space<semaphore_mem>>
          %dma_start3A_215 = arith.constant 0 : i32
          %dma_start3A_216 = tpu.memref_slice %arg2[%add3A_174, %dma_start3A_215] : memref<1792x128xi32, #tpu.memory_space<hbm>> -> memref<2x128xi32, #tpu.memory_space<hbm>>
          %dma_start3A_217 = arith.constant 0 : i32
          %dma_start3A_218 = tpu.memref_slice %arg2[%add3A_174, %dma_start3A_217] : memref<1792x128xi32, #tpu.memory_space<hbm>> -> memref<2x128xi32, #tpu.memory_space<hbm>>
          tpu.enqueue_dma source(%dma_start3A_218 : memref<2x128xi32, #tpu.memory_space<hbm>>) target(%arg10 : memref<2x128xi32, #tpu.memory_space<vmem>>) target_semaphore(%run_scoped3A : memref<!tpu.dma_semaphore, #tpu.memory_space<semaphore_mem>>)
          %dma_wait3A_219 = arith.constant 0 : i32
          %dma_wait3A_220 = tpu.memref_slice %arg2[%add3A_174, %dma_wait3A_219] : memref<1792x128xi32, #tpu.memory_space<hbm>> -> memref<2x128xi32, #tpu.memory_space<hbm>>
          %dma_wait3A_221 = arith.constant 0 : i32
          %dma_wait3A_222 = tpu.memref_slice %arg2[%add3A_174, %dma_wait3A_221] : memref<1792x128xi32, #tpu.memory_space<hbm>> -> memref<2x128xi32, #tpu.memory_space<hbm>>
          tpu.wait_dma2 semaphore(%run_scoped3A : memref<!tpu.dma_semaphore, #tpu.memory_space<semaphore_mem>>) src(%dma_wait3A_222 : memref<2x128xi32, #tpu.memory_space<hbm>>) dst(%arg10 : memref<2x128xi32, #tpu.memory_space<vmem>>)
          tpu.yield
        }) : () -> ()
        "tpu.region"() ({
          %run_scoped3A = tpu.sem_alloc : memref<!tpu.dma_semaphore, #tpu.memory_space<semaphore_mem>>
          %dma_start3A_215 = arith.constant 0 : i32
          %dma_start3A_216 = tpu.memref_slice %arg3[%add3A_174, %dma_start3A_215] : memref<1792x128xi32, #tpu.memory_space<hbm>> -> memref<2x128xi32, #tpu.memory_space<hbm>>
          %dma_start3A_217 = arith.constant 0 : i32
          %dma_start3A_218 = tpu.memref_slice %arg3[%add3A_174, %dma_start3A_217] : memref<1792x128xi32, #tpu.memory_space<hbm>> -> memref<2x128xi32, #tpu.memory_space<hbm>>
          tpu.enqueue_dma source(%dma_start3A_218 : memref<2x128xi32, #tpu.memory_space<hbm>>) target(%arg11 : memref<2x128xi32, #tpu.memory_space<vmem>>) target_semaphore(%run_scoped3A : memref<!tpu.dma_semaphore, #tpu.memory_space<semaphore_mem>>)
          %dma_wait3A_219 = arith.constant 0 : i32
          %dma_wait3A_220 = tpu.memref_slice %arg3[%add3A_174, %dma_wait3A_219] : memref<1792x128xi32, #tpu.memory_space<hbm>> -> memref<2x128xi32, #tpu.memory_space<hbm>>
          %dma_wait3A_221 = arith.constant 0 : i32
          %dma_wait3A_222 = tpu.memref_slice %arg3[%add3A_174, %dma_wait3A_221] : memref<1792x128xi32, #tpu.memory_space<hbm>> -> memref<2x128xi32, #tpu.memory_space<hbm>>
          tpu.wait_dma2 semaphore(%run_scoped3A : memref<!tpu.dma_semaphore, #tpu.memory_space<semaphore_mem>>) src(%dma_wait3A_222 : memref<2x128xi32, #tpu.memory_space<hbm>>) dst(%arg11 : memref<2x128xi32, #tpu.memory_space<vmem>>)
          tpu.yield
        }) : () -> ()
        %dma_start3A_175 = arith.constant 0 : i32
        %dma_start3A_176 = arith.constant 0 : i32
        %dma_start3A_177 = arith.constant 0 : i32
        %dma_start3A_178 = tpu.memref_slice %arg6[%dma_start3A_176, %dma_start3A_177] : memref<256x64xf32, #tpu.memory_space<vmem>> -> memref<128x64xf32, #tpu.memory_space<vmem>>
        %dma_start3A_179 = arith.constant 0 : i32
        %dma_start3A_180 = tpu.memref_slice %arg10[%dma_start3A_175, %dma_start3A_179] : memref<2x128xi32, #tpu.memory_space<vmem>> -> memref<1x128xi32, #tpu.memory_space<vmem>>
        %dma_start3A_181 = tpu.memref_squeeze %dma_start3A_180 : memref<1x128xi32, #tpu.memory_space<vmem>> -> memref<128xi32, #tpu.memory_space<vmem>>
        %dma_start3A_182 = arith.constant 0 : i32
        %dma_start3A_183 = arith.constant 0 : i32
        %dma_start3A_184 = tpu.memref_slice %arg4[%dma_start3A_182, %dma_start3A_183] : memref<1000000x64xf32, #tpu.memory_space<hbm>> -> memref<1000000x64xf32, #tpu.memory_space<hbm>>
        tpu.enqueue_indirect_dma source(%dma_start3A_184 : memref<1000000x64xf32, #tpu.memory_space<hbm>>) target(%dma_start3A_178 : memref<128x64xf32, #tpu.memory_space<vmem>>) offsets(%dma_start3A_181 : memref<128xi32, #tpu.memory_space<vmem>>) semaphore(%arg14 : memref<!tpu.dma_semaphore, #tpu.memory_space<semaphore_mem>>)
        %dma_start3A_185 = arith.constant 0 : i32
        %dma_start3A_186 = arith.constant 0 : i32
        %dma_start3A_187 = arith.constant 0 : i32
        %dma_start3A_188 = tpu.memref_slice %arg7[%dma_start3A_186, %dma_start3A_187] : memref<256x64xf32, #tpu.memory_space<vmem>> -> memref<128x64xf32, #tpu.memory_space<vmem>>
        %dma_start3A_189 = arith.constant 0 : i32
        %dma_start3A_190 = tpu.memref_slice %arg11[%dma_start3A_185, %dma_start3A_189] : memref<2x128xi32, #tpu.memory_space<vmem>> -> memref<1x128xi32, #tpu.memory_space<vmem>>
        %dma_start3A_191 = tpu.memref_squeeze %dma_start3A_190 : memref<1x128xi32, #tpu.memory_space<vmem>> -> memref<128xi32, #tpu.memory_space<vmem>>
        %dma_start3A_192 = arith.constant 0 : i32
        %dma_start3A_193 = arith.constant 0 : i32
        %dma_start3A_194 = tpu.memref_slice %arg4[%dma_start3A_192, %dma_start3A_193] : memref<1000000x64xf32, #tpu.memory_space<hbm>> -> memref<1000000x64xf32, #tpu.memory_space<hbm>>
        tpu.enqueue_indirect_dma source(%dma_start3A_194 : memref<1000000x64xf32, #tpu.memory_space<hbm>>) target(%dma_start3A_188 : memref<128x64xf32, #tpu.memory_space<vmem>>) offsets(%dma_start3A_191 : memref<128xi32, #tpu.memory_space<vmem>>) semaphore(%arg14 : memref<!tpu.dma_semaphore, #tpu.memory_space<semaphore_mem>>)
        %dma_start3A_195 = arith.constant 1 : i32
        %dma_start3A_196 = arith.constant 128 : i32
        %dma_start3A_197 = arith.constant 0 : i32
        %dma_start3A_198 = tpu.memref_slice %arg6[%dma_start3A_196, %dma_start3A_197] : memref<256x64xf32, #tpu.memory_space<vmem>> -> memref<128x64xf32, #tpu.memory_space<vmem>>
        %dma_start3A_199 = arith.constant 0 : i32
        %dma_start3A_200 = tpu.memref_slice %arg10[%dma_start3A_195, %dma_start3A_199] : memref<2x128xi32, #tpu.memory_space<vmem>> -> memref<1x128xi32, #tpu.memory_space<vmem>>
        %dma_start3A_201 = tpu.memref_squeeze %dma_start3A_200 : memref<1x128xi32, #tpu.memory_space<vmem>> -> memref<128xi32, #tpu.memory_space<vmem>>
        %dma_start3A_202 = arith.constant 0 : i32
        %dma_start3A_203 = arith.constant 0 : i32
        %dma_start3A_204 = tpu.memref_slice %arg4[%dma_start3A_202, %dma_start3A_203] : memref<1000000x64xf32, #tpu.memory_space<hbm>> -> memref<1000000x64xf32, #tpu.memory_space<hbm>>
        tpu.enqueue_indirect_dma source(%dma_start3A_204 : memref<1000000x64xf32, #tpu.memory_space<hbm>>) target(%dma_start3A_198 : memref<128x64xf32, #tpu.memory_space<vmem>>) offsets(%dma_start3A_201 : memref<128xi32, #tpu.memory_space<vmem>>) semaphore(%arg14 : memref<!tpu.dma_semaphore, #tpu.memory_space<semaphore_mem>>)
        %dma_start3A_205 = arith.constant 1 : i32
        %dma_start3A_206 = arith.constant 128 : i32
        %dma_start3A_207 = arith.constant 0 : i32
        %dma_start3A_208 = tpu.memref_slice %arg7[%dma_start3A_206, %dma_start3A_207] : memref<256x64xf32, #tpu.memory_space<vmem>> -> memref<128x64xf32, #tpu.memory_space<vmem>>
        %dma_start3A_209 = arith.constant 0 : i32
        %dma_start3A_210 = tpu.memref_slice %arg11[%dma_start3A_205, %dma_start3A_209] : memref<2x128xi32, #tpu.memory_space<vmem>> -> memref<1x128xi32, #tpu.memory_space<vmem>>
        %dma_start3A_211 = tpu.memref_squeeze %dma_start3A_210 : memref<1x128xi32, #tpu.memory_space<vmem>> -> memref<128xi32, #tpu.memory_space<vmem>>
        %dma_start3A_212 = arith.constant 0 : i32
        %dma_start3A_213 = arith.constant 0 : i32
        %dma_start3A_214 = tpu.memref_slice %arg4[%dma_start3A_212, %dma_start3A_213] : memref<1000000x64xf32, #tpu.memory_space<hbm>> -> memref<1000000x64xf32, #tpu.memory_space<hbm>>
        tpu.enqueue_indirect_dma source(%dma_start3A_214 : memref<1000000x64xf32, #tpu.memory_space<hbm>>) target(%dma_start3A_208 : memref<128x64xf32, #tpu.memory_space<vmem>>) offsets(%dma_start3A_211 : memref<128xi32, #tpu.memory_space<vmem>>) semaphore(%arg14 : memref<!tpu.dma_semaphore, #tpu.memory_space<semaphore_mem>>)
      } else {
      }
      %dma_wait3A_135 = arith.constant 0 : i32
      %dma_wait3A_136 = arith.constant 0 : i32
      %dma_wait3A_137 = tpu.memref_slice %arg4[%dma_wait3A_135, %dma_wait3A_136] : memref<1000000x64xf32, #tpu.memory_space<hbm>> -> memref<256x64xf32, #tpu.memory_space<hbm>>
      %dma_wait3A_138 = arith.constant 0 : i32
      %dma_wait3A_139 = arith.constant 0 : i32
      %dma_wait3A_140 = tpu.memref_slice %arg4[%dma_wait3A_138, %dma_wait3A_139] : memref<1000000x64xf32, #tpu.memory_space<hbm>> -> memref<256x64xf32, #tpu.memory_space<hbm>>
      tpu.wait_dma2 semaphore(%arg15 : memref<!tpu.dma_semaphore, #tpu.memory_space<semaphore_mem>>) src(%dma_wait3A_140 : memref<256x64xf32, #tpu.memory_space<hbm>>) dst(%arg8 : memref<256x64xf32, #tpu.memory_space<vmem>>)
      %dma_wait3A_141 = arith.constant 0 : i32
      %dma_wait3A_142 = arith.constant 0 : i32
      %dma_wait3A_143 = tpu.memref_slice %arg4[%dma_wait3A_141, %dma_wait3A_142] : memref<1000000x64xf32, #tpu.memory_space<hbm>> -> memref<256x64xf32, #tpu.memory_space<hbm>>
      %dma_wait3A_144 = arith.constant 0 : i32
      %dma_wait3A_145 = arith.constant 0 : i32
      %dma_wait3A_146 = tpu.memref_slice %arg4[%dma_wait3A_144, %dma_wait3A_145] : memref<1000000x64xf32, #tpu.memory_space<hbm>> -> memref<256x64xf32, #tpu.memory_space<hbm>>
      tpu.wait_dma2 semaphore(%arg15 : memref<!tpu.dma_semaphore, #tpu.memory_space<semaphore_mem>>) src(%dma_wait3A_146 : memref<256x64xf32, #tpu.memory_space<hbm>>) dst(%arg9 : memref<256x64xf32, #tpu.memory_space<vmem>>)
      %mul3A_147 = arith.constant 256 : i32
      %mul3A_148 = arith.muli %add3A_55, %mul3A_147 : i32
      %add3A_149 = arith.addi %mul3A_2, %mul3A_148 : i32
      %dma_start3A_150 = arith.constant 0 : i32
      %dma_start3A_151 = tpu.memref_slice %arg5[%add3A_149, %dma_start3A_150] : memref<229376x128xf32, #tpu.memory_space<hbm>> -> memref<256x64xf32, #tpu.memory_space<hbm>>
      %dma_start3A_152 = arith.constant 0 : i32
      %dma_start3A_153 = tpu.memref_slice %arg5[%add3A_149, %dma_start3A_152] : memref<229376x128xf32, #tpu.memory_space<hbm>> -> memref<256x64xf32, #tpu.memory_space<hbm>>
      tpu.enqueue_dma source(%arg8 : memref<256x64xf32, #tpu.memory_space<vmem>>) target(%dma_start3A_153 : memref<256x64xf32, #tpu.memory_space<hbm>>) target_semaphore(%arg17 : memref<!tpu.dma_semaphore, #tpu.memory_space<semaphore_mem>>)
      %dma_start3A_154 = arith.constant 64 : i32
      %dma_start3A_155 = tpu.memref_slice %arg5[%add3A_149, %dma_start3A_154] : memref<229376x128xf32, #tpu.memory_space<hbm>> -> memref<256x64xf32, #tpu.memory_space<hbm>>
      %dma_start3A_156 = arith.constant 64 : i32
      %dma_start3A_157 = tpu.memref_slice %arg5[%add3A_149, %dma_start3A_156] : memref<229376x128xf32, #tpu.memory_space<hbm>> -> memref<256x64xf32, #tpu.memory_space<hbm>>
      tpu.enqueue_dma source(%arg9 : memref<256x64xf32, #tpu.memory_space<vmem>>) target(%dma_start3A_157 : memref<256x64xf32, #tpu.memory_space<hbm>>) target_semaphore(%arg17 : memref<!tpu.dma_semaphore, #tpu.memory_space<semaphore_mem>>)
      %dma_wait3A_158 = arith.constant 0 : i32
      %dma_wait3A_159 = arith.constant 0 : i32
      %dma_wait3A_160 = tpu.memref_slice %arg5[%dma_wait3A_158, %dma_wait3A_159] : memref<229376x128xf32, #tpu.memory_space<hbm>> -> memref<256x64xf32, #tpu.memory_space<hbm>>
      %dma_wait3A_161 = arith.constant 0 : i32
      %dma_wait3A_162 = arith.constant 0 : i32
      %dma_wait3A_163 = tpu.memref_slice %arg5[%dma_wait3A_161, %dma_wait3A_162] : memref<229376x128xf32, #tpu.memory_space<hbm>> -> memref<256x64xf32, #tpu.memory_space<hbm>>
      tpu.wait_dma2 semaphore(%arg17 : memref<!tpu.dma_semaphore, #tpu.memory_space<semaphore_mem>>) src(%arg8 : memref<256x64xf32, #tpu.memory_space<vmem>>) dst(%dma_wait3A_163 : memref<256x64xf32, #tpu.memory_space<hbm>>)
      %dma_wait3A_164 = arith.constant 0 : i32
      %dma_wait3A_165 = arith.constant 64 : i32
      %dma_wait3A_166 = tpu.memref_slice %arg5[%dma_wait3A_164, %dma_wait3A_165] : memref<229376x128xf32, #tpu.memory_space<hbm>> -> memref<256x64xf32, #tpu.memory_space<hbm>>
      %dma_wait3A_167 = arith.constant 0 : i32
      %dma_wait3A_168 = arith.constant 64 : i32
      %dma_wait3A_169 = tpu.memref_slice %arg5[%dma_wait3A_167, %dma_wait3A_168] : memref<229376x128xf32, #tpu.memory_space<hbm>> -> memref<256x64xf32, #tpu.memory_space<hbm>>
      tpu.wait_dma2 semaphore(%arg17 : memref<!tpu.dma_semaphore, #tpu.memory_space<semaphore_mem>>) src(%arg9 : memref<256x64xf32, #tpu.memory_space<vmem>>) dst(%dma_wait3A_169 : memref<256x64xf32, #tpu.memory_space<hbm>>)
    }
    %scan3A_50 = arith.constant 14 : i32
    return
  }
}

module attributes {stable_mosaic.version = 14 : i64} {
  func.func @body(%arg0: i32, %arg1: memref<4x64x4096xf32, #tpu.memory_space<vmem>>, %arg2: memref<4x4096x128xf32, #tpu.memory_space<vmem>>, %arg3: memref<1x4x4096xi32, #tpu.memory_space<vmem>>, %arg4: memref<2xf32, #tpu.memory_space<smem>>, %arg5: memref<2xf32, #tpu.memory_space<smem>>, %arg6: memref<1xf32, #tpu.memory_space<smem>>, %arg7: memref<1xf32, #tpu.memory_space<smem>>) attributes {dimension_semantics = [#tpu.dimension_semantics<arbitrary>], iteration_bounds = array<i64: 8>, scalar_prefetch = 0 : i64, scratch_operands = 2 : i64, tpu.core_type = #tpu.core_type<tc>, window_params = [{transform_indices = @transform_0, window_bounds = array<i64: 4, 64, 4096>}, {transform_indices = @transform_1, window_bounds = array<i64: 4, 4096, 128>}, {transform_indices = @transform_2, window_bounds = array<i64: 1, 4, 4096>}, {transform_indices = @transform_3, window_bounds = array<i64: 2>}, {transform_indices = @transform_4, window_bounds = array<i64: 2>}]} {
    %eq3A = arith.constant 0 : i32
    %eq3A_0 = arith.cmpi eq, %arg0, %eq3A : i32
    %convert_element_type3A = arith.extui %eq3A_0 : i1 to i32
    %cond3A = arith.constant 0 : i32
    %cond3A_1 = arith.cmpi ne, %convert_element_type3A, %cond3A : i32
    scf.if %cond3A_1 {
      %get3A_65 = arith.constant 0 : index
      %get3A_66 = memref.load %arg4[%get3A_65] : memref<2xf32, #tpu.memory_space<smem>>
      %swap3A_67 = arith.constant 0 : index
      %swap3A_68 = memref.load %arg6[%swap3A_67] : memref<1xf32, #tpu.memory_space<smem>>
      memref.store %get3A_66, %arg6[%swap3A_67] : memref<1xf32, #tpu.memory_space<smem>>
      %get3A_69 = arith.constant 1 : index
      %get3A_70 = memref.load %arg4[%get3A_69] : memref<2xf32, #tpu.memory_space<smem>>
      %swap3A_71 = arith.constant 0 : index
      %swap3A_72 = memref.load %arg7[%swap3A_71] : memref<1xf32, #tpu.memory_space<smem>>
      memref.store %get3A_70, %arg7[%swap3A_71] : memref<1xf32, #tpu.memory_space<smem>>
    } else {
    }
    %get3A = arith.constant 0 : index
    %get3A_2 = arith.constant 0 : index
    %get3A_3 = arith.constant 0 : index
    %get3A_4 = vector.load %arg1[%get3A, %get3A_2, %get3A_3] : memref<4x64x4096xf32, #tpu.memory_space<vmem>>, vector<4x64x4096xf32>
    %get3A_5 = arith.constant 0 : index
    %get3A_6 = arith.constant 0 : index
    %get3A_7 = arith.constant 0 : index
    %get3A_8 = vector.load %arg2[%get3A_5, %get3A_6, %get3A_7] : memref<4x4096x128xf32, #tpu.memory_space<vmem>>, vector<4x4096x128xf32>
    %transpose3A = tpu.transpose %get3A_8, [0, 2, 1] : vector<4x4096x128xf32> -> vector<4x128x4096xf32>
    %slice3A = vector.extract_strided_slice %transpose3A {offsets = [0, 0, 0], sizes = [4, 64, 4096], strides = [1, 1, 1]} : vector<4x128x4096xf32> to vector<4x64x4096xf32>
    %slice3A_9 = vector.extract_strided_slice %transpose3A {offsets = [0, 64, 0], sizes = [4, 64, 4096], strides = [1, 1, 1]} : vector<4x128x4096xf32> to vector<4x64x4096xf32>
    %mul3A = arith.mulf %get3A_4, %slice3A : vector<4x64x4096xf32>
    %reduce_sum3A = arith.constant dense<0.000000e+00> : vector<4x4096xf32>
    %reduce_sum3A_10 = vector.multi_reduction <add>, %mul3A, %reduce_sum3A [1] : vector<4x64x4096xf32> to vector<4x4096xf32>
    %mul3A_11 = arith.mulf %get3A_4, %slice3A_9 : vector<4x64x4096xf32>
    %reduce_sum3A_12 = arith.constant dense<0.000000e+00> : vector<4x4096xf32>
    %reduce_sum3A_13 = vector.multi_reduction <add>, %mul3A_11, %reduce_sum3A_12 [1] : vector<4x64x4096xf32> to vector<4x4096xf32>
    %get3A_14 = arith.constant 0 : index
    %get3A_15 = arith.constant 0 : index
    %get3A_16 = arith.constant 0 : index
    %get3A_17 = vector.load %arg3[%get3A_14, %get3A_15, %get3A_16] : memref<1x4x4096xi32, #tpu.memory_space<vmem>>, vector<1x4x4096xi32>
    %reshape3A = vector.shape_cast %get3A_17 : vector<1x4x4096xi32> to vector<4x4096xi32>
    %ne3A = arith.constant 0 : i32
    %ne3A_18 = vector.broadcast %ne3A : i32 to vector<4x4096xi32>
    %ne3A_19 = arith.cmpi ne, %reshape3A, %ne3A_18 : vector<4x4096xi32>
    %convert_element_type3A_20 = arith.extui %ne3A_19 : vector<4x4096xi1> to vector<4x4096xi32>
    %convert_element_type3A_21 = arith.sitofp %convert_element_type3A_20 : vector<4x4096xi32> to vector<4x4096xf32>
    %abs3A = math.absf %reduce_sum3A_10 : vector<4x4096xf32>
    %neg3A = arith.constant 0.000000e+00 : f32
    %neg3A_22 = vector.broadcast %neg3A : f32 to vector<4x4096xf32>
    %neg3A_23 = arith.subf %neg3A_22, %abs3A : vector<4x4096xf32>
    %exp3A = math.exp %neg3A_23 : vector<4x4096xf32>
    %log1p3A = math.log1p %exp3A : vector<4x4096xf32>
    %neg3A_24 = arith.constant 0.000000e+00 : f32
    %neg3A_25 = vector.broadcast %neg3A_24 : f32 to vector<4x4096xf32>
    %neg3A_26 = arith.subf %neg3A_25, %reduce_sum3A_10 : vector<4x4096xf32>
    %max3A = arith.constant 0.000000e+00 : f32
    %max3A_27 = vector.broadcast %max3A : f32 to vector<4x4096xf32>
    %max3A_28 = arith.maximumf %neg3A_26, %max3A_27 : vector<4x4096xf32>
    %add3A = arith.addf %log1p3A, %max3A_28 : vector<4x4096xf32>
    %abs3A_29 = math.absf %reduce_sum3A_13 : vector<4x4096xf32>
    %neg3A_30 = arith.constant 0.000000e+00 : f32
    %neg3A_31 = vector.broadcast %neg3A_30 : f32 to vector<4x4096xf32>
    %neg3A_32 = arith.subf %neg3A_31, %abs3A_29 : vector<4x4096xf32>
    %exp3A_33 = math.exp %neg3A_32 : vector<4x4096xf32>
    %log1p3A_34 = math.log1p %exp3A_33 : vector<4x4096xf32>
    %max3A_35 = arith.constant 0.000000e+00 : f32
    %max3A_36 = vector.broadcast %max3A_35 : f32 to vector<4x4096xf32>
    %max3A_37 = arith.maximumf %reduce_sum3A_13, %max3A_36 : vector<4x4096xf32>
    %add3A_38 = arith.addf %log1p3A_34, %max3A_37 : vector<4x4096xf32>
    %get3A_39 = arith.constant 0 : index
    %get3A_40 = memref.load %arg6[%get3A_39] : memref<1xf32, #tpu.memory_space<smem>>
    %add3A_41 = arith.addf %add3A, %add3A_38 : vector<4x4096xf32>
    %mul3A_42 = arith.mulf %add3A_41, %convert_element_type3A_21 : vector<4x4096xf32>
    %reduce_sum3A_43 = vector.shape_cast %mul3A_42 : vector<4x4096xf32> to vector<1x4x4096xf32>
    %reduce_sum3A_44 = arith.constant dense<0.000000e+00> : vector<1xf32>
    %reduce_sum3A_45 = vector.multi_reduction <add>, %reduce_sum3A_43, %reduce_sum3A_44 [1, 2] : vector<1x4x4096xf32> to vector<1xf32>
    %reduce_sum3A_46 = vector.shape_cast %reduce_sum3A_45 : vector<1xf32> to vector<1x1x1xf32>
    %reduce_sum3A_47 = vector.extract %reduce_sum3A_46[0, 0, 0] : f32 from vector<1x1x1xf32>
    %add3A_48 = arith.addf %get3A_40, %reduce_sum3A_47 : f32
    %swap3A = arith.constant 0 : index
    %swap3A_49 = memref.load %arg6[%swap3A] : memref<1xf32, #tpu.memory_space<smem>>
    memref.store %add3A_48, %arg6[%swap3A] : memref<1xf32, #tpu.memory_space<smem>>
    %get3A_50 = arith.constant 0 : index
    %get3A_51 = memref.load %arg7[%get3A_50] : memref<1xf32, #tpu.memory_space<smem>>
    %reduce_sum3A_52 = vector.shape_cast %convert_element_type3A_21 : vector<4x4096xf32> to vector<1x4x4096xf32>
    %reduce_sum3A_53 = arith.constant dense<0.000000e+00> : vector<1xf32>
    %reduce_sum3A_54 = vector.multi_reduction <add>, %reduce_sum3A_52, %reduce_sum3A_53 [1, 2] : vector<1x4x4096xf32> to vector<1xf32>
    %reduce_sum3A_55 = vector.shape_cast %reduce_sum3A_54 : vector<1xf32> to vector<1x1x1xf32>
    %reduce_sum3A_56 = vector.extract %reduce_sum3A_55[0, 0, 0] : f32 from vector<1x1x1xf32>
    %add3A_57 = arith.addf %get3A_51, %reduce_sum3A_56 : f32
    %swap3A_58 = arith.constant 0 : index
    %swap3A_59 = memref.load %arg7[%swap3A_58] : memref<1xf32, #tpu.memory_space<smem>>
    memref.store %add3A_57, %arg7[%swap3A_58] : memref<1xf32, #tpu.memory_space<smem>>
    %eq3A_60 = arith.constant 7 : i32
    %eq3A_61 = arith.cmpi eq, %arg0, %eq3A_60 : i32
    %convert_element_type3A_62 = arith.extui %eq3A_61 : i1 to i32
    %cond3A_63 = arith.constant 0 : i32
    %cond3A_64 = arith.cmpi ne, %convert_element_type3A_62, %cond3A_63 : i32
    scf.if %cond3A_64 {
      %get3A_65 = arith.constant 0 : index
      %get3A_66 = memref.load %arg6[%get3A_65] : memref<1xf32, #tpu.memory_space<smem>>
      %swap3A_67 = arith.constant 0 : index
      %swap3A_68 = memref.load %arg5[%swap3A_67] : memref<2xf32, #tpu.memory_space<smem>>
      memref.store %get3A_66, %arg5[%swap3A_67] : memref<2xf32, #tpu.memory_space<smem>>
      %get3A_69 = arith.constant 0 : index
      %get3A_70 = memref.load %arg7[%get3A_69] : memref<1xf32, #tpu.memory_space<smem>>
      %swap3A_71 = arith.constant 1 : index
      %swap3A_72 = memref.load %arg5[%swap3A_71] : memref<2xf32, #tpu.memory_space<smem>>
      memref.store %get3A_70, %arg5[%swap3A_71] : memref<2xf32, #tpu.memory_space<smem>>
    } else {
    }
    return
  }
  func.func @transform_0(%arg0: i32) -> (i32, i32, i32) {
    %add3A = arith.constant 0 : i32
    %add3A_0 = arith.addi %arg0, %add3A : i32
    %c0_i32 = arith.constant 0 : i32
    %c0_i32_1 = arith.constant 0 : i32
    %c0_i32_2 = arith.constant 0 : i32
    return %add3A_0, %c0_i32, %c0_i32_1 : i32, i32, i32
  }
  func.func @transform_1(%arg0: i32) -> (i32, i32, i32) {
    %c0_i32 = arith.constant 0 : i32
    %c0_i32_0 = arith.constant 0 : i32
    %c0_i32_1 = arith.constant 0 : i32
    return %arg0, %c0_i32, %c0_i32_0 : i32, i32, i32
  }
  func.func @transform_2(%arg0: i32) -> (i32, i32, i32) {
    %add3A = arith.constant 0 : i32
    %add3A_0 = arith.addi %arg0, %add3A : i32
    %c0_i32 = arith.constant 0 : i32
    %c0_i32_1 = arith.constant 0 : i32
    %c0_i32_2 = arith.constant 0 : i32
    return %add3A_0, %c0_i32, %c0_i32_1 : i32, i32, i32
  }
  func.func @transform_3(%arg0: i32) -> i32 {
    %c0_i32 = arith.constant 0 : i32
    %c0_i32_0 = arith.constant 0 : i32
    return %c0_i32 : i32
  }
  func.func @transform_4(%arg0: i32) -> i32 {
    %c0_i32 = arith.constant 0 : i32
    %c0_i32_0 = arith.constant 0 : i32
    return %c0_i32 : i32
  }
}

module attributes {stable_mosaic.version = 14 : i64} {
  func.func @body(%arg0: i32, %arg1: memref<4x64x4096xf32, #tpu.memory_space<vmem>>, %arg2: memref<4x4096x128xf32, #tpu.memory_space<vmem>>, %arg3: memref<1x4x4096xi32, #tpu.memory_space<vmem>>, %arg4: memref<2xf32, #tpu.memory_space<smem>>, %arg5: memref<2xf32, #tpu.memory_space<smem>>, %arg6: memref<1xf32, #tpu.memory_space<smem>>, %arg7: memref<1xf32, #tpu.memory_space<smem>>) attributes {dimension_semantics = [#tpu.dimension_semantics<arbitrary>], iteration_bounds = array<i64: 14>, scalar_prefetch = 0 : i64, scratch_operands = 2 : i64, tpu.core_type = #tpu.core_type<tc>, window_params = [{transform_indices = @transform_0, window_bounds = array<i64: 4, 64, 4096>}, {transform_indices = @transform_1, window_bounds = array<i64: 4, 4096, 128>}, {transform_indices = @transform_2, window_bounds = array<i64: 1, 4, 4096>}, {transform_indices = @transform_3, window_bounds = array<i64: 2>}, {transform_indices = @transform_4, window_bounds = array<i64: 2>}]} {
    %eq3A = arith.constant 0 : i32
    %eq3A_0 = arith.cmpi eq, %arg0, %eq3A : i32
    %convert_element_type3A = arith.extui %eq3A_0 : i1 to i32
    %cond3A = arith.constant 0 : i32
    %cond3A_1 = arith.cmpi ne, %convert_element_type3A, %cond3A : i32
    scf.if %cond3A_1 {
      %get3A_65 = arith.constant 0 : index
      %get3A_66 = memref.load %arg4[%get3A_65] : memref<2xf32, #tpu.memory_space<smem>>
      %swap3A_67 = arith.constant 0 : index
      %swap3A_68 = memref.load %arg6[%swap3A_67] : memref<1xf32, #tpu.memory_space<smem>>
      memref.store %get3A_66, %arg6[%swap3A_67] : memref<1xf32, #tpu.memory_space<smem>>
      %get3A_69 = arith.constant 1 : index
      %get3A_70 = memref.load %arg4[%get3A_69] : memref<2xf32, #tpu.memory_space<smem>>
      %swap3A_71 = arith.constant 0 : index
      %swap3A_72 = memref.load %arg7[%swap3A_71] : memref<1xf32, #tpu.memory_space<smem>>
      memref.store %get3A_70, %arg7[%swap3A_71] : memref<1xf32, #tpu.memory_space<smem>>
    } else {
    }
    %get3A = arith.constant 0 : index
    %get3A_2 = arith.constant 0 : index
    %get3A_3 = arith.constant 0 : index
    %get3A_4 = vector.load %arg1[%get3A, %get3A_2, %get3A_3] : memref<4x64x4096xf32, #tpu.memory_space<vmem>>, vector<4x64x4096xf32>
    %get3A_5 = arith.constant 0 : index
    %get3A_6 = arith.constant 0 : index
    %get3A_7 = arith.constant 0 : index
    %get3A_8 = vector.load %arg2[%get3A_5, %get3A_6, %get3A_7] : memref<4x4096x128xf32, #tpu.memory_space<vmem>>, vector<4x4096x128xf32>
    %transpose3A = tpu.transpose %get3A_8, [0, 2, 1] : vector<4x4096x128xf32> -> vector<4x128x4096xf32>
    %slice3A = vector.extract_strided_slice %transpose3A {offsets = [0, 0, 0], sizes = [4, 64, 4096], strides = [1, 1, 1]} : vector<4x128x4096xf32> to vector<4x64x4096xf32>
    %slice3A_9 = vector.extract_strided_slice %transpose3A {offsets = [0, 64, 0], sizes = [4, 64, 4096], strides = [1, 1, 1]} : vector<4x128x4096xf32> to vector<4x64x4096xf32>
    %mul3A = arith.mulf %get3A_4, %slice3A : vector<4x64x4096xf32>
    %reduce_sum3A = arith.constant dense<0.000000e+00> : vector<4x4096xf32>
    %reduce_sum3A_10 = vector.multi_reduction <add>, %mul3A, %reduce_sum3A [1] : vector<4x64x4096xf32> to vector<4x4096xf32>
    %mul3A_11 = arith.mulf %get3A_4, %slice3A_9 : vector<4x64x4096xf32>
    %reduce_sum3A_12 = arith.constant dense<0.000000e+00> : vector<4x4096xf32>
    %reduce_sum3A_13 = vector.multi_reduction <add>, %mul3A_11, %reduce_sum3A_12 [1] : vector<4x64x4096xf32> to vector<4x4096xf32>
    %get3A_14 = arith.constant 0 : index
    %get3A_15 = arith.constant 0 : index
    %get3A_16 = arith.constant 0 : index
    %get3A_17 = vector.load %arg3[%get3A_14, %get3A_15, %get3A_16] : memref<1x4x4096xi32, #tpu.memory_space<vmem>>, vector<1x4x4096xi32>
    %reshape3A = vector.shape_cast %get3A_17 : vector<1x4x4096xi32> to vector<4x4096xi32>
    %ne3A = arith.constant 0 : i32
    %ne3A_18 = vector.broadcast %ne3A : i32 to vector<4x4096xi32>
    %ne3A_19 = arith.cmpi ne, %reshape3A, %ne3A_18 : vector<4x4096xi32>
    %convert_element_type3A_20 = arith.extui %ne3A_19 : vector<4x4096xi1> to vector<4x4096xi32>
    %convert_element_type3A_21 = arith.sitofp %convert_element_type3A_20 : vector<4x4096xi32> to vector<4x4096xf32>
    %abs3A = math.absf %reduce_sum3A_10 : vector<4x4096xf32>
    %neg3A = arith.constant 0.000000e+00 : f32
    %neg3A_22 = vector.broadcast %neg3A : f32 to vector<4x4096xf32>
    %neg3A_23 = arith.subf %neg3A_22, %abs3A : vector<4x4096xf32>
    %exp3A = math.exp %neg3A_23 : vector<4x4096xf32>
    %log1p3A = math.log1p %exp3A : vector<4x4096xf32>
    %neg3A_24 = arith.constant 0.000000e+00 : f32
    %neg3A_25 = vector.broadcast %neg3A_24 : f32 to vector<4x4096xf32>
    %neg3A_26 = arith.subf %neg3A_25, %reduce_sum3A_10 : vector<4x4096xf32>
    %max3A = arith.constant 0.000000e+00 : f32
    %max3A_27 = vector.broadcast %max3A : f32 to vector<4x4096xf32>
    %max3A_28 = arith.maximumf %neg3A_26, %max3A_27 : vector<4x4096xf32>
    %add3A = arith.addf %log1p3A, %max3A_28 : vector<4x4096xf32>
    %abs3A_29 = math.absf %reduce_sum3A_13 : vector<4x4096xf32>
    %neg3A_30 = arith.constant 0.000000e+00 : f32
    %neg3A_31 = vector.broadcast %neg3A_30 : f32 to vector<4x4096xf32>
    %neg3A_32 = arith.subf %neg3A_31, %abs3A_29 : vector<4x4096xf32>
    %exp3A_33 = math.exp %neg3A_32 : vector<4x4096xf32>
    %log1p3A_34 = math.log1p %exp3A_33 : vector<4x4096xf32>
    %max3A_35 = arith.constant 0.000000e+00 : f32
    %max3A_36 = vector.broadcast %max3A_35 : f32 to vector<4x4096xf32>
    %max3A_37 = arith.maximumf %reduce_sum3A_13, %max3A_36 : vector<4x4096xf32>
    %add3A_38 = arith.addf %log1p3A_34, %max3A_37 : vector<4x4096xf32>
    %get3A_39 = arith.constant 0 : index
    %get3A_40 = memref.load %arg6[%get3A_39] : memref<1xf32, #tpu.memory_space<smem>>
    %add3A_41 = arith.addf %add3A, %add3A_38 : vector<4x4096xf32>
    %mul3A_42 = arith.mulf %add3A_41, %convert_element_type3A_21 : vector<4x4096xf32>
    %reduce_sum3A_43 = vector.shape_cast %mul3A_42 : vector<4x4096xf32> to vector<1x4x4096xf32>
    %reduce_sum3A_44 = arith.constant dense<0.000000e+00> : vector<1xf32>
    %reduce_sum3A_45 = vector.multi_reduction <add>, %reduce_sum3A_43, %reduce_sum3A_44 [1, 2] : vector<1x4x4096xf32> to vector<1xf32>
    %reduce_sum3A_46 = vector.shape_cast %reduce_sum3A_45 : vector<1xf32> to vector<1x1x1xf32>
    %reduce_sum3A_47 = vector.extract %reduce_sum3A_46[0, 0, 0] : f32 from vector<1x1x1xf32>
    %add3A_48 = arith.addf %get3A_40, %reduce_sum3A_47 : f32
    %swap3A = arith.constant 0 : index
    %swap3A_49 = memref.load %arg6[%swap3A] : memref<1xf32, #tpu.memory_space<smem>>
    memref.store %add3A_48, %arg6[%swap3A] : memref<1xf32, #tpu.memory_space<smem>>
    %get3A_50 = arith.constant 0 : index
    %get3A_51 = memref.load %arg7[%get3A_50] : memref<1xf32, #tpu.memory_space<smem>>
    %reduce_sum3A_52 = vector.shape_cast %convert_element_type3A_21 : vector<4x4096xf32> to vector<1x4x4096xf32>
    %reduce_sum3A_53 = arith.constant dense<0.000000e+00> : vector<1xf32>
    %reduce_sum3A_54 = vector.multi_reduction <add>, %reduce_sum3A_52, %reduce_sum3A_53 [1, 2] : vector<1x4x4096xf32> to vector<1xf32>
    %reduce_sum3A_55 = vector.shape_cast %reduce_sum3A_54 : vector<1xf32> to vector<1x1x1xf32>
    %reduce_sum3A_56 = vector.extract %reduce_sum3A_55[0, 0, 0] : f32 from vector<1x1x1xf32>
    %add3A_57 = arith.addf %get3A_51, %reduce_sum3A_56 : f32
    %swap3A_58 = arith.constant 0 : index
    %swap3A_59 = memref.load %arg7[%swap3A_58] : memref<1xf32, #tpu.memory_space<smem>>
    memref.store %add3A_57, %arg7[%swap3A_58] : memref<1xf32, #tpu.memory_space<smem>>
    %eq3A_60 = arith.constant 13 : i32
    %eq3A_61 = arith.cmpi eq, %arg0, %eq3A_60 : i32
    %convert_element_type3A_62 = arith.extui %eq3A_61 : i1 to i32
    %cond3A_63 = arith.constant 0 : i32
    %cond3A_64 = arith.cmpi ne, %convert_element_type3A_62, %cond3A_63 : i32
    scf.if %cond3A_64 {
      %get3A_65 = arith.constant 0 : index
      %get3A_66 = memref.load %arg6[%get3A_65] : memref<1xf32, #tpu.memory_space<smem>>
      %swap3A_67 = arith.constant 0 : index
      %swap3A_68 = memref.load %arg5[%swap3A_67] : memref<2xf32, #tpu.memory_space<smem>>
      memref.store %get3A_66, %arg5[%swap3A_67] : memref<2xf32, #tpu.memory_space<smem>>
      %get3A_69 = arith.constant 0 : index
      %get3A_70 = memref.load %arg7[%get3A_69] : memref<1xf32, #tpu.memory_space<smem>>
      %swap3A_71 = arith.constant 1 : index
      %swap3A_72 = memref.load %arg5[%swap3A_71] : memref<2xf32, #tpu.memory_space<smem>>
      memref.store %get3A_70, %arg5[%swap3A_71] : memref<2xf32, #tpu.memory_space<smem>>
    } else {
    }
    return
  }
  func.func @transform_0(%arg0: i32) -> (i32, i32, i32) {
    %add3A = arith.constant 8 : i32
    %add3A_0 = arith.addi %arg0, %add3A : i32
    %c0_i32 = arith.constant 0 : i32
    %c0_i32_1 = arith.constant 0 : i32
    %c0_i32_2 = arith.constant 0 : i32
    return %add3A_0, %c0_i32, %c0_i32_1 : i32, i32, i32
  }
  func.func @transform_1(%arg0: i32) -> (i32, i32, i32) {
    %c0_i32 = arith.constant 0 : i32
    %c0_i32_0 = arith.constant 0 : i32
    %c0_i32_1 = arith.constant 0 : i32
    return %arg0, %c0_i32, %c0_i32_0 : i32, i32, i32
  }
  func.func @transform_2(%arg0: i32) -> (i32, i32, i32) {
    %add3A = arith.constant 8 : i32
    %add3A_0 = arith.addi %arg0, %add3A : i32
    %c0_i32 = arith.constant 0 : i32
    %c0_i32_1 = arith.constant 0 : i32
    %c0_i32_2 = arith.constant 0 : i32
    return %add3A_0, %c0_i32, %c0_i32_1 : i32, i32, i32
  }
  func.func @transform_3(%arg0: i32) -> i32 {
    %c0_i32 = arith.constant 0 : i32
    %c0_i32_0 = arith.constant 0 : i32
    return %c0_i32 : i32
  }
  func.func @transform_4(%arg0: i32) -> i32 {
    %c0_i32 = arith.constant 0 : i32
    %c0_i32_0 = arith.constant 0 : i32
    return %c0_i32 : i32
  }
}

module attributes {stable_mosaic.version = 14 : i64} {
  func.func @body(%arg0: i32, %arg1: memref<4x64x4096xf32, #tpu.memory_space<vmem>>, %arg2: memref<4x4096x128xf32, #tpu.memory_space<vmem>>, %arg3: memref<1x4x4096xi32, #tpu.memory_space<vmem>>, %arg4: memref<2xf32, #tpu.memory_space<smem>>, %arg5: memref<2xf32, #tpu.memory_space<smem>>, %arg6: memref<1xf32, #tpu.memory_space<smem>>, %arg7: memref<1xf32, #tpu.memory_space<smem>>) attributes {dimension_semantics = [#tpu.dimension_semantics<arbitrary>], iteration_bounds = array<i64: 14>, scalar_prefetch = 0 : i64, scratch_operands = 2 : i64, tpu.core_type = #tpu.core_type<tc>, window_params = [{transform_indices = @transform_0, window_bounds = array<i64: 4, 64, 4096>}, {transform_indices = @transform_1, window_bounds = array<i64: 4, 4096, 128>}, {transform_indices = @transform_2, window_bounds = array<i64: 1, 4, 4096>}, {transform_indices = @transform_3, window_bounds = array<i64: 2>}, {transform_indices = @transform_4, window_bounds = array<i64: 2>}]} {
    %eq3A = arith.constant 0 : i32
    %eq3A_0 = arith.cmpi eq, %arg0, %eq3A : i32
    %convert_element_type3A = arith.extui %eq3A_0 : i1 to i32
    %cond3A = arith.constant 0 : i32
    %cond3A_1 = arith.cmpi ne, %convert_element_type3A, %cond3A : i32
    scf.if %cond3A_1 {
      %get3A_65 = arith.constant 0 : index
      %get3A_66 = memref.load %arg4[%get3A_65] : memref<2xf32, #tpu.memory_space<smem>>
      %swap3A_67 = arith.constant 0 : index
      %swap3A_68 = memref.load %arg6[%swap3A_67] : memref<1xf32, #tpu.memory_space<smem>>
      memref.store %get3A_66, %arg6[%swap3A_67] : memref<1xf32, #tpu.memory_space<smem>>
      %get3A_69 = arith.constant 1 : index
      %get3A_70 = memref.load %arg4[%get3A_69] : memref<2xf32, #tpu.memory_space<smem>>
      %swap3A_71 = arith.constant 0 : index
      %swap3A_72 = memref.load %arg7[%swap3A_71] : memref<1xf32, #tpu.memory_space<smem>>
      memref.store %get3A_70, %arg7[%swap3A_71] : memref<1xf32, #tpu.memory_space<smem>>
    } else {
    }
    %get3A = arith.constant 0 : index
    %get3A_2 = arith.constant 0 : index
    %get3A_3 = arith.constant 0 : index
    %get3A_4 = vector.load %arg1[%get3A, %get3A_2, %get3A_3] : memref<4x64x4096xf32, #tpu.memory_space<vmem>>, vector<4x64x4096xf32>
    %get3A_5 = arith.constant 0 : index
    %get3A_6 = arith.constant 0 : index
    %get3A_7 = arith.constant 0 : index
    %get3A_8 = vector.load %arg2[%get3A_5, %get3A_6, %get3A_7] : memref<4x4096x128xf32, #tpu.memory_space<vmem>>, vector<4x4096x128xf32>
    %transpose3A = tpu.transpose %get3A_8, [0, 2, 1] : vector<4x4096x128xf32> -> vector<4x128x4096xf32>
    %slice3A = vector.extract_strided_slice %transpose3A {offsets = [0, 0, 0], sizes = [4, 64, 4096], strides = [1, 1, 1]} : vector<4x128x4096xf32> to vector<4x64x4096xf32>
    %slice3A_9 = vector.extract_strided_slice %transpose3A {offsets = [0, 64, 0], sizes = [4, 64, 4096], strides = [1, 1, 1]} : vector<4x128x4096xf32> to vector<4x64x4096xf32>
    %mul3A = arith.mulf %get3A_4, %slice3A : vector<4x64x4096xf32>
    %reduce_sum3A = arith.constant dense<0.000000e+00> : vector<4x4096xf32>
    %reduce_sum3A_10 = vector.multi_reduction <add>, %mul3A, %reduce_sum3A [1] : vector<4x64x4096xf32> to vector<4x4096xf32>
    %mul3A_11 = arith.mulf %get3A_4, %slice3A_9 : vector<4x64x4096xf32>
    %reduce_sum3A_12 = arith.constant dense<0.000000e+00> : vector<4x4096xf32>
    %reduce_sum3A_13 = vector.multi_reduction <add>, %mul3A_11, %reduce_sum3A_12 [1] : vector<4x64x4096xf32> to vector<4x4096xf32>
    %get3A_14 = arith.constant 0 : index
    %get3A_15 = arith.constant 0 : index
    %get3A_16 = arith.constant 0 : index
    %get3A_17 = vector.load %arg3[%get3A_14, %get3A_15, %get3A_16] : memref<1x4x4096xi32, #tpu.memory_space<vmem>>, vector<1x4x4096xi32>
    %reshape3A = vector.shape_cast %get3A_17 : vector<1x4x4096xi32> to vector<4x4096xi32>
    %ne3A = arith.constant 0 : i32
    %ne3A_18 = vector.broadcast %ne3A : i32 to vector<4x4096xi32>
    %ne3A_19 = arith.cmpi ne, %reshape3A, %ne3A_18 : vector<4x4096xi32>
    %convert_element_type3A_20 = arith.extui %ne3A_19 : vector<4x4096xi1> to vector<4x4096xi32>
    %convert_element_type3A_21 = arith.sitofp %convert_element_type3A_20 : vector<4x4096xi32> to vector<4x4096xf32>
    %abs3A = math.absf %reduce_sum3A_10 : vector<4x4096xf32>
    %neg3A = arith.constant 0.000000e+00 : f32
    %neg3A_22 = vector.broadcast %neg3A : f32 to vector<4x4096xf32>
    %neg3A_23 = arith.subf %neg3A_22, %abs3A : vector<4x4096xf32>
    %exp3A = math.exp %neg3A_23 : vector<4x4096xf32>
    %log1p3A = math.log1p %exp3A : vector<4x4096xf32>
    %neg3A_24 = arith.constant 0.000000e+00 : f32
    %neg3A_25 = vector.broadcast %neg3A_24 : f32 to vector<4x4096xf32>
    %neg3A_26 = arith.subf %neg3A_25, %reduce_sum3A_10 : vector<4x4096xf32>
    %max3A = arith.constant 0.000000e+00 : f32
    %max3A_27 = vector.broadcast %max3A : f32 to vector<4x4096xf32>
    %max3A_28 = arith.maximumf %neg3A_26, %max3A_27 : vector<4x4096xf32>
    %add3A = arith.addf %log1p3A, %max3A_28 : vector<4x4096xf32>
    %abs3A_29 = math.absf %reduce_sum3A_13 : vector<4x4096xf32>
    %neg3A_30 = arith.constant 0.000000e+00 : f32
    %neg3A_31 = vector.broadcast %neg3A_30 : f32 to vector<4x4096xf32>
    %neg3A_32 = arith.subf %neg3A_31, %abs3A_29 : vector<4x4096xf32>
    %exp3A_33 = math.exp %neg3A_32 : vector<4x4096xf32>
    %log1p3A_34 = math.log1p %exp3A_33 : vector<4x4096xf32>
    %max3A_35 = arith.constant 0.000000e+00 : f32
    %max3A_36 = vector.broadcast %max3A_35 : f32 to vector<4x4096xf32>
    %max3A_37 = arith.maximumf %reduce_sum3A_13, %max3A_36 : vector<4x4096xf32>
    %add3A_38 = arith.addf %log1p3A_34, %max3A_37 : vector<4x4096xf32>
    %get3A_39 = arith.constant 0 : index
    %get3A_40 = memref.load %arg6[%get3A_39] : memref<1xf32, #tpu.memory_space<smem>>
    %add3A_41 = arith.addf %add3A, %add3A_38 : vector<4x4096xf32>
    %mul3A_42 = arith.mulf %add3A_41, %convert_element_type3A_21 : vector<4x4096xf32>
    %reduce_sum3A_43 = vector.shape_cast %mul3A_42 : vector<4x4096xf32> to vector<1x4x4096xf32>
    %reduce_sum3A_44 = arith.constant dense<0.000000e+00> : vector<1xf32>
    %reduce_sum3A_45 = vector.multi_reduction <add>, %reduce_sum3A_43, %reduce_sum3A_44 [1, 2] : vector<1x4x4096xf32> to vector<1xf32>
    %reduce_sum3A_46 = vector.shape_cast %reduce_sum3A_45 : vector<1xf32> to vector<1x1x1xf32>
    %reduce_sum3A_47 = vector.extract %reduce_sum3A_46[0, 0, 0] : f32 from vector<1x1x1xf32>
    %add3A_48 = arith.addf %get3A_40, %reduce_sum3A_47 : f32
    %swap3A = arith.constant 0 : index
    %swap3A_49 = memref.load %arg6[%swap3A] : memref<1xf32, #tpu.memory_space<smem>>
    memref.store %add3A_48, %arg6[%swap3A] : memref<1xf32, #tpu.memory_space<smem>>
    %get3A_50 = arith.constant 0 : index
    %get3A_51 = memref.load %arg7[%get3A_50] : memref<1xf32, #tpu.memory_space<smem>>
    %reduce_sum3A_52 = vector.shape_cast %convert_element_type3A_21 : vector<4x4096xf32> to vector<1x4x4096xf32>
    %reduce_sum3A_53 = arith.constant dense<0.000000e+00> : vector<1xf32>
    %reduce_sum3A_54 = vector.multi_reduction <add>, %reduce_sum3A_52, %reduce_sum3A_53 [1, 2] : vector<1x4x4096xf32> to vector<1xf32>
    %reduce_sum3A_55 = vector.shape_cast %reduce_sum3A_54 : vector<1xf32> to vector<1x1x1xf32>
    %reduce_sum3A_56 = vector.extract %reduce_sum3A_55[0, 0, 0] : f32 from vector<1x1x1xf32>
    %add3A_57 = arith.addf %get3A_51, %reduce_sum3A_56 : f32
    %swap3A_58 = arith.constant 0 : index
    %swap3A_59 = memref.load %arg7[%swap3A_58] : memref<1xf32, #tpu.memory_space<smem>>
    memref.store %add3A_57, %arg7[%swap3A_58] : memref<1xf32, #tpu.memory_space<smem>>
    %eq3A_60 = arith.constant 13 : i32
    %eq3A_61 = arith.cmpi eq, %arg0, %eq3A_60 : i32
    %convert_element_type3A_62 = arith.extui %eq3A_61 : i1 to i32
    %cond3A_63 = arith.constant 0 : i32
    %cond3A_64 = arith.cmpi ne, %convert_element_type3A_62, %cond3A_63 : i32
    scf.if %cond3A_64 {
      %get3A_65 = arith.constant 0 : index
      %get3A_66 = memref.load %arg6[%get3A_65] : memref<1xf32, #tpu.memory_space<smem>>
      %swap3A_67 = arith.constant 0 : index
      %swap3A_68 = memref.load %arg5[%swap3A_67] : memref<2xf32, #tpu.memory_space<smem>>
      memref.store %get3A_66, %arg5[%swap3A_67] : memref<2xf32, #tpu.memory_space<smem>>
      %get3A_69 = arith.constant 0 : index
      %get3A_70 = memref.load %arg7[%get3A_69] : memref<1xf32, #tpu.memory_space<smem>>
      %swap3A_71 = arith.constant 1 : index
      %swap3A_72 = memref.load %arg5[%swap3A_71] : memref<2xf32, #tpu.memory_space<smem>>
      memref.store %get3A_70, %arg5[%swap3A_71] : memref<2xf32, #tpu.memory_space<smem>>
    } else {
    }
    return
  }
  func.func @transform_0(%arg0: i32) -> (i32, i32, i32) {
    %add3A = arith.constant 22 : i32
    %add3A_0 = arith.addi %arg0, %add3A : i32
    %c0_i32 = arith.constant 0 : i32
    %c0_i32_1 = arith.constant 0 : i32
    %c0_i32_2 = arith.constant 0 : i32
    return %add3A_0, %c0_i32, %c0_i32_1 : i32, i32, i32
  }
  func.func @transform_1(%arg0: i32) -> (i32, i32, i32) {
    %c0_i32 = arith.constant 0 : i32
    %c0_i32_0 = arith.constant 0 : i32
    %c0_i32_1 = arith.constant 0 : i32
    return %arg0, %c0_i32, %c0_i32_0 : i32, i32, i32
  }
  func.func @transform_2(%arg0: i32) -> (i32, i32, i32) {
    %add3A = arith.constant 22 : i32
    %add3A_0 = arith.addi %arg0, %add3A : i32
    %c0_i32 = arith.constant 0 : i32
    %c0_i32_1 = arith.constant 0 : i32
    %c0_i32_2 = arith.constant 0 : i32
    return %add3A_0, %c0_i32, %c0_i32_1 : i32, i32, i32
  }
  func.func @transform_3(%arg0: i32) -> i32 {
    %c0_i32 = arith.constant 0 : i32
    %c0_i32_0 = arith.constant 0 : i32
    return %c0_i32 : i32
  }
  func.func @transform_4(%arg0: i32) -> i32 {
    %c0_i32 = arith.constant 0 : i32
    %c0_i32_0 = arith.constant 0 : i32
    return %c0_i32 : i32
  }
}

module attributes {stable_mosaic.version = 14 : i64} {
  func.func @body(%arg0: i32, %arg1: memref<4x64x4096xf32, #tpu.memory_space<vmem>>, %arg2: memref<4x4096x128xf32, #tpu.memory_space<vmem>>, %arg3: memref<1x4x4096xi32, #tpu.memory_space<vmem>>, %arg4: memref<2xf32, #tpu.memory_space<smem>>, %arg5: memref<2xf32, #tpu.memory_space<smem>>, %arg6: memref<1xf32, #tpu.memory_space<smem>>, %arg7: memref<1xf32, #tpu.memory_space<smem>>) attributes {dimension_semantics = [#tpu.dimension_semantics<arbitrary>], iteration_bounds = array<i64: 14>, scalar_prefetch = 0 : i64, scratch_operands = 2 : i64, tpu.core_type = #tpu.core_type<tc>, window_params = [{transform_indices = @transform_0, window_bounds = array<i64: 4, 64, 4096>}, {transform_indices = @transform_1, window_bounds = array<i64: 4, 4096, 128>}, {transform_indices = @transform_2, window_bounds = array<i64: 1, 4, 4096>}, {transform_indices = @transform_3, window_bounds = array<i64: 2>}, {transform_indices = @transform_4, window_bounds = array<i64: 2>}]} {
    %eq3A = arith.constant 0 : i32
    %eq3A_0 = arith.cmpi eq, %arg0, %eq3A : i32
    %convert_element_type3A = arith.extui %eq3A_0 : i1 to i32
    %cond3A = arith.constant 0 : i32
    %cond3A_1 = arith.cmpi ne, %convert_element_type3A, %cond3A : i32
    scf.if %cond3A_1 {
      %get3A_65 = arith.constant 0 : index
      %get3A_66 = memref.load %arg4[%get3A_65] : memref<2xf32, #tpu.memory_space<smem>>
      %swap3A_67 = arith.constant 0 : index
      %swap3A_68 = memref.load %arg6[%swap3A_67] : memref<1xf32, #tpu.memory_space<smem>>
      memref.store %get3A_66, %arg6[%swap3A_67] : memref<1xf32, #tpu.memory_space<smem>>
      %get3A_69 = arith.constant 1 : index
      %get3A_70 = memref.load %arg4[%get3A_69] : memref<2xf32, #tpu.memory_space<smem>>
      %swap3A_71 = arith.constant 0 : index
      %swap3A_72 = memref.load %arg7[%swap3A_71] : memref<1xf32, #tpu.memory_space<smem>>
      memref.store %get3A_70, %arg7[%swap3A_71] : memref<1xf32, #tpu.memory_space<smem>>
    } else {
    }
    %get3A = arith.constant 0 : index
    %get3A_2 = arith.constant 0 : index
    %get3A_3 = arith.constant 0 : index
    %get3A_4 = vector.load %arg1[%get3A, %get3A_2, %get3A_3] : memref<4x64x4096xf32, #tpu.memory_space<vmem>>, vector<4x64x4096xf32>
    %get3A_5 = arith.constant 0 : index
    %get3A_6 = arith.constant 0 : index
    %get3A_7 = arith.constant 0 : index
    %get3A_8 = vector.load %arg2[%get3A_5, %get3A_6, %get3A_7] : memref<4x4096x128xf32, #tpu.memory_space<vmem>>, vector<4x4096x128xf32>
    %transpose3A = tpu.transpose %get3A_8, [0, 2, 1] : vector<4x4096x128xf32> -> vector<4x128x4096xf32>
    %slice3A = vector.extract_strided_slice %transpose3A {offsets = [0, 0, 0], sizes = [4, 64, 4096], strides = [1, 1, 1]} : vector<4x128x4096xf32> to vector<4x64x4096xf32>
    %slice3A_9 = vector.extract_strided_slice %transpose3A {offsets = [0, 64, 0], sizes = [4, 64, 4096], strides = [1, 1, 1]} : vector<4x128x4096xf32> to vector<4x64x4096xf32>
    %mul3A = arith.mulf %get3A_4, %slice3A : vector<4x64x4096xf32>
    %reduce_sum3A = arith.constant dense<0.000000e+00> : vector<4x4096xf32>
    %reduce_sum3A_10 = vector.multi_reduction <add>, %mul3A, %reduce_sum3A [1] : vector<4x64x4096xf32> to vector<4x4096xf32>
    %mul3A_11 = arith.mulf %get3A_4, %slice3A_9 : vector<4x64x4096xf32>
    %reduce_sum3A_12 = arith.constant dense<0.000000e+00> : vector<4x4096xf32>
    %reduce_sum3A_13 = vector.multi_reduction <add>, %mul3A_11, %reduce_sum3A_12 [1] : vector<4x64x4096xf32> to vector<4x4096xf32>
    %get3A_14 = arith.constant 0 : index
    %get3A_15 = arith.constant 0 : index
    %get3A_16 = arith.constant 0 : index
    %get3A_17 = vector.load %arg3[%get3A_14, %get3A_15, %get3A_16] : memref<1x4x4096xi32, #tpu.memory_space<vmem>>, vector<1x4x4096xi32>
    %reshape3A = vector.shape_cast %get3A_17 : vector<1x4x4096xi32> to vector<4x4096xi32>
    %ne3A = arith.constant 0 : i32
    %ne3A_18 = vector.broadcast %ne3A : i32 to vector<4x4096xi32>
    %ne3A_19 = arith.cmpi ne, %reshape3A, %ne3A_18 : vector<4x4096xi32>
    %convert_element_type3A_20 = arith.extui %ne3A_19 : vector<4x4096xi1> to vector<4x4096xi32>
    %convert_element_type3A_21 = arith.sitofp %convert_element_type3A_20 : vector<4x4096xi32> to vector<4x4096xf32>
    %abs3A = math.absf %reduce_sum3A_10 : vector<4x4096xf32>
    %neg3A = arith.constant 0.000000e+00 : f32
    %neg3A_22 = vector.broadcast %neg3A : f32 to vector<4x4096xf32>
    %neg3A_23 = arith.subf %neg3A_22, %abs3A : vector<4x4096xf32>
    %exp3A = math.exp %neg3A_23 : vector<4x4096xf32>
    %log1p3A = math.log1p %exp3A : vector<4x4096xf32>
    %neg3A_24 = arith.constant 0.000000e+00 : f32
    %neg3A_25 = vector.broadcast %neg3A_24 : f32 to vector<4x4096xf32>
    %neg3A_26 = arith.subf %neg3A_25, %reduce_sum3A_10 : vector<4x4096xf32>
    %max3A = arith.constant 0.000000e+00 : f32
    %max3A_27 = vector.broadcast %max3A : f32 to vector<4x4096xf32>
    %max3A_28 = arith.maximumf %neg3A_26, %max3A_27 : vector<4x4096xf32>
    %add3A = arith.addf %log1p3A, %max3A_28 : vector<4x4096xf32>
    %abs3A_29 = math.absf %reduce_sum3A_13 : vector<4x4096xf32>
    %neg3A_30 = arith.constant 0.000000e+00 : f32
    %neg3A_31 = vector.broadcast %neg3A_30 : f32 to vector<4x4096xf32>
    %neg3A_32 = arith.subf %neg3A_31, %abs3A_29 : vector<4x4096xf32>
    %exp3A_33 = math.exp %neg3A_32 : vector<4x4096xf32>
    %log1p3A_34 = math.log1p %exp3A_33 : vector<4x4096xf32>
    %max3A_35 = arith.constant 0.000000e+00 : f32
    %max3A_36 = vector.broadcast %max3A_35 : f32 to vector<4x4096xf32>
    %max3A_37 = arith.maximumf %reduce_sum3A_13, %max3A_36 : vector<4x4096xf32>
    %add3A_38 = arith.addf %log1p3A_34, %max3A_37 : vector<4x4096xf32>
    %get3A_39 = arith.constant 0 : index
    %get3A_40 = memref.load %arg6[%get3A_39] : memref<1xf32, #tpu.memory_space<smem>>
    %add3A_41 = arith.addf %add3A, %add3A_38 : vector<4x4096xf32>
    %mul3A_42 = arith.mulf %add3A_41, %convert_element_type3A_21 : vector<4x4096xf32>
    %reduce_sum3A_43 = vector.shape_cast %mul3A_42 : vector<4x4096xf32> to vector<1x4x4096xf32>
    %reduce_sum3A_44 = arith.constant dense<0.000000e+00> : vector<1xf32>
    %reduce_sum3A_45 = vector.multi_reduction <add>, %reduce_sum3A_43, %reduce_sum3A_44 [1, 2] : vector<1x4x4096xf32> to vector<1xf32>
    %reduce_sum3A_46 = vector.shape_cast %reduce_sum3A_45 : vector<1xf32> to vector<1x1x1xf32>
    %reduce_sum3A_47 = vector.extract %reduce_sum3A_46[0, 0, 0] : f32 from vector<1x1x1xf32>
    %add3A_48 = arith.addf %get3A_40, %reduce_sum3A_47 : f32
    %swap3A = arith.constant 0 : index
    %swap3A_49 = memref.load %arg6[%swap3A] : memref<1xf32, #tpu.memory_space<smem>>
    memref.store %add3A_48, %arg6[%swap3A] : memref<1xf32, #tpu.memory_space<smem>>
    %get3A_50 = arith.constant 0 : index
    %get3A_51 = memref.load %arg7[%get3A_50] : memref<1xf32, #tpu.memory_space<smem>>
    %reduce_sum3A_52 = vector.shape_cast %convert_element_type3A_21 : vector<4x4096xf32> to vector<1x4x4096xf32>
    %reduce_sum3A_53 = arith.constant dense<0.000000e+00> : vector<1xf32>
    %reduce_sum3A_54 = vector.multi_reduction <add>, %reduce_sum3A_52, %reduce_sum3A_53 [1, 2] : vector<1x4x4096xf32> to vector<1xf32>
    %reduce_sum3A_55 = vector.shape_cast %reduce_sum3A_54 : vector<1xf32> to vector<1x1x1xf32>
    %reduce_sum3A_56 = vector.extract %reduce_sum3A_55[0, 0, 0] : f32 from vector<1x1x1xf32>
    %add3A_57 = arith.addf %get3A_51, %reduce_sum3A_56 : f32
    %swap3A_58 = arith.constant 0 : index
    %swap3A_59 = memref.load %arg7[%swap3A_58] : memref<1xf32, #tpu.memory_space<smem>>
    memref.store %add3A_57, %arg7[%swap3A_58] : memref<1xf32, #tpu.memory_space<smem>>
    %eq3A_60 = arith.constant 13 : i32
    %eq3A_61 = arith.cmpi eq, %arg0, %eq3A_60 : i32
    %convert_element_type3A_62 = arith.extui %eq3A_61 : i1 to i32
    %cond3A_63 = arith.constant 0 : i32
    %cond3A_64 = arith.cmpi ne, %convert_element_type3A_62, %cond3A_63 : i32
    scf.if %cond3A_64 {
      %get3A_65 = arith.constant 0 : index
      %get3A_66 = memref.load %arg6[%get3A_65] : memref<1xf32, #tpu.memory_space<smem>>
      %get3A_67 = arith.constant 0 : index
      %get3A_68 = memref.load %arg7[%get3A_67] : memref<1xf32, #tpu.memory_space<smem>>
      %mul3A_69 = arith.constant 2.000000e+00 : f32
      %mul3A_70 = arith.mulf %mul3A_69, %get3A_68 : f32
      %div3A = arith.divf %get3A_66, %mul3A_70 : f32
      %swap3A_71 = arith.constant 0 : index
      %swap3A_72 = memref.load %arg5[%swap3A_71] : memref<2xf32, #tpu.memory_space<smem>>
      memref.store %div3A, %arg5[%swap3A_71] : memref<2xf32, #tpu.memory_space<smem>>
      %swap3A_73 = arith.constant 0.000000e+00 : f32
      %swap3A_74 = arith.constant 1 : index
      %swap3A_75 = memref.load %arg5[%swap3A_74] : memref<2xf32, #tpu.memory_space<smem>>
      memref.store %swap3A_73, %arg5[%swap3A_74] : memref<2xf32, #tpu.memory_space<smem>>
    } else {
    }
    return
  }
  func.func @transform_0(%arg0: i32) -> (i32, i32, i32) {
    %add3A = arith.constant 36 : i32
    %add3A_0 = arith.addi %arg0, %add3A : i32
    %c0_i32 = arith.constant 0 : i32
    %c0_i32_1 = arith.constant 0 : i32
    %c0_i32_2 = arith.constant 0 : i32
    return %add3A_0, %c0_i32, %c0_i32_1 : i32, i32, i32
  }
  func.func @transform_1(%arg0: i32) -> (i32, i32, i32) {
    %c0_i32 = arith.constant 0 : i32
    %c0_i32_0 = arith.constant 0 : i32
    %c0_i32_1 = arith.constant 0 : i32
    return %arg0, %c0_i32, %c0_i32_0 : i32, i32, i32
  }
  func.func @transform_2(%arg0: i32) -> (i32, i32, i32) {
    %add3A = arith.constant 36 : i32
    %add3A_0 = arith.addi %arg0, %add3A : i32
    %c0_i32 = arith.constant 0 : i32
    %c0_i32_1 = arith.constant 0 : i32
    %c0_i32_2 = arith.constant 0 : i32
    return %add3A_0, %c0_i32, %c0_i32_1 : i32, i32, i32
  }
  func.func @transform_3(%arg0: i32) -> i32 {
    %c0_i32 = arith.constant 0 : i32
    %c0_i32_0 = arith.constant 0 : i32
    return %c0_i32 : i32
  }
  func.func @transform_4(%arg0: i32) -> i32 {
    %c0_i32 = arith.constant 0 : i32
    %c0_i32_0 = arith.constant 0 : i32
    return %c0_i32 : i32
  }
}

</mosaic_0001>

<sc_bundles>
// kernel: _run.10.cloned.1.call-start
scs
__scs_entry_jumppad:
0x0: {  	(pc) =	sbr.rel $0x88, $3  }
0x1: {  	(tag) =	ssettag $0x0;
	lr =	simm.s32 $0x1  }
0x2: {  	[smem:$0x3F9D] =	sst lr;
	_ =	strace $0xD0000000  }
0x3: {  	_ = 	snop  }
0x4: {  	_ = 	snop  }
0x5: {  	_ = 	snop  }
0x6: {  	_ = 	snop  }
0x7: {  	_ = 	snop  }
__scs_overlays_trampoline_lowered:
0x8: {  	[smem:$0x3FAC] =	sst s0  }
0x9: {  	[smem:$0x3FAD] =	sst s1  }
0xa: {  	[smem:$0x3FAE] =	sst s2  }
0xb: {  	[smem:$0x3FAF] =	sst s3  }
0xc: {  	[smem:$0x3FB0] =	sst s4  }
0xd: {  	[smem:$0x3FB1] =	sst s5  }
0xe: {  	[smem:$0x3FB2] =	sst s6  }
0xf: {  	[smem:$0x3FB3] =	sst s7  }
0x10: {  	[smem:$0x3FB4] =	sst s8  }
0x11: {  	[smem:$0x3FB5] =	sst s9;
	s0 =	simm.s32 @!p0 $0x0  }
0x12: {  	s1 =	sld [smem:$0x3F9B];
	s0 =	simm.s32 @p0 $0x1  }
0x13: {  	[smem:$0x3FB6] =	sst s0;
	s0 =	simm.s32 @!p1 $0x0  }
0x14: {  	s2 =	sld [smem:$0x3F9A];
	s0 =	simm.s32 @p1 $0x1  }
0x15: {  	[smem:$0x3FB7] =	sst s0;
	s0 =	simm.s32 @!p2 $0x0  }
0x16: {  	s3 =	sld [smem:$0x3FDB];
	s0 =	simm.s32 @p2 $0x1  }
0x17: {  	s4 =	simm.s32 $0x1BF5;
	[smem:$0x3FB9] =	sst s0  }
0x18: {  	s0 =	sld [smem:$0x3F9C];
	_ =	swait.ge [sflag:s4], $0x0  }
0x19: {  	s7 =	sld [smem:$0x3F9D]  }
0x1a: {  	s8 =	sadd.s32 $0xFFFFE003, lr  }
0x1b: {  	s9 =	sadd.s32 $0xFFFFFEF7, lr;
	s5 =	simm.s32 $0xFFFFFFFF;
	p2 =	slt.u32 s8, $0xFFFFF086  }
0x1c: {  	p1 =	slt.u32 s9, $0xF7A;
	s5 =	simm.s32 @!p2 $0x0  }
0x1d: {  	s5 =	simm.s32 @p1 $0x1;
	p0 =	seq.s32 s7, s2  }
0x1e: {  	s7 =	smul.u32 @!p0 $0xF7A, s2;
	p2 =	seq.s32 @!p0 s5, $0x0  }
0x1f: {  	s9 =	smul.u32 $0xF7A, s1;
	s8 =	simm.s32 @!p0 $0x1BF5;
	p2 =	por !p2, p0  }
0x20: {  	[sflag:s8] =	ssyncset.s32 @!p0 $0xFFFFF086;
	s6 =	sadd.s32 @!p0 s3, s7;
	s7 =	simm.s32 @!p0 $0x108  }
0x21: {  	s3 =	sadd.s32 s3, s9;
	s6 =	sadd.s32 @!p0 $0x88, s6;
	s7 =	simm.s32 @p2 $0x1082  }
0x22: {  	[simem:s7], [sflag:s8] =	dma.local @!p0 [hbm:s6], $0xF7A  }
0x23: {  	s9 =	sor.u32 $0xD0000000, s2;
	s6 =	simm.s32 $0x108;
	_ =	swait.ge @!p0 [sflag:s8], $0x0  }
0x24: {  	s3 =	sadd.s32 $0x88, s3;
	s6 =	simm.s32 @!p1 $0x1082;
	[sflag:s4] =	ssyncset.s32 $0xFFFFF086  }
0x25: {  	[simem:s6], [sflag:s4] =	dma.local [hbm:s3], $0xF7A  }
0x26: {  	[smem:$0x3F9D] =	sst s1;
	(tag) =	ssettag s2;
	_ =	strace s9  }
0x27: {  	s1 =	sld [smem:$0x3FAD]  }
0x28: {  	s2 =	sld [smem:$0x3FAE]  }
0x29: {  	s4 =	sld [smem:$0x3FB0]  }
0x2a: {  	p0 =	seq.s32 s5, $0x0;
	s5 =	sld [smem:$0x3FB1]  }
0x2b: {  	s6 =	sld [smem:$0x3FB2]  }
0x2c: {  	s7 =	sld [smem:$0x3FB3]  }
0x2d: {  	s3 =	simm.s32 $0x108;
	s8 =	sld [smem:$0x3FB4]  }
0x2e: {  	s3 =	simm.s32 @!p0 $0x1082;
	s9 =	sld [smem:$0x3FB5]  }
0x2f: {  	lr =	sadd.s32 s0, s3;
	s0 =	sld [smem:$0x3FAC]  }
0x30: {  	s3 =	sld [smem:$0x3FAF]  }
0x31: {  	[smem:$0x3FB8] =	sst s10  }
0x32: {  	s10 =	sld [smem:$0x3FB6];
	_ =	sdelay $0x3  }
0x33: {  	p0 =	seq.s32 s10, $0x1;
	s10 =	sld [smem:$0x3FB8];
	_ =	sdelay $0x3  }
0x34: {  	[smem:$0x3FB8] =	sst s10  }
0x35: {  	s10 =	sld [smem:$0x3FB7];
	_ =	sdelay $0x3  }
0x36: {  	p1 =	seq.s32 s10, $0x1;
	s10 =	sld [smem:$0x3FB8];
	_ =	sdelay $0x3  }
0x37: {  	[smem:$0x3FB8] =	sst s10  }
0x38: {  	s10 =	sld [smem:$0x3FB9]  }
0x39: {  	_ = 	snop;
	(pc) =	sbr.ind lr, $3  }
0x3a: {  	_ = 	snop  }
0x3b: {  	_ = 	snop  }
0x3c: {  	p2 =	seq.s32 s10, $0x1;
	s10 =	sld [smem:$0x3FB8]  }
0x3d: {  	_ =	shalt  }
0x3e: {  	_ =	shalt  }
0x3f: {  	_ =	shalt  }
0x40: {  	_ =	shalt  }
0x41: {  	_ =	shalt  }
0x42: {  	_ =	shalt  }
0x43: {  	_ =	shalt  }
0x44: {  	_ =	shalt  }
0x45: {  	_ =	shalt  }
0x46: {  	_ =	shalt  }
0x47: {  	_ =	shalt  }
0x48: {  	_ =	shalt  }
0x49: {  	_ =	shalt  }
0x4a: {  	_ =	shalt  }
0x4b: {  	_ =	shalt  }
0x4c: {  	_ =	shalt  }
0x4d: {  	_ =	shalt  }
0x4e: {  	_ =	shalt  }
0x4f: {  	_ =	shalt  }
0x50: {  	_ =	shalt  }
0x51: {  	_ =	shalt  }
0x52: {  	_ =	shalt  }
0x53: {  	_ =	shalt  }
0x54: {  	_ =	shalt  }
0x55: {  	_ =	shalt  }
0x56: {  	_ =	shalt  }
0x57: {  	_ =	shalt  }
0x58: {  	_ =	shalt  }
0x59: {  	_ =	shalt  }
0x5a: {  	_ =	shalt  }
0x5b: {  	_ =	shalt  }
0x5c: {  	_ =	shalt  }
0x5d: {  	_ =	shalt  }
0x5e: {  	_ =	shalt  }
0x5f: {  	_ =	shalt  }
0x60: {  	_ =	shalt  }
0x61: {  	_ =	shalt  }
0x62: {  	_ =	shalt  }
0x63: {  	_ =	shalt  }
0x64: {  	_ =	shalt  }
0x65: {  	_ =	shalt  }
0x66: {  	_ =	shalt  }
0x67: {  	_ =	shalt  }
0x68: {  	_ =	shalt  }
0x69: {  	_ =	shalt  }
0x6a: {  	_ =	shalt  }
0x6b: {  	_ =	shalt  }
0x6c: {  	_ =	shalt  }
0x6d: {  	_ =	shalt  }
0x6e: {  	_ =	shalt  }
0x6f: {  	_ =	shalt  }
0x70: {  	_ =	shalt  }
0x71: {  	_ =	shalt  }
0x72: {  	_ =	shalt  }
0x73: {  	_ =	shalt  }
0x74: {  	_ =	shalt  }
0x75: {  	_ =	shalt  }
0x76: {  	_ =	shalt  }
0x77: {  	_ =	shalt  }
0x78: {  	_ =	shalt  }
0x79: {  	_ =	shalt  }
0x7a: {  	_ =	shalt  }
0x7b: {  	_ =	shalt  }
0x7c: {  	_ =	shalt  }
0x7d: {  	_ =	shalt  }
0x7e: {  	_ =	shalt  }
0x7f: {  	_ =	shalt  }
0x80: {  	_ =	shalt  }
0x81: {  	_ =	shalt  }
0x82: {  	_ =	shalt  }
0x83: {  	_ =	shalt  }
0x84: {  	_ =	shalt  }
0x85: {  	_ =	shalt  }
0x86: {  	_ =	shalt  }
0x87: {  	_ =	shalt  }
.Lfunc_end0:
.L_simem_size_0:
called_computation_lowered:
.L_overlay_start_0:
0x88: {  	s2 =	sld [smem:$0x3FD9]  }
0x89: {  	s3 =	sld [smem:$0x3FFE];
	_ =	sdelay $0x1  }
0x8a: {  	s1 =	srdreg.scid  }
0x8b: {  	s0 =	sand.u32 $0x1, s1  }
0x8c: {  	s16 =	sshll.u32 s0, $0xA;
	s2 =	sadd.s32 s3, s2  }
0x8d: {  	s2 =	sadd.s32 s2, s16  }
0x8e: {  	[smem:$0x3FC4] =	sst s2  }
0x8f: {  	_ = 	snop  }
0x90: {  	(tm) =	ssettm $0x1  }
0x91: {  	s17 =	sld [smem:$0x3FFB];
	_ =	sdelay $0x3  }
0x92: {  	_ =	strace s17  }
0x93: {  	s2 =	sld [smem:$0x3FFC];
	_ =	sdelay $0x3  }
0x94: {  	_ =	strace s2  }
0x95: {  	s2 =	sld [smem:$0x3FFD];
	_ =	sdelay $0x3  }
0x96: {  	_ =	strace s2  }
0x97: {  	_ =	strace $0x8FFFFFFF  }
0x98: {  	s18 =	sld [smem:$0x3FDB];
	_ =	sdelay $0x1  }
0x99: {  	s19 =	simm.s32 $_scs_section_size  }
0x9a: {  	s4 =	simm.s32 $_size__tile_overlayer_lowered;
	s5 =	simm.s32 $_tile_overlayer_lowered  }
0x9b: {  	s22 =	simm.s32 $0x1BFF;
	s21 =	sshll.u32 s5, $0x1;
	s2 =	sadd.s32 s19, s18  }
0x9c: {  	s6 =	simm.s32 $0x0;
	s20 =	sshll.u32 s4, $0x1;
	s4 =	sadd.s32 s21, s2  }
0x9d: {  	[timem:s6], [sflag:s22] =	dma.local [hbm:s4], s20  }
0x9e: {  	_ =	swait.ge [sflag:s22], s20  }
0x9f: {  	s3 =	ssub.s32 $0x0, s20;
	[sflag:s22] =	ssyncset.done $0x0  }
0xa0: {  	[sflag:s22] =	ssyncadd.s32 s3;
	_ =	sdelay $0x1  }
0xa1: {  	s23 =	simm.s32 $0x1B8B  }
0xa2: {  	_ =	swait.ge [sflag:s23], $0x1  }
0xa3: {  	[sflag:s23] =	ssyncset.done $0x0  }
0xa4: {  	s25 =	simm.s32 $0x1B8E;
	s24 =	sld [smem:$0x3FFE];
	[sflag:s23] =	ssyncadd.s32 $0xFFFFFFFF  }
0xa5: {  	s26 =	simm.s32 $execute0_lowered;
	[smem:$0x3FD2] =	sst s25  }
0xa6: {  	s4 =	sshll.u32 s26, $0x1;
	_ =	strace $0x80000046;
	[dreg:$0x1] =	wrdreg $0xFFFFFFFF  }
0xa7: {  	s28 =	simm.s32 $_size_execute0_lowered;
	s2 =	sadd.s32 s2, s4;
	[dreg:$0x0] =	wrdreg $0x0  }
0xa8: {  	s4 =	sshll.u32 s28, $0x1;
	[dreg:$0x2] =	wrdreg s2  }
0xa9: {  	[dreg:$0x3] =	wrdreg s4  }
0xaa: {  	[dreg:$0x4] =	wrdreg $0xC0  }
0xab: {  	_ =	task [dreg:s6], $0x5FFFF  }
0xac: {  	[dreg:$0x1] =	wrdreg $0xFFFFFFFF  }
0xad: {  	[dreg:$0x0] =	wrdreg $0x60  }
0xae: {  	[dreg:$0x2] =	wrdreg s24  }
0xaf: {  	[dreg:$0x3] =	wrdreg $0x9  }
0xb0: {  	_ =	task.clear_ibuf [dreg:s6], $0x4FFFF;
	_ =	strace $0x90000046  }
0xb1: {  	s29 =	simm.s32 $0x9;
	_ =	strace $0x80000048  }
0xb2: {  	_ =	swait.ge [sflag:s29], $0x1  }
0xb3: {  	[sflag:s29] =	ssyncadd.s32 $0xFFFFFFFF  }
0xb4: {  	_ =	strace $0x90000048  }
0xb5: {  	_ =	sfence  }
0xb6: {  	s30 =	sld [smem:$0x0];
	_ =	sdelay $0x2  }
0xb7: {  	s31 =	sshll.u32 s1, $0xD;
	s1 =	sshrl.u32 s1, $0x2  }
0xb8: {  	s3 =	sand.u32 $0x4000, s31;
	s1 =	sadd.s32 s1, s30  }
0xb9: {  	s0 =	sor.u32 s3, s0;
	s1 =	sshll.u32 s1, $0x11  }
0xba: {  	s0 =	sor.u32 s1, s0  }
0xbb: {  	s0 =	sadd.s32 $0x8F2B, s0  }
0xbc: {  	[sflag:s0] =	ssyncadd.remote.s32 $0x1  }
0xbd: {  	_ =	sfence.sel $0xFFFF  }
0xbe: {  	[dreg:$0x0] =	wrdreg $0xFFFFFFFF;
	(pc) =	sbr.abs _section_cstart, $3  }
0xbf: {  	[dreg:$0x1] =	wrdreg $0xFFFFFFFF  }
0xc0: {  	_ =	task.clear_ibuf [dreg:s6], $0x2FFFF;
	_ =	strace $0x9FFFFFFF  }
0xc1: {  	(tm) =	ssettm $0x7FFFFFFF  }
tec
execute0_lowered:
.L_overlay_start_1:
0x0: {  	(tag) =	ssettag $0x1  }
0x1: {  	s0 =	rddreg [dreg:$0x0];
	s1 =	simm.s32 $0x0  }
0x2: {  	s2 =	srdreg.scid;
	s11 =	stileid.u32;
	s12 =	simm.s32 $0x5  }
0x3: {  	s13 =	simm.s32 $0x10100;
	s14 =	simm.s32 $0x80;
	s15 =	simm.s32 $0x4000  }
0x4: {  	s24 =	simm.s32 $0x10280;
	s25 =	simm.s32 $0xA000;
	s20 =	simm.s32 $0x10200  }
0x5: {  	s26 =	simm.s32 $0x10380;
	s31 =	simm.s32 $0xE000;
	s28 =	simm.s32 $0x2  }
0x6: {  	s29 =	simm.s32 $0x4;
	s30 =	simm.s32 $0x0;
	[smem:$0x7FF] =	sst s1  }
0x7: {  	s7 =	sadd.s32 $0x2200, s0;
	s2 =	sand.u32 $0x1, s2;
	s8 =	sadd.s32 $0x6200, s0  }
0x8: {  	s3 =	sadd.s32 $0xF44600, s0;
	_ =	strace $0x80000047;
	[dreg:$0x2] =	wrdreg s24  }
0x9: {  	s0 =	sadd.s32 $0xA200, s0;
	s9 =	sshll.u32 s11, $0xA;
	[dreg:$0x3] =	wrdreg s25  }
0xa: {  	s11 =	sshll.u32 s11, $0x14;
	s4 =	ssub.s32 $0x2, s2;
	[dreg:$0x4] =	wrdreg s26  }
0xb: {  	s10 =	sshll.u32 s2, $0x9;
	s2 =	sshll.u32 s2, $0x13;
	[dreg:$0x5] =	wrdreg s31  }
0xc: {  	s24 =	simm.s32 $0x1;
	s25 =	simm.s32 $0x40;
	s26 =	simm.s32 $0x3  }
0xd: {  	s5 =	sshrl.u32 s4, $0x1;
	s21 =	sor.u32 s10, s9;
	s2 =	sor.u32 s2, s11  }
0xe: {  	s6 =	ssub.s32 s4, s5;
	s22 =	sadd.s32 s7, s21;
	s23 =	sadd.s32 s8, s21  }
0xf: {  	s7 =	sadd.s32 s9, s7;
	s11 =	sor.u32 $0x8000, s2;
	s2 =	sshrl.u32 s2, $0x3  }
0x10: {  	s8 =	sadd.s32 s9, s8;
	s21 =	simm.s32 $0x10300;
	[dreg:$0x6] =	wrdreg s22  }
0x11: {  	[dreg:$0x7] =	wrdreg s23;
	s6 =	smax.u32 s6, $0x1;
	s7 =	sadd.s32 s10, s7  }
0x12: {  	s11 =	sshrl.u32 s11, $0x3;
	s2 =	sadd.s32 s2, s0;
	s8 =	sadd.s32 s10, s8  }
0x13: {  	s22 =	simm.s32 $0x8000;
	s23 =	simm.s32 $0xC000;
	s0 =	sadd.s32 s11, s0  }
0x14: {  	s9 =	sadd.s32 $0x8, s2;
	s11 =	simm.s32 $0x10000;
	s10 =	sadd.s32 $0x8, s0  }
.LBB2_1:
0x15: {  	s0 =	rddreg [dreg:$0x6]  }
0x16: {  	[tilespmem:s11], [sflag:$0x5] =	stream.linear.gather [hbm4b:s0+s1], $0x100, $0x38;
	[tilespmem:$0x10400] =	vst v63  }
0x17: {  	_ =	swait.ge [sflag:s12], $0x100  }
0x18: {  	[sflag:s12] =	ssyncset.done $0x0  }
0x19: {  	s5 =	rddreg [dreg:$0x7];
	[sflag:s12] =	ssyncadd.s32 $0xFFFFFF00  }
0x1a: {  	[tilespmem:s13], [sflag:$0x5] =	stream.linear.gather [hbm4b:s5+s1], $0x100, $0x38;
	[tilespmem:$0x10400] =	vst v63  }
0x1b: {  	_ =	swait.ge [sflag:s12], $0x100  }
0x1c: {  	[sflag:s12] =	ssyncset.done $0x0  }
0x1d: {  	[sflag:s12] =	ssyncadd.s32 $0xFFFFFF00  }
0x1e: {  	[tilespmem:s1], [sflag:$0x1] =	stream.indirect.gather [hbm4b:s3+s14], $0x40, s11, s14, $0xb8;
	[tilespmem:$0x10400] =	vst v63  }
0x1f: {  	_ = 	snop  }
0x20: {  	[tilespmem:s15], [sflag:$0x1] =	stream.indirect.gather [hbm4b:s3+s14], $0x40, s13, s14, $0xb8;
	[tilespmem:$0x10400] =	vst v63  }
0x21: {  	s16 =	simm.s32 $0x10080;
	s2 =	simm.s32 $0x2000  }
0x22: {  	[tilespmem:s2], [sflag:$0x1] =	stream.indirect.gather [hbm4b:s3+s14], $0x40, s16, s14, $0xb8;
	[tilespmem:$0x10400] =	vst v63  }
0x23: {  	s17 =	simm.s32 $0x10180;
	s18 =	simm.s32 $0x6000;
	s19 =	sadd.s32 $0x0, s7  }
0x24: {  	[tilespmem:s18], [sflag:$0x1] =	stream.indirect.gather [hbm4b:s3+s14], $0x40, s17, s14, $0xb8;
	[tilespmem:$0x10400] =	vst v63  }
0x25: {  	s0 =	sadd.s32 $0x20, s19  }
0x26: {  	[tilespmem:s20], [sflag:$0x5] =	stream.linear.gather [hbm4b:s0+s1], $0x100, $0x38;
	[tilespmem:$0x10400] =	vst v63  }
0x27: {  	_ =	swait.ge [sflag:s12], $0x100  }
0x28: {  	s2 =	sadd.s32 $0x0, s8;
	[sflag:s12] =	ssyncset.done $0x0  }
0x29: {  	s0 =	sadd.s32 $0x20, s2;
	[sflag:s12] =	ssyncadd.s32 $0xFFFFFF00  }
0x2a: {  	[tilespmem:s21], [sflag:$0x5] =	stream.linear.gather [hbm4b:s0+s1], $0x100, $0x38;
	[tilespmem:$0x10400] =	vst v63  }
0x2b: {  	_ =	swait.ge [sflag:s12], $0x100  }
0x2c: {  	[sflag:s12] =	ssyncset.done $0x0  }
0x2d: {  	s4 =	rddreg [dreg:$0x5];
	[sflag:s12] =	ssyncadd.s32 $0xFFFFFF00  }
0x2e: {  	[tilespmem:s22], [sflag:$0x2] =	stream.indirect.gather [hbm4b:s3+s14], $0x40, s20, s14, $0xb8;
	[tilespmem:$0x10400] =	vst v63  }
0x2f: {  	s5 =	rddreg [dreg:$0x3]  }
0x30: {  	[tilespmem:s23], [sflag:$0x2] =	stream.indirect.gather [hbm4b:s3+s14], $0x40, s21, s14, $0xb8;
	[tilespmem:$0x10400] =	vst v63  }
0x31: {  	s16 =	rddreg [dreg:$0x2]  }
0x32: {  	[tilespmem:s5], [sflag:$0x2] =	stream.indirect.gather [hbm4b:s3+s14], $0x40, s16, s14, $0xb8;
	[tilespmem:$0x10400] =	vst v63  }
0x33: {  	s17 =	rddreg [dreg:$0x4]  }
0x34: {  	[tilespmem:s4], [sflag:$0x2] =	stream.indirect.gather [hbm4b:s3+s14], $0x40, s17, s14, $0xb8;
	[tilespmem:$0x10400] =	vst v63  }
0x35: {  	_ =	swait.ge [sflag:s24], $0x4000  }
0x36: {  	[sflag:s24] =	ssyncset.done $0x0  }
0x37: {  	[sflag:s24] =	ssyncadd.s32 $0xFFFFC000  }
0x38: {  	_ =	swait.ge [sflag:s24], $0x4000  }
0x39: {  	[sflag:s24] =	ssyncset.done $0x0  }
0x3a: {  	s18 =	sadd.s32 $0xFFFFFFF8, s9;
	[sflag:s24] =	ssyncadd.s32 $0xFFFFC000  }
0x3b: {  	[hbm4b:s18+s25] =	stream.strided.scatter [tilespmem:s1], [sflag:$0x3], $0x4000, s14, s25, $0x38;
	[tilespmem:$0x10400] =	vst v63  }
0x3c: {  	_ = 	snop  }
0x3d: {  	[hbm4b:s9+s25] =	stream.strided.scatter [tilespmem:s15], [sflag:$0x3], $0x4000, s14, s25, $0x38;
	[tilespmem:$0x10400] =	vst v63  }
0x3e: {  	_ =	swait.ge [sflag:s26], $0x4000  }
0x3f: {  	[sflag:s26] =	ssyncset.done $0x0  }
0x40: {  	[sflag:s26] =	ssyncadd.s32 $0xFFFFC000  }
0x41: {  	p0 =	por $0x0, $0x0;
	_ =	swait.ge [sflag:s26], $0x4000  }
0x42: {  	s2 =	simm.s32 @!p0 $0x0;
	s0 =	sadd.s32 @!p0 $0x0, s7;
	[sflag:s26] =	ssyncset.done $0x0  }
0x43: {  	s0 =	sadd.s32 @!p0 $0x40, s0;
	s16 =	simm.s32 @!p0 $0x10000;
	[sflag:s26] =	ssyncadd.s32 $0xFFFFC000  }
0x44: {  	[tilespmem:s16], [sflag:$0x5] =	stream.linear.gather @!p0 [hbm4b:s0+s2], $0x100, $0x38;
	[tilespmem:$0x10400] =	vst v63  }
0x45: {  	s0 =	simm.s32 @!p0 $0x5  }
0x46: {  	_ =	swait.ge @!p0 [sflag:s0], $0x100  }
0x47: {  	s17 =	sadd.s32 @!p0 $0x0, s8;
	[sflag:s0] =	ssyncset.done @!p0 $0x0  }
0x48: {  	s31 =	simm.s32 @!p0 $0x10100;
	s17 =	sadd.s32 @!p0 $0x40, s17;
	[sflag:s0] =	ssyncadd.s32 @!p0 $0xFFFFFF00  }
0x49: {  	[tilespmem:s31], [sflag:$0x5] =	stream.linear.gather @!p0 [hbm4b:s17+s2], $0x100, $0x38;
	[tilespmem:$0x10400] =	vst v63  }
0x4a: {  	_ =	swait.ge @!p0 [sflag:s0], $0x100  }
0x4b: {  	[sflag:s0] =	ssyncset.done @!p0 $0x0  }
0x4c: {  	[sflag:s0] =	ssyncadd.s32 @!p0 $0xFFFFFF00;
	s0 =	simm.s32 @!p0 $0x80  }
0x4d: {  	[tilespmem:s2], [sflag:$0x1] =	stream.indirect.gather @!p0 [hbm4b:s3+s0], $0x40, s16, s0, $0xb8;
	[tilespmem:$0x10400] =	vst v63  }
0x4e: {  	s2 =	simm.s32 @!p0 $0x4000  }
0x4f: {  	[tilespmem:s2], [sflag:$0x1] =	stream.indirect.gather @!p0 [hbm4b:s3+s0], $0x40, s31, s0, $0xb8;
	[tilespmem:$0x10400] =	vst v63  }
0x50: {  	s16 =	simm.s32 @!p0 $0x2000;
	s2 =	simm.s32 @!p0 $0x10080  }
0x51: {  	[tilespmem:s16], [sflag:$0x1] =	stream.indirect.gather @!p0 [hbm4b:s3+s0], $0x40, s2, s0, $0xb8;
	[tilespmem:$0x10400] =	vst v63  }
0x52: {  	s2 =	simm.s32 @!p0 $0x10180;
	s16 =	simm.s32 @!p0 $0x6000  }
0x53: {  	[tilespmem:s16], [sflag:$0x1] =	stream.indirect.gather @!p0 [hbm4b:s3+s0], $0x40, s2, s0, $0xb8;
	[tilespmem:$0x10400] =	vst v63  }
0x54: {  	_ =	swait.ge [sflag:s28], $0x4000  }
0x55: {  	[sflag:s28] =	ssyncset.done $0x0  }
0x56: {  	[sflag:s28] =	ssyncadd.s32 $0xFFFFC000  }
0x57: {  	_ =	swait.ge [sflag:s28], $0x4000  }
0x58: {  	[sflag:s28] =	ssyncset.done $0x0  }
0x59: {  	s19 =	sadd.s32 $0xFFFFFFF8, s10;
	[sflag:s28] =	ssyncadd.s32 $0xFFFFC000  }
0x5a: {  	[hbm4b:s19+s25] =	stream.strided.scatter [tilespmem:s22], [sflag:$0x4], $0x4000, s14, s25, $0x38;
	[tilespmem:$0x10400] =	vst v63  }
0x5b: {  	_ = 	snop  }
0x5c: {  	[hbm4b:s10+s25] =	stream.strided.scatter [tilespmem:s23], [sflag:$0x4], $0x4000, s14, s25, $0x38;
	[tilespmem:$0x10400] =	vst v63  }
0x5d: {  	_ =	swait.ge [sflag:s29], $0x4000  }
0x5e: {  	[sflag:s29] =	ssyncset.done $0x0  }
0x5f: {  	s31 =	sadd.s32 $0x2000, s10;
	s0 =	simm.s32 $0x40;
	[sflag:s29] =	ssyncadd.s32 $0xFFFFC000  }
0x60: {  	s16 =	simm.s32 $0x80;
	s2 =	sadd.s32 $0x2000, s9;
	_ =	swait.ge [sflag:s29], $0x4000  }
.LBB2_2:
0x61: {  	s18 =	sadd.s32 s0, s7;
	[sflag:s29] =	ssyncset.done $0x0  }
0x62: {  	s18 =	sadd.s32 $0x20, s18;
	[sflag:s29] =	ssyncadd.s32 $0xFFFFC000  }
0x63: {  	[tilespmem:s20], [sflag:$0x5] =	stream.linear.gather [hbm4b:s18+s1], $0x100, $0x38;
	[tilespmem:$0x10400] =	vst v63  }
0x64: {  	_ =	swait.ge [sflag:s12], $0x100  }
0x65: {  	s5 =	sadd.s32 s0, s8;
	[sflag:s12] =	ssyncset.done $0x0  }
0x66: {  	s18 =	sadd.s32 $0x20, s5;
	[sflag:s12] =	ssyncadd.s32 $0xFFFFFF00  }
0x67: {  	[tilespmem:s21], [sflag:$0x5] =	stream.linear.gather [hbm4b:s18+s1], $0x100, $0x38;
	[tilespmem:$0x10400] =	vst v63  }
0x68: {  	_ =	swait.ge [sflag:s12], $0x100  }
0x69: {  	[sflag:s12] =	ssyncset.done $0x0  }
0x6a: {  	s18 =	rddreg [dreg:$0x5];
	[sflag:s12] =	ssyncadd.s32 $0xFFFFFF00  }
0x6b: {  	[tilespmem:s22], [sflag:$0x2] =	stream.indirect.gather [hbm4b:s3+s14], $0x40, s20, s14, $0xb8;
	[tilespmem:$0x10400] =	vst v63  }
0x6c: {  	s19 =	rddreg [dreg:$0x3]  }
0x6d: {  	[tilespmem:s23], [sflag:$0x2] =	stream.indirect.gather [hbm4b:s3+s14], $0x40, s21, s14, $0xb8;
	[tilespmem:$0x10400] =	vst v63  }
0x6e: {  	s4 =	rddreg [dreg:$0x2]  }
0x6f: {  	[tilespmem:s19], [sflag:$0x2] =	stream.indirect.gather [hbm4b:s3+s14], $0x40, s4, s14, $0xb8;
	[tilespmem:$0x10400] =	vst v63  }
0x70: {  	s5 =	rddreg [dreg:$0x4]  }
0x71: {  	[tilespmem:s18], [sflag:$0x2] =	stream.indirect.gather [hbm4b:s3+s14], $0x40, s5, s14, $0xb8;
	[tilespmem:$0x10400] =	vst v63  }
0x72: {  	_ =	swait.ge [sflag:s24], $0x4000  }
0x73: {  	[sflag:s24] =	ssyncset.done $0x0  }
0x74: {  	[sflag:s24] =	ssyncadd.s32 $0xFFFFC000  }
0x75: {  	_ =	swait.ge [sflag:s24], $0x4000  }
0x76: {  	[sflag:s24] =	ssyncset.done $0x0  }
0x77: {  	s18 =	sadd.s32 $0xFFFFFFF8, s2;
	[sflag:s24] =	ssyncadd.s32 $0xFFFFC000  }
0x78: {  	[hbm4b:s18+s25] =	stream.strided.scatter [tilespmem:s1], [sflag:$0x3], $0x4000, s14, s25, $0x38;
	[tilespmem:$0x10400] =	vst v63  }
0x79: {  	_ = 	snop  }
0x7a: {  	[hbm4b:s2+s25] =	stream.strided.scatter [tilespmem:s15], [sflag:$0x3], $0x4000, s14, s25, $0x38;
	[tilespmem:$0x10400] =	vst v63  }
0x7b: {  	_ =	swait.ge [sflag:s26], $0x4000  }
0x7c: {  	[sflag:s26] =	ssyncset.done $0x0  }
0x7d: {  	p1 =	seq.s32 s0, $0x1C0;
	[sflag:s26] =	ssyncadd.s32 $0xFFFFC000  }
0x7e: {  	s4 =	sadd.s32 @!p1 s0, s7;
	_ =	swait.ge [sflag:s26], $0x4000  }
0x7f: {  	s4 =	sadd.s32 @!p1 $0x40, s4;
	[sflag:s26] =	ssyncset.done $0x0  }
0x80: {  	s5 =	simm.s32 @!p1 $0x0;
	s18 =	simm.s32 @!p1 $0x10000;
	[sflag:s26] =	ssyncadd.s32 $0xFFFFC000  }
0x81: {  	[tilespmem:s18], [sflag:$0x5] =	stream.linear.gather @!p1 [hbm4b:s4+s5], $0x100, $0x38;
	[tilespmem:$0x10400] =	vst v63  }
0x82: {  	s4 =	simm.s32 @!p1 $0x5  }
0x83: {  	s17 =	smov.u32 s16;
	_ =	swait.ge @!p1 [sflag:s4], $0x100  }
0x84: {  	s19 =	sadd.s32 @!p1 s0, s8;
	s0 =	smov.u32 s17;
	[sflag:s4] =	ssyncset.done @!p1 $0x0  }
0x85: {  	s17 =	sadd.s32 @!p1 $0x40, s19;
	s19 =	simm.s32 @!p1 $0x10100;
	[sflag:s4] =	ssyncadd.s32 @!p1 $0xFFFFFF00  }
0x86: {  	[tilespmem:s19], [sflag:$0x5] =	stream.linear.gather @!p1 [hbm4b:s17+s5], $0x100, $0x38;
	[tilespmem:$0x10400] =	vst v63  }
0x87: {  	_ =	swait.ge @!p1 [sflag:s4], $0x100  }
0x88: {  	[sflag:s4] =	ssyncset.done @!p1 $0x0  }
0x89: {  	s17 =	simm.s32 @!p1 $0x80;
	[sflag:s4] =	ssyncadd.s32 @!p1 $0xFFFFFF00  }
0x8a: {  	[tilespmem:s5], [sflag:$0x1] =	stream.indirect.gather @!p1 [hbm4b:s3+s17], $0x40, s18, s17, $0xb8;
	[tilespmem:$0x10400] =	vst v63  }
0x8b: {  	s4 =	simm.s32 @!p1 $0x4000  }
0x8c: {  	[tilespmem:s4], [sflag:$0x1] =	stream.indirect.gather @!p1 [hbm4b:s3+s17], $0x40, s19, s17, $0xb8;
	[tilespmem:$0x10400] =	vst v63  }
0x8d: {  	s5 =	simm.s32 @!p1 $0x10080;
	s18 =	simm.s32 @!p1 $0x2000  }
0x8e: {  	[tilespmem:s18], [sflag:$0x1] =	stream.indirect.gather @!p1 [hbm4b:s3+s17], $0x40, s5, s17, $0xb8;
	[tilespmem:$0x10400] =	vst v63  }
0x8f: {  	s4 =	simm.s32 @!p1 $0x10180;
	s19 =	simm.s32 @!p1 $0x6000  }
0x90: {  	[tilespmem:s19], [sflag:$0x1] =	stream.indirect.gather @!p1 [hbm4b:s3+s17], $0x40, s4, s17, $0xb8;
	[tilespmem:$0x10400] =	vst v63  }
0x91: {  	_ =	swait.ge [sflag:s28], $0x4000  }
0x92: {  	[sflag:s28] =	ssyncset.done $0x0  }
0x93: {  	[sflag:s28] =	ssyncadd.s32 $0xFFFFC000  }
0x94: {  	_ =	swait.ge [sflag:s28], $0x4000  }
0x95: {  	[sflag:s28] =	ssyncset.done $0x0  }
0x96: {  	s16 =	sadd.s32 $0x40, s16;
	s19 =	sadd.s32 $0xFFFFFFF8, s31;
	[sflag:s28] =	ssyncadd.s32 $0xFFFFC000  }
0x97: {  	[hbm4b:s19+s25] =	stream.strided.scatter [tilespmem:s22], [sflag:$0x4], $0x4000, s14, s25, $0x38;
	[tilespmem:$0x10400] =	vst v63  }
0x98: {  	p0 =	sne.s32 s16, $0x200  }
0x99: {  	[hbm4b:s31+s25] =	stream.strided.scatter [tilespmem:s23], [sflag:$0x4], $0x4000, s14, s25, $0x38;
	[tilespmem:$0x10400] =	vst v63  }
.Ltmp0:
0x9a: {  	_ = 	snop;
	(pc) =	sbr.rel @p0 .LBB2_2-.Ltmp0, $4  }
0x9b: {  	_ =	swait.ge [sflag:s29], $0x4000  }
0x9c: {  	[sflag:s29] =	ssyncset.done $0x0  }
0x9d: {  	[sflag:s29] =	ssyncadd.s32 $0xFFFFC000  }
0x9e: {  	s2 =	sadd.s32 $0x2000, s2;
	s31 =	sadd.s32 $0x2000, s31;
	_ =	swait.ge [sflag:s29], $0x4000  }
0x9f: {  	s4 =	sadd.s32 s0, s7;
	[sflag:s29] =	ssyncset.done $0x0  }
0xa0: {  	s4 =	sadd.s32 $0x20, s4;
	[sflag:s29] =	ssyncadd.s32 $0xFFFFC000  }
0xa1: {  	[tilespmem:s20], [sflag:$0x5] =	stream.linear.gather [hbm4b:s4+s1], $0x100, $0x38;
	[tilespmem:$0x10400] =	vst v63  }
0xa2: {  	_ =	swait.ge [sflag:s12], $0x100  }
0xa3: {  	s18 =	sadd.s32 s0, s8;
	[sflag:s12] =	ssyncset.done $0x0  }
0xa4: {  	s4 =	sadd.s32 $0x20, s18;
	[sflag:s12] =	ssyncadd.s32 $0xFFFFFF00  }
0xa5: {  	[tilespmem:s21], [sflag:$0x5] =	stream.linear.gather [hbm4b:s4+s1], $0x100, $0x38;
	[tilespmem:$0x10400] =	vst v63  }
0xa6: {  	_ =	swait.ge [sflag:s12], $0x100  }
0xa7: {  	[sflag:s12] =	ssyncset.done $0x0  }
0xa8: {  	s19 =	rddreg [dreg:$0x5];
	[sflag:s12] =	ssyncadd.s32 $0xFFFFFF00  }
0xa9: {  	[tilespmem:s22], [sflag:$0x2] =	stream.indirect.gather [hbm4b:s3+s14], $0x40, s20, s14, $0xb8;
	[tilespmem:$0x10400] =	vst v63  }
0xaa: {  	s5 =	rddreg [dreg:$0x3]  }
0xab: {  	[tilespmem:s23], [sflag:$0x2] =	stream.indirect.gather [hbm4b:s3+s14], $0x40, s21, s14, $0xb8;
	[tilespmem:$0x10400] =	vst v63  }
0xac: {  	s16 =	rddreg [dreg:$0x2]  }
0xad: {  	[tilespmem:s5], [sflag:$0x2] =	stream.indirect.gather [hbm4b:s3+s14], $0x40, s16, s14, $0xb8;
	[tilespmem:$0x10400] =	vst v63  }
0xae: {  	s17 =	rddreg [dreg:$0x4]  }
0xaf: {  	[tilespmem:s19], [sflag:$0x2] =	stream.indirect.gather [hbm4b:s3+s14], $0x40, s17, s14, $0xb8;
	[tilespmem:$0x10400] =	vst v63  }
0xb0: {  	_ =	swait.ge [sflag:s24], $0x4000  }
0xb1: {  	[sflag:s24] =	ssyncset.done $0x0  }
0xb2: {  	[sflag:s24] =	ssyncadd.s32 $0xFFFFC000  }
0xb3: {  	_ =	swait.ge [sflag:s24], $0x4000  }
0xb4: {  	[sflag:s24] =	ssyncset.done $0x0  }
0xb5: {  	s18 =	sadd.s32 $0xFFFFFFF8, s2;
	[sflag:s24] =	ssyncadd.s32 $0xFFFFC000  }
0xb6: {  	[hbm4b:s18+s25] =	stream.strided.scatter [tilespmem:s1], [sflag:$0x3], $0x4000, s14, s25, $0x38;
	[tilespmem:$0x10400] =	vst v63  }
0xb7: {  	_ = 	snop  }
0xb8: {  	[hbm4b:s2+s25] =	stream.strided.scatter [tilespmem:s15], [sflag:$0x3], $0x4000, s14, s25, $0x38;
	[tilespmem:$0x10400] =	vst v63  }
0xb9: {  	_ =	swait.ge [sflag:s26], $0x4000  }
0xba: {  	[sflag:s26] =	ssyncset.done $0x0  }
0xbb: {  	[sflag:s26] =	ssyncadd.s32 $0xFFFFC000  }
0xbc: {  	p0 =	seq.s32 s0, $0x1C0;
	_ =	swait.ge [sflag:s26], $0x4000  }
0xbd: {  	s4 =	simm.s32 @!p0 $0x0;
	s2 =	sadd.s32 @!p0 s0, s7;
	[sflag:s26] =	ssyncset.done $0x0  }
0xbe: {  	s5 =	simm.s32 @!p0 $0x10000;
	s2 =	sadd.s32 @!p0 $0x40, s2;
	[sflag:s26] =	ssyncadd.s32 $0xFFFFC000  }
0xbf: {  	[tilespmem:s5], [sflag:$0x5] =	stream.linear.gather @!p0 [hbm4b:s2+s4], $0x100, $0x38;
	[tilespmem:$0x10400] =	vst v63  }
0xc0: {  	s2 =	simm.s32 @!p0 $0x5  }
0xc1: {  	_ =	swait.ge @!p0 [sflag:s2], $0x100  }
0xc2: {  	s0 =	sadd.s32 @!p0 s0, s8;
	[sflag:s2] =	ssyncset.done @!p0 $0x0  }
0xc3: {  	s16 =	simm.s32 @!p0 $0x10100;
	s0 =	sadd.s32 @!p0 $0x40, s0;
	[sflag:s2] =	ssyncadd.s32 @!p0 $0xFFFFFF00  }
0xc4: {  	[tilespmem:s16], [sflag:$0x5] =	stream.linear.gather @!p0 [hbm4b:s0+s4], $0x100, $0x38;
	[tilespmem:$0x10400] =	vst v63  }
0xc5: {  	_ =	swait.ge @!p0 [sflag:s2], $0x100  }
0xc6: {  	[sflag:s2] =	ssyncset.done @!p0 $0x0  }
0xc7: {  	s0 =	simm.s32 @!p0 $0x80;
	[sflag:s2] =	ssyncadd.s32 @!p0 $0xFFFFFF00  }
0xc8: {  	[tilespmem:s4], [sflag:$0x1] =	stream.indirect.gather @!p0 [hbm4b:s3+s0], $0x40, s5, s0, $0xb8;
	[tilespmem:$0x10400] =	vst v63  }
0xc9: {  	s2 =	simm.s32 @!p0 $0x4000  }
0xca: {  	[tilespmem:s2], [sflag:$0x1] =	stream.indirect.gather @!p0 [hbm4b:s3+s0], $0x40, s16, s0, $0xb8;
	[tilespmem:$0x10400] =	vst v63  }
0xcb: {  	s4 =	simm.s32 @!p0 $0x2000;
	s2 =	simm.s32 @!p0 $0x10080  }
0xcc: {  	[tilespmem:s4], [sflag:$0x1] =	stream.indirect.gather @!p0 [hbm4b:s3+s0], $0x40, s2, s0, $0xb8;
	[tilespmem:$0x10400] =	vst v63  }
0xcd: {  	s2 =	simm.s32 @!p0 $0x10180;
	s4 =	simm.s32 @!p0 $0x6000  }
0xce: {  	[tilespmem:s4], [sflag:$0x1] =	stream.indirect.gather @!p0 [hbm4b:s3+s0], $0x40, s2, s0, $0xb8;
	[tilespmem:$0x10400] =	vst v63  }
0xcf: {  	_ =	swait.ge [sflag:s28], $0x4000  }
0xd0: {  	[sflag:s28] =	ssyncset.done $0x0  }
0xd1: {  	[sflag:s28] =	ssyncadd.s32 $0xFFFFC000  }
0xd2: {  	_ =	swait.ge [sflag:s28], $0x4000  }
0xd3: {  	[sflag:s28] =	ssyncset.done $0x0  }
0xd4: {  	s19 =	sadd.s32 $0xFFFFFFF8, s31;
	[sflag:s28] =	ssyncadd.s32 $0xFFFFC000  }
0xd5: {  	[hbm4b:s19+s25] =	stream.strided.scatter [tilespmem:s22], [sflag:$0x4], $0x4000, s14, s25, $0x38;
	[tilespmem:$0x10400] =	vst v63  }
0xd6: {  	s30 =	sadd.s32 $0x1, s30  }
0xd7: {  	[hbm4b:s31+s25] =	stream.strided.scatter [tilespmem:s23], [sflag:$0x4], $0x4000, s14, s25, $0x38;
	[tilespmem:$0x10400] =	vst v63  }
0xd8: {  	p0 =	sne.s32 s30, s6;
	_ =	swait.ge [sflag:s29], $0x4000  }
.Ltmp1:
0xd9: {  	[sflag:s29] =	ssyncset.done $0x0;
	(pc) =	sbr.rel @p0 .LBB2_1-.Ltmp1, $4  }
0xda: {  	[sflag:s29] =	ssyncadd.s32 $0xFFFFC000  }
0xdb: {  	_ =	swait.ge [sflag:s29], $0x4000  }
0xdc: {  	[sflag:s29] =	ssyncset.done $0x0  }
0xdd: {  	[sflag:s29] =	ssyncadd.s32 $0xFFFFC000  }
0xde: {  	_ =	sfence.sel $0x180000  }
0xdf: {  	[bflag:$0x0] =	sbarrier.arrive $0xFFFF  }
0xe0: {  	_ =	strace $0x90000047  }
0xe1: {  	s0 =	stileid.u32;
	[bflag:$0x2] =	sbarrier.arrive $0xFFFF  }
0xe2: {  	p0 =	sne.s32 s0, $0x0;
	s0 =	rddreg [dreg:$0x1]  }
0xe3: {  	s0 =	sadd.s32 @!p0 $0x100000, s0  }
0xe4: {  	[sflag:s0] =	ssyncadd.tile.s32 @!p0 $0x1;
	_ =	shalt  }
.Lfunc_end2:
_tile_overlayer_lowered:
.L_overlay_start_2:
0xe5: {  	(tag) =	ssettag $0x2  }
0xe6: {  	s0 =	rddreg [dreg:$0x0];
	s2 =	stileid.u32  }
0xe7: {  	s1 =	rddreg [dreg:$0x1];
	p0 =	sne.s32 s2, $0x0  }
0xe8: {  	s3 =	rddreg [dreg:$0x2];
	[bflag:$0x3] =	sbarrier.arrive $0xFFFF;
	s2 =	simm.s32 @!p0 $0x1C05  }
0xe9: {  	[timem:s3], [sflag:s2] =	dma.local @!p0 [hbm:s0], s1  }
0xea: {  	s0 =	simm.s32 @!p0 $0x5  }
0xeb: {  	_ =	swait.ge @!p0 [sflag:s0], s1  }
0xec: {  	s1 =	ssub.s32 @!p0 $0x0, s1;
	[sflag:s0] =	ssyncset.done @!p0 $0x0  }
0xed: {  	[sflag:s0] =	ssyncadd.s32 @!p0 s1  }
0xee: {  	[bflag:$0x3] =	sbarrier.arrive $0xFFFF  }
0xef: {  	_ =	shalt  }

// kernel: _run.13.cloned.1.call-start
scs
__scs_entry_jumppad:
0x0: {  	(pc) =	sbr.rel $0x88, $3  }
0x1: {  	(tag) =	ssettag $0x0;
	lr =	simm.s32 $0x1  }
0x2: {  	[smem:$0x3F9D] =	sst lr;
	_ =	strace $0xD0000000  }
0x3: {  	_ = 	snop  }
0x4: {  	_ = 	snop  }
0x5: {  	_ = 	snop  }
0x6: {  	_ = 	snop  }
0x7: {  	_ = 	snop  }
__scs_overlays_trampoline_lowered:
0x8: {  	[smem:$0x3FAC] =	sst s0  }
0x9: {  	[smem:$0x3FAD] =	sst s1  }
0xa: {  	[smem:$0x3FAE] =	sst s2  }
0xb: {  	[smem:$0x3FAF] =	sst s3  }
0xc: {  	[smem:$0x3FB0] =	sst s4  }
0xd: {  	[smem:$0x3FB1] =	sst s5  }
0xe: {  	[smem:$0x3FB2] =	sst s6  }
0xf: {  	[smem:$0x3FB3] =	sst s7  }
0x10: {  	[smem:$0x3FB4] =	sst s8  }
0x11: {  	[smem:$0x3FB5] =	sst s9;
	s0 =	simm.s32 @!p0 $0x0  }
0x12: {  	s1 =	sld [smem:$0x3F9B];
	s0 =	simm.s32 @p0 $0x1  }
0x13: {  	[smem:$0x3FB6] =	sst s0;
	s0 =	simm.s32 @!p1 $0x0  }
0x14: {  	s2 =	sld [smem:$0x3F9A];
	s0 =	simm.s32 @p1 $0x1  }
0x15: {  	[smem:$0x3FB7] =	sst s0;
	s0 =	simm.s32 @!p2 $0x0  }
0x16: {  	s3 =	sld [smem:$0x3FDB];
	s0 =	simm.s32 @p2 $0x1  }
0x17: {  	s4 =	simm.s32 $0x1BF5;
	[smem:$0x3FB9] =	sst s0  }
0x18: {  	s0 =	sld [smem:$0x3F9C];
	_ =	swait.ge [sflag:s4], $0x0  }
0x19: {  	s7 =	sld [smem:$0x3F9D]  }
0x1a: {  	s8 =	sadd.s32 $0xFFFFE003, lr  }
0x1b: {  	s9 =	sadd.s32 $0xFFFFFEF7, lr;
	s5 =	simm.s32 $0xFFFFFFFF;
	p2 =	slt.u32 s8, $0xFFFFF086  }
0x1c: {  	p1 =	slt.u32 s9, $0xF7A;
	s5 =	simm.s32 @!p2 $0x0  }
0x1d: {  	s5 =	simm.s32 @p1 $0x1;
	p0 =	seq.s32 s7, s2  }
0x1e: {  	s7 =	smul.u32 @!p0 $0xF7A, s2;
	p2 =	seq.s32 @!p0 s5, $0x0  }
0x1f: {  	s9 =	smul.u32 $0xF7A, s1;
	s8 =	simm.s32 @!p0 $0x1BF5;
	p2 =	por !p2, p0  }
0x20: {  	[sflag:s8] =	ssyncset.s32 @!p0 $0xFFFFF086;
	s6 =	sadd.s32 @!p0 s3, s7;
	s7 =	simm.s32 @!p0 $0x108  }
0x21: {  	s3 =	sadd.s32 s3, s9;
	s6 =	sadd.s32 @!p0 $0x88, s6;
	s7 =	simm.s32 @p2 $0x1082  }
0x22: {  	[simem:s7], [sflag:s8] =	dma.local @!p0 [hbm:s6], $0xF7A  }
0x23: {  	s9 =	sor.u32 $0xD0000000, s2;
	s6 =	simm.s32 $0x108;
	_ =	swait.ge @!p0 [sflag:s8], $0x0  }
0x24: {  	s3 =	sadd.s32 $0x88, s3;
	s6 =	simm.s32 @!p1 $0x1082;
	[sflag:s4] =	ssyncset.s32 $0xFFFFF086  }
0x25: {  	[simem:s6], [sflag:s4] =	dma.local [hbm:s3], $0xF7A  }
0x26: {  	[smem:$0x3F9D] =	sst s1;
	(tag) =	ssettag s2;
	_ =	strace s9  }
0x27: {  	s1 =	sld [smem:$0x3FAD]  }
0x28: {  	s2 =	sld [smem:$0x3FAE]  }
0x29: {  	s4 =	sld [smem:$0x3FB0]  }
0x2a: {  	p0 =	seq.s32 s5, $0x0;
	s5 =	sld [smem:$0x3FB1]  }
0x2b: {  	s6 =	sld [smem:$0x3FB2]  }
0x2c: {  	s7 =	sld [smem:$0x3FB3]  }
0x2d: {  	s3 =	simm.s32 $0x108;
	s8 =	sld [smem:$0x3FB4]  }
0x2e: {  	s3 =	simm.s32 @!p0 $0x1082;
	s9 =	sld [smem:$0x3FB5]  }
0x2f: {  	lr =	sadd.s32 s0, s3;
	s0 =	sld [smem:$0x3FAC]  }
0x30: {  	s3 =	sld [smem:$0x3FAF]  }
0x31: {  	[smem:$0x3FB8] =	sst s10  }
0x32: {  	s10 =	sld [smem:$0x3FB6];
	_ =	sdelay $0x3  }
0x33: {  	p0 =	seq.s32 s10, $0x1;
	s10 =	sld [smem:$0x3FB8];
	_ =	sdelay $0x3  }
0x34: {  	[smem:$0x3FB8] =	sst s10  }
0x35: {  	s10 =	sld [smem:$0x3FB7];
	_ =	sdelay $0x3  }
0x36: {  	p1 =	seq.s32 s10, $0x1;
	s10 =	sld [smem:$0x3FB8];
	_ =	sdelay $0x3  }
0x37: {  	[smem:$0x3FB8] =	sst s10  }
0x38: {  	s10 =	sld [smem:$0x3FB9]  }
0x39: {  	_ = 	snop;
	(pc) =	sbr.ind lr, $3  }
0x3a: {  	_ = 	snop  }
0x3b: {  	_ = 	snop  }
0x3c: {  	p2 =	seq.s32 s10, $0x1;
	s10 =	sld [smem:$0x3FB8]  }
0x3d: {  	_ =	shalt  }
0x3e: {  	_ =	shalt  }
0x3f: {  	_ =	shalt  }
0x40: {  	_ =	shalt  }
0x41: {  	_ =	shalt  }
0x42: {  	_ =	shalt  }
0x43: {  	_ =	shalt  }
0x44: {  	_ =	shalt  }
0x45: {  	_ =	shalt  }
0x46: {  	_ =	shalt  }
0x47: {  	_ =	shalt  }
0x48: {  	_ =	shalt  }
0x49: {  	_ =	shalt  }
0x4a: {  	_ =	shalt  }
0x4b: {  	_ =	shalt  }
0x4c: {  	_ =	shalt  }
0x4d: {  	_ =	shalt  }
0x4e: {  	_ =	shalt  }
0x4f: {  	_ =	shalt  }
0x50: {  	_ =	shalt  }
0x51: {  	_ =	shalt  }
0x52: {  	_ =	shalt  }
0x53: {  	_ =	shalt  }
0x54: {  	_ =	shalt  }
0x55: {  	_ =	shalt  }
0x56: {  	_ =	shalt  }
0x57: {  	_ =	shalt  }
0x58: {  	_ =	shalt  }
0x59: {  	_ =	shalt  }
0x5a: {  	_ =	shalt  }
0x5b: {  	_ =	shalt  }
0x5c: {  	_ =	shalt  }
0x5d: {  	_ =	shalt  }
0x5e: {  	_ =	shalt  }
0x5f: {  	_ =	shalt  }
0x60: {  	_ =	shalt  }
0x61: {  	_ =	shalt  }
0x62: {  	_ =	shalt  }
0x63: {  	_ =	shalt  }
0x64: {  	_ =	shalt  }
0x65: {  	_ =	shalt  }
0x66: {  	_ =	shalt  }
0x67: {  	_ =	shalt  }
0x68: {  	_ =	shalt  }
0x69: {  	_ =	shalt  }
0x6a: {  	_ =	shalt  }
0x6b: {  	_ =	shalt  }
0x6c: {  	_ =	shalt  }
0x6d: {  	_ =	shalt  }
0x6e: {  	_ =	shalt  }
0x6f: {  	_ =	shalt  }
0x70: {  	_ =	shalt  }
0x71: {  	_ =	shalt  }
0x72: {  	_ =	shalt  }
0x73: {  	_ =	shalt  }
0x74: {  	_ =	shalt  }
0x75: {  	_ =	shalt  }
0x76: {  	_ =	shalt  }
0x77: {  	_ =	shalt  }
0x78: {  	_ =	shalt  }
0x79: {  	_ =	shalt  }
0x7a: {  	_ =	shalt  }
0x7b: {  	_ =	shalt  }
0x7c: {  	_ =	shalt  }
0x7d: {  	_ =	shalt  }
0x7e: {  	_ =	shalt  }
0x7f: {  	_ =	shalt  }
0x80: {  	_ =	shalt  }
0x81: {  	_ =	shalt  }
0x82: {  	_ =	shalt  }
0x83: {  	_ =	shalt  }
0x84: {  	_ =	shalt  }
0x85: {  	_ =	shalt  }
0x86: {  	_ =	shalt  }
0x87: {  	_ =	shalt  }
.Lfunc_end0:
.L_simem_size_0:
called_computation.1_lowered:
.L_overlay_start_0:
0x88: {  	s2 =	sld [smem:$0x3FD9]  }
0x89: {  	s3 =	sld [smem:$0x3FFE];
	_ =	sdelay $0x1  }
0x8a: {  	s1 =	srdreg.scid  }
0x8b: {  	s0 =	sand.u32 $0x1, s1  }
0x8c: {  	s17 =	sshll.u32 s0, $0xA;
	s2 =	sadd.s32 s3, s2  }
0x8d: {  	s2 =	sadd.s32 s2, s17  }
0x8e: {  	[smem:$0x3FC4] =	sst s2  }
0x8f: {  	_ = 	snop  }
0x90: {  	(tm) =	ssettm $0x1  }
0x91: {  	s18 =	sld [smem:$0x3FFB];
	_ =	sdelay $0x3  }
0x92: {  	_ =	strace s18  }
0x93: {  	s2 =	sld [smem:$0x3FFC];
	_ =	sdelay $0x3  }
0x94: {  	_ =	strace s2  }
0x95: {  	s2 =	sld [smem:$0x3FFD];
	_ =	sdelay $0x3  }
0x96: {  	_ =	strace s2  }
0x97: {  	_ =	strace $0x8FFFFFFF  }
0x98: {  	s19 =	sld [smem:$0x3FDB];
	_ =	sdelay $0x1  }
0x99: {  	s20 =	simm.s32 $_scs_section_size  }
0x9a: {  	s4 =	simm.s32 $_size__tile_overlayer_lowered;
	s5 =	simm.s32 $_tile_overlayer_lowered  }
0x9b: {  	s6 =	simm.s32 $0x1BFF;
	s21 =	sshll.u32 s5, $0x1;
	s3 =	sadd.s32 s20, s19  }
0x9c: {  	s22 =	simm.s32 $0x0;
	s4 =	sshll.u32 s4, $0x1;
	s5 =	sadd.s32 s21, s3  }
0x9d: {  	[timem:s22], [sflag:s6] =	dma.local [hbm:s5], s4  }
0x9e: {  	_ =	swait.ge [sflag:s6], s4  }
0x9f: {  	s4 =	ssub.s32 $0x0, s4;
	[sflag:s6] =	ssyncset.done $0x0  }
0xa0: {  	[sflag:s6] =	ssyncadd.s32 s4;
	_ =	sdelay $0x1  }
0xa1: {  	s23 =	simm.s32 $0x1B8B  }
0xa2: {  	_ =	swait.ge [sflag:s23], $0x1  }
0xa3: {  	[sflag:s23] =	ssyncset.done $0x0  }
0xa4: {  	[sflag:s23] =	ssyncadd.s32 $0xFFFFFFFF  }
0xa5: {  	s4 =	sld [smem:$0x0]  }
0xa6: {  	s5 =	sand.u32 $0xFFFFFFFE, s1  }
0xa7: {  	p0 =	sne.s32 s1, s5  }
0xa8: {  	s5 =	sshll.u32 @p0 s5, $0xE  }
0xa9: {  	s5 =	sadd.s32 @p0 $0x11B8D, s5;
	s6 =	sshll.u32 @p0 s4, $0x11  }
0xaa: {  	s5 =	sor.u32 @p0 s6, s5  }
0xab: {  	[sflag:s5] =	ssyncadd.remote.s32 @p0 $0x1;
	_ =	sdelay $0x1  }
0xac: {  	s5 =	simm.s32 @p0 $0x1B8D  }
0xad: {  	_ =	swait.eq @p0 [sflag:s5], $0x1  }
0xae: {  	[sflag:s5] =	ssyncadd.s32 @p0 $0xFFFFFFFF  }
0xaf: {  	s6 =	sshll.u32 @!p0 s1, $0xE  }
0xb0: {  	s6 =	sor.u32 @!p0 $0x4000, s6;
	s5 =	simm.s32 @!p0 $0x1B8D  }
0xb1: {  	s4 =	sshll.u32 @!p0 s4, $0x11;
	s6 =	sadd.s32 @!p0 $0x11B8D, s6;
	_ =	swait.eq @!p0 [sflag:s5], $0x1  }
0xb2: {  	s4 =	sor.u32 @!p0 s4, s6;
	[sflag:s5] =	ssyncadd.s32 @!p0 $0xFFFFFFFF  }
0xb3: {  	s25 =	simm.s32 $0x1B8E;
	s24 =	sld [smem:$0x3FFE];
	[sflag:s4] =	ssyncadd.remote.s32 @!p0 $0x1  }
0xb4: {  	s26 =	simm.s32 $execute0_lowered;
	[smem:$0x3FD2] =	sst s25  }
0xb5: {  	s5 =	sshll.u32 s26, $0x1;
	_ =	strace $0x80000049;
	[dreg:$0x1] =	wrdreg $0xFFFFFFFF  }
0xb6: {  	s28 =	simm.s32 $_size_execute0_lowered;
	s3 =	sadd.s32 s3, s5;
	[dreg:$0x0] =	wrdreg $0x0  }
0xb7: {  	s5 =	sshll.u32 s28, $0x1;
	[dreg:$0x2] =	wrdreg s3  }
0xb8: {  	[dreg:$0x3] =	wrdreg s5  }
0xb9: {  	[dreg:$0x4] =	wrdreg $0xC0  }
0xba: {  	_ =	task [dreg:s22], $0x5FFFF  }
0xbb: {  	[dreg:$0x1] =	wrdreg $0xFFFFFFFF  }
0xbc: {  	[dreg:$0x0] =	wrdreg $0x60  }
0xbd: {  	[dreg:$0x2] =	wrdreg s24  }
0xbe: {  	[dreg:$0x3] =	wrdreg $0xA  }
0xbf: {  	_ =	task.clear_ibuf [dreg:s22], $0x4FFFF;
	_ =	strace $0x90000049  }
0xc0: {  	s29 =	simm.s32 $0xA;
	_ =	strace $0x8000004B  }
0xc1: {  	_ =	swait.ge [sflag:s29], $0x1  }
0xc2: {  	[sflag:s29] =	ssyncadd.s32 $0xFFFFFFFF  }
0xc3: {  	_ =	strace $0x9000004B  }
0xc4: {  	_ =	sfence  }
0xc5: {  	s30 =	sld [smem:$0x0];
	_ =	sdelay $0x2  }
0xc6: {  	s31 =	sshll.u32 s1, $0xD;
	s1 =	sshrl.u32 s1, $0x2  }
0xc7: {  	s4 =	sand.u32 $0x4000, s31;
	s1 =	sadd.s32 s1, s30  }
0xc8: {  	s0 =	sor.u32 s4, s0;
	s1 =	sshll.u32 s1, $0x11  }
0xc9: {  	s0 =	sor.u32 s1, s0  }
0xca: {  	s0 =	sadd.s32 $0x8F2B, s0  }
0xcb: {  	[sflag:s0] =	ssyncadd.remote.s32 $0x1  }
0xcc: {  	_ =	sfence.sel $0xFFFF  }
0xcd: {  	[dreg:$0x0] =	wrdreg $0xFFFFFFFF;
	(pc) =	sbr.abs _section_cstart, $3  }
0xce: {  	[dreg:$0x1] =	wrdreg $0xFFFFFFFF  }
0xcf: {  	_ =	task.clear_ibuf [dreg:s22], $0x2FFFF;
	_ =	strace $0x9FFFFFFF  }
0xd0: {  	(tm) =	ssettm $0x7FFFFFFF  }
0xd1: {  	_ =	shalt  }
tec
execute0_lowered:
.L_overlay_start_1:
0x0: {  	(tag) =	ssettag $0x1  }
0x1: {  	s0 =	rddreg [dreg:$0x0]  }
0x2: {  	s2 =	simm.s32 $0x0;
	s1 =	srdreg.scid;
	s13 =	stileid.u32  }
0x3: {  	s26 =	simm.s32 $0x10280;
	s29 =	simm.s32 $0xA000;
	s18 =	simm.s32 $0x10200  }
0x4: {  	s30 =	simm.s32 $0x10380;
	s19 =	simm.s32 $0x10300;
	s31 =	simm.s32 $0xE000  }
0x5: {  	s20 =	simm.s32 $0x8000;
	s28 =	simm.s32 $0x0;
	[smem:$0x7FF] =	sst s2  }
0x6: {  	s1 =	sand.u32 $0x1, s1;
	s7 =	sadd.s32 $0x218200, s0;
	s9 =	smul.u32 $0x700, s13  }
0x7: {  	s3 =	sshll.u32 s13, $0x1;
	s8 =	sadd.s32 $0x22D200, s0;
	s11 =	smul.u32 $0x1C0000, s13  }
0x8: {  	s13 =	smul.u32 $0x3800, s13;
	_ =	strace $0x8000004A;
	[dreg:$0x6] =	wrdreg s26  }
0x9: {  	s3 =	sor.u32 s1, s3;
	s10 =	smul.u32 $0x380, s1;
	[dreg:$0x7] =	wrdreg s29  }
0xa: {  	s4 =	ssub.s32 $0x2, s1;
	s14 =	smul.u32 $0x1C00, s1;
	[dreg:$0x8] =	wrdreg s30  }
0xb: {  	s1 =	smul.u32 $0xE0000, s1;
	[dreg:$0x9] =	wrdreg s31;
	s26 =	simm.s32 $0x4  }
0xc: {  	s5 =	smul.u32 $0x380, s3;
	s3 =	sadd.s32 $0xF44600, s0;
	s6 =	sshrl.u32 s4, $0x1  }
0xd: {  	s0 =	sadd.s32 $0x234200, s0;
	s12 =	sadd.s32 s9, s8;
	s9 =	sadd.s32 s9, s7  }
0xe: {  	s6 =	ssub.s32 s4, s6;
	s12 =	sadd.s32 s10, s12;
	s9 =	sadd.s32 s10, s9  }
0xf: {  	s22 =	sadd.s32 s14, s13;
	s1 =	sadd.s32 s1, s11;
	s11 =	simm.s32 $0x10100  }
0x10: {  	s13 =	simm.s32 $0x4000;
	s21 =	sadd.s32 s7, s5;
	s5 =	sadd.s32 s8, s5  }
0x11: {  	s6 =	smax.u32 s6, $0x1;
	s12 =	sadd.s32 $0x40, s12;
	s9 =	sadd.s32 $0x40, s9  }
0x12: {  	s23 =	sor.u32 $0x100, s22;
	s24 =	sshrl.u32 s1, $0x3;
	[dreg:$0xa] =	wrdreg s21  }
0x13: {  	s1 =	sor.u32 $0x8000, s1;
	s22 =	simm.s32 $0x1;
	[dreg:$0x2] =	wrdreg s12  }
0x14: {  	[dreg:$0x3] =	wrdreg s9;
	s9 =	sshrl.u32 s23, $0x3;
	s10 =	sadd.s32 s24, s0  }
0x15: {  	s1 =	sshrl.u32 s1, $0x3;
	s12 =	simm.s32 $0x80;
	s21 =	simm.s32 $0xC000  }
0x16: {  	s23 =	simm.s32 $0x40;
	s24 =	simm.s32 $0x3;
	s8 =	sadd.s32 s9, s8  }
0x17: {  	s0 =	sadd.s32 s1, s0;
	s25 =	sadd.s32 s9, s7;
	s7 =	sadd.s32 $0x8, s10  }
0x18: {  	s9 =	simm.s32 $0x10000;
	s10 =	simm.s32 $0x5;
	[dreg:$0x4] =	wrdreg s8  }
0x19: {  	s8 =	sadd.s32 $0x8, s0;
	[dreg:$0x5] =	wrdreg s25;
	s25 =	simm.s32 $0x2  }
.LBB2_1:
0x1a: {  	s0 =	rddreg [dreg:$0xa]  }
0x1b: {  	[tilespmem:s9], [sflag:$0x5] =	stream.linear.gather [hbm4b:s0+s2], $0x100, $0x38;
	[tilespmem:$0x10400] =	vst v63  }
0x1c: {  	_ =	swait.ge [sflag:s10], $0x100  }
0x1d: {  	[sflag:s10] =	ssyncset.done $0x0  }
0x1e: {  	[sflag:s10] =	ssyncadd.s32 $0xFFFFFF00  }
0x1f: {  	[tilespmem:s11], [sflag:$0x5] =	stream.linear.gather [hbm4b:s5+s2], $0x100, $0x38;
	[tilespmem:$0x10400] =	vst v63  }
0x20: {  	_ =	swait.ge [sflag:s10], $0x100  }
0x21: {  	[sflag:s10] =	ssyncset.done $0x0  }
0x22: {  	[sflag:s10] =	ssyncadd.s32 $0xFFFFFF00  }
0x23: {  	[tilespmem:s2], [sflag:$0x1] =	stream.indirect.gather [hbm4b:s3+s12], $0x40, s9, s12, $0xb8;
	[tilespmem:$0x10400] =	vst v63  }
0x24: {  	_ = 	snop  }
0x25: {  	[tilespmem:s13], [sflag:$0x1] =	stream.indirect.gather [hbm4b:s3+s12], $0x40, s11, s12, $0xb8;
	[tilespmem:$0x10400] =	vst v63  }
0x26: {  	s15 =	simm.s32 $0x10080;
	s1 =	simm.s32 $0x2000  }
0x27: {  	[tilespmem:s1], [sflag:$0x1] =	stream.indirect.gather [hbm4b:s3+s12], $0x40, s15, s12, $0xb8;
	[tilespmem:$0x10400] =	vst v63  }
0x28: {  	s17 =	simm.s32 $0x10180;
	s4 =	simm.s32 $0x6000;
	s16 =	rddreg [dreg:$0x5]  }
0x29: {  	[tilespmem:s4], [sflag:$0x1] =	stream.indirect.gather [hbm4b:s3+s12], $0x40, s17, s12, $0xb8;
	[tilespmem:$0x10400] =	vst v63  }
0x2a: {  	s0 =	sadd.s32 $0x0, s16  }
0x2b: {  	[tilespmem:s18], [sflag:$0x5] =	stream.linear.gather [hbm4b:s0+s2], $0x100, $0x38;
	[tilespmem:$0x10400] =	vst v63  }
0x2c: {  	_ =	swait.ge [sflag:s10], $0x100  }
0x2d: {  	s4 =	rddreg [dreg:$0x4];
	[sflag:s10] =	ssyncset.done $0x0  }
0x2e: {  	[sflag:s10] =	ssyncadd.s32 $0xFFFFFF00;
	s0 =	sadd.s32 $0x0, s4  }
0x2f: {  	[tilespmem:s19], [sflag:$0x5] =	stream.linear.gather [hbm4b:s0+s2], $0x100, $0x38;
	[tilespmem:$0x10400] =	vst v63  }
0x30: {  	_ =	swait.ge [sflag:s10], $0x100  }
0x31: {  	[sflag:s10] =	ssyncset.done $0x0  }
0x32: {  	s14 =	rddreg [dreg:$0x9];
	[sflag:s10] =	ssyncadd.s32 $0xFFFFFF00  }
0x33: {  	[tilespmem:s20], [sflag:$0x2] =	stream.indirect.gather [hbm4b:s3+s12], $0x40, s18, s12, $0xb8;
	[tilespmem:$0x10400] =	vst v63  }
0x34: {  	s15 =	rddreg [dreg:$0x7]  }
0x35: {  	[tilespmem:s21], [sflag:$0x2] =	stream.indirect.gather [hbm4b:s3+s12], $0x40, s19, s12, $0xb8;
	[tilespmem:$0x10400] =	vst v63  }
0x36: {  	s29 =	rddreg [dreg:$0x6]  }
0x37: {  	[tilespmem:s15], [sflag:$0x2] =	stream.indirect.gather [hbm4b:s3+s12], $0x40, s29, s12, $0xb8;
	[tilespmem:$0x10400] =	vst v63  }
0x38: {  	s30 =	rddreg [dreg:$0x8]  }
0x39: {  	[tilespmem:s14], [sflag:$0x2] =	stream.indirect.gather [hbm4b:s3+s12], $0x40, s30, s12, $0xb8;
	[tilespmem:$0x10400] =	vst v63  }
0x3a: {  	_ =	swait.ge [sflag:s22], $0x4000  }
0x3b: {  	[sflag:s22] =	ssyncset.done $0x0  }
0x3c: {  	[sflag:s22] =	ssyncadd.s32 $0xFFFFC000  }
0x3d: {  	_ =	swait.ge [sflag:s22], $0x4000  }
0x3e: {  	[sflag:s22] =	ssyncset.done $0x0  }
0x3f: {  	s16 =	sadd.s32 $0xFFFFFFF8, s7;
	[sflag:s22] =	ssyncadd.s32 $0xFFFFC000  }
0x40: {  	[hbm4b:s16+s23] =	stream.strided.scatter [tilespmem:s2], [sflag:$0x3], $0x4000, s12, s23, $0x38;
	[tilespmem:$0x10400] =	vst v63  }
0x41: {  	_ = 	snop  }
0x42: {  	[hbm4b:s7+s23] =	stream.strided.scatter [tilespmem:s13], [sflag:$0x3], $0x4000, s12, s23, $0x38;
	[tilespmem:$0x10400] =	vst v63  }
0x43: {  	_ =	swait.ge [sflag:s24], $0x4000  }
0x44: {  	[sflag:s24] =	ssyncset.done $0x0  }
0x45: {  	p0 =	por $0x0, $0x0;
	[sflag:s24] =	ssyncadd.s32 $0xFFFFC000  }
0x46: {  	s1 =	simm.s32 @!p0 $0x0;
	_ =	swait.ge [sflag:s24], $0x4000  }
0x47: {  	s29 =	simm.s32 @!p0 $0x10000;
	s0 =	rddreg [dreg:$0x3];
	[sflag:s24] =	ssyncset.done $0x0  }
0x48: {  	s30 =	simm.s32 @!p0 $0x5;
	[sflag:s24] =	ssyncadd.s32 $0xFFFFC000;
	s0 =	sadd.s32 @!p0 $0x0, s0  }
0x49: {  	[tilespmem:s29], [sflag:$0x5] =	stream.linear.gather @!p0 [hbm4b:s0+s1], $0x100, $0x38;
	[tilespmem:$0x10400] =	vst v63  }
0x4a: {  	_ =	swait.ge @!p0 [sflag:s30], $0x100  }
0x4b: {  	s0 =	rddreg [dreg:$0x2];
	[sflag:s30] =	ssyncset.done @!p0 $0x0  }
0x4c: {  	s31 =	simm.s32 @!p0 $0x10100;
	[sflag:s30] =	ssyncadd.s32 @!p0 $0xFFFFFF00;
	s0 =	sadd.s32 @!p0 $0x0, s0  }
0x4d: {  	[tilespmem:s31], [sflag:$0x5] =	stream.linear.gather @!p0 [hbm4b:s0+s1], $0x100, $0x38;
	[tilespmem:$0x10400] =	vst v63  }
0x4e: {  	_ =	swait.ge @!p0 [sflag:s30], $0x100  }
0x4f: {  	[sflag:s30] =	ssyncset.done @!p0 $0x0  }
0x50: {  	s0 =	simm.s32 @!p0 $0x80;
	[sflag:s30] =	ssyncadd.s32 @!p0 $0xFFFFFF00  }
0x51: {  	[tilespmem:s1], [sflag:$0x1] =	stream.indirect.gather @!p0 [hbm4b:s3+s0], $0x40, s29, s0, $0xb8;
	[tilespmem:$0x10400] =	vst v63  }
0x52: {  	s1 =	simm.s32 @!p0 $0x4000  }
0x53: {  	[tilespmem:s1], [sflag:$0x1] =	stream.indirect.gather @!p0 [hbm4b:s3+s0], $0x40, s31, s0, $0xb8;
	[tilespmem:$0x10400] =	vst v63  }
0x54: {  	s29 =	simm.s32 @!p0 $0x2000;
	s1 =	simm.s32 @!p0 $0x10080  }
0x55: {  	[tilespmem:s29], [sflag:$0x1] =	stream.indirect.gather @!p0 [hbm4b:s3+s0], $0x40, s1, s0, $0xb8;
	[tilespmem:$0x10400] =	vst v63  }
0x56: {  	s1 =	simm.s32 @!p0 $0x10180;
	s29 =	simm.s32 @!p0 $0x6000  }
0x57: {  	[tilespmem:s29], [sflag:$0x1] =	stream.indirect.gather @!p0 [hbm4b:s3+s0], $0x40, s1, s0, $0xb8;
	[tilespmem:$0x10400] =	vst v63  }
0x58: {  	_ =	swait.ge [sflag:s25], $0x4000  }
0x59: {  	[sflag:s25] =	ssyncset.done $0x0  }
0x5a: {  	[sflag:s25] =	ssyncadd.s32 $0xFFFFC000  }
0x5b: {  	_ =	swait.ge [sflag:s25], $0x4000  }
0x5c: {  	[sflag:s25] =	ssyncset.done $0x0  }
0x5d: {  	s17 =	sadd.s32 $0xFFFFFFF8, s8;
	[sflag:s25] =	ssyncadd.s32 $0xFFFFC000  }
0x5e: {  	[hbm4b:s17+s23] =	stream.strided.scatter [tilespmem:s20], [sflag:$0x4], $0x4000, s12, s23, $0x38;
	[tilespmem:$0x10400] =	vst v63  }
0x5f: {  	_ = 	snop  }
0x60: {  	[hbm4b:s8+s23] =	stream.strided.scatter [tilespmem:s21], [sflag:$0x4], $0x4000, s12, s23, $0x38;
	[tilespmem:$0x10400] =	vst v63  }
0x61: {  	_ =	swait.ge [sflag:s26], $0x4000  }
0x62: {  	[sflag:s26] =	ssyncset.done $0x0  }
0x63: {  	s30 =	simm.s32 $0x40;
	s31 =	sadd.s32 $0x2000, s7;
	[sflag:s26] =	ssyncadd.s32 $0xFFFFC000  }
0x64: {  	s0 =	simm.s32 $0x80;
	s29 =	sadd.s32 $0x2000, s8;
	_ =	swait.ge [sflag:s26], $0x4000  }
.LBB2_2:
0x65: {  	s14 =	rddreg [dreg:$0x5];
	[sflag:s26] =	ssyncset.done $0x0  }
0x66: {  	[sflag:s26] =	ssyncadd.s32 $0xFFFFC000;
	s14 =	sadd.s32 s30, s14  }
0x67: {  	[tilespmem:s18], [sflag:$0x5] =	stream.linear.gather [hbm4b:s14+s2], $0x100, $0x38;
	[tilespmem:$0x10400] =	vst v63  }
0x68: {  	_ =	swait.ge [sflag:s10], $0x100  }
0x69: {  	s17 =	rddreg [dreg:$0x4];
	[sflag:s10] =	ssyncset.done $0x0  }
0x6a: {  	[sflag:s10] =	ssyncadd.s32 $0xFFFFFF00;
	s14 =	sadd.s32 s30, s17  }
0x6b: {  	[tilespmem:s19], [sflag:$0x5] =	stream.linear.gather [hbm4b:s14+s2], $0x100, $0x38;
	[tilespmem:$0x10400] =	vst v63  }
0x6c: {  	_ =	swait.ge [sflag:s10], $0x100  }
0x6d: {  	[sflag:s10] =	ssyncset.done $0x0  }
0x6e: {  	s4 =	rddreg [dreg:$0x9];
	[sflag:s10] =	ssyncadd.s32 $0xFFFFFF00  }
0x6f: {  	[tilespmem:s20], [sflag:$0x2] =	stream.indirect.gather [hbm4b:s3+s12], $0x40, s18, s12, $0xb8;
	[tilespmem:$0x10400] =	vst v63  }
0x70: {  	s15 =	rddreg [dreg:$0x7]  }
0x71: {  	[tilespmem:s21], [sflag:$0x2] =	stream.indirect.gather [hbm4b:s3+s12], $0x40, s19, s12, $0xb8;
	[tilespmem:$0x10400] =	vst v63  }
0x72: {  	s16 =	rddreg [dreg:$0x6]  }
0x73: {  	[tilespmem:s15], [sflag:$0x2] =	stream.indirect.gather [hbm4b:s3+s12], $0x40, s16, s12, $0xb8;
	[tilespmem:$0x10400] =	vst v63  }
0x74: {  	s17 =	rddreg [dreg:$0x8]  }
0x75: {  	[tilespmem:s4], [sflag:$0x2] =	stream.indirect.gather [hbm4b:s3+s12], $0x40, s17, s12, $0xb8;
	[tilespmem:$0x10400] =	vst v63  }
0x76: {  	_ =	swait.ge [sflag:s22], $0x4000  }
0x77: {  	[sflag:s22] =	ssyncset.done $0x0  }
0x78: {  	[sflag:s22] =	ssyncadd.s32 $0xFFFFC000  }
0x79: {  	_ =	swait.ge [sflag:s22], $0x4000  }
0x7a: {  	[sflag:s22] =	ssyncset.done $0x0  }
0x7b: {  	s16 =	sadd.s32 $0xFFFFFFF8, s31;
	[sflag:s22] =	ssyncadd.s32 $0xFFFFC000  }
0x7c: {  	[hbm4b:s16+s23] =	stream.strided.scatter [tilespmem:s2], [sflag:$0x3], $0x4000, s12, s23, $0x38;
	[tilespmem:$0x10400] =	vst v63  }
0x7d: {  	_ = 	snop  }
0x7e: {  	[hbm4b:s31+s23] =	stream.strided.scatter [tilespmem:s13], [sflag:$0x3], $0x4000, s12, s23, $0x38;
	[tilespmem:$0x10400] =	vst v63  }
0x7f: {  	_ =	swait.ge [sflag:s24], $0x4000  }
0x80: {  	[sflag:s24] =	ssyncset.done $0x0  }
0x81: {  	p1 =	seq.s32 s30, $0x340;
	[sflag:s24] =	ssyncadd.s32 $0xFFFFC000  }
0x82: {  	s15 =	simm.s32 @!p1 $0x0;
	_ =	swait.ge [sflag:s24], $0x4000  }
0x83: {  	s17 =	simm.s32 @!p1 $0x5;
	s14 =	rddreg [dreg:$0x3];
	[sflag:s24] =	ssyncset.done $0x0  }
0x84: {  	s16 =	simm.s32 @!p1 $0x10000;
	[sflag:s24] =	ssyncadd.s32 $0xFFFFC000;
	s14 =	sadd.s32 @!p1 s30, s14  }
0x85: {  	[tilespmem:s16], [sflag:$0x5] =	stream.linear.gather @!p1 [hbm4b:s14+s15], $0x100, $0x38;
	[tilespmem:$0x10400] =	vst v63  }
0x86: {  	_ =	swait.ge @!p1 [sflag:s17], $0x100  }
0x87: {  	[sflag:s17] =	ssyncset.done @!p1 $0x0;
	s14 =	rddreg [dreg:$0x2]  }
0x88: {  	s4 =	simm.s32 @!p1 $0x10100;
	[sflag:s17] =	ssyncadd.s32 @!p1 $0xFFFFFF00;
	s14 =	sadd.s32 @!p1 s30, s14  }
0x89: {  	[tilespmem:s4], [sflag:$0x5] =	stream.linear.gather @!p1 [hbm4b:s14+s15], $0x100, $0x38;
	[tilespmem:$0x10400] =	vst v63  }
0x8a: {  	_ =	swait.ge @!p1 [sflag:s17], $0x100  }
0x8b: {  	s1 =	smov.u32 s0;
	[sflag:s17] =	ssyncset.done @!p1 $0x0  }
0x8c: {  	s30 =	smov.u32 s1;
	s1 =	simm.s32 @!p1 $0x80;
	[sflag:s17] =	ssyncadd.s32 @!p1 $0xFFFFFF00  }
0x8d: {  	[tilespmem:s15], [sflag:$0x1] =	stream.indirect.gather @!p1 [hbm4b:s3+s1], $0x40, s16, s1, $0xb8;
	[tilespmem:$0x10400] =	vst v63  }
0x8e: {  	s14 =	simm.s32 @!p1 $0x4000  }
0x8f: {  	[tilespmem:s14], [sflag:$0x1] =	stream.indirect.gather @!p1 [hbm4b:s3+s1], $0x40, s4, s1, $0xb8;
	[tilespmem:$0x10400] =	vst v63  }
0x90: {  	s15 =	simm.s32 @!p1 $0x10080;
	s16 =	simm.s32 @!p1 $0x2000  }
0x91: {  	[tilespmem:s16], [sflag:$0x1] =	stream.indirect.gather @!p1 [hbm4b:s3+s1], $0x40, s15, s1, $0xb8;
	[tilespmem:$0x10400] =	vst v63  }
0x92: {  	s4 =	simm.s32 @!p1 $0x10180;
	s14 =	simm.s32 @!p1 $0x6000  }
0x93: {  	[tilespmem:s14], [sflag:$0x1] =	stream.indirect.gather @!p1 [hbm4b:s3+s1], $0x40, s4, s1, $0xb8;
	[tilespmem:$0x10400] =	vst v63  }
0x94: {  	_ =	swait.ge [sflag:s25], $0x4000  }
0x95: {  	[sflag:s25] =	ssyncset.done $0x0  }
0x96: {  	[sflag:s25] =	ssyncadd.s32 $0xFFFFC000  }
0x97: {  	_ =	swait.ge [sflag:s25], $0x4000  }
0x98: {  	[sflag:s25] =	ssyncset.done $0x0  }
0x99: {  	s0 =	sadd.s32 $0x40, s0;
	s17 =	sadd.s32 $0xFFFFFFF8, s29;
	[sflag:s25] =	ssyncadd.s32 $0xFFFFC000  }
0x9a: {  	[hbm4b:s17+s23] =	stream.strided.scatter [tilespmem:s20], [sflag:$0x4], $0x4000, s12, s23, $0x38;
	[tilespmem:$0x10400] =	vst v63  }
0x9b: {  	p0 =	sne.s32 s0, $0x380  }
0x9c: {  	[hbm4b:s29+s23] =	stream.strided.scatter [tilespmem:s21], [sflag:$0x4], $0x4000, s12, s23, $0x38;
	[tilespmem:$0x10400] =	vst v63  }
.Ltmp0:
0x9d: {  	_ = 	snop;
	(pc) =	sbr.rel @p0 .LBB2_2-.Ltmp0, $4  }
0x9e: {  	_ =	swait.ge [sflag:s26], $0x4000  }
0x9f: {  	[sflag:s26] =	ssyncset.done $0x0  }
0xa0: {  	[sflag:s26] =	ssyncadd.s32 $0xFFFFC000  }
0xa1: {  	s31 =	sadd.s32 $0x2000, s31;
	s29 =	sadd.s32 $0x2000, s29;
	_ =	swait.ge [sflag:s26], $0x4000  }
0xa2: {  	s0 =	rddreg [dreg:$0x5];
	[sflag:s26] =	ssyncset.done $0x0  }
0xa3: {  	[sflag:s26] =	ssyncadd.s32 $0xFFFFC000;
	s0 =	sadd.s32 s30, s0  }
0xa4: {  	[tilespmem:s18], [sflag:$0x5] =	stream.linear.gather [hbm4b:s0+s2], $0x100, $0x38;
	[tilespmem:$0x10400] =	vst v63  }
0xa5: {  	_ =	swait.ge [sflag:s10], $0x100  }
0xa6: {  	s15 =	rddreg [dreg:$0x4];
	[sflag:s10] =	ssyncset.done $0x0  }
0xa7: {  	[sflag:s10] =	ssyncadd.s32 $0xFFFFFF00;
	s0 =	sadd.s32 s30, s15  }
0xa8: {  	[tilespmem:s19], [sflag:$0x5] =	stream.linear.gather [hbm4b:s0+s2], $0x100, $0x38;
	[tilespmem:$0x10400] =	vst v63  }
0xa9: {  	_ =	swait.ge [sflag:s10], $0x100  }
0xaa: {  	[sflag:s10] =	ssyncset.done $0x0  }
0xab: {  	s16 =	rddreg [dreg:$0x9];
	[sflag:s10] =	ssyncadd.s32 $0xFFFFFF00  }
0xac: {  	[tilespmem:s20], [sflag:$0x2] =	stream.indirect.gather [hbm4b:s3+s12], $0x40, s18, s12, $0xb8;
	[tilespmem:$0x10400] =	vst v63  }
0xad: {  	s1 =	rddreg [dreg:$0x7]  }
0xae: {  	[tilespmem:s21], [sflag:$0x2] =	stream.indirect.gather [hbm4b:s3+s12], $0x40, s19, s12, $0xb8;
	[tilespmem:$0x10400] =	vst v63  }
0xaf: {  	s4 =	rddreg [dreg:$0x6]  }
0xb0: {  	[tilespmem:s1], [sflag:$0x2] =	stream.indirect.gather [hbm4b:s3+s12], $0x40, s4, s12, $0xb8;
	[tilespmem:$0x10400] =	vst v63  }
0xb1: {  	s14 =	rddreg [dreg:$0x8]  }
0xb2: {  	[tilespmem:s16], [sflag:$0x2] =	stream.indirect.gather [hbm4b:s3+s12], $0x40, s14, s12, $0xb8;
	[tilespmem:$0x10400] =	vst v63  }
0xb3: {  	_ =	swait.ge [sflag:s22], $0x4000  }
0xb4: {  	[sflag:s22] =	ssyncset.done $0x0  }
0xb5: {  	[sflag:s22] =	ssyncadd.s32 $0xFFFFC000  }
0xb6: {  	_ =	swait.ge [sflag:s22], $0x4000  }
0xb7: {  	[sflag:s22] =	ssyncset.done $0x0  }
0xb8: {  	s17 =	sadd.s32 $0xFFFFFFF8, s31;
	[sflag:s22] =	ssyncadd.s32 $0xFFFFC000  }
0xb9: {  	[hbm4b:s17+s23] =	stream.strided.scatter [tilespmem:s2], [sflag:$0x3], $0x4000, s12, s23, $0x38;
	[tilespmem:$0x10400] =	vst v63  }
0xba: {  	_ = 	snop  }
0xbb: {  	[hbm4b:s31+s23] =	stream.strided.scatter [tilespmem:s13], [sflag:$0x3], $0x4000, s12, s23, $0x38;
	[tilespmem:$0x10400] =	vst v63  }
0xbc: {  	_ =	swait.ge [sflag:s24], $0x4000  }
0xbd: {  	[sflag:s24] =	ssyncset.done $0x0  }
0xbe: {  	p0 =	seq.s32 s30, $0x340;
	[sflag:s24] =	ssyncadd.s32 $0xFFFFC000  }
0xbf: {  	s1 =	simm.s32 @!p0 $0x0;
	_ =	swait.ge [sflag:s24], $0x4000  }
0xc0: {  	s4 =	simm.s32 @!p0 $0x10000;
	s0 =	rddreg [dreg:$0x3];
	[sflag:s24] =	ssyncset.done $0x0  }
0xc1: {  	s14 =	simm.s32 @!p0 $0x5;
	[sflag:s24] =	ssyncadd.s32 $0xFFFFC000;
	s0 =	sadd.s32 @!p0 s30, s0  }
0xc2: {  	[tilespmem:s4], [sflag:$0x5] =	stream.linear.gather @!p0 [hbm4b:s0+s1], $0x100, $0x38;
	[tilespmem:$0x10400] =	vst v63  }
0xc3: {  	_ =	swait.ge @!p0 [sflag:s14], $0x100  }
0xc4: {  	s0 =	rddreg [dreg:$0x2];
	[sflag:s14] =	ssyncset.done @!p0 $0x0  }
0xc5: {  	s15 =	simm.s32 @!p0 $0x10100;
	[sflag:s14] =	ssyncadd.s32 @!p0 $0xFFFFFF00;
	s0 =	sadd.s32 @!p0 s30, s0  }
0xc6: {  	[tilespmem:s15], [sflag:$0x5] =	stream.linear.gather @!p0 [hbm4b:s0+s1], $0x100, $0x38;
	[tilespmem:$0x10400] =	vst v63  }
0xc7: {  	_ =	swait.ge @!p0 [sflag:s14], $0x100  }
0xc8: {  	[sflag:s14] =	ssyncset.done @!p0 $0x0  }
0xc9: {  	s0 =	simm.s32 @!p0 $0x80;
	[sflag:s14] =	ssyncadd.s32 @!p0 $0xFFFFFF00  }
0xca: {  	[tilespmem:s1], [sflag:$0x1] =	stream.indirect.gather @!p0 [hbm4b:s3+s0], $0x40, s4, s0, $0xb8;
	[tilespmem:$0x10400] =	vst v63  }
0xcb: {  	s1 =	simm.s32 @!p0 $0x4000  }
0xcc: {  	[tilespmem:s1], [sflag:$0x1] =	stream.indirect.gather @!p0 [hbm4b:s3+s0], $0x40, s15, s0, $0xb8;
	[tilespmem:$0x10400] =	vst v63  }
0xcd: {  	s4 =	simm.s32 @!p0 $0x2000;
	s1 =	simm.s32 @!p0 $0x10080  }
0xce: {  	[tilespmem:s4], [sflag:$0x1] =	stream.indirect.gather @!p0 [hbm4b:s3+s0], $0x40, s1, s0, $0xb8;
	[tilespmem:$0x10400] =	vst v63  }
0xcf: {  	s1 =	simm.s32 @!p0 $0x10180;
	s4 =	simm.s32 @!p0 $0x6000  }
0xd0: {  	[tilespmem:s4], [sflag:$0x1] =	stream.indirect.gather @!p0 [hbm4b:s3+s0], $0x40, s1, s0, $0xb8;
	[tilespmem:$0x10400] =	vst v63  }
0xd1: {  	_ =	swait.ge [sflag:s25], $0x4000  }
0xd2: {  	[sflag:s25] =	ssyncset.done $0x0  }
0xd3: {  	[sflag:s25] =	ssyncadd.s32 $0xFFFFC000  }
0xd4: {  	_ =	swait.ge [sflag:s25], $0x4000  }
0xd5: {  	[sflag:s25] =	ssyncset.done $0x0  }
0xd6: {  	s31 =	sadd.s32 $0xFFFFFFF8, s29;
	[sflag:s25] =	ssyncadd.s32 $0xFFFFC000  }
0xd7: {  	[hbm4b:s31+s23] =	stream.strided.scatter [tilespmem:s20], [sflag:$0x4], $0x4000, s12, s23, $0x38;
	[tilespmem:$0x10400] =	vst v63  }
0xd8: {  	s28 =	sadd.s32 $0x1, s28  }
0xd9: {  	[hbm4b:s29+s23] =	stream.strided.scatter [tilespmem:s21], [sflag:$0x4], $0x4000, s12, s23, $0x38;
	[tilespmem:$0x10400] =	vst v63  }
0xda: {  	p0 =	sne.s32 s28, s6;
	_ =	swait.ge [sflag:s26], $0x4000  }
.Ltmp1:
0xdb: {  	[sflag:s26] =	ssyncset.done $0x0;
	(pc) =	sbr.rel @p0 .LBB2_1-.Ltmp1, $4  }
0xdc: {  	[sflag:s26] =	ssyncadd.s32 $0xFFFFC000  }
0xdd: {  	_ =	swait.ge [sflag:s26], $0x4000  }
0xde: {  	[sflag:s26] =	ssyncset.done $0x0  }
0xdf: {  	[sflag:s26] =	ssyncadd.s32 $0xFFFFC000  }
0xe0: {  	_ =	sfence.sel $0x180000  }
0xe1: {  	[bflag:$0x0] =	sbarrier.arrive $0xFFFF  }
0xe2: {  	_ =	strace $0x9000004A  }
0xe3: {  	s0 =	stileid.u32;
	[bflag:$0x2] =	sbarrier.arrive $0xFFFF  }
0xe4: {  	p0 =	sne.s32 s0, $0x0;
	s0 =	rddreg [dreg:$0x1]  }
0xe5: {  	s0 =	sadd.s32 @!p0 $0x100000, s0  }
0xe6: {  	[sflag:s0] =	ssyncadd.tile.s32 @!p0 $0x1;
	_ =	shalt  }
.Lfunc_end2:
_tile_overlayer_lowered:
.L_overlay_start_2:
0xe7: {  	(tag) =	ssettag $0x2  }
0xe8: {  	s0 =	rddreg [dreg:$0x0];
	s2 =	stileid.u32  }
0xe9: {  	s1 =	rddreg [dreg:$0x1];
	p0 =	sne.s32 s2, $0x0  }
0xea: {  	s3 =	rddreg [dreg:$0x2];
	[bflag:$0x3] =	sbarrier.arrive $0xFFFF;
	s2 =	simm.s32 @!p0 $0x1C05  }
0xeb: {  	[timem:s3], [sflag:s2] =	dma.local @!p0 [hbm:s0], s1  }
0xec: {  	s0 =	simm.s32 @!p0 $0x5  }
0xed: {  	_ =	swait.ge @!p0 [sflag:s0], s1  }
0xee: {  	s1 =	ssub.s32 @!p0 $0x0, s1;
	[sflag:s0] =	ssyncset.done @!p0 $0x0  }
0xef: {  	[sflag:s0] =	ssyncadd.s32 @!p0 s1  }
0xf0: {  	[bflag:$0x3] =	sbarrier.arrive $0xFFFF  }
0xf1: {  	_ =	shalt  }

// kernel: _run.16.cloned.1.call-start
scs
__scs_entry_jumppad:
0x0: {  	(pc) =	sbr.rel $0x88, $3  }
0x1: {  	(tag) =	ssettag $0x0;
	lr =	simm.s32 $0x1  }
0x2: {  	[smem:$0x3F9D] =	sst lr;
	_ =	strace $0xD0000000  }
0x3: {  	_ = 	snop  }
0x4: {  	_ = 	snop  }
0x5: {  	_ = 	snop  }
0x6: {  	_ = 	snop  }
0x7: {  	_ = 	snop  }
__scs_overlays_trampoline_lowered:
0x8: {  	[smem:$0x3FAC] =	sst s0  }
0x9: {  	[smem:$0x3FAD] =	sst s1  }
0xa: {  	[smem:$0x3FAE] =	sst s2  }
0xb: {  	[smem:$0x3FAF] =	sst s3  }
0xc: {  	[smem:$0x3FB0] =	sst s4  }
0xd: {  	[smem:$0x3FB1] =	sst s5  }
0xe: {  	[smem:$0x3FB2] =	sst s6  }
0xf: {  	[smem:$0x3FB3] =	sst s7  }
0x10: {  	[smem:$0x3FB4] =	sst s8  }
0x11: {  	[smem:$0x3FB5] =	sst s9;
	s0 =	simm.s32 @!p0 $0x0  }
0x12: {  	s1 =	sld [smem:$0x3F9B];
	s0 =	simm.s32 @p0 $0x1  }
0x13: {  	[smem:$0x3FB6] =	sst s0;
	s0 =	simm.s32 @!p1 $0x0  }
0x14: {  	s2 =	sld [smem:$0x3F9A];
	s0 =	simm.s32 @p1 $0x1  }
0x15: {  	[smem:$0x3FB7] =	sst s0;
	s0 =	simm.s32 @!p2 $0x0  }
0x16: {  	s3 =	sld [smem:$0x3FDB];
	s0 =	simm.s32 @p2 $0x1  }
0x17: {  	s4 =	simm.s32 $0x1BF5;
	[smem:$0x3FB9] =	sst s0  }
0x18: {  	s0 =	sld [smem:$0x3F9C];
	_ =	swait.ge [sflag:s4], $0x0  }
0x19: {  	s7 =	sld [smem:$0x3F9D]  }
0x1a: {  	s8 =	sadd.s32 $0xFFFFE003, lr  }
0x1b: {  	s9 =	sadd.s32 $0xFFFFFEF7, lr;
	s5 =	simm.s32 $0xFFFFFFFF;
	p2 =	slt.u32 s8, $0xFFFFF086  }
0x1c: {  	p1 =	slt.u32 s9, $0xF7A;
	s5 =	simm.s32 @!p2 $0x0  }
0x1d: {  	s5 =	simm.s32 @p1 $0x1;
	p0 =	seq.s32 s7, s2  }
0x1e: {  	s7 =	smul.u32 @!p0 $0xF7A, s2;
	p2 =	seq.s32 @!p0 s5, $0x0  }
0x1f: {  	s9 =	smul.u32 $0xF7A, s1;
	s8 =	simm.s32 @!p0 $0x1BF5;
	p2 =	por !p2, p0  }
0x20: {  	[sflag:s8] =	ssyncset.s32 @!p0 $0xFFFFF086;
	s6 =	sadd.s32 @!p0 s3, s7;
	s7 =	simm.s32 @!p0 $0x108  }
0x21: {  	s3 =	sadd.s32 s3, s9;
	s6 =	sadd.s32 @!p0 $0x88, s6;
	s7 =	simm.s32 @p2 $0x1082  }
0x22: {  	[simem:s7], [sflag:s8] =	dma.local @!p0 [hbm:s6], $0xF7A  }
0x23: {  	s9 =	sor.u32 $0xD0000000, s2;
	s6 =	simm.s32 $0x108;
	_ =	swait.ge @!p0 [sflag:s8], $0x0  }
0x24: {  	s3 =	sadd.s32 $0x88, s3;
	s6 =	simm.s32 @!p1 $0x1082;
	[sflag:s4] =	ssyncset.s32 $0xFFFFF086  }
0x25: {  	[simem:s6], [sflag:s4] =	dma.local [hbm:s3], $0xF7A  }
0x26: {  	[smem:$0x3F9D] =	sst s1;
	(tag) =	ssettag s2;
	_ =	strace s9  }
0x27: {  	s1 =	sld [smem:$0x3FAD]  }
0x28: {  	s2 =	sld [smem:$0x3FAE]  }
0x29: {  	s4 =	sld [smem:$0x3FB0]  }
0x2a: {  	p0 =	seq.s32 s5, $0x0;
	s5 =	sld [smem:$0x3FB1]  }
0x2b: {  	s6 =	sld [smem:$0x3FB2]  }
0x2c: {  	s7 =	sld [smem:$0x3FB3]  }
0x2d: {  	s3 =	simm.s32 $0x108;
	s8 =	sld [smem:$0x3FB4]  }
0x2e: {  	s3 =	simm.s32 @!p0 $0x1082;
	s9 =	sld [smem:$0x3FB5]  }
0x2f: {  	lr =	sadd.s32 s0, s3;
	s0 =	sld [smem:$0x3FAC]  }
0x30: {  	s3 =	sld [smem:$0x3FAF]  }
0x31: {  	[smem:$0x3FB8] =	sst s10  }
0x32: {  	s10 =	sld [smem:$0x3FB6];
	_ =	sdelay $0x3  }
0x33: {  	p0 =	seq.s32 s10, $0x1;
	s10 =	sld [smem:$0x3FB8];
	_ =	sdelay $0x3  }
0x34: {  	[smem:$0x3FB8] =	sst s10  }
0x35: {  	s10 =	sld [smem:$0x3FB7];
	_ =	sdelay $0x3  }
0x36: {  	p1 =	seq.s32 s10, $0x1;
	s10 =	sld [smem:$0x3FB8];
	_ =	sdelay $0x3  }
0x37: {  	[smem:$0x3FB8] =	sst s10  }
0x38: {  	s10 =	sld [smem:$0x3FB9]  }
0x39: {  	_ = 	snop;
	(pc) =	sbr.ind lr, $3  }
0x3a: {  	_ = 	snop  }
0x3b: {  	_ = 	snop  }
0x3c: {  	p2 =	seq.s32 s10, $0x1;
	s10 =	sld [smem:$0x3FB8]  }
0x3d: {  	_ =	shalt  }
0x3e: {  	_ =	shalt  }
0x3f: {  	_ =	shalt  }
0x40: {  	_ =	shalt  }
0x41: {  	_ =	shalt  }
0x42: {  	_ =	shalt  }
0x43: {  	_ =	shalt  }
0x44: {  	_ =	shalt  }
0x45: {  	_ =	shalt  }
0x46: {  	_ =	shalt  }
0x47: {  	_ =	shalt  }
0x48: {  	_ =	shalt  }
0x49: {  	_ =	shalt  }
0x4a: {  	_ =	shalt  }
0x4b: {  	_ =	shalt  }
0x4c: {  	_ =	shalt  }
0x4d: {  	_ =	shalt  }
0x4e: {  	_ =	shalt  }
0x4f: {  	_ =	shalt  }
0x50: {  	_ =	shalt  }
0x51: {  	_ =	shalt  }
0x52: {  	_ =	shalt  }
0x53: {  	_ =	shalt  }
0x54: {  	_ =	shalt  }
0x55: {  	_ =	shalt  }
0x56: {  	_ =	shalt  }
0x57: {  	_ =	shalt  }
0x58: {  	_ =	shalt  }
0x59: {  	_ =	shalt  }
0x5a: {  	_ =	shalt  }
0x5b: {  	_ =	shalt  }
0x5c: {  	_ =	shalt  }
0x5d: {  	_ =	shalt  }
0x5e: {  	_ =	shalt  }
0x5f: {  	_ =	shalt  }
0x60: {  	_ =	shalt  }
0x61: {  	_ =	shalt  }
0x62: {  	_ =	shalt  }
0x63: {  	_ =	shalt  }
0x64: {  	_ =	shalt  }
0x65: {  	_ =	shalt  }
0x66: {  	_ =	shalt  }
0x67: {  	_ =	shalt  }
0x68: {  	_ =	shalt  }
0x69: {  	_ =	shalt  }
0x6a: {  	_ =	shalt  }
0x6b: {  	_ =	shalt  }
0x6c: {  	_ =	shalt  }
0x6d: {  	_ =	shalt  }
0x6e: {  	_ =	shalt  }
0x6f: {  	_ =	shalt  }
0x70: {  	_ =	shalt  }
0x71: {  	_ =	shalt  }
0x72: {  	_ =	shalt  }
0x73: {  	_ =	shalt  }
0x74: {  	_ =	shalt  }
0x75: {  	_ =	shalt  }
0x76: {  	_ =	shalt  }
0x77: {  	_ =	shalt  }
0x78: {  	_ =	shalt  }
0x79: {  	_ =	shalt  }
0x7a: {  	_ =	shalt  }
0x7b: {  	_ =	shalt  }
0x7c: {  	_ =	shalt  }
0x7d: {  	_ =	shalt  }
0x7e: {  	_ =	shalt  }
0x7f: {  	_ =	shalt  }
0x80: {  	_ =	shalt  }
0x81: {  	_ =	shalt  }
0x82: {  	_ =	shalt  }
0x83: {  	_ =	shalt  }
0x84: {  	_ =	shalt  }
0x85: {  	_ =	shalt  }
0x86: {  	_ =	shalt  }
0x87: {  	_ =	shalt  }
.Lfunc_end0:
.L_simem_size_0:
called_computation.2_lowered:
.L_overlay_start_0:
0x88: {  	s2 =	sld [smem:$0x3FD9]  }
0x89: {  	s3 =	sld [smem:$0x3FFE];
	_ =	sdelay $0x1  }
0x8a: {  	s1 =	srdreg.scid  }
0x8b: {  	s0 =	sand.u32 $0x1, s1  }
0x8c: {  	s17 =	sshll.u32 s0, $0xA;
	s2 =	sadd.s32 s3, s2  }
0x8d: {  	s2 =	sadd.s32 s2, s17  }
0x8e: {  	[smem:$0x3FC4] =	sst s2  }
0x8f: {  	_ = 	snop  }
0x90: {  	(tm) =	ssettm $0x1  }
0x91: {  	s18 =	sld [smem:$0x3FFB];
	_ =	sdelay $0x3  }
0x92: {  	_ =	strace s18  }
0x93: {  	s2 =	sld [smem:$0x3FFC];
	_ =	sdelay $0x3  }
0x94: {  	_ =	strace s2  }
0x95: {  	s2 =	sld [smem:$0x3FFD];
	_ =	sdelay $0x3  }
0x96: {  	_ =	strace s2  }
0x97: {  	_ =	strace $0x8FFFFFFF  }
0x98: {  	s19 =	sld [smem:$0x3FDB];
	_ =	sdelay $0x1  }
0x99: {  	s20 =	simm.s32 $_scs_section_size  }
0x9a: {  	s4 =	simm.s32 $_size__tile_overlayer_lowered;
	s5 =	simm.s32 $_tile_overlayer_lowered  }
0x9b: {  	s6 =	simm.s32 $0x1BFF;
	s21 =	sshll.u32 s5, $0x1;
	s3 =	sadd.s32 s20, s19  }
0x9c: {  	s22 =	simm.s32 $0x0;
	s4 =	sshll.u32 s4, $0x1;
	s5 =	sadd.s32 s21, s3  }
0x9d: {  	[timem:s22], [sflag:s6] =	dma.local [hbm:s5], s4  }
0x9e: {  	_ =	swait.ge [sflag:s6], s4  }
0x9f: {  	s4 =	ssub.s32 $0x0, s4;
	[sflag:s6] =	ssyncset.done $0x0  }
0xa0: {  	[sflag:s6] =	ssyncadd.s32 s4;
	_ =	sdelay $0x1  }
0xa1: {  	s23 =	simm.s32 $0x1B8B  }
0xa2: {  	_ =	swait.ge [sflag:s23], $0x1  }
0xa3: {  	[sflag:s23] =	ssyncset.done $0x0  }
0xa4: {  	[sflag:s23] =	ssyncadd.s32 $0xFFFFFFFF  }
0xa5: {  	s4 =	sld [smem:$0x0]  }
0xa6: {  	s5 =	sand.u32 $0xFFFFFFFE, s1  }
0xa7: {  	p0 =	sne.s32 s1, s5  }
0xa8: {  	s5 =	sshll.u32 @p0 s5, $0xE  }
0xa9: {  	s5 =	sadd.s32 @p0 $0x11B8D, s5;
	s6 =	sshll.u32 @p0 s4, $0x11  }
0xaa: {  	s5 =	sor.u32 @p0 s6, s5  }
0xab: {  	[sflag:s5] =	ssyncadd.remote.s32 @p0 $0x1;
	_ =	sdelay $0x1  }
0xac: {  	s5 =	simm.s32 @p0 $0x1B8D  }
0xad: {  	_ =	swait.eq @p0 [sflag:s5], $0x1  }
0xae: {  	[sflag:s5] =	ssyncadd.s32 @p0 $0xFFFFFFFF  }
0xaf: {  	s6 =	sshll.u32 @!p0 s1, $0xE  }
0xb0: {  	s6 =	sor.u32 @!p0 $0x4000, s6;
	s5 =	simm.s32 @!p0 $0x1B8D  }
0xb1: {  	s4 =	sshll.u32 @!p0 s4, $0x11;
	s6 =	sadd.s32 @!p0 $0x11B8D, s6;
	_ =	swait.eq @!p0 [sflag:s5], $0x1  }
0xb2: {  	s4 =	sor.u32 @!p0 s4, s6;
	[sflag:s5] =	ssyncadd.s32 @!p0 $0xFFFFFFFF  }
0xb3: {  	s25 =	simm.s32 $0x1B8E;
	s24 =	sld [smem:$0x3FFE];
	[sflag:s4] =	ssyncadd.remote.s32 @!p0 $0x1  }
0xb4: {  	s26 =	simm.s32 $execute0_lowered;
	[smem:$0x3FD2] =	sst s25  }
0xb5: {  	s5 =	sshll.u32 s26, $0x1;
	_ =	strace $0x8000004C;
	[dreg:$0x1] =	wrdreg $0xFFFFFFFF  }
0xb6: {  	s28 =	simm.s32 $_size_execute0_lowered;
	s3 =	sadd.s32 s3, s5;
	[dreg:$0x0] =	wrdreg $0x0  }
0xb7: {  	s5 =	sshll.u32 s28, $0x1;
	[dreg:$0x2] =	wrdreg s3  }
0xb8: {  	[dreg:$0x3] =	wrdreg s5  }
0xb9: {  	[dreg:$0x4] =	wrdreg $0xC0  }
0xba: {  	_ =	task [dreg:s22], $0x5FFFF  }
0xbb: {  	[dreg:$0x1] =	wrdreg $0xFFFFFFFF  }
0xbc: {  	[dreg:$0x0] =	wrdreg $0x60  }
0xbd: {  	[dreg:$0x2] =	wrdreg s24  }
0xbe: {  	[dreg:$0x3] =	wrdreg $0xB  }
0xbf: {  	_ =	task.clear_ibuf [dreg:s22], $0x4FFFF;
	_ =	strace $0x9000004C  }
0xc0: {  	s29 =	simm.s32 $0xB;
	_ =	strace $0x8000004E  }
0xc1: {  	_ =	swait.ge [sflag:s29], $0x1  }
0xc2: {  	[sflag:s29] =	ssyncadd.s32 $0xFFFFFFFF  }
0xc3: {  	_ =	strace $0x9000004E  }
0xc4: {  	_ =	sfence  }
0xc5: {  	s30 =	sld [smem:$0x0];
	_ =	sdelay $0x2  }
0xc6: {  	s31 =	sshll.u32 s1, $0xD;
	s1 =	sshrl.u32 s1, $0x2  }
0xc7: {  	s4 =	sand.u32 $0x4000, s31;
	s1 =	sadd.s32 s1, s30  }
0xc8: {  	s0 =	sor.u32 s4, s0;
	s1 =	sshll.u32 s1, $0x11  }
0xc9: {  	s0 =	sor.u32 s1, s0  }
0xca: {  	s0 =	sadd.s32 $0x8F2B, s0  }
0xcb: {  	[sflag:s0] =	ssyncadd.remote.s32 $0x1  }
0xcc: {  	_ =	sfence.sel $0xFFFF  }
0xcd: {  	[dreg:$0x0] =	wrdreg $0xFFFFFFFF;
	(pc) =	sbr.abs _section_cstart, $3  }
0xce: {  	[dreg:$0x1] =	wrdreg $0xFFFFFFFF  }
0xcf: {  	_ =	task.clear_ibuf [dreg:s22], $0x2FFFF;
	_ =	strace $0x9FFFFFFF  }
0xd0: {  	(tm) =	ssettm $0x7FFFFFFF  }
0xd1: {  	_ =	shalt  }
tec
execute0_lowered:
.L_overlay_start_1:
0x0: {  	(tag) =	ssettag $0x1  }
0x1: {  	s0 =	rddreg [dreg:$0x0]  }
0x2: {  	s2 =	simm.s32 $0x0;
	s1 =	srdreg.scid;
	s13 =	stileid.u32  }
0x3: {  	s26 =	simm.s32 $0x10280;
	s29 =	simm.s32 $0xA000;
	s18 =	simm.s32 $0x10200  }
0x4: {  	s30 =	simm.s32 $0x10380;
	s19 =	simm.s32 $0x10300;
	s31 =	simm.s32 $0xE000  }
0x5: {  	s20 =	simm.s32 $0x8000;
	s28 =	simm.s32 $0x0;
	[smem:$0x7FF] =	sst s2  }
0x6: {  	s1 =	sand.u32 $0x1, s1;
	s7 =	sadd.s32 $0x20A200, s0;
	s9 =	smul.u32 $0x700, s13  }
0x7: {  	s3 =	sshll.u32 s13, $0x1;
	s8 =	sadd.s32 $0x21F200, s0;
	s11 =	smul.u32 $0x1C0000, s13  }
0x8: {  	s13 =	smul.u32 $0x3800, s13;
	_ =	strace $0x8000004D;
	[dreg:$0x6] =	wrdreg s26  }
0x9: {  	s3 =	sor.u32 s1, s3;
	s10 =	smul.u32 $0x380, s1;
	[dreg:$0x7] =	wrdreg s29  }
0xa: {  	s4 =	ssub.s32 $0x2, s1;
	s14 =	smul.u32 $0x1C00, s1;
	[dreg:$0x8] =	wrdreg s30  }
0xb: {  	s1 =	smul.u32 $0xE0000, s1;
	[dreg:$0x9] =	wrdreg s31;
	s26 =	simm.s32 $0x4  }
0xc: {  	s5 =	smul.u32 $0x380, s3;
	s3 =	sadd.s32 $0xF44600, s0;
	s6 =	sshrl.u32 s4, $0x1  }
0xd: {  	s0 =	sadd.s32 $0x5B4200, s0;
	s12 =	sadd.s32 s9, s8;
	s9 =	sadd.s32 s9, s7  }
0xe: {  	s6 =	ssub.s32 s4, s6;
	s12 =	sadd.s32 s10, s12;
	s9 =	sadd.s32 s10, s9  }
0xf: {  	s22 =	sadd.s32 s14, s13;
	s1 =	sadd.s32 s1, s11;
	s11 =	simm.s32 $0x10100  }
0x10: {  	s13 =	simm.s32 $0x4000;
	s21 =	sadd.s32 s7, s5;
	s5 =	sadd.s32 s8, s5  }
0x11: {  	s6 =	smax.u32 s6, $0x1;
	s12 =	sadd.s32 $0x40, s12;
	s9 =	sadd.s32 $0x40, s9  }
0x12: {  	s23 =	sor.u32 $0x100, s22;
	s24 =	sshrl.u32 s1, $0x3;
	[dreg:$0xa] =	wrdreg s21  }
0x13: {  	s1 =	sor.u32 $0x8000, s1;
	s22 =	simm.s32 $0x1;
	[dreg:$0x2] =	wrdreg s12  }
0x14: {  	[dreg:$0x3] =	wrdreg s9;
	s9 =	sshrl.u32 s23, $0x3;
	s10 =	sadd.s32 s24, s0  }
0x15: {  	s1 =	sshrl.u32 s1, $0x3;
	s12 =	simm.s32 $0x80;
	s21 =	simm.s32 $0xC000  }
0x16: {  	s23 =	simm.s32 $0x40;
	s24 =	simm.s32 $0x3;
	s8 =	sadd.s32 s9, s8  }
0x17: {  	s0 =	sadd.s32 s1, s0;
	s25 =	sadd.s32 s9, s7;
	s7 =	sadd.s32 $0x8, s10  }
0x18: {  	s9 =	simm.s32 $0x10000;
	s10 =	simm.s32 $0x5;
	[dreg:$0x4] =	wrdreg s8  }
0x19: {  	s8 =	sadd.s32 $0x8, s0;
	[dreg:$0x5] =	wrdreg s25;
	s25 =	simm.s32 $0x2  }
.LBB2_1:
0x1a: {  	s0 =	rddreg [dreg:$0xa]  }
0x1b: {  	[tilespmem:s9], [sflag:$0x5] =	stream.linear.gather [hbm4b:s0+s2], $0x100, $0x38;
	[tilespmem:$0x10400] =	vst v63  }
0x1c: {  	_ =	swait.ge [sflag:s10], $0x100  }
0x1d: {  	[sflag:s10] =	ssyncset.done $0x0  }
0x1e: {  	[sflag:s10] =	ssyncadd.s32 $0xFFFFFF00  }
0x1f: {  	[tilespmem:s11], [sflag:$0x5] =	stream.linear.gather [hbm4b:s5+s2], $0x100, $0x38;
	[tilespmem:$0x10400] =	vst v63  }
0x20: {  	_ =	swait.ge [sflag:s10], $0x100  }
0x21: {  	[sflag:s10] =	ssyncset.done $0x0  }
0x22: {  	[sflag:s10] =	ssyncadd.s32 $0xFFFFFF00  }
0x23: {  	[tilespmem:s2], [sflag:$0x1] =	stream.indirect.gather [hbm4b:s3+s12], $0x40, s9, s12, $0xb8;
	[tilespmem:$0x10400] =	vst v63  }
0x24: {  	_ = 	snop  }
0x25: {  	[tilespmem:s13], [sflag:$0x1] =	stream.indirect.gather [hbm4b:s3+s12], $0x40, s11, s12, $0xb8;
	[tilespmem:$0x10400] =	vst v63  }
0x26: {  	s15 =	simm.s32 $0x10080;
	s1 =	simm.s32 $0x2000  }
0x27: {  	[tilespmem:s1], [sflag:$0x1] =	stream.indirect.gather [hbm4b:s3+s12], $0x40, s15, s12, $0xb8;
	[tilespmem:$0x10400] =	vst v63  }
0x28: {  	s17 =	simm.s32 $0x10180;
	s4 =	simm.s32 $0x6000;
	s16 =	rddreg [dreg:$0x5]  }
0x29: {  	[tilespmem:s4], [sflag:$0x1] =	stream.indirect.gather [hbm4b:s3+s12], $0x40, s17, s12, $0xb8;
	[tilespmem:$0x10400] =	vst v63  }
0x2a: {  	s0 =	sadd.s32 $0x0, s16  }
0x2b: {  	[tilespmem:s18], [sflag:$0x5] =	stream.linear.gather [hbm4b:s0+s2], $0x100, $0x38;
	[tilespmem:$0x10400] =	vst v63  }
0x2c: {  	_ =	swait.ge [sflag:s10], $0x100  }
0x2d: {  	s4 =	rddreg [dreg:$0x4];
	[sflag:s10] =	ssyncset.done $0x0  }
0x2e: {  	[sflag:s10] =	ssyncadd.s32 $0xFFFFFF00;
	s0 =	sadd.s32 $0x0, s4  }
0x2f: {  	[tilespmem:s19], [sflag:$0x5] =	stream.linear.gather [hbm4b:s0+s2], $0x100, $0x38;
	[tilespmem:$0x10400] =	vst v63  }
0x30: {  	_ =	swait.ge [sflag:s10], $0x100  }
0x31: {  	[sflag:s10] =	ssyncset.done $0x0  }
0x32: {  	s14 =	rddreg [dreg:$0x9];
	[sflag:s10] =	ssyncadd.s32 $0xFFFFFF00  }
0x33: {  	[tilespmem:s20], [sflag:$0x2] =	stream.indirect.gather [hbm4b:s3+s12], $0x40, s18, s12, $0xb8;
	[tilespmem:$0x10400] =	vst v63  }
0x34: {  	s15 =	rddreg [dreg:$0x7]  }
0x35: {  	[tilespmem:s21], [sflag:$0x2] =	stream.indirect.gather [hbm4b:s3+s12], $0x40, s19, s12, $0xb8;
	[tilespmem:$0x10400] =	vst v63  }
0x36: {  	s29 =	rddreg [dreg:$0x6]  }
0x37: {  	[tilespmem:s15], [sflag:$0x2] =	stream.indirect.gather [hbm4b:s3+s12], $0x40, s29, s12, $0xb8;
	[tilespmem:$0x10400] =	vst v63  }
0x38: {  	s30 =	rddreg [dreg:$0x8]  }
0x39: {  	[tilespmem:s14], [sflag:$0x2] =	stream.indirect.gather [hbm4b:s3+s12], $0x40, s30, s12, $0xb8;
	[tilespmem:$0x10400] =	vst v63  }
0x3a: {  	_ =	swait.ge [sflag:s22], $0x4000  }
0x3b: {  	[sflag:s22] =	ssyncset.done $0x0  }
0x3c: {  	[sflag:s22] =	ssyncadd.s32 $0xFFFFC000  }
0x3d: {  	_ =	swait.ge [sflag:s22], $0x4000  }
0x3e: {  	[sflag:s22] =	ssyncset.done $0x0  }
0x3f: {  	s16 =	sadd.s32 $0xFFFFFFF8, s7;
	[sflag:s22] =	ssyncadd.s32 $0xFFFFC000  }
0x40: {  	[hbm4b:s16+s23] =	stream.strided.scatter [tilespmem:s2], [sflag:$0x3], $0x4000, s12, s23, $0x38;
	[tilespmem:$0x10400] =	vst v63  }
0x41: {  	_ = 	snop  }
0x42: {  	[hbm4b:s7+s23] =	stream.strided.scatter [tilespmem:s13], [sflag:$0x3], $0x4000, s12, s23, $0x38;
	[tilespmem:$0x10400] =	vst v63  }
0x43: {  	_ =	swait.ge [sflag:s24], $0x4000  }
0x44: {  	[sflag:s24] =	ssyncset.done $0x0  }
0x45: {  	p0 =	por $0x0, $0x0;
	[sflag:s24] =	ssyncadd.s32 $0xFFFFC000  }
0x46: {  	s1 =	simm.s32 @!p0 $0x0;
	_ =	swait.ge [sflag:s24], $0x4000  }
0x47: {  	s29 =	simm.s32 @!p0 $0x10000;
	s0 =	rddreg [dreg:$0x3];
	[sflag:s24] =	ssyncset.done $0x0  }
0x48: {  	s30 =	simm.s32 @!p0 $0x5;
	[sflag:s24] =	ssyncadd.s32 $0xFFFFC000;
	s0 =	sadd.s32 @!p0 $0x0, s0  }
0x49: {  	[tilespmem:s29], [sflag:$0x5] =	stream.linear.gather @!p0 [hbm4b:s0+s1], $0x100, $0x38;
	[tilespmem:$0x10400] =	vst v63  }
0x4a: {  	_ =	swait.ge @!p0 [sflag:s30], $0x100  }
0x4b: {  	s0 =	rddreg [dreg:$0x2];
	[sflag:s30] =	ssyncset.done @!p0 $0x0  }
0x4c: {  	s31 =	simm.s32 @!p0 $0x10100;
	[sflag:s30] =	ssyncadd.s32 @!p0 $0xFFFFFF00;
	s0 =	sadd.s32 @!p0 $0x0, s0  }
0x4d: {  	[tilespmem:s31], [sflag:$0x5] =	stream.linear.gather @!p0 [hbm4b:s0+s1], $0x100, $0x38;
	[tilespmem:$0x10400] =	vst v63  }
0x4e: {  	_ =	swait.ge @!p0 [sflag:s30], $0x100  }
0x4f: {  	[sflag:s30] =	ssyncset.done @!p0 $0x0  }
0x50: {  	s0 =	simm.s32 @!p0 $0x80;
	[sflag:s30] =	ssyncadd.s32 @!p0 $0xFFFFFF00  }
0x51: {  	[tilespmem:s1], [sflag:$0x1] =	stream.indirect.gather @!p0 [hbm4b:s3+s0], $0x40, s29, s0, $0xb8;
	[tilespmem:$0x10400] =	vst v63  }
0x52: {  	s1 =	simm.s32 @!p0 $0x4000  }
0x53: {  	[tilespmem:s1], [sflag:$0x1] =	stream.indirect.gather @!p0 [hbm4b:s3+s0], $0x40, s31, s0, $0xb8;
	[tilespmem:$0x10400] =	vst v63  }
0x54: {  	s29 =	simm.s32 @!p0 $0x2000;
	s1 =	simm.s32 @!p0 $0x10080  }
0x55: {  	[tilespmem:s29], [sflag:$0x1] =	stream.indirect.gather @!p0 [hbm4b:s3+s0], $0x40, s1, s0, $0xb8;
	[tilespmem:$0x10400] =	vst v63  }
0x56: {  	s1 =	simm.s32 @!p0 $0x10180;
	s29 =	simm.s32 @!p0 $0x6000  }
0x57: {  	[tilespmem:s29], [sflag:$0x1] =	stream.indirect.gather @!p0 [hbm4b:s3+s0], $0x40, s1, s0, $0xb8;
	[tilespmem:$0x10400] =	vst v63  }
0x58: {  	_ =	swait.ge [sflag:s25], $0x4000  }
0x59: {  	[sflag:s25] =	ssyncset.done $0x0  }
0x5a: {  	[sflag:s25] =	ssyncadd.s32 $0xFFFFC000  }
0x5b: {  	_ =	swait.ge [sflag:s25], $0x4000  }
0x5c: {  	[sflag:s25] =	ssyncset.done $0x0  }
0x5d: {  	s17 =	sadd.s32 $0xFFFFFFF8, s8;
	[sflag:s25] =	ssyncadd.s32 $0xFFFFC000  }
0x5e: {  	[hbm4b:s17+s23] =	stream.strided.scatter [tilespmem:s20], [sflag:$0x4], $0x4000, s12, s23, $0x38;
	[tilespmem:$0x10400] =	vst v63  }
0x5f: {  	_ = 	snop  }
0x60: {  	[hbm4b:s8+s23] =	stream.strided.scatter [tilespmem:s21], [sflag:$0x4], $0x4000, s12, s23, $0x38;
	[tilespmem:$0x10400] =	vst v63  }
0x61: {  	_ =	swait.ge [sflag:s26], $0x4000  }
0x62: {  	[sflag:s26] =	ssyncset.done $0x0  }
0x63: {  	s30 =	simm.s32 $0x40;
	s31 =	sadd.s32 $0x2000, s7;
	[sflag:s26] =	ssyncadd.s32 $0xFFFFC000  }
0x64: {  	s0 =	simm.s32 $0x80;
	s29 =	sadd.s32 $0x2000, s8;
	_ =	swait.ge [sflag:s26], $0x4000  }
.LBB2_2:
0x65: {  	s14 =	rddreg [dreg:$0x5];
	[sflag:s26] =	ssyncset.done $0x0  }
0x66: {  	[sflag:s26] =	ssyncadd.s32 $0xFFFFC000;
	s14 =	sadd.s32 s30, s14  }
0x67: {  	[tilespmem:s18], [sflag:$0x5] =	stream.linear.gather [hbm4b:s14+s2], $0x100, $0x38;
	[tilespmem:$0x10400] =	vst v63  }
0x68: {  	_ =	swait.ge [sflag:s10], $0x100  }
0x69: {  	s17 =	rddreg [dreg:$0x4];
	[sflag:s10] =	ssyncset.done $0x0  }
0x6a: {  	[sflag:s10] =	ssyncadd.s32 $0xFFFFFF00;
	s14 =	sadd.s32 s30, s17  }
0x6b: {  	[tilespmem:s19], [sflag:$0x5] =	stream.linear.gather [hbm4b:s14+s2], $0x100, $0x38;
	[tilespmem:$0x10400] =	vst v63  }
0x6c: {  	_ =	swait.ge [sflag:s10], $0x100  }
0x6d: {  	[sflag:s10] =	ssyncset.done $0x0  }
0x6e: {  	s4 =	rddreg [dreg:$0x9];
	[sflag:s10] =	ssyncadd.s32 $0xFFFFFF00  }
0x6f: {  	[tilespmem:s20], [sflag:$0x2] =	stream.indirect.gather [hbm4b:s3+s12], $0x40, s18, s12, $0xb8;
	[tilespmem:$0x10400] =	vst v63  }
0x70: {  	s15 =	rddreg [dreg:$0x7]  }
0x71: {  	[tilespmem:s21], [sflag:$0x2] =	stream.indirect.gather [hbm4b:s3+s12], $0x40, s19, s12, $0xb8;
	[tilespmem:$0x10400] =	vst v63  }
0x72: {  	s16 =	rddreg [dreg:$0x6]  }
0x73: {  	[tilespmem:s15], [sflag:$0x2] =	stream.indirect.gather [hbm4b:s3+s12], $0x40, s16, s12, $0xb8;
	[tilespmem:$0x10400] =	vst v63  }
0x74: {  	s17 =	rddreg [dreg:$0x8]  }
0x75: {  	[tilespmem:s4], [sflag:$0x2] =	stream.indirect.gather [hbm4b:s3+s12], $0x40, s17, s12, $0xb8;
	[tilespmem:$0x10400] =	vst v63  }
0x76: {  	_ =	swait.ge [sflag:s22], $0x4000  }
0x77: {  	[sflag:s22] =	ssyncset.done $0x0  }
0x78: {  	[sflag:s22] =	ssyncadd.s32 $0xFFFFC000  }
0x79: {  	_ =	swait.ge [sflag:s22], $0x4000  }
0x7a: {  	[sflag:s22] =	ssyncset.done $0x0  }
0x7b: {  	s16 =	sadd.s32 $0xFFFFFFF8, s31;
	[sflag:s22] =	ssyncadd.s32 $0xFFFFC000  }
0x7c: {  	[hbm4b:s16+s23] =	stream.strided.scatter [tilespmem:s2], [sflag:$0x3], $0x4000, s12, s23, $0x38;
	[tilespmem:$0x10400] =	vst v63  }
0x7d: {  	_ = 	snop  }
0x7e: {  	[hbm4b:s31+s23] =	stream.strided.scatter [tilespmem:s13], [sflag:$0x3], $0x4000, s12, s23, $0x38;
	[tilespmem:$0x10400] =	vst v63  }
0x7f: {  	_ =	swait.ge [sflag:s24], $0x4000  }
0x80: {  	[sflag:s24] =	ssyncset.done $0x0  }
0x81: {  	p1 =	seq.s32 s30, $0x340;
	[sflag:s24] =	ssyncadd.s32 $0xFFFFC000  }
0x82: {  	s15 =	simm.s32 @!p1 $0x0;
	_ =	swait.ge [sflag:s24], $0x4000  }
0x83: {  	s17 =	simm.s32 @!p1 $0x5;
	s14 =	rddreg [dreg:$0x3];
	[sflag:s24] =	ssyncset.done $0x0  }
0x84: {  	s16 =	simm.s32 @!p1 $0x10000;
	[sflag:s24] =	ssyncadd.s32 $0xFFFFC000;
	s14 =	sadd.s32 @!p1 s30, s14  }
0x85: {  	[tilespmem:s16], [sflag:$0x5] =	stream.linear.gather @!p1 [hbm4b:s14+s15], $0x100, $0x38;
	[tilespmem:$0x10400] =	vst v63  }
0x86: {  	_ =	swait.ge @!p1 [sflag:s17], $0x100  }
0x87: {  	[sflag:s17] =	ssyncset.done @!p1 $0x0;
	s14 =	rddreg [dreg:$0x2]  }
0x88: {  	s4 =	simm.s32 @!p1 $0x10100;
	[sflag:s17] =	ssyncadd.s32 @!p1 $0xFFFFFF00;
	s14 =	sadd.s32 @!p1 s30, s14  }
0x89: {  	[tilespmem:s4], [sflag:$0x5] =	stream.linear.gather @!p1 [hbm4b:s14+s15], $0x100, $0x38;
	[tilespmem:$0x10400] =	vst v63  }
0x8a: {  	_ =	swait.ge @!p1 [sflag:s17], $0x100  }
0x8b: {  	s1 =	smov.u32 s0;
	[sflag:s17] =	ssyncset.done @!p1 $0x0  }
0x8c: {  	s30 =	smov.u32 s1;
	s1 =	simm.s32 @!p1 $0x80;
	[sflag:s17] =	ssyncadd.s32 @!p1 $0xFFFFFF00  }
0x8d: {  	[tilespmem:s15], [sflag:$0x1] =	stream.indirect.gather @!p1 [hbm4b:s3+s1], $0x40, s16, s1, $0xb8;
	[tilespmem:$0x10400] =	vst v63  }
0x8e: {  	s14 =	simm.s32 @!p1 $0x4000  }
0x8f: {  	[tilespmem:s14], [sflag:$0x1] =	stream.indirect.gather @!p1 [hbm4b:s3+s1], $0x40, s4, s1, $0xb8;
	[tilespmem:$0x10400] =	vst v63  }
0x90: {  	s15 =	simm.s32 @!p1 $0x10080;
	s16 =	simm.s32 @!p1 $0x2000  }
0x91: {  	[tilespmem:s16], [sflag:$0x1] =	stream.indirect.gather @!p1 [hbm4b:s3+s1], $0x40, s15, s1, $0xb8;
	[tilespmem:$0x10400] =	vst v63  }
0x92: {  	s4 =	simm.s32 @!p1 $0x10180;
	s14 =	simm.s32 @!p1 $0x6000  }
0x93: {  	[tilespmem:s14], [sflag:$0x1] =	stream.indirect.gather @!p1 [hbm4b:s3+s1], $0x40, s4, s1, $0xb8;
	[tilespmem:$0x10400] =	vst v63  }
0x94: {  	_ =	swait.ge [sflag:s25], $0x4000  }
0x95: {  	[sflag:s25] =	ssyncset.done $0x0  }
0x96: {  	[sflag:s25] =	ssyncadd.s32 $0xFFFFC000  }
0x97: {  	_ =	swait.ge [sflag:s25], $0x4000  }
0x98: {  	[sflag:s25] =	ssyncset.done $0x0  }
0x99: {  	s0 =	sadd.s32 $0x40, s0;
	s17 =	sadd.s32 $0xFFFFFFF8, s29;
	[sflag:s25] =	ssyncadd.s32 $0xFFFFC000  }
0x9a: {  	[hbm4b:s17+s23] =	stream.strided.scatter [tilespmem:s20], [sflag:$0x4], $0x4000, s12, s23, $0x38;
	[tilespmem:$0x10400] =	vst v63  }
0x9b: {  	p0 =	sne.s32 s0, $0x380  }
0x9c: {  	[hbm4b:s29+s23] =	stream.strided.scatter [tilespmem:s21], [sflag:$0x4], $0x4000, s12, s23, $0x38;
	[tilespmem:$0x10400] =	vst v63  }
.Ltmp0:
0x9d: {  	_ = 	snop;
	(pc) =	sbr.rel @p0 .LBB2_2-.Ltmp0, $4  }
0x9e: {  	_ =	swait.ge [sflag:s26], $0x4000  }
0x9f: {  	[sflag:s26] =	ssyncset.done $0x0  }
0xa0: {  	[sflag:s26] =	ssyncadd.s32 $0xFFFFC000  }
0xa1: {  	s31 =	sadd.s32 $0x2000, s31;
	s29 =	sadd.s32 $0x2000, s29;
	_ =	swait.ge [sflag:s26], $0x4000  }
0xa2: {  	s0 =	rddreg [dreg:$0x5];
	[sflag:s26] =	ssyncset.done $0x0  }
0xa3: {  	[sflag:s26] =	ssyncadd.s32 $0xFFFFC000;
	s0 =	sadd.s32 s30, s0  }
0xa4: {  	[tilespmem:s18], [sflag:$0x5] =	stream.linear.gather [hbm4b:s0+s2], $0x100, $0x38;
	[tilespmem:$0x10400] =	vst v63  }
0xa5: {  	_ =	swait.ge [sflag:s10], $0x100  }
0xa6: {  	s15 =	rddreg [dreg:$0x4];
	[sflag:s10] =	ssyncset.done $0x0  }
0xa7: {  	[sflag:s10] =	ssyncadd.s32 $0xFFFFFF00;
	s0 =	sadd.s32 s30, s15  }
0xa8: {  	[tilespmem:s19], [sflag:$0x5] =	stream.linear.gather [hbm4b:s0+s2], $0x100, $0x38;
	[tilespmem:$0x10400] =	vst v63  }
0xa9: {  	_ =	swait.ge [sflag:s10], $0x100  }
0xaa: {  	[sflag:s10] =	ssyncset.done $0x0  }
0xab: {  	s16 =	rddreg [dreg:$0x9];
	[sflag:s10] =	ssyncadd.s32 $0xFFFFFF00  }
0xac: {  	[tilespmem:s20], [sflag:$0x2] =	stream.indirect.gather [hbm4b:s3+s12], $0x40, s18, s12, $0xb8;
	[tilespmem:$0x10400] =	vst v63  }
0xad: {  	s1 =	rddreg [dreg:$0x7]  }
0xae: {  	[tilespmem:s21], [sflag:$0x2] =	stream.indirect.gather [hbm4b:s3+s12], $0x40, s19, s12, $0xb8;
	[tilespmem:$0x10400] =	vst v63  }
0xaf: {  	s4 =	rddreg [dreg:$0x6]  }
0xb0: {  	[tilespmem:s1], [sflag:$0x2] =	stream.indirect.gather [hbm4b:s3+s12], $0x40, s4, s12, $0xb8;
	[tilespmem:$0x10400] =	vst v63  }
0xb1: {  	s14 =	rddreg [dreg:$0x8]  }
0xb2: {  	[tilespmem:s16], [sflag:$0x2] =	stream.indirect.gather [hbm4b:s3+s12], $0x40, s14, s12, $0xb8;
	[tilespmem:$0x10400] =	vst v63  }
0xb3: {  	_ =	swait.ge [sflag:s22], $0x4000  }
0xb4: {  	[sflag:s22] =	ssyncset.done $0x0  }
0xb5: {  	[sflag:s22] =	ssyncadd.s32 $0xFFFFC000  }
0xb6: {  	_ =	swait.ge [sflag:s22], $0x4000  }
0xb7: {  	[sflag:s22] =	ssyncset.done $0x0  }
0xb8: {  	s17 =	sadd.s32 $0xFFFFFFF8, s31;
	[sflag:s22] =	ssyncadd.s32 $0xFFFFC000  }
0xb9: {  	[hbm4b:s17+s23] =	stream.strided.scatter [tilespmem:s2], [sflag:$0x3], $0x4000, s12, s23, $0x38;
	[tilespmem:$0x10400] =	vst v63  }
0xba: {  	_ = 	snop  }
0xbb: {  	[hbm4b:s31+s23] =	stream.strided.scatter [tilespmem:s13], [sflag:$0x3], $0x4000, s12, s23, $0x38;
	[tilespmem:$0x10400] =	vst v63  }
0xbc: {  	_ =	swait.ge [sflag:s24], $0x4000  }
0xbd: {  	[sflag:s24] =	ssyncset.done $0x0  }
0xbe: {  	p0 =	seq.s32 s30, $0x340;
	[sflag:s24] =	ssyncadd.s32 $0xFFFFC000  }
0xbf: {  	s1 =	simm.s32 @!p0 $0x0;
	_ =	swait.ge [sflag:s24], $0x4000  }
0xc0: {  	s4 =	simm.s32 @!p0 $0x10000;
	s0 =	rddreg [dreg:$0x3];
	[sflag:s24] =	ssyncset.done $0x0  }
0xc1: {  	s14 =	simm.s32 @!p0 $0x5;
	[sflag:s24] =	ssyncadd.s32 $0xFFFFC000;
	s0 =	sadd.s32 @!p0 s30, s0  }
0xc2: {  	[tilespmem:s4], [sflag:$0x5] =	stream.linear.gather @!p0 [hbm4b:s0+s1], $0x100, $0x38;
	[tilespmem:$0x10400] =	vst v63  }
0xc3: {  	_ =	swait.ge @!p0 [sflag:s14], $0x100  }
0xc4: {  	s0 =	rddreg [dreg:$0x2];
	[sflag:s14] =	ssyncset.done @!p0 $0x0  }
0xc5: {  	s15 =	simm.s32 @!p0 $0x10100;
	[sflag:s14] =	ssyncadd.s32 @!p0 $0xFFFFFF00;
	s0 =	sadd.s32 @!p0 s30, s0  }
0xc6: {  	[tilespmem:s15], [sflag:$0x5] =	stream.linear.gather @!p0 [hbm4b:s0+s1], $0x100, $0x38;
	[tilespmem:$0x10400] =	vst v63  }
0xc7: {  	_ =	swait.ge @!p0 [sflag:s14], $0x100  }
0xc8: {  	[sflag:s14] =	ssyncset.done @!p0 $0x0  }
0xc9: {  	s0 =	simm.s32 @!p0 $0x80;
	[sflag:s14] =	ssyncadd.s32 @!p0 $0xFFFFFF00  }
0xca: {  	[tilespmem:s1], [sflag:$0x1] =	stream.indirect.gather @!p0 [hbm4b:s3+s0], $0x40, s4, s0, $0xb8;
	[tilespmem:$0x10400] =	vst v63  }
0xcb: {  	s1 =	simm.s32 @!p0 $0x4000  }
0xcc: {  	[tilespmem:s1], [sflag:$0x1] =	stream.indirect.gather @!p0 [hbm4b:s3+s0], $0x40, s15, s0, $0xb8;
	[tilespmem:$0x10400] =	vst v63  }
0xcd: {  	s4 =	simm.s32 @!p0 $0x2000;
	s1 =	simm.s32 @!p0 $0x10080  }
0xce: {  	[tilespmem:s4], [sflag:$0x1] =	stream.indirect.gather @!p0 [hbm4b:s3+s0], $0x40, s1, s0, $0xb8;
	[tilespmem:$0x10400] =	vst v63  }
0xcf: {  	s1 =	simm.s32 @!p0 $0x10180;
	s4 =	simm.s32 @!p0 $0x6000  }
0xd0: {  	[tilespmem:s4], [sflag:$0x1] =	stream.indirect.gather @!p0 [hbm4b:s3+s0], $0x40, s1, s0, $0xb8;
	[tilespmem:$0x10400] =	vst v63  }
0xd1: {  	_ =	swait.ge [sflag:s25], $0x4000  }
0xd2: {  	[sflag:s25] =	ssyncset.done $0x0  }
0xd3: {  	[sflag:s25] =	ssyncadd.s32 $0xFFFFC000  }
0xd4: {  	_ =	swait.ge [sflag:s25], $0x4000  }
0xd5: {  	[sflag:s25] =	ssyncset.done $0x0  }
0xd6: {  	s31 =	sadd.s32 $0xFFFFFFF8, s29;
	[sflag:s25] =	ssyncadd.s32 $0xFFFFC000  }
0xd7: {  	[hbm4b:s31+s23] =	stream.strided.scatter [tilespmem:s20], [sflag:$0x4], $0x4000, s12, s23, $0x38;
	[tilespmem:$0x10400] =	vst v63  }
0xd8: {  	s28 =	sadd.s32 $0x1, s28  }
0xd9: {  	[hbm4b:s29+s23] =	stream.strided.scatter [tilespmem:s21], [sflag:$0x4], $0x4000, s12, s23, $0x38;
	[tilespmem:$0x10400] =	vst v63  }
0xda: {  	p0 =	sne.s32 s28, s6;
	_ =	swait.ge [sflag:s26], $0x4000  }
.Ltmp1:
0xdb: {  	[sflag:s26] =	ssyncset.done $0x0;
	(pc) =	sbr.rel @p0 .LBB2_1-.Ltmp1, $4  }
0xdc: {  	[sflag:s26] =	ssyncadd.s32 $0xFFFFC000  }
0xdd: {  	_ =	swait.ge [sflag:s26], $0x4000  }
0xde: {  	[sflag:s26] =	ssyncset.done $0x0  }
0xdf: {  	[sflag:s26] =	ssyncadd.s32 $0xFFFFC000  }
0xe0: {  	_ =	sfence.sel $0x180000  }
0xe1: {  	[bflag:$0x0] =	sbarrier.arrive $0xFFFF  }
0xe2: {  	_ =	strace $0x9000004D  }
0xe3: {  	s0 =	stileid.u32;
	[bflag:$0x2] =	sbarrier.arrive $0xFFFF  }
0xe4: {  	p0 =	sne.s32 s0, $0x0;
	s0 =	rddreg [dreg:$0x1]  }
0xe5: {  	s0 =	sadd.s32 @!p0 $0x100000, s0  }
0xe6: {  	[sflag:s0] =	ssyncadd.tile.s32 @!p0 $0x1;
	_ =	shalt  }
.Lfunc_end2:
_tile_overlayer_lowered:
.L_overlay_start_2:
0xe7: {  	(tag) =	ssettag $0x2  }
0xe8: {  	s0 =	rddreg [dreg:$0x0];
	s2 =	stileid.u32  }
0xe9: {  	s1 =	rddreg [dreg:$0x1];
	p0 =	sne.s32 s2, $0x0  }
0xea: {  	s3 =	rddreg [dreg:$0x2];
	[bflag:$0x3] =	sbarrier.arrive $0xFFFF;
	s2 =	simm.s32 @!p0 $0x1C05  }
0xeb: {  	[timem:s3], [sflag:s2] =	dma.local @!p0 [hbm:s0], s1  }
0xec: {  	s0 =	simm.s32 @!p0 $0x5  }
0xed: {  	_ =	swait.ge @!p0 [sflag:s0], s1  }
0xee: {  	s1 =	ssub.s32 @!p0 $0x0, s1;
	[sflag:s0] =	ssyncset.done @!p0 $0x0  }
0xef: {  	[sflag:s0] =	ssyncadd.s32 @!p0 s1  }
0xf0: {  	[bflag:$0x3] =	sbarrier.arrive $0xFFFF  }
0xf1: {  	_ =	shalt  }

// kernel: _run.19.cloned.1.call-start
scs
__scs_entry_jumppad:
0x0: {  	(pc) =	sbr.rel $0x88, $3  }
0x1: {  	(tag) =	ssettag $0x0;
	lr =	simm.s32 $0x1  }
0x2: {  	[smem:$0x3F9D] =	sst lr;
	_ =	strace $0xD0000000  }
0x3: {  	_ = 	snop  }
0x4: {  	_ = 	snop  }
0x5: {  	_ = 	snop  }
0x6: {  	_ = 	snop  }
0x7: {  	_ = 	snop  }
__scs_overlays_trampoline_lowered:
0x8: {  	[smem:$0x3FAC] =	sst s0  }
0x9: {  	[smem:$0x3FAD] =	sst s1  }
0xa: {  	[smem:$0x3FAE] =	sst s2  }
0xb: {  	[smem:$0x3FAF] =	sst s3  }
0xc: {  	[smem:$0x3FB0] =	sst s4  }
0xd: {  	[smem:$0x3FB1] =	sst s5  }
0xe: {  	[smem:$0x3FB2] =	sst s6  }
0xf: {  	[smem:$0x3FB3] =	sst s7  }
0x10: {  	[smem:$0x3FB4] =	sst s8  }
0x11: {  	[smem:$0x3FB5] =	sst s9;
	s0 =	simm.s32 @!p0 $0x0  }
0x12: {  	s1 =	sld [smem:$0x3F9B];
	s0 =	simm.s32 @p0 $0x1  }
0x13: {  	[smem:$0x3FB6] =	sst s0;
	s0 =	simm.s32 @!p1 $0x0  }
0x14: {  	s2 =	sld [smem:$0x3F9A];
	s0 =	simm.s32 @p1 $0x1  }
0x15: {  	[smem:$0x3FB7] =	sst s0;
	s0 =	simm.s32 @!p2 $0x0  }
0x16: {  	s3 =	sld [smem:$0x3FDB];
	s0 =	simm.s32 @p2 $0x1  }
0x17: {  	s4 =	simm.s32 $0x1BF5;
	[smem:$0x3FB9] =	sst s0  }
0x18: {  	s0 =	sld [smem:$0x3F9C];
	_ =	swait.ge [sflag:s4], $0x0  }
0x19: {  	s7 =	sld [smem:$0x3F9D]  }
0x1a: {  	s8 =	sadd.s32 $0xFFFFE003, lr  }
0x1b: {  	s9 =	sadd.s32 $0xFFFFFEF7, lr;
	s5 =	simm.s32 $0xFFFFFFFF;
	p2 =	slt.u32 s8, $0xFFFFF086  }
0x1c: {  	p1 =	slt.u32 s9, $0xF7A;
	s5 =	simm.s32 @!p2 $0x0  }
0x1d: {  	s5 =	simm.s32 @p1 $0x1;
	p0 =	seq.s32 s7, s2  }
0x1e: {  	s7 =	smul.u32 @!p0 $0xF7A, s2;
	p2 =	seq.s32 @!p0 s5, $0x0  }
0x1f: {  	s9 =	smul.u32 $0xF7A, s1;
	s8 =	simm.s32 @!p0 $0x1BF5;
	p2 =	por !p2, p0  }
0x20: {  	[sflag:s8] =	ssyncset.s32 @!p0 $0xFFFFF086;
	s6 =	sadd.s32 @!p0 s3, s7;
	s7 =	simm.s32 @!p0 $0x108  }
0x21: {  	s3 =	sadd.s32 s3, s9;
	s6 =	sadd.s32 @!p0 $0x88, s6;
	s7 =	simm.s32 @p2 $0x1082  }
0x22: {  	[simem:s7], [sflag:s8] =	dma.local @!p0 [hbm:s6], $0xF7A  }
0x23: {  	s9 =	sor.u32 $0xD0000000, s2;
	s6 =	simm.s32 $0x108;
	_ =	swait.ge @!p0 [sflag:s8], $0x0  }
0x24: {  	s3 =	sadd.s32 $0x88, s3;
	s6 =	simm.s32 @!p1 $0x1082;
	[sflag:s4] =	ssyncset.s32 $0xFFFFF086  }
0x25: {  	[simem:s6], [sflag:s4] =	dma.local [hbm:s3], $0xF7A  }
0x26: {  	[smem:$0x3F9D] =	sst s1;
	(tag) =	ssettag s2;
	_ =	strace s9  }
0x27: {  	s1 =	sld [smem:$0x3FAD]  }
0x28: {  	s2 =	sld [smem:$0x3FAE]  }
0x29: {  	s4 =	sld [smem:$0x3FB0]  }
0x2a: {  	p0 =	seq.s32 s5, $0x0;
	s5 =	sld [smem:$0x3FB1]  }
0x2b: {  	s6 =	sld [smem:$0x3FB2]  }
0x2c: {  	s7 =	sld [smem:$0x3FB3]  }
0x2d: {  	s3 =	simm.s32 $0x108;
	s8 =	sld [smem:$0x3FB4]  }
0x2e: {  	s3 =	simm.s32 @!p0 $0x1082;
	s9 =	sld [smem:$0x3FB5]  }
0x2f: {  	lr =	sadd.s32 s0, s3;
	s0 =	sld [smem:$0x3FAC]  }
0x30: {  	s3 =	sld [smem:$0x3FAF]  }
0x31: {  	[smem:$0x3FB8] =	sst s10  }
0x32: {  	s10 =	sld [smem:$0x3FB6];
	_ =	sdelay $0x3  }
0x33: {  	p0 =	seq.s32 s10, $0x1;
	s10 =	sld [smem:$0x3FB8];
	_ =	sdelay $0x3  }
0x34: {  	[smem:$0x3FB8] =	sst s10  }
0x35: {  	s10 =	sld [smem:$0x3FB7];
	_ =	sdelay $0x3  }
0x36: {  	p1 =	seq.s32 s10, $0x1;
	s10 =	sld [smem:$0x3FB8];
	_ =	sdelay $0x3  }
0x37: {  	[smem:$0x3FB8] =	sst s10  }
0x38: {  	s10 =	sld [smem:$0x3FB9]  }
0x39: {  	_ = 	snop;
	(pc) =	sbr.ind lr, $3  }
0x3a: {  	_ = 	snop  }
0x3b: {  	_ = 	snop  }
0x3c: {  	p2 =	seq.s32 s10, $0x1;
	s10 =	sld [smem:$0x3FB8]  }
0x3d: {  	_ =	shalt  }
0x3e: {  	_ =	shalt  }
0x3f: {  	_ =	shalt  }
0x40: {  	_ =	shalt  }
0x41: {  	_ =	shalt  }
0x42: {  	_ =	shalt  }
0x43: {  	_ =	shalt  }
0x44: {  	_ =	shalt  }
0x45: {  	_ =	shalt  }
0x46: {  	_ =	shalt  }
0x47: {  	_ =	shalt  }
0x48: {  	_ =	shalt  }
0x49: {  	_ =	shalt  }
0x4a: {  	_ =	shalt  }
0x4b: {  	_ =	shalt  }
0x4c: {  	_ =	shalt  }
0x4d: {  	_ =	shalt  }
0x4e: {  	_ =	shalt  }
0x4f: {  	_ =	shalt  }
0x50: {  	_ =	shalt  }
0x51: {  	_ =	shalt  }
0x52: {  	_ =	shalt  }
0x53: {  	_ =	shalt  }
0x54: {  	_ =	shalt  }
0x55: {  	_ =	shalt  }
0x56: {  	_ =	shalt  }
0x57: {  	_ =	shalt  }
0x58: {  	_ =	shalt  }
0x59: {  	_ =	shalt  }
0x5a: {  	_ =	shalt  }
0x5b: {  	_ =	shalt  }
0x5c: {  	_ =	shalt  }
0x5d: {  	_ =	shalt  }
0x5e: {  	_ =	shalt  }
0x5f: {  	_ =	shalt  }
0x60: {  	_ =	shalt  }
0x61: {  	_ =	shalt  }
0x62: {  	_ =	shalt  }
0x63: {  	_ =	shalt  }
0x64: {  	_ =	shalt  }
0x65: {  	_ =	shalt  }
0x66: {  	_ =	shalt  }
0x67: {  	_ =	shalt  }
0x68: {  	_ =	shalt  }
0x69: {  	_ =	shalt  }
0x6a: {  	_ =	shalt  }
0x6b: {  	_ =	shalt  }
0x6c: {  	_ =	shalt  }
0x6d: {  	_ =	shalt  }
0x6e: {  	_ =	shalt  }
0x6f: {  	_ =	shalt  }
0x70: {  	_ =	shalt  }
0x71: {  	_ =	shalt  }
0x72: {  	_ =	shalt  }
0x73: {  	_ =	shalt  }
0x74: {  	_ =	shalt  }
0x75: {  	_ =	shalt  }
0x76: {  	_ =	shalt  }
0x77: {  	_ =	shalt  }
0x78: {  	_ =	shalt  }
0x79: {  	_ =	shalt  }
0x7a: {  	_ =	shalt  }
0x7b: {  	_ =	shalt  }
0x7c: {  	_ =	shalt  }
0x7d: {  	_ =	shalt  }
0x7e: {  	_ =	shalt  }
0x7f: {  	_ =	shalt  }
0x80: {  	_ =	shalt  }
0x81: {  	_ =	shalt  }
0x82: {  	_ =	shalt  }
0x83: {  	_ =	shalt  }
0x84: {  	_ =	shalt  }
0x85: {  	_ =	shalt  }
0x86: {  	_ =	shalt  }
0x87: {  	_ =	shalt  }
.Lfunc_end0:
.L_simem_size_0:
called_computation.3_lowered:
.L_overlay_start_0:
0x88: {  	s2 =	sld [smem:$0x3FD9]  }
0x89: {  	s3 =	sld [smem:$0x3FFE];
	_ =	sdelay $0x1  }
0x8a: {  	s1 =	srdreg.scid  }
0x8b: {  	s0 =	sand.u32 $0x1, s1  }
0x8c: {  	s17 =	sshll.u32 s0, $0xA;
	s2 =	sadd.s32 s3, s2  }
0x8d: {  	s2 =	sadd.s32 s2, s17  }
0x8e: {  	[smem:$0x3FC4] =	sst s2  }
0x8f: {  	_ = 	snop  }
0x90: {  	(tm) =	ssettm $0x1  }
0x91: {  	s18 =	sld [smem:$0x3FFB];
	_ =	sdelay $0x3  }
0x92: {  	_ =	strace s18  }
0x93: {  	s2 =	sld [smem:$0x3FFC];
	_ =	sdelay $0x3  }
0x94: {  	_ =	strace s2  }
0x95: {  	s2 =	sld [smem:$0x3FFD];
	_ =	sdelay $0x3  }
0x96: {  	_ =	strace s2  }
0x97: {  	_ =	strace $0x8FFFFFFF  }
0x98: {  	s19 =	sld [smem:$0x3FDB];
	_ =	sdelay $0x1  }
0x99: {  	s20 =	simm.s32 $_scs_section_size  }
0x9a: {  	s4 =	simm.s32 $_size__tile_overlayer_lowered;
	s5 =	simm.s32 $_tile_overlayer_lowered  }
0x9b: {  	s6 =	simm.s32 $0x1BFF;
	s21 =	sshll.u32 s5, $0x1;
	s3 =	sadd.s32 s20, s19  }
0x9c: {  	s22 =	simm.s32 $0x0;
	s4 =	sshll.u32 s4, $0x1;
	s5 =	sadd.s32 s21, s3  }
0x9d: {  	[timem:s22], [sflag:s6] =	dma.local [hbm:s5], s4  }
0x9e: {  	_ =	swait.ge [sflag:s6], s4  }
0x9f: {  	s4 =	ssub.s32 $0x0, s4;
	[sflag:s6] =	ssyncset.done $0x0  }
0xa0: {  	[sflag:s6] =	ssyncadd.s32 s4;
	_ =	sdelay $0x1  }
0xa1: {  	s23 =	simm.s32 $0x1B8B  }
0xa2: {  	_ =	swait.ge [sflag:s23], $0x1  }
0xa3: {  	[sflag:s23] =	ssyncset.done $0x0  }
0xa4: {  	[sflag:s23] =	ssyncadd.s32 $0xFFFFFFFF  }
0xa5: {  	s4 =	sld [smem:$0x0]  }
0xa6: {  	s5 =	sand.u32 $0xFFFFFFFE, s1  }
0xa7: {  	p0 =	sne.s32 s1, s5  }
0xa8: {  	s5 =	sshll.u32 @p0 s5, $0xE  }
0xa9: {  	s5 =	sadd.s32 @p0 $0x11B8D, s5;
	s6 =	sshll.u32 @p0 s4, $0x11  }
0xaa: {  	s5 =	sor.u32 @p0 s6, s5  }
0xab: {  	[sflag:s5] =	ssyncadd.remote.s32 @p0 $0x1;
	_ =	sdelay $0x1  }
0xac: {  	s5 =	simm.s32 @p0 $0x1B8D  }
0xad: {  	_ =	swait.eq @p0 [sflag:s5], $0x1  }
0xae: {  	[sflag:s5] =	ssyncadd.s32 @p0 $0xFFFFFFFF  }
0xaf: {  	s6 =	sshll.u32 @!p0 s1, $0xE  }
0xb0: {  	s6 =	sor.u32 @!p0 $0x4000, s6;
	s5 =	simm.s32 @!p0 $0x1B8D  }
0xb1: {  	s4 =	sshll.u32 @!p0 s4, $0x11;
	s6 =	sadd.s32 @!p0 $0x11B8D, s6;
	_ =	swait.eq @!p0 [sflag:s5], $0x1  }
0xb2: {  	s4 =	sor.u32 @!p0 s4, s6;
	[sflag:s5] =	ssyncadd.s32 @!p0 $0xFFFFFFFF  }
0xb3: {  	s25 =	simm.s32 $0x1B8E;
	s24 =	sld [smem:$0x3FFE];
	[sflag:s4] =	ssyncadd.remote.s32 @!p0 $0x1  }
0xb4: {  	s26 =	simm.s32 $execute0_lowered;
	[smem:$0x3FD2] =	sst s25  }
0xb5: {  	s5 =	sshll.u32 s26, $0x1;
	_ =	strace $0x8000004F;
	[dreg:$0x1] =	wrdreg $0xFFFFFFFF  }
0xb6: {  	s28 =	simm.s32 $_size_execute0_lowered;
	s3 =	sadd.s32 s3, s5;
	[dreg:$0x0] =	wrdreg $0x0  }
0xb7: {  	s5 =	sshll.u32 s28, $0x1;
	[dreg:$0x2] =	wrdreg s3  }
0xb8: {  	[dreg:$0x3] =	wrdreg s5  }
0xb9: {  	[dreg:$0x4] =	wrdreg $0xC0  }
0xba: {  	_ =	task [dreg:s22], $0x5FFFF  }
0xbb: {  	[dreg:$0x1] =	wrdreg $0xFFFFFFFF  }
0xbc: {  	[dreg:$0x0] =	wrdreg $0x60  }
0xbd: {  	[dreg:$0x2] =	wrdreg s24  }
0xbe: {  	[dreg:$0x3] =	wrdreg $0xC  }
0xbf: {  	_ =	task.clear_ibuf [dreg:s22], $0x4FFFF;
	_ =	strace $0x9000004F  }
0xc0: {  	s29 =	simm.s32 $0xC;
	_ =	strace $0x80000051  }
0xc1: {  	_ =	swait.ge [sflag:s29], $0x1  }
0xc2: {  	[sflag:s29] =	ssyncadd.s32 $0xFFFFFFFF  }
0xc3: {  	_ =	strace $0x90000051  }
0xc4: {  	_ =	sfence  }
0xc5: {  	s30 =	sld [smem:$0x0];
	_ =	sdelay $0x2  }
0xc6: {  	s31 =	sshll.u32 s1, $0xD;
	s1 =	sshrl.u32 s1, $0x2  }
0xc7: {  	s4 =	sand.u32 $0x4000, s31;
	s1 =	sadd.s32 s1, s30  }
0xc8: {  	s0 =	sor.u32 s4, s0;
	s1 =	sshll.u32 s1, $0x11  }
0xc9: {  	s0 =	sor.u32 s1, s0  }
0xca: {  	s0 =	sadd.s32 $0x8F2B, s0  }
0xcb: {  	[sflag:s0] =	ssyncadd.remote.s32 $0x1  }
0xcc: {  	_ =	sfence.sel $0xFFFF  }
0xcd: {  	[dreg:$0x0] =	wrdreg $0xFFFFFFFF;
	(pc) =	sbr.abs _section_cstart, $3  }
0xce: {  	[dreg:$0x1] =	wrdreg $0xFFFFFFFF  }
0xcf: {  	_ =	task.clear_ibuf [dreg:s22], $0x2FFFF;
	_ =	strace $0x9FFFFFFF  }
0xd0: {  	(tm) =	ssettm $0x7FFFFFFF  }
0xd1: {  	_ =	shalt  }
tec
execute0_lowered:
.L_overlay_start_1:
0x0: {  	(tag) =	ssettag $0x1  }
0x1: {  	s0 =	rddreg [dreg:$0x0]  }
0x2: {  	s2 =	simm.s32 $0x0;
	s1 =	srdreg.scid;
	s13 =	stileid.u32  }
0x3: {  	s26 =	simm.s32 $0x10280;
	s29 =	simm.s32 $0xA000;
	s18 =	simm.s32 $0x10200  }
0x4: {  	s30 =	simm.s32 $0x10380;
	s19 =	simm.s32 $0x10300;
	s31 =	simm.s32 $0xE000  }
0x5: {  	s20 =	simm.s32 $0x8000;
	s28 =	simm.s32 $0x0;
	[smem:$0x7FF] =	sst s2  }
0x6: {  	s1 =	sand.u32 $0x1, s1;
	s7 =	sadd.s32 $0x211200, s0;
	s9 =	smul.u32 $0x700, s13  }
0x7: {  	s3 =	sshll.u32 s13, $0x1;
	s8 =	sadd.s32 $0x226200, s0;
	s11 =	smul.u32 $0x1C0000, s13  }
0x8: {  	s13 =	smul.u32 $0x3800, s13;
	_ =	strace $0x80000050;
	[dreg:$0x6] =	wrdreg s26  }
0x9: {  	s3 =	sor.u32 s1, s3;
	s10 =	smul.u32 $0x380, s1;
	[dreg:$0x7] =	wrdreg s29  }
0xa: {  	s4 =	ssub.s32 $0x2, s1;
	s14 =	smul.u32 $0x1C00, s1;
	[dreg:$0x8] =	wrdreg s30  }
0xb: {  	s1 =	smul.u32 $0xE0000, s1;
	[dreg:$0x9] =	wrdreg s31;
	s26 =	simm.s32 $0x4  }
0xc: {  	s5 =	smul.u32 $0x380, s3;
	s3 =	sadd.s32 $0xF44600, s0;
	s6 =	sshrl.u32 s4, $0x1  }
0xd: {  	s0 =	sadd.s32 $0x934200, s0;
	s12 =	sadd.s32 s9, s8;
	s9 =	sadd.s32 s9, s7  }
0xe: {  	s6 =	ssub.s32 s4, s6;
	s12 =	sadd.s32 s10, s12;
	s9 =	sadd.s32 s10, s9  }
0xf: {  	s22 =	sadd.s32 s14, s13;
	s1 =	sadd.s32 s1, s11;
	s11 =	simm.s32 $0x10100  }
0x10: {  	s13 =	simm.s32 $0x4000;
	s21 =	sadd.s32 s7, s5;
	s5 =	sadd.s32 s8, s5  }
0x11: {  	s6 =	smax.u32 s6, $0x1;
	s12 =	sadd.s32 $0x40, s12;
	s9 =	sadd.s32 $0x40, s9  }
0x12: {  	s23 =	sor.u32 $0x100, s22;
	s24 =	sshrl.u32 s1, $0x3;
	[dreg:$0xa] =	wrdreg s21  }
0x13: {  	s1 =	sor.u32 $0x8000, s1;
	s22 =	simm.s32 $0x1;
	[dreg:$0x2] =	wrdreg s12  }
0x14: {  	[dreg:$0x3] =	wrdreg s9;
	s9 =	sshrl.u32 s23, $0x3;
	s10 =	sadd.s32 s24, s0  }
0x15: {  	s1 =	sshrl.u32 s1, $0x3;
	s12 =	simm.s32 $0x80;
	s21 =	simm.s32 $0xC000  }
0x16: {  	s23 =	simm.s32 $0x40;
	s24 =	simm.s32 $0x3;
	s8 =	sadd.s32 s9, s8  }
0x17: {  	s0 =	sadd.s32 s1, s0;
	s25 =	sadd.s32 s9, s7;
	s7 =	sadd.s32 $0x8, s10  }
0x18: {  	s9 =	simm.s32 $0x10000;
	s10 =	simm.s32 $0x5;
	[dreg:$0x4] =	wrdreg s8  }
0x19: {  	s8 =	sadd.s32 $0x8, s0;
	[dreg:$0x5] =	wrdreg s25;
	s25 =	simm.s32 $0x2  }
.LBB2_1:
0x1a: {  	s0 =	rddreg [dreg:$0xa]  }
0x1b: {  	[tilespmem:s9], [sflag:$0x5] =	stream.linear.gather [hbm4b:s0+s2], $0x100, $0x38;
	[tilespmem:$0x10400] =	vst v63  }
0x1c: {  	_ =	swait.ge [sflag:s10], $0x100  }
0x1d: {  	[sflag:s10] =	ssyncset.done $0x0  }
0x1e: {  	[sflag:s10] =	ssyncadd.s32 $0xFFFFFF00  }
0x1f: {  	[tilespmem:s11], [sflag:$0x5] =	stream.linear.gather [hbm4b:s5+s2], $0x100, $0x38;
	[tilespmem:$0x10400] =	vst v63  }
0x20: {  	_ =	swait.ge [sflag:s10], $0x100  }
0x21: {  	[sflag:s10] =	ssyncset.done $0x0  }
0x22: {  	[sflag:s10] =	ssyncadd.s32 $0xFFFFFF00  }
0x23: {  	[tilespmem:s2], [sflag:$0x1] =	stream.indirect.gather [hbm4b:s3+s12], $0x40, s9, s12, $0xb8;
	[tilespmem:$0x10400] =	vst v63  }
0x24: {  	_ = 	snop  }
0x25: {  	[tilespmem:s13], [sflag:$0x1] =	stream.indirect.gather [hbm4b:s3+s12], $0x40, s11, s12, $0xb8;
	[tilespmem:$0x10400] =	vst v63  }
0x26: {  	s15 =	simm.s32 $0x10080;
	s1 =	simm.s32 $0x2000  }
0x27: {  	[tilespmem:s1], [sflag:$0x1] =	stream.indirect.gather [hbm4b:s3+s12], $0x40, s15, s12, $0xb8;
	[tilespmem:$0x10400] =	vst v63  }
0x28: {  	s17 =	simm.s32 $0x10180;
	s4 =	simm.s32 $0x6000;
	s16 =	rddreg [dreg:$0x5]  }
0x29: {  	[tilespmem:s4], [sflag:$0x1] =	stream.indirect.gather [hbm4b:s3+s12], $0x40, s17, s12, $0xb8;
	[tilespmem:$0x10400] =	vst v63  }
0x2a: {  	s0 =	sadd.s32 $0x0, s16  }
0x2b: {  	[tilespmem:s18], [sflag:$0x5] =	stream.linear.gather [hbm4b:s0+s2], $0x100, $0x38;
	[tilespmem:$0x10400] =	vst v63  }
0x2c: {  	_ =	swait.ge [sflag:s10], $0x100  }
0x2d: {  	s4 =	rddreg [dreg:$0x4];
	[sflag:s10] =	ssyncset.done $0x0  }
0x2e: {  	[sflag:s10] =	ssyncadd.s32 $0xFFFFFF00;
	s0 =	sadd.s32 $0x0, s4  }
0x2f: {  	[tilespmem:s19], [sflag:$0x5] =	stream.linear.gather [hbm4b:s0+s2], $0x100, $0x38;
	[tilespmem:$0x10400] =	vst v63  }
0x30: {  	_ =	swait.ge [sflag:s10], $0x100  }
0x31: {  	[sflag:s10] =	ssyncset.done $0x0  }
0x32: {  	s14 =	rddreg [dreg:$0x9];
	[sflag:s10] =	ssyncadd.s32 $0xFFFFFF00  }
0x33: {  	[tilespmem:s20], [sflag:$0x2] =	stream.indirect.gather [hbm4b:s3+s12], $0x40, s18, s12, $0xb8;
	[tilespmem:$0x10400] =	vst v63  }
0x34: {  	s15 =	rddreg [dreg:$0x7]  }
0x35: {  	[tilespmem:s21], [sflag:$0x2] =	stream.indirect.gather [hbm4b:s3+s12], $0x40, s19, s12, $0xb8;
	[tilespmem:$0x10400] =	vst v63  }
0x36: {  	s29 =	rddreg [dreg:$0x6]  }
0x37: {  	[tilespmem:s15], [sflag:$0x2] =	stream.indirect.gather [hbm4b:s3+s12], $0x40, s29, s12, $0xb8;
	[tilespmem:$0x10400] =	vst v63  }
0x38: {  	s30 =	rddreg [dreg:$0x8]  }
0x39: {  	[tilespmem:s14], [sflag:$0x2] =	stream.indirect.gather [hbm4b:s3+s12], $0x40, s30, s12, $0xb8;
	[tilespmem:$0x10400] =	vst v63  }
0x3a: {  	_ =	swait.ge [sflag:s22], $0x4000  }
0x3b: {  	[sflag:s22] =	ssyncset.done $0x0  }
0x3c: {  	[sflag:s22] =	ssyncadd.s32 $0xFFFFC000  }
0x3d: {  	_ =	swait.ge [sflag:s22], $0x4000  }
0x3e: {  	[sflag:s22] =	ssyncset.done $0x0  }
0x3f: {  	s16 =	sadd.s32 $0xFFFFFFF8, s7;
	[sflag:s22] =	ssyncadd.s32 $0xFFFFC000  }
0x40: {  	[hbm4b:s16+s23] =	stream.strided.scatter [tilespmem:s2], [sflag:$0x3], $0x4000, s12, s23, $0x38;
	[tilespmem:$0x10400] =	vst v63  }
0x41: {  	_ = 	snop  }
0x42: {  	[hbm4b:s7+s23] =	stream.strided.scatter [tilespmem:s13], [sflag:$0x3], $0x4000, s12, s23, $0x38;
	[tilespmem:$0x10400] =	vst v63  }
0x43: {  	_ =	swait.ge [sflag:s24], $0x4000  }
0x44: {  	[sflag:s24] =	ssyncset.done $0x0  }
0x45: {  	p0 =	por $0x0, $0x0;
	[sflag:s24] =	ssyncadd.s32 $0xFFFFC000  }
0x46: {  	s1 =	simm.s32 @!p0 $0x0;
	_ =	swait.ge [sflag:s24], $0x4000  }
0x47: {  	s29 =	simm.s32 @!p0 $0x10000;
	s0 =	rddreg [dreg:$0x3];
	[sflag:s24] =	ssyncset.done $0x0  }
0x48: {  	s30 =	simm.s32 @!p0 $0x5;
	[sflag:s24] =	ssyncadd.s32 $0xFFFFC000;
	s0 =	sadd.s32 @!p0 $0x0, s0  }
0x49: {  	[tilespmem:s29], [sflag:$0x5] =	stream.linear.gather @!p0 [hbm4b:s0+s1], $0x100, $0x38;
	[tilespmem:$0x10400] =	vst v63  }
0x4a: {  	_ =	swait.ge @!p0 [sflag:s30], $0x100  }
0x4b: {  	s0 =	rddreg [dreg:$0x2];
	[sflag:s30] =	ssyncset.done @!p0 $0x0  }
0x4c: {  	s31 =	simm.s32 @!p0 $0x10100;
	[sflag:s30] =	ssyncadd.s32 @!p0 $0xFFFFFF00;
	s0 =	sadd.s32 @!p0 $0x0, s0  }
0x4d: {  	[tilespmem:s31], [sflag:$0x5] =	stream.linear.gather @!p0 [hbm4b:s0+s1], $0x100, $0x38;
	[tilespmem:$0x10400] =	vst v63  }
0x4e: {  	_ =	swait.ge @!p0 [sflag:s30], $0x100  }
0x4f: {  	[sflag:s30] =	ssyncset.done @!p0 $0x0  }
0x50: {  	s0 =	simm.s32 @!p0 $0x80;
	[sflag:s30] =	ssyncadd.s32 @!p0 $0xFFFFFF00  }
0x51: {  	[tilespmem:s1], [sflag:$0x1] =	stream.indirect.gather @!p0 [hbm4b:s3+s0], $0x40, s29, s0, $0xb8;
	[tilespmem:$0x10400] =	vst v63  }
0x52: {  	s1 =	simm.s32 @!p0 $0x4000  }
0x53: {  	[tilespmem:s1], [sflag:$0x1] =	stream.indirect.gather @!p0 [hbm4b:s3+s0], $0x40, s31, s0, $0xb8;
	[tilespmem:$0x10400] =	vst v63  }
0x54: {  	s29 =	simm.s32 @!p0 $0x2000;
	s1 =	simm.s32 @!p0 $0x10080  }
0x55: {  	[tilespmem:s29], [sflag:$0x1] =	stream.indirect.gather @!p0 [hbm4b:s3+s0], $0x40, s1, s0, $0xb8;
	[tilespmem:$0x10400] =	vst v63  }
0x56: {  	s1 =	simm.s32 @!p0 $0x10180;
	s29 =	simm.s32 @!p0 $0x6000  }
0x57: {  	[tilespmem:s29], [sflag:$0x1] =	stream.indirect.gather @!p0 [hbm4b:s3+s0], $0x40, s1, s0, $0xb8;
	[tilespmem:$0x10400] =	vst v63  }
0x58: {  	_ =	swait.ge [sflag:s25], $0x4000  }
0x59: {  	[sflag:s25] =	ssyncset.done $0x0  }
0x5a: {  	[sflag:s25] =	ssyncadd.s32 $0xFFFFC000  }
0x5b: {  	_ =	swait.ge [sflag:s25], $0x4000  }
0x5c: {  	[sflag:s25] =	ssyncset.done $0x0  }
0x5d: {  	s17 =	sadd.s32 $0xFFFFFFF8, s8;
	[sflag:s25] =	ssyncadd.s32 $0xFFFFC000  }
0x5e: {  	[hbm4b:s17+s23] =	stream.strided.scatter [tilespmem:s20], [sflag:$0x4], $0x4000, s12, s23, $0x38;
	[tilespmem:$0x10400] =	vst v63  }
0x5f: {  	_ = 	snop  }
0x60: {  	[hbm4b:s8+s23] =	stream.strided.scatter [tilespmem:s21], [sflag:$0x4], $0x4000, s12, s23, $0x38;
	[tilespmem:$0x10400] =	vst v63  }
0x61: {  	_ =	swait.ge [sflag:s26], $0x4000  }
0x62: {  	[sflag:s26] =	ssyncset.done $0x0  }
0x63: {  	s30 =	simm.s32 $0x40;
	s31 =	sadd.s32 $0x2000, s7;
	[sflag:s26] =	ssyncadd.s32 $0xFFFFC000  }
0x64: {  	s0 =	simm.s32 $0x80;
	s29 =	sadd.s32 $0x2000, s8;
	_ =	swait.ge [sflag:s26], $0x4000  }
.LBB2_2:
0x65: {  	s14 =	rddreg [dreg:$0x5];
	[sflag:s26] =	ssyncset.done $0x0  }
0x66: {  	[sflag:s26] =	ssyncadd.s32 $0xFFFFC000;
	s14 =	sadd.s32 s30, s14  }
0x67: {  	[tilespmem:s18], [sflag:$0x5] =	stream.linear.gather [hbm4b:s14+s2], $0x100, $0x38;
	[tilespmem:$0x10400] =	vst v63  }
0x68: {  	_ =	swait.ge [sflag:s10], $0x100  }
0x69: {  	s17 =	rddreg [dreg:$0x4];
	[sflag:s10] =	ssyncset.done $0x0  }
0x6a: {  	[sflag:s10] =	ssyncadd.s32 $0xFFFFFF00;
	s14 =	sadd.s32 s30, s17  }
0x6b: {  	[tilespmem:s19], [sflag:$0x5] =	stream.linear.gather [hbm4b:s14+s2], $0x100, $0x38;
	[tilespmem:$0x10400] =	vst v63  }
0x6c: {  	_ =	swait.ge [sflag:s10], $0x100  }
0x6d: {  	[sflag:s10] =	ssyncset.done $0x0  }
0x6e: {  	s4 =	rddreg [dreg:$0x9];
	[sflag:s10] =	ssyncadd.s32 $0xFFFFFF00  }
0x6f: {  	[tilespmem:s20], [sflag:$0x2] =	stream.indirect.gather [hbm4b:s3+s12], $0x40, s18, s12, $0xb8;
	[tilespmem:$0x10400] =	vst v63  }
0x70: {  	s15 =	rddreg [dreg:$0x7]  }
0x71: {  	[tilespmem:s21], [sflag:$0x2] =	stream.indirect.gather [hbm4b:s3+s12], $0x40, s19, s12, $0xb8;
	[tilespmem:$0x10400] =	vst v63  }
0x72: {  	s16 =	rddreg [dreg:$0x6]  }
0x73: {  	[tilespmem:s15], [sflag:$0x2] =	stream.indirect.gather [hbm4b:s3+s12], $0x40, s16, s12, $0xb8;
	[tilespmem:$0x10400] =	vst v63  }
0x74: {  	s17 =	rddreg [dreg:$0x8]  }
0x75: {  	[tilespmem:s4], [sflag:$0x2] =	stream.indirect.gather [hbm4b:s3+s12], $0x40, s17, s12, $0xb8;
	[tilespmem:$0x10400] =	vst v63  }
0x76: {  	_ =	swait.ge [sflag:s22], $0x4000  }
0x77: {  	[sflag:s22] =	ssyncset.done $0x0  }
0x78: {  	[sflag:s22] =	ssyncadd.s32 $0xFFFFC000  }
0x79: {  	_ =	swait.ge [sflag:s22], $0x4000  }
0x7a: {  	[sflag:s22] =	ssyncset.done $0x0  }
0x7b: {  	s16 =	sadd.s32 $0xFFFFFFF8, s31;
	[sflag:s22] =	ssyncadd.s32 $0xFFFFC000  }
0x7c: {  	[hbm4b:s16+s23] =	stream.strided.scatter [tilespmem:s2], [sflag:$0x3], $0x4000, s12, s23, $0x38;
	[tilespmem:$0x10400] =	vst v63  }
0x7d: {  	_ = 	snop  }
0x7e: {  	[hbm4b:s31+s23] =	stream.strided.scatter [tilespmem:s13], [sflag:$0x3], $0x4000, s12, s23, $0x38;
	[tilespmem:$0x10400] =	vst v63  }
0x7f: {  	_ =	swait.ge [sflag:s24], $0x4000  }
0x80: {  	[sflag:s24] =	ssyncset.done $0x0  }
0x81: {  	p1 =	seq.s32 s30, $0x340;
	[sflag:s24] =	ssyncadd.s32 $0xFFFFC000  }
0x82: {  	s15 =	simm.s32 @!p1 $0x0;
	_ =	swait.ge [sflag:s24], $0x4000  }
0x83: {  	s17 =	simm.s32 @!p1 $0x5;
	s14 =	rddreg [dreg:$0x3];
	[sflag:s24] =	ssyncset.done $0x0  }
0x84: {  	s16 =	simm.s32 @!p1 $0x10000;
	[sflag:s24] =	ssyncadd.s32 $0xFFFFC000;
	s14 =	sadd.s32 @!p1 s30, s14  }
0x85: {  	[tilespmem:s16], [sflag:$0x5] =	stream.linear.gather @!p1 [hbm4b:s14+s15], $0x100, $0x38;
	[tilespmem:$0x10400] =	vst v63  }
0x86: {  	_ =	swait.ge @!p1 [sflag:s17], $0x100  }
0x87: {  	[sflag:s17] =	ssyncset.done @!p1 $0x0;
	s14 =	rddreg [dreg:$0x2]  }
0x88: {  	s4 =	simm.s32 @!p1 $0x10100;
	[sflag:s17] =	ssyncadd.s32 @!p1 $0xFFFFFF00;
	s14 =	sadd.s32 @!p1 s30, s14  }
0x89: {  	[tilespmem:s4], [sflag:$0x5] =	stream.linear.gather @!p1 [hbm4b:s14+s15], $0x100, $0x38;
	[tilespmem:$0x10400] =	vst v63  }
0x8a: {  	_ =	swait.ge @!p1 [sflag:s17], $0x100  }
0x8b: {  	s1 =	smov.u32 s0;
	[sflag:s17] =	ssyncset.done @!p1 $0x0  }
0x8c: {  	s30 =	smov.u32 s1;
	s1 =	simm.s32 @!p1 $0x80;
	[sflag:s17] =	ssyncadd.s32 @!p1 $0xFFFFFF00  }
0x8d: {  	[tilespmem:s15], [sflag:$0x1] =	stream.indirect.gather @!p1 [hbm4b:s3+s1], $0x40, s16, s1, $0xb8;
	[tilespmem:$0x10400] =	vst v63  }
0x8e: {  	s14 =	simm.s32 @!p1 $0x4000  }
0x8f: {  	[tilespmem:s14], [sflag:$0x1] =	stream.indirect.gather @!p1 [hbm4b:s3+s1], $0x40, s4, s1, $0xb8;
	[tilespmem:$0x10400] =	vst v63  }
0x90: {  	s15 =	simm.s32 @!p1 $0x10080;
	s16 =	simm.s32 @!p1 $0x2000  }
0x91: {  	[tilespmem:s16], [sflag:$0x1] =	stream.indirect.gather @!p1 [hbm4b:s3+s1], $0x40, s15, s1, $0xb8;
	[tilespmem:$0x10400] =	vst v63  }
0x92: {  	s4 =	simm.s32 @!p1 $0x10180;
	s14 =	simm.s32 @!p1 $0x6000  }
0x93: {  	[tilespmem:s14], [sflag:$0x1] =	stream.indirect.gather @!p1 [hbm4b:s3+s1], $0x40, s4, s1, $0xb8;
	[tilespmem:$0x10400] =	vst v63  }
0x94: {  	_ =	swait.ge [sflag:s25], $0x4000  }
0x95: {  	[sflag:s25] =	ssyncset.done $0x0  }
0x96: {  	[sflag:s25] =	ssyncadd.s32 $0xFFFFC000  }
0x97: {  	_ =	swait.ge [sflag:s25], $0x4000  }
0x98: {  	[sflag:s25] =	ssyncset.done $0x0  }
0x99: {  	s0 =	sadd.s32 $0x40, s0;
	s17 =	sadd.s32 $0xFFFFFFF8, s29;
	[sflag:s25] =	ssyncadd.s32 $0xFFFFC000  }
0x9a: {  	[hbm4b:s17+s23] =	stream.strided.scatter [tilespmem:s20], [sflag:$0x4], $0x4000, s12, s23, $0x38;
	[tilespmem:$0x10400] =	vst v63  }
0x9b: {  	p0 =	sne.s32 s0, $0x380  }
0x9c: {  	[hbm4b:s29+s23] =	stream.strided.scatter [tilespmem:s21], [sflag:$0x4], $0x4000, s12, s23, $0x38;
	[tilespmem:$0x10400] =	vst v63  }
.Ltmp0:
0x9d: {  	_ = 	snop;
	(pc) =	sbr.rel @p0 .LBB2_2-.Ltmp0, $4  }
0x9e: {  	_ =	swait.ge [sflag:s26], $0x4000  }
0x9f: {  	[sflag:s26] =	ssyncset.done $0x0  }
0xa0: {  	[sflag:s26] =	ssyncadd.s32 $0xFFFFC000  }
0xa1: {  	s31 =	sadd.s32 $0x2000, s31;
	s29 =	sadd.s32 $0x2000, s29;
	_ =	swait.ge [sflag:s26], $0x4000  }
0xa2: {  	s0 =	rddreg [dreg:$0x5];
	[sflag:s26] =	ssyncset.done $0x0  }
0xa3: {  	[sflag:s26] =	ssyncadd.s32 $0xFFFFC000;
	s0 =	sadd.s32 s30, s0  }
0xa4: {  	[tilespmem:s18], [sflag:$0x5] =	stream.linear.gather [hbm4b:s0+s2], $0x100, $0x38;
	[tilespmem:$0x10400] =	vst v63  }
0xa5: {  	_ =	swait.ge [sflag:s10], $0x100  }
0xa6: {  	s15 =	rddreg [dreg:$0x4];
	[sflag:s10] =	ssyncset.done $0x0  }
0xa7: {  	[sflag:s10] =	ssyncadd.s32 $0xFFFFFF00;
	s0 =	sadd.s32 s30, s15  }
0xa8: {  	[tilespmem:s19], [sflag:$0x5] =	stream.linear.gather [hbm4b:s0+s2], $0x100, $0x38;
	[tilespmem:$0x10400] =	vst v63  }
0xa9: {  	_ =	swait.ge [sflag:s10], $0x100  }
0xaa: {  	[sflag:s10] =	ssyncset.done $0x0  }
0xab: {  	s16 =	rddreg [dreg:$0x9];
	[sflag:s10] =	ssyncadd.s32 $0xFFFFFF00  }
0xac: {  	[tilespmem:s20], [sflag:$0x2] =	stream.indirect.gather [hbm4b:s3+s12], $0x40, s18, s12, $0xb8;
	[tilespmem:$0x10400] =	vst v63  }
0xad: {  	s1 =	rddreg [dreg:$0x7]  }
0xae: {  	[tilespmem:s21], [sflag:$0x2] =	stream.indirect.gather [hbm4b:s3+s12], $0x40, s19, s12, $0xb8;
	[tilespmem:$0x10400] =	vst v63  }
0xaf: {  	s4 =	rddreg [dreg:$0x6]  }
0xb0: {  	[tilespmem:s1], [sflag:$0x2] =	stream.indirect.gather [hbm4b:s3+s12], $0x40, s4, s12, $0xb8;
	[tilespmem:$0x10400] =	vst v63  }
0xb1: {  	s14 =	rddreg [dreg:$0x8]  }
0xb2: {  	[tilespmem:s16], [sflag:$0x2] =	stream.indirect.gather [hbm4b:s3+s12], $0x40, s14, s12, $0xb8;
	[tilespmem:$0x10400] =	vst v63  }
0xb3: {  	_ =	swait.ge [sflag:s22], $0x4000  }
0xb4: {  	[sflag:s22] =	ssyncset.done $0x0  }
0xb5: {  	[sflag:s22] =	ssyncadd.s32 $0xFFFFC000  }
0xb6: {  	_ =	swait.ge [sflag:s22], $0x4000  }
0xb7: {  	[sflag:s22] =	ssyncset.done $0x0  }
0xb8: {  	s17 =	sadd.s32 $0xFFFFFFF8, s31;
	[sflag:s22] =	ssyncadd.s32 $0xFFFFC000  }
0xb9: {  	[hbm4b:s17+s23] =	stream.strided.scatter [tilespmem:s2], [sflag:$0x3], $0x4000, s12, s23, $0x38;
	[tilespmem:$0x10400] =	vst v63  }
0xba: {  	_ = 	snop  }
0xbb: {  	[hbm4b:s31+s23] =	stream.strided.scatter [tilespmem:s13], [sflag:$0x3], $0x4000, s12, s23, $0x38;
	[tilespmem:$0x10400] =	vst v63  }
0xbc: {  	_ =	swait.ge [sflag:s24], $0x4000  }
0xbd: {  	[sflag:s24] =	ssyncset.done $0x0  }
0xbe: {  	p0 =	seq.s32 s30, $0x340;
	[sflag:s24] =	ssyncadd.s32 $0xFFFFC000  }
0xbf: {  	s1 =	simm.s32 @!p0 $0x0;
	_ =	swait.ge [sflag:s24], $0x4000  }
0xc0: {  	s4 =	simm.s32 @!p0 $0x10000;
	s0 =	rddreg [dreg:$0x3];
	[sflag:s24] =	ssyncset.done $0x0  }
0xc1: {  	s14 =	simm.s32 @!p0 $0x5;
	[sflag:s24] =	ssyncadd.s32 $0xFFFFC000;
	s0 =	sadd.s32 @!p0 s30, s0  }
0xc2: {  	[tilespmem:s4], [sflag:$0x5] =	stream.linear.gather @!p0 [hbm4b:s0+s1], $0x100, $0x38;
	[tilespmem:$0x10400] =	vst v63  }
0xc3: {  	_ =	swait.ge @!p0 [sflag:s14], $0x100  }
0xc4: {  	s0 =	rddreg [dreg:$0x2];
	[sflag:s14] =	ssyncset.done @!p0 $0x0  }
0xc5: {  	s15 =	simm.s32 @!p0 $0x10100;
	[sflag:s14] =	ssyncadd.s32 @!p0 $0xFFFFFF00;
	s0 =	sadd.s32 @!p0 s30, s0  }
0xc6: {  	[tilespmem:s15], [sflag:$0x5] =	stream.linear.gather @!p0 [hbm4b:s0+s1], $0x100, $0x38;
	[tilespmem:$0x10400] =	vst v63  }
0xc7: {  	_ =	swait.ge @!p0 [sflag:s14], $0x100  }
0xc8: {  	[sflag:s14] =	ssyncset.done @!p0 $0x0  }
0xc9: {  	s0 =	simm.s32 @!p0 $0x80;
	[sflag:s14] =	ssyncadd.s32 @!p0 $0xFFFFFF00  }
0xca: {  	[tilespmem:s1], [sflag:$0x1] =	stream.indirect.gather @!p0 [hbm4b:s3+s0], $0x40, s4, s0, $0xb8;
	[tilespmem:$0x10400] =	vst v63  }
0xcb: {  	s1 =	simm.s32 @!p0 $0x4000  }
0xcc: {  	[tilespmem:s1], [sflag:$0x1] =	stream.indirect.gather @!p0 [hbm4b:s3+s0], $0x40, s15, s0, $0xb8;
	[tilespmem:$0x10400] =	vst v63  }
0xcd: {  	s4 =	simm.s32 @!p0 $0x2000;
	s1 =	simm.s32 @!p0 $0x10080  }
0xce: {  	[tilespmem:s4], [sflag:$0x1] =	stream.indirect.gather @!p0 [hbm4b:s3+s0], $0x40, s1, s0, $0xb8;
	[tilespmem:$0x10400] =	vst v63  }
0xcf: {  	s1 =	simm.s32 @!p0 $0x10180;
	s4 =	simm.s32 @!p0 $0x6000  }
0xd0: {  	[tilespmem:s4], [sflag:$0x1] =	stream.indirect.gather @!p0 [hbm4b:s3+s0], $0x40, s1, s0, $0xb8;
	[tilespmem:$0x10400] =	vst v63  }
0xd1: {  	_ =	swait.ge [sflag:s25], $0x4000  }
0xd2: {  	[sflag:s25] =	ssyncset.done $0x0  }
0xd3: {  	[sflag:s25] =	ssyncadd.s32 $0xFFFFC000  }
0xd4: {  	_ =	swait.ge [sflag:s25], $0x4000  }
0xd5: {  	[sflag:s25] =	ssyncset.done $0x0  }
0xd6: {  	s31 =	sadd.s32 $0xFFFFFFF8, s29;
	[sflag:s25] =	ssyncadd.s32 $0xFFFFC000  }
0xd7: {  	[hbm4b:s31+s23] =	stream.strided.scatter [tilespmem:s20], [sflag:$0x4], $0x4000, s12, s23, $0x38;
	[tilespmem:$0x10400] =	vst v63  }
0xd8: {  	s28 =	sadd.s32 $0x1, s28  }
0xd9: {  	[hbm4b:s29+s23] =	stream.strided.scatter [tilespmem:s21], [sflag:$0x4], $0x4000, s12, s23, $0x38;
	[tilespmem:$0x10400] =	vst v63  }
0xda: {  	p0 =	sne.s32 s28, s6;
	_ =	swait.ge [sflag:s26], $0x4000  }
.Ltmp1:
0xdb: {  	[sflag:s26] =	ssyncset.done $0x0;
	(pc) =	sbr.rel @p0 .LBB2_1-.Ltmp1, $4  }
0xdc: {  	[sflag:s26] =	ssyncadd.s32 $0xFFFFC000  }
0xdd: {  	_ =	swait.ge [sflag:s26], $0x4000  }
0xde: {  	[sflag:s26] =	ssyncset.done $0x0  }
0xdf: {  	[sflag:s26] =	ssyncadd.s32 $0xFFFFC000  }
0xe0: {  	_ =	sfence.sel $0x180000  }
0xe1: {  	[bflag:$0x0] =	sbarrier.arrive $0xFFFF  }
0xe2: {  	_ =	strace $0x90000050  }
0xe3: {  	s0 =	stileid.u32;
	[bflag:$0x2] =	sbarrier.arrive $0xFFFF  }
0xe4: {  	p0 =	sne.s32 s0, $0x0;
	s0 =	rddreg [dreg:$0x1]  }
0xe5: {  	s0 =	sadd.s32 @!p0 $0x100000, s0  }
0xe6: {  	[sflag:s0] =	ssyncadd.tile.s32 @!p0 $0x1;
	_ =	shalt  }
.Lfunc_end2:
_tile_overlayer_lowered:
.L_overlay_start_2:
0xe7: {  	(tag) =	ssettag $0x2  }
0xe8: {  	s0 =	rddreg [dreg:$0x0];
	s2 =	stileid.u32  }
0xe9: {  	s1 =	rddreg [dreg:$0x1];
	p0 =	sne.s32 s2, $0x0  }
0xea: {  	s3 =	rddreg [dreg:$0x2];
	[bflag:$0x3] =	sbarrier.arrive $0xFFFF;
	s2 =	simm.s32 @!p0 $0x1C05  }
0xeb: {  	[timem:s3], [sflag:s2] =	dma.local @!p0 [hbm:s0], s1  }
0xec: {  	s0 =	simm.s32 @!p0 $0x5  }
0xed: {  	_ =	swait.ge @!p0 [sflag:s0], s1  }
0xee: {  	s1 =	ssub.s32 @!p0 $0x0, s1;
	[sflag:s0] =	ssyncset.done @!p0 $0x0  }
0xef: {  	[sflag:s0] =	ssyncadd.s32 @!p0 s1  }
0xf0: {  	[bflag:$0x3] =	sbarrier.arrive $0xFFFF  }
0xf1: {  	_ =	shalt  }

</sc_bundles>
